<compile_context>
chip_gen: v7x
topology: tpu7x:2x2x1
jax: 0.10.2.dev20260603
libtpu: 0.0.44.dev20260713+nightly
codegen_flags: <defaults>
</compile_context>

<pallas_src>
import functools

import jax
import jax.numpy as jnp
from jax import lax
from jax.experimental import pallas as pl
from jax.experimental.pallas import tpu as pltpu
from jax.experimental.pallas import tpu_sc as plsc

_R = 32
_V = _R * _R * _R
_B = 4
_C = 128
_N = 100000
_CH = 4000
_NCHUNK = _N // _CH
_NPAD = 100352

_MESH = plsc.VectorSubcoreMesh(core_axis_name="c", subcore_axis_name="s",
                               num_cores=2, num_subcores=16)
_SC_PARAMS = pltpu.CompilerParams(use_tc_tiling_on_sc=False,
                                  needs_layout_passes=False)


def _coords_body(coords_ref, nc_ref, idx_ref):
    x = coords_ref[0]
    mean = jnp.mean(x, axis=1, keepdims=True)
    c = x - mean
    norm2 = jnp.sum(c * c, axis=0, keepdims=True)
    denom = jnp.max(jnp.sqrt(norm2))
    denom = jnp.maximum(denom * 2.0, 1e-6)
    nc = jnp.clip((c / denom + 0.5) * _R, 0.0, _R - 1.0)
    nc_ref[0] = nc
    vox = jnp.round(nc).astype(jnp.int32)
    idx = vox[0:1] * (_R * _R) + vox[1:2] * _R + vox[2:3]
    idx_ref[pl.ds(0, _N)] = idx.reshape(_N)


def _compute_idx(coords):
    return pl.pallas_call(
        _coords_body,
        grid=(_B,),
        in_specs=[pl.BlockSpec((1, 3, _N), lambda b: (b, 0, 0))],
        out_specs=[
            pl.BlockSpec((1, 3, _N), lambda b: (b, 0, 0)),
            pl.BlockSpec((_NPAD,), lambda b: (b,)),
        ],
        out_shape=[
            jax.ShapeDtypeStruct((_B, 3, _N), jnp.float32),
            jax.ShapeDtypeStruct((_B * _NPAD,), jnp.int32),
        ],
    )(coords)


def _counts_body(idx_hbm, recip_hbm, acc, idx_bufs, sem0, sem1):
    cid = lax.axis_index("c")
    sid = lax.axis_index("s")
    sems = (sem0, sem1)
    zeros16 = jnp.zeros((16,), jnp.float32)
    ones16 = jnp.full((16,), 1.0, jnp.float32)

    def start_idx(batch, k, par):
        pltpu.async_copy(idx_hbm.at[pl.ds(batch * _NPAD + k * _CH, _CH)],
                         idx_bufs.at[par], sems[par])

    def drain_idx(par):
        pltpu.make_async_copy(idx_hbm.at[pl.ds(0, _CH)],
                              idx_bufs.at[par], sems[par]).wait()

    @pl.when(jnp.logical_and(cid == 0, sid < _B))
    def _():
        def zb(i, carry):
            for u in range(8):
                acc[pl.ds((i * 8 + u) * 16, 16)] = zeros16
            return carry
        lax.fori_loop(0, _V // 128, zb, None)

        start_idx(sid, 0, 0)
        start_idx(sid, 1, 1)

        def cb(kk, carry):
            for par in range(2):
                k = kk * 2 + par

                @pl.when(k < _NCHUNK)
                def _():
                    drain_idx(par)

                    def gb(g, c3):
                        ivs = [idx_bufs.at[par][pl.ds((g * 10 + u) * 16, 16)]
                               for u in range(10)]
                        for u in range(10):
                            plsc.addupdate_scatter(acc, [ivs[u]], ones16)
                        return c3
                    lax.fori_loop(0, _CH // 160, gb, None)

                    @pl.when(k + 2 < _NCHUNK)
                    def _():
                        start_idx(sid, k + 2, par)
            return carry
        lax.fori_loop(0, (_NCHUNK + 2) // 2, cb, None)

        def rb(i, carry):
            slcs = [pl.ds((i * 4 + u) * 16, 16) for u in range(4)]
            vs = [acc[s] for s in slcs]
            for u in range(4):
                acc[slcs[u]] = 1.0 / jnp.maximum(vs[u], 1.0)
            return carry
        lax.fori_loop(0, _V // 64, rb, None)
        pltpu.sync_copy(acc, recip_hbm.at[pl.ds(sid * _V, _V)])


_counts_call = functools.partial(
    pl.kernel,
    out_type=jax.ShapeDtypeStruct((_B * _V,), jnp.float32),
    mesh=_MESH,
    compiler_params=_SC_PARAMS,
    scratch_types=[
        pltpu.VMEM((_V,), jnp.float32),
        pltpu.VMEM((2, _CH), jnp.int32),
        pltpu.SemaphoreType.DMA,
        pltpu.SemaphoreType.DMA,
    ],
)(_counts_body)


_CHT = 2000


def _transpose_body(ft_hbm, out_hbm, in_bufs, out_bufs, sem0, sem1, semo):
    cid = lax.axis_index("c")
    sid = lax.axis_index("s")
    b = sid // 4
    c16 = cid * 64 + (sid % 4) * 16
    sems = (sem0, sem1)
    nchunk = _N // _CHT

    def start_in(k, par):
        pltpu.async_copy(ft_hbm.at[b, pl.ds(k * _CHT, _CHT), pl.ds(c16, 16)],
                         in_bufs.at[par], sems[par])

    def drain_in(par):
        pltpu.make_async_copy(ft_hbm.at[0, pl.ds(0, _CHT), pl.ds(0, 16)],
                              in_bufs.at[par], sems[par]).wait()

    iota16 = lax.iota(jnp.int32, 16)
    cols = [jnp.full((16,), j, jnp.int32) for j in range(16)]

    start_in(0, 0)
    start_in(1, 1)

    def cb(kk, carry):
        for par in range(2):
            k = kk * 2 + par
            drain_in(par)

            @pl.when(k >= 2)
            def _():
                pltpu.make_async_copy(
                    out_bufs.at[par],
                    out_hbm.at[0, pl.ds(0, 16), pl.ds(0, _CHT)], semo).wait()

            def gb(g, c3):
                rows = iota16 + g * 16
                vals = [plsc.load_gather(in_bufs.at[par], [rows, cols[j]])
                        for j in range(16)]
                for j in range(16):
                    out_bufs.at[par][j, pl.ds(g * 16, 16)] = vals[j]
                return c3
            lax.fori_loop(0, _CHT // 16, gb, None)

            @pl.when(k + 2 < nchunk)
            def _():
                start_in(k + 2, par)
            pltpu.async_copy(
                out_bufs.at[par],
                out_hbm.at[b, pl.ds(c16, 16), pl.ds(k * _CHT, _CHT)], semo)
        return carry
    lax.fori_loop(0, nchunk // 2, cb, None)
    for par in range(2):
        pltpu.make_async_copy(
            out_bufs.at[par],
            out_hbm.at[0, pl.ds(0, 16), pl.ds(0, _CHT)], semo).wait()


_transpose_call = functools.partial(
    pl.kernel,
    out_type=jax.ShapeDtypeStruct((_B, _C, _N), jnp.float32),
    mesh=_MESH,
    compiler_params=_SC_PARAMS,
    scratch_types=[
        pltpu.VMEM((2, _CHT, 16), jnp.float32),
        pltpu.VMEM((2, 16, _CHT), jnp.float32),
        pltpu.SemaphoreType.DMA,
        pltpu.SemaphoreType.DMA,
        pltpu.SemaphoreType.DMA,
    ],
)(_transpose_body)


def _scatter_body(feat_hbm, idx_hbm, recip_hbm, out_hbm,
                  acc_a, acc_b, recip_b, idx_bufs, f_a, f_b, sem0, sem1):
    cid = lax.axis_index("c")
    sid = lax.axis_index("s")
    my_batch = sid // 4
    cbase = cid * 64 + (sid % 4) * 16

    zeros16 = jnp.zeros((16,), jnp.float32)
    sems = (sem0, sem1)

    def start_idx(k, par):
        pltpu.async_copy(idx_hbm.at[pl.ds(my_batch * _NPAD + k * _CH, _CH)],
                         idx_bufs.at[par], sems[par])

    def drain_idx(par):
        pltpu.make_async_copy(idx_hbm.at[pl.ds(0, _CH)],
                              idx_bufs.at[par], sems[par]).wait()

    def start_feat(c0, c1, k, par):
        off = k * _CH
        pltpu.async_copy(feat_hbm.at[my_batch, c0, pl.ds(off, _CH)],
                         f_a.at[par], sems[par])
        pltpu.async_copy(feat_hbm.at[my_batch, c1, pl.ds(off, _CH)],
                         f_b.at[par], sems[par])

    def drain_feat(par):
        pltpu.make_async_copy(feat_hbm.at[0, 0, pl.ds(0, _CH)],
                              f_a.at[par], sems[par]).wait()
        pltpu.make_async_copy(feat_hbm.at[0, 0, pl.ds(0, _CH)],
                              f_b.at[par], sems[par]).wait()

    pltpu.sync_copy(recip_hbm.at[pl.ds(my_batch * _V, _V)], recip_b)

    def pair_body(p, carry):
        c0 = cbase + 2 * p
        c1 = c0 + 1

        def zb(i, c2):
            for u in range(8):
                s = pl.ds((i * 8 + u) * 16, 16)
                acc_a[s] = zeros16
                acc_b[s] = zeros16
            return c2
        lax.fori_loop(0, _V // 128, zb, None)

        start_idx(0, 0)
        start_feat(c0, c1, 0, 0)
        start_idx(1, 1)
        start_feat(c0, c1, 1, 1)

        def cb(kk, c2):
            for par in range(2):
                k = kk * 2 + par

                @pl.when(k < _NCHUNK)
                def _():
                    drain_idx(par)
                    drain_feat(par)

                    def gb(g, c3):
                        slcs = [pl.ds((g * 10 + u) * 16, 16)
                                for u in range(10)]
                        ivs = [idx_bufs.at[par][s] for s in slcs]
                        vas = [f_a.at[par][s] for s in slcs]
                        vbs = [f_b.at[par][s] for s in slcs]
                        for u in range(10):
                            plsc.addupdate_scatter(acc_a, [ivs[u]], vas[u])
                            plsc.addupdate_scatter(acc_b, [ivs[u]], vbs[u])
                        return c3
                    lax.fori_loop(0, _CH // 160, gb, None)

                    @pl.when(k + 2 < _NCHUNK)
                    def _():
                        start_idx(k + 2, par)
                        start_feat(c0, c1, k + 2, par)
            return c2
        lax.fori_loop(0, (_NCHUNK + 2) // 2, cb, None)

        def nb(i, c2):
            slcs = [pl.ds((i * 4 + u) * 16, 16) for u in range(4)]
            rs = [recip_b[s] for s in slcs]
            avs = [acc_a[s] for s in slcs]
            bvs = [acc_b[s] for s in slcs]
            for u in range(4):
                acc_a[slcs[u]] = avs[u] * rs[u]
                acc_b[slcs[u]] = bvs[u] * rs[u]
            return c2
        lax.fori_loop(0, _V // 64, nb, None)
        pltpu.sync_copy(acc_a, out_hbm.at[my_batch, c0])
        pltpu.sync_copy(acc_b, out_hbm.at[my_batch, c1])
        return carry
    lax.fori_loop(0, 8, pair_body, None)


_scatter_call = functools.partial(
    pl.kernel,
    out_type=jax.ShapeDtypeStruct((_B, _C, _V), jnp.float32),
    mesh=_MESH,
    compiler_params=_SC_PARAMS,
    scratch_types=[
        pltpu.VMEM((_V,), jnp.float32),
        pltpu.VMEM((_V,), jnp.float32),
        pltpu.VMEM((_V,), jnp.float32),
        pltpu.VMEM((2, _CH), jnp.int32),
        pltpu.VMEM((2, _CH), jnp.float32),
        pltpu.VMEM((2, _CH), jnp.float32),
        pltpu.SemaphoreType.DMA,
        pltpu.SemaphoreType.DMA,
    ],
)(_scatter_body)


def kernel(features, coords):
    nc, idx = _compute_idx(coords)
    recip = _counts_call(idx)
    feat_lin = _transpose_call(jnp.transpose(features, (0, 2, 1)))
    out = _scatter_call(feat_lin, idx, recip)
    return out.reshape(_B, _C, _R, _R, _R), nc

# --- scband reference (transcript-rebuilt; emitter-appended) ---
"""Pipeline reference for scband-voxelization-18245021073712 (READ-ONLY COPY).

The authoritative reference and input builder live on the scoring server;
editing this copy changes nothing except your own understanding.
"""

import jax, jax.numpy as jnp
import numpy as np

R = 32


def setup_inputs(seed: int = 0) -> dict:
    key = jax.random.key(seed)
    k1, k2 = jax.random.split(key)
    features = jax.random.normal(k1, (4, 128, 100000), dtype=jnp.float32)
    coords = jax.random.normal(k2, (4, 3, 100000), dtype=jnp.float32)
    return {"features": features, "coords": coords}


def _avg_voxelize_one(features, idx):
    # features: [C, N], idx: [N] int32 flat voxel index in [0, R^3)
    C, N = features.shape
    sums = jax.ops.segment_sum(features.T, idx, num_segments=R ** 3)  # [R^3, C]
    cnt = jax.ops.segment_sum(jnp.ones((N,), features.dtype), idx, num_segments=R ** 3)  # [R^3]
    avg = sums / jnp.maximum(cnt, 1.0)[:, None]
    return avg.T.reshape(C, R, R, R)


def reference(features, coords):
    # coords.detach() equivalent
    coords = jax.lax.stop_gradient(coords)
    norm_coords = coords - jnp.mean(coords, axis=2, keepdims=True)  # [B, 3, N]
    # normalize=True branch
    denom = jnp.max(jnp.sqrt(jnp.sum(norm_coords ** 2, axis=1, keepdims=True)), axis=2, keepdims=True)  # [B,1,1]
    denom = jnp.maximum(denom * 2.0, 1e-06)
    norm_coords = norm_coords / denom + 0.5
    norm_coords = jnp.clip(norm_coords * R, 0.0, R - 1)
    vox_coords = jnp.round(norm_coords).astype(jnp.int32)  # [B, 3, N]
    idx = vox_coords[:, 0] * (R * R) + vox_coords[:, 1] * R + vox_coords[:, 2]  # [B, N]
    out = jax.vmap(_avg_voxelize_one)(features, idx)  # [B, C, R, R, R]
    return out, norm_coords

if __name__ == "__main__":
    import jax
    _d = setup_inputs()
    print(jax.jit(kernel)(*tuple(_d.values())))

</pallas_src>

<mosaic_0001>
#map = affine_map<(d0, d1) -> (0, 0, 0)>
module attributes {stable_mosaic.version = 14 : i64} {
  func.func @_transpose_body(%arg0: i32, %arg1: i32, %arg2: memref<4x100000x128xf32, #tpu.memory_space<hbm>>, %arg3: memref<4x128x100000xf32, #tpu.memory_space<hbm>>, %arg4: memref<2x2000x16xf32, #tpu.memory_space<vmem>>, %arg5: memref<2x16x2000xf32, #tpu.memory_space<vmem>>, %arg6: memref<!tpu.dma_semaphore, #tpu.memory_space<semaphore_mem>>, %arg7: memref<!tpu.dma_semaphore, #tpu.memory_space<semaphore_mem>>, %arg8: memref<!tpu.dma_semaphore, #tpu.memory_space<semaphore_mem>>) attributes {dimension_semantics = [#tpu.dimension_semantics<core_parallel>, #tpu.dimension_semantics<subcore_parallel>], iteration_bounds = array<i64: 2, 16>, scalar_prefetch = 0 : i64, scratch_operands = 5 : i64, tpu.core_type = #tpu.core_type<sc_vector_subcore>, window_params = [{transform_indices = #map}, {transform_indices = #map}]} {
    %jit3A = arith.constant 4 : i32
    %div3A = arith.divsi %arg1, %jit3A : i32
    %sign3A = arith.constant 0 : i32
    %sign3A_0 = arith.cmpi sgt, %arg1, %sign3A : i32
    %sign3A_1 = arith.extui %sign3A_0 : i1 to i32
    %sign3A_2 = arith.constant 0 : i32
    %sign3A_3 = arith.cmpi slt, %arg1, %sign3A_2 : i32
    %sign3A_4 = arith.extui %sign3A_3 : i1 to i32
    %sign3A_5 = arith.subi %sign3A_1, %sign3A_4 : i32
    %sign3A_6 = arith.constant 0 : i32
    %sign3A_7 = arith.cmpi sgt, %jit3A, %sign3A_6 : i32
    %sign3A_8 = arith.extui %sign3A_7 : i1 to i32
    %sign3A_9 = arith.constant 0 : i32
    %sign3A_10 = arith.cmpi slt, %jit3A, %sign3A_9 : i32
    %sign3A_11 = arith.extui %sign3A_10 : i1 to i32
    %sign3A_12 = arith.subi %sign3A_8, %sign3A_11 : i32
    %ne3A = arith.cmpi ne, %sign3A_5, %sign3A_12 : i32
    %rem3A = arith.remsi %arg1, %jit3A : i32
    %ne3A_13 = arith.constant 0 : i32
    %ne3A_14 = arith.cmpi ne, %rem3A, %ne3A_13 : i32
    %and3A = arith.andi %ne3A, %ne3A_14 : i1
    %sub3A = arith.constant 1 : i32
    %sub3A_15 = arith.subi %div3A, %sub3A : i32
    %select_n3A = arith.select %and3A, %sub3A_15, %div3A : i32
    %mul3A = arith.constant 64 : i32
    %mul3A_16 = arith.muli %arg0, %mul3A : i32
    %jit3A_17 = arith.constant 4 : i32
    %eq3A = arith.constant 0 : i32
    %eq3A_18 = arith.cmpi eq, %jit3A_17, %eq3A : i32
    %jit3A_19 = arith.constant 1 : i32
    %select_n3A_20 = arith.select %eq3A_18, %jit3A_19, %jit3A_17 : i32
    %rem3A_21 = arith.remsi %arg1, %select_n3A_20 : i32
    %ne3A_22 = arith.constant 0 : i32
    %ne3A_23 = arith.cmpi ne, %rem3A_21, %ne3A_22 : i32
    %lt3A = arith.constant 0 : i32
    %lt3A_24 = arith.cmpi slt, %rem3A_21, %lt3A : i32
    %lt3A_25 = arith.constant 0 : i32
    %lt3A_26 = arith.cmpi slt, %select_n3A_20, %lt3A_25 : i32
    %ne3A_27 = arith.xori %lt3A_24, %lt3A_26 : i1
    %and3A_28 = arith.andi %ne3A_27, %ne3A_23 : i1
    %add3A = arith.addi %rem3A_21, %select_n3A_20 : i32
    %select_n3A_29 = arith.select %and3A_28, %add3A, %rem3A_21 : i32
    %mul3A_30 = arith.constant 16 : i32
    %mul3A_31 = arith.muli %select_n3A_29, %mul3A_30 : i32
    %add3A_32 = arith.addi %mul3A_16, %mul3A_31 : i32
    %iota3A = tpu.iota {dimensions = array<i32: 0>} : vector<16xi32>
    %broadcast_in_dim3A = arith.constant 0 : i32
    %broadcast_in_dim3A_33 = vector.broadcast %broadcast_in_dim3A : i32 to vector<16xi32>
    %broadcast_in_dim3A_34 = arith.constant 1 : i32
    %broadcast_in_dim3A_35 = vector.broadcast %broadcast_in_dim3A_34 : i32 to vector<16xi32>
    %broadcast_in_dim3A_36 = arith.constant 2 : i32
    %broadcast_in_dim3A_37 = vector.broadcast %broadcast_in_dim3A_36 : i32 to vector<16xi32>
    %broadcast_in_dim3A_38 = arith.constant 3 : i32
    %broadcast_in_dim3A_39 = vector.broadcast %broadcast_in_dim3A_38 : i32 to vector<16xi32>
    %broadcast_in_dim3A_40 = arith.constant 4 : i32
    %broadcast_in_dim3A_41 = vector.broadcast %broadcast_in_dim3A_40 : i32 to vector<16xi32>
    %broadcast_in_dim3A_42 = arith.constant 5 : i32
    %broadcast_in_dim3A_43 = vector.broadcast %broadcast_in_dim3A_42 : i32 to vector<16xi32>
    %broadcast_in_dim3A_44 = arith.constant 6 : i32
    %broadcast_in_dim3A_45 = vector.broadcast %broadcast_in_dim3A_44 : i32 to vector<16xi32>
    %broadcast_in_dim3A_46 = arith.constant 7 : i32
    %broadcast_in_dim3A_47 = vector.broadcast %broadcast_in_dim3A_46 : i32 to vector<16xi32>
    %broadcast_in_dim3A_48 = arith.constant 8 : i32
    %broadcast_in_dim3A_49 = vector.broadcast %broadcast_in_dim3A_48 : i32 to vector<16xi32>
    %broadcast_in_dim3A_50 = arith.constant 9 : i32
    %broadcast_in_dim3A_51 = vector.broadcast %broadcast_in_dim3A_50 : i32 to vector<16xi32>
    %broadcast_in_dim3A_52 = arith.constant 10 : i32
    %broadcast_in_dim3A_53 = vector.broadcast %broadcast_in_dim3A_52 : i32 to vector<16xi32>
    %broadcast_in_dim3A_54 = arith.constant 11 : i32
    %broadcast_in_dim3A_55 = vector.broadcast %broadcast_in_dim3A_54 : i32 to vector<16xi32>
    %broadcast_in_dim3A_56 = arith.constant 12 : i32
    %broadcast_in_dim3A_57 = vector.broadcast %broadcast_in_dim3A_56 : i32 to vector<16xi32>
    %broadcast_in_dim3A_58 = arith.constant 13 : i32
    %broadcast_in_dim3A_59 = vector.broadcast %broadcast_in_dim3A_58 : i32 to vector<16xi32>
    %broadcast_in_dim3A_60 = arith.constant 14 : i32
    %broadcast_in_dim3A_61 = vector.broadcast %broadcast_in_dim3A_60 : i32 to vector<16xi32>
    %broadcast_in_dim3A_62 = arith.constant 15 : i32
    %broadcast_in_dim3A_63 = vector.broadcast %broadcast_in_dim3A_62 : i32 to vector<16xi32>
    %dma_start3A = arith.constant 0 : i32
    %dma_start3A_64 = arith.constant 0 : i32
    %dma_start3A_65 = arith.constant 0 : i32
    %dma_start3A_66 = tpu.memref_slice %arg4[%dma_start3A, %dma_start3A_64, %dma_start3A_65] : memref<2x2000x16xf32, #tpu.memory_space<vmem>> -> memref<1x2000x16xf32, #tpu.memory_space<vmem>>
    %dma_start3A_67 = tpu.memref_squeeze %dma_start3A_66 : memref<1x2000x16xf32, #tpu.memory_space<vmem>> -> memref<2000x16xf32, #tpu.memory_space<vmem>>
    %dma_start3A_68 = arith.constant 0 : i32
    %dma_start3A_69 = tpu.memref_slice %arg2[%select_n3A, %dma_start3A_68, %add3A_32] : memref<4x100000x128xf32, #tpu.memory_space<hbm>> -> memref<1x2000x16xf32, #tpu.memory_space<hbm>>
    %dma_start3A_70 = tpu.memref_squeeze %dma_start3A_69 : memref<1x2000x16xf32, #tpu.memory_space<hbm>> -> memref<2000x16xf32, #tpu.memory_space<hbm>>
    %dma_start3A_71 = arith.constant 0 : i32
    %dma_start3A_72 = arith.constant 0 : i32
    %dma_start3A_73 = tpu.memref_slice %arg4[%dma_start3A, %dma_start3A_71, %dma_start3A_72] : memref<2x2000x16xf32, #tpu.memory_space<vmem>> -> memref<1x2000x16xf32, #tpu.memory_space<vmem>>
    %dma_start3A_74 = tpu.memref_squeeze %dma_start3A_73 : memref<1x2000x16xf32, #tpu.memory_space<vmem>> -> memref<2000x16xf32, #tpu.memory_space<vmem>>
    %dma_start3A_75 = arith.constant 0 : i32
    %dma_start3A_76 = tpu.memref_slice %arg2[%select_n3A, %dma_start3A_75, %add3A_32] : memref<4x100000x128xf32, #tpu.memory_space<hbm>> -> memref<1x2000x16xf32, #tpu.memory_space<hbm>>
    %dma_start3A_77 = tpu.memref_squeeze %dma_start3A_76 : memref<1x2000x16xf32, #tpu.memory_space<hbm>> -> memref<2000x16xf32, #tpu.memory_space<hbm>>
    tpu.enqueue_dma source(%dma_start3A_77 : memref<2000x16xf32, #tpu.memory_space<hbm>>) target(%dma_start3A_74 : memref<2000x16xf32, #tpu.memory_space<vmem>>) target_semaphore(%arg6 : memref<!tpu.dma_semaphore, #tpu.memory_space<semaphore_mem>>)
    %dma_start3A_78 = arith.constant 1 : i32
    %dma_start3A_79 = arith.constant 0 : i32
    %dma_start3A_80 = arith.constant 0 : i32
    %dma_start3A_81 = tpu.memref_slice %arg4[%dma_start3A_78, %dma_start3A_79, %dma_start3A_80] : memref<2x2000x16xf32, #tpu.memory_space<vmem>> -> memref<1x2000x16xf32, #tpu.memory_space<vmem>>
    %dma_start3A_82 = tpu.memref_squeeze %dma_start3A_81 : memref<1x2000x16xf32, #tpu.memory_space<vmem>> -> memref<2000x16xf32, #tpu.memory_space<vmem>>
    %dma_start3A_83 = arith.constant 2000 : i32
    %dma_start3A_84 = tpu.memref_slice %arg2[%select_n3A, %dma_start3A_83, %add3A_32] : memref<4x100000x128xf32, #tpu.memory_space<hbm>> -> memref<1x2000x16xf32, #tpu.memory_space<hbm>>
    %dma_start3A_85 = tpu.memref_squeeze %dma_start3A_84 : memref<1x2000x16xf32, #tpu.memory_space<hbm>> -> memref<2000x16xf32, #tpu.memory_space<hbm>>
    %dma_start3A_86 = arith.constant 0 : i32
    %dma_start3A_87 = arith.constant 0 : i32
    %dma_start3A_88 = tpu.memref_slice %arg4[%dma_start3A_78, %dma_start3A_86, %dma_start3A_87] : memref<2x2000x16xf32, #tpu.memory_space<vmem>> -> memref<1x2000x16xf32, #tpu.memory_space<vmem>>
    %dma_start3A_89 = tpu.memref_squeeze %dma_start3A_88 : memref<1x2000x16xf32, #tpu.memory_space<vmem>> -> memref<2000x16xf32, #tpu.memory_space<vmem>>
    %dma_start3A_90 = arith.constant 2000 : i32
    %dma_start3A_91 = tpu.memref_slice %arg2[%select_n3A, %dma_start3A_90, %add3A_32] : memref<4x100000x128xf32, #tpu.memory_space<hbm>> -> memref<1x2000x16xf32, #tpu.memory_space<hbm>>
    %dma_start3A_92 = tpu.memref_squeeze %dma_start3A_91 : memref<1x2000x16xf32, #tpu.memory_space<hbm>> -> memref<2000x16xf32, #tpu.memory_space<hbm>>
    tpu.enqueue_dma source(%dma_start3A_92 : memref<2000x16xf32, #tpu.memory_space<hbm>>) target(%dma_start3A_89 : memref<2000x16xf32, #tpu.memory_space<vmem>>) target_semaphore(%arg7 : memref<!tpu.dma_semaphore, #tpu.memory_space<semaphore_mem>>)
    %scan3A = arith.constant 0 : i32
    %scan3A_93 = arith.constant 25 : i32
    %scan3A_94 = arith.addi %scan3A, %scan3A_93 : i32
    %scan3A_95 = arith.constant 1 : i32
    scf.for %scan3A_132 = %scan3A to %scan3A_94 step %scan3A_95  : i32 {
      %mul3A_133 = arith.constant 2 : i32
      %mul3A_134 = arith.muli %scan3A_132, %mul3A_133 : i32
      %add3A_135 = arith.constant 0 : i32
      %add3A_136 = arith.addi %mul3A_134, %add3A_135 : i32
      %dma_wait3A_137 = arith.constant 0 : i32
      %dma_wait3A_138 = arith.constant 0 : i32
      %dma_wait3A_139 = arith.constant 0 : i32
      %dma_wait3A_140 = arith.constant 0 : i32
      %dma_wait3A_141 = tpu.memref_slice %arg4[%dma_wait3A_138, %dma_wait3A_139, %dma_wait3A_140] : memref<2x2000x16xf32, #tpu.memory_space<vmem>> -> memref<1x2000x16xf32, #tpu.memory_space<vmem>>
      %dma_wait3A_142 = tpu.memref_squeeze %dma_wait3A_141 : memref<1x2000x16xf32, #tpu.memory_space<vmem>> -> memref<2000x16xf32, #tpu.memory_space<vmem>>
      %dma_wait3A_143 = arith.constant 0 : i32
      %dma_wait3A_144 = arith.constant 0 : i32
      %dma_wait3A_145 = tpu.memref_slice %arg2[%dma_wait3A_137, %dma_wait3A_143, %dma_wait3A_144] : memref<4x100000x128xf32, #tpu.memory_space<hbm>> -> memref<1x2000x16xf32, #tpu.memory_space<hbm>>
      %dma_wait3A_146 = tpu.memref_squeeze %dma_wait3A_145 : memref<1x2000x16xf32, #tpu.memory_space<hbm>> -> memref<2000x16xf32, #tpu.memory_space<hbm>>
      %dma_wait3A_147 = arith.constant 0 : i32
      %dma_wait3A_148 = arith.constant 0 : i32
      %dma_wait3A_149 = tpu.memref_slice %arg4[%dma_wait3A_138, %dma_wait3A_147, %dma_wait3A_148] : memref<2x2000x16xf32, #tpu.memory_space<vmem>> -> memref<1x2000x16xf32, #tpu.memory_space<vmem>>
      %dma_wait3A_150 = tpu.memref_squeeze %dma_wait3A_149 : memref<1x2000x16xf32, #tpu.memory_space<vmem>> -> memref<2000x16xf32, #tpu.memory_space<vmem>>
      %dma_wait3A_151 = arith.constant 0 : i32
      %dma_wait3A_152 = arith.constant 0 : i32
      %dma_wait3A_153 = tpu.memref_slice %arg2[%dma_wait3A_137, %dma_wait3A_151, %dma_wait3A_152] : memref<4x100000x128xf32, #tpu.memory_space<hbm>> -> memref<1x2000x16xf32, #tpu.memory_space<hbm>>
      %dma_wait3A_154 = tpu.memref_squeeze %dma_wait3A_153 : memref<1x2000x16xf32, #tpu.memory_space<hbm>> -> memref<2000x16xf32, #tpu.memory_space<hbm>>
      tpu.wait_dma2 semaphore(%arg6 : memref<!tpu.dma_semaphore, #tpu.memory_space<semaphore_mem>>) src(%dma_wait3A_154 : memref<2000x16xf32, #tpu.memory_space<hbm>>) dst(%dma_wait3A_150 : memref<2000x16xf32, #tpu.memory_space<vmem>>)
      %ge3A = arith.constant 2 : i32
      %ge3A_155 = arith.cmpi sge, %add3A_136, %ge3A : i32
      %convert_element_type3A = arith.extui %ge3A_155 : i1 to i32
      %cond3A = arith.constant 0 : i32
      %cond3A_156 = arith.cmpi ne, %convert_element_type3A, %cond3A : i32
      scf.if %cond3A_156 {
        %dma_wait3A_238 = arith.constant 0 : i32
        %dma_wait3A_239 = arith.constant 0 : i32
        %dma_wait3A_240 = arith.constant 0 : i32
        %dma_wait3A_241 = arith.constant 0 : i32
        %dma_wait3A_242 = tpu.memref_slice %arg5[%dma_wait3A_238, %dma_wait3A_240, %dma_wait3A_241] : memref<2x16x2000xf32, #tpu.memory_space<vmem>> -> memref<1x16x2000xf32, #tpu.memory_space<vmem>>
        %dma_wait3A_243 = tpu.memref_squeeze %dma_wait3A_242 : memref<1x16x2000xf32, #tpu.memory_space<vmem>> -> memref<16x2000xf32, #tpu.memory_space<vmem>>
        %dma_wait3A_244 = arith.constant 0 : i32
        %dma_wait3A_245 = arith.constant 0 : i32
        %dma_wait3A_246 = tpu.memref_slice %arg3[%dma_wait3A_239, %dma_wait3A_244, %dma_wait3A_245] : memref<4x128x100000xf32, #tpu.memory_space<hbm>> -> memref<1x16x2000xf32, #tpu.memory_space<hbm>>
        %dma_wait3A_247 = tpu.memref_squeeze %dma_wait3A_246 : memref<1x16x2000xf32, #tpu.memory_space<hbm>> -> memref<16x2000xf32, #tpu.memory_space<hbm>>
        %dma_wait3A_248 = arith.constant 0 : i32
        %dma_wait3A_249 = arith.constant 0 : i32
        %dma_wait3A_250 = tpu.memref_slice %arg3[%dma_wait3A_239, %dma_wait3A_248, %dma_wait3A_249] : memref<4x128x100000xf32, #tpu.memory_space<hbm>> -> memref<1x16x2000xf32, #tpu.memory_space<hbm>>
        %dma_wait3A_251 = tpu.memref_squeeze %dma_wait3A_250 : memref<1x16x2000xf32, #tpu.memory_space<hbm>> -> memref<16x2000xf32, #tpu.memory_space<hbm>>
        %dma_wait3A_252 = arith.constant 0 : i32
        %dma_wait3A_253 = arith.constant 0 : i32
        %dma_wait3A_254 = tpu.memref_slice %arg5[%dma_wait3A_238, %dma_wait3A_252, %dma_wait3A_253] : memref<2x16x2000xf32, #tpu.memory_space<vmem>> -> memref<1x16x2000xf32, #tpu.memory_space<vmem>>
        %dma_wait3A_255 = tpu.memref_squeeze %dma_wait3A_254 : memref<1x16x2000xf32, #tpu.memory_space<vmem>> -> memref<16x2000xf32, #tpu.memory_space<vmem>>
        tpu.wait_dma2 semaphore(%arg8 : memref<!tpu.dma_semaphore, #tpu.memory_space<semaphore_mem>>) src(%dma_wait3A_255 : memref<16x2000xf32, #tpu.memory_space<vmem>>) dst(%dma_wait3A_251 : memref<16x2000xf32, #tpu.memory_space<hbm>>)
      } else {
      }
      %scan3A_157 = arith.constant 0 : i32
      %scan3A_158 = arith.constant 125 : i32
      %scan3A_159 = arith.addi %scan3A_157, %scan3A_158 : i32
      %scan3A_160 = arith.constant 1 : i32
      scf.for %scan3A_238 = %scan3A_157 to %scan3A_159 step %scan3A_160  : i32 {
        %mul3A_239 = arith.constant 16 : i32
        %mul3A_240 = arith.muli %scan3A_238, %mul3A_239 : i32
        %add3A_241 = vector.broadcast %mul3A_240 : i32 to vector<16xi32>
        %add3A_242 = arith.addi %iota3A, %add3A_241 : vector<16xi32>
        %gather3A = arith.constant 0 : i32
        %gather3A_243 = arith.constant 0 : i32
        %gather3A_244 = arith.constant 0 : i32
        %gather3A_245 = tpu.memref_slice %arg4[%gather3A, %gather3A_243, %gather3A_244] : memref<2x2000x16xf32, #tpu.memory_space<vmem>> -> memref<1x2000x16xf32, #tpu.memory_space<vmem>>
        %gather3A_246 = tpu.memref_squeeze %gather3A_245 : memref<1x2000x16xf32, #tpu.memory_space<vmem>> -> memref<2000x16xf32, #tpu.memory_space<vmem>>
        %gather3A_247 = tpu.vector_load_idx %gather3A_246[%add3A_242, %broadcast_in_dim3A_33] : memref<2000x16xf32, #tpu.memory_space<vmem>>[vector<16xi32>, vector<16xi32>], vector<16xf32>,
        %gather3A_248 = arith.constant 0 : i32
        %gather3A_249 = arith.constant 0 : i32
        %gather3A_250 = arith.constant 0 : i32
        %gather3A_251 = tpu.memref_slice %arg4[%gather3A_248, %gather3A_249, %gather3A_250] : memref<2x2000x16xf32, #tpu.memory_space<vmem>> -> memref<1x2000x16xf32, #tpu.memory_space<vmem>>
        %gather3A_252 = tpu.memref_squeeze %gather3A_251 : memref<1x2000x16xf32, #tpu.memory_space<vmem>> -> memref<2000x16xf32, #tpu.memory_space<vmem>>
        %gather3A_253 = tpu.vector_load_idx %gather3A_252[%add3A_242, %broadcast_in_dim3A_35] : memref<2000x16xf32, #tpu.memory_space<vmem>>[vector<16xi32>, vector<16xi32>], vector<16xf32>,
        %gather3A_254 = arith.constant 0 : i32
        %gather3A_255 = arith.constant 0 : i32
        %gather3A_256 = arith.constant 0 : i32
        %gather3A_257 = tpu.memref_slice %arg4[%gather3A_254, %gather3A_255, %gather3A_256] : memref<2x2000x16xf32, #tpu.memory_space<vmem>> -> memref<1x2000x16xf32, #tpu.memory_space<vmem>>
        %gather3A_258 = tpu.memref_squeeze %gather3A_257 : memref<1x2000x16xf32, #tpu.memory_space<vmem>> -> memref<2000x16xf32, #tpu.memory_space<vmem>>
        %gather3A_259 = tpu.vector_load_idx %gather3A_258[%add3A_242, %broadcast_in_dim3A_37] : memref<2000x16xf32, #tpu.memory_space<vmem>>[vector<16xi32>, vector<16xi32>], vector<16xf32>,
        %gather3A_260 = arith.constant 0 : i32
        %gather3A_261 = arith.constant 0 : i32
        %gather3A_262 = arith.constant 0 : i32
        %gather3A_263 = tpu.memref_slice %arg4[%gather3A_260, %gather3A_261, %gather3A_262] : memref<2x2000x16xf32, #tpu.memory_space<vmem>> -> memref<1x2000x16xf32, #tpu.memory_space<vmem>>
        %gather3A_264 = tpu.memref_squeeze %gather3A_263 : memref<1x2000x16xf32, #tpu.memory_space<vmem>> -> memref<2000x16xf32, #tpu.memory_space<vmem>>
        %gather3A_265 = tpu.vector_load_idx %gather3A_264[%add3A_242, %broadcast_in_dim3A_39] : memref<2000x16xf32, #tpu.memory_space<vmem>>[vector<16xi32>, vector<16xi32>], vector<16xf32>,
        %gather3A_266 = arith.constant 0 : i32
        %gather3A_267 = arith.constant 0 : i32
        %gather3A_268 = arith.constant 0 : i32
        %gather3A_269 = tpu.memref_slice %arg4[%gather3A_266, %gather3A_267, %gather3A_268] : memref<2x2000x16xf32, #tpu.memory_space<vmem>> -> memref<1x2000x16xf32, #tpu.memory_space<vmem>>
        %gather3A_270 = tpu.memref_squeeze %gather3A_269 : memref<1x2000x16xf32, #tpu.memory_space<vmem>> -> memref<2000x16xf32, #tpu.memory_space<vmem>>
        %gather3A_271 = tpu.vector_load_idx %gather3A_270[%add3A_242, %broadcast_in_dim3A_41] : memref<2000x16xf32, #tpu.memory_space<vmem>>[vector<16xi32>, vector<16xi32>], vector<16xf32>,
        %gather3A_272 = arith.constant 0 : i32
        %gather3A_273 = arith.constant 0 : i32
        %gather3A_274 = arith.constant 0 : i32
        %gather3A_275 = tpu.memref_slice %arg4[%gather3A_272, %gather3A_273, %gather3A_274] : memref<2x2000x16xf32, #tpu.memory_space<vmem>> -> memref<1x2000x16xf32, #tpu.memory_space<vmem>>
        %gather3A_276 = tpu.memref_squeeze %gather3A_275 : memref<1x2000x16xf32, #tpu.memory_space<vmem>> -> memref<2000x16xf32, #tpu.memory_space<vmem>>
        %gather3A_277 = tpu.vector_load_idx %gather3A_276[%add3A_242, %broadcast_in_dim3A_43] : memref<2000x16xf32, #tpu.memory_space<vmem>>[vector<16xi32>, vector<16xi32>], vector<16xf32>,
        %gather3A_278 = arith.constant 0 : i32
        %gather3A_279 = arith.constant 0 : i32
        %gather3A_280 = arith.constant 0 : i32
        %gather3A_281 = tpu.memref_slice %arg4[%gather3A_278, %gather3A_279, %gather3A_280] : memref<2x2000x16xf32, #tpu.memory_space<vmem>> -> memref<1x2000x16xf32, #tpu.memory_space<vmem>>
        %gather3A_282 = tpu.memref_squeeze %gather3A_281 : memref<1x2000x16xf32, #tpu.memory_space<vmem>> -> memref<2000x16xf32, #tpu.memory_space<vmem>>
        %gather3A_283 = tpu.vector_load_idx %gather3A_282[%add3A_242, %broadcast_in_dim3A_45] : memref<2000x16xf32, #tpu.memory_space<vmem>>[vector<16xi32>, vector<16xi32>], vector<16xf32>,
        %gather3A_284 = arith.constant 0 : i32
        %gather3A_285 = arith.constant 0 : i32
        %gather3A_286 = arith.constant 0 : i32
        %gather3A_287 = tpu.memref_slice %arg4[%gather3A_284, %gather3A_285, %gather3A_286] : memref<2x2000x16xf32, #tpu.memory_space<vmem>> -> memref<1x2000x16xf32, #tpu.memory_space<vmem>>
        %gather3A_288 = tpu.memref_squeeze %gather3A_287 : memref<1x2000x16xf32, #tpu.memory_space<vmem>> -> memref<2000x16xf32, #tpu.memory_space<vmem>>
        %gather3A_289 = tpu.vector_load_idx %gather3A_288[%add3A_242, %broadcast_in_dim3A_47] : memref<2000x16xf32, #tpu.memory_space<vmem>>[vector<16xi32>, vector<16xi32>], vector<16xf32>,
        %gather3A_290 = arith.constant 0 : i32
        %gather3A_291 = arith.constant 0 : i32
        %gather3A_292 = arith.constant 0 : i32
        %gather3A_293 = tpu.memref_slice %arg4[%gather3A_290, %gather3A_291, %gather3A_292] : memref<2x2000x16xf32, #tpu.memory_space<vmem>> -> memref<1x2000x16xf32, #tpu.memory_space<vmem>>
        %gather3A_294 = tpu.memref_squeeze %gather3A_293 : memref<1x2000x16xf32, #tpu.memory_space<vmem>> -> memref<2000x16xf32, #tpu.memory_space<vmem>>
        %gather3A_295 = tpu.vector_load_idx %gather3A_294[%add3A_242, %broadcast_in_dim3A_49] : memref<2000x16xf32, #tpu.memory_space<vmem>>[vector<16xi32>, vector<16xi32>], vector<16xf32>,
        %gather3A_296 = arith.constant 0 : i32
        %gather3A_297 = arith.constant 0 : i32
        %gather3A_298 = arith.constant 0 : i32
        %gather3A_299 = tpu.memref_slice %arg4[%gather3A_296, %gather3A_297, %gather3A_298] : memref<2x2000x16xf32, #tpu.memory_space<vmem>> -> memref<1x2000x16xf32, #tpu.memory_space<vmem>>
        %gather3A_300 = tpu.memref_squeeze %gather3A_299 : memref<1x2000x16xf32, #tpu.memory_space<vmem>> -> memref<2000x16xf32, #tpu.memory_space<vmem>>
        %gather3A_301 = tpu.vector_load_idx %gather3A_300[%add3A_242, %broadcast_in_dim3A_51] : memref<2000x16xf32, #tpu.memory_space<vmem>>[vector<16xi32>, vector<16xi32>], vector<16xf32>,
        %gather3A_302 = arith.constant 0 : i32
        %gather3A_303 = arith.constant 0 : i32
        %gather3A_304 = arith.constant 0 : i32
        %gather3A_305 = tpu.memref_slice %arg4[%gather3A_302, %gather3A_303, %gather3A_304] : memref<2x2000x16xf32, #tpu.memory_space<vmem>> -> memref<1x2000x16xf32, #tpu.memory_space<vmem>>
        %gather3A_306 = tpu.memref_squeeze %gather3A_305 : memref<1x2000x16xf32, #tpu.memory_space<vmem>> -> memref<2000x16xf32, #tpu.memory_space<vmem>>
        %gather3A_307 = tpu.vector_load_idx %gather3A_306[%add3A_242, %broadcast_in_dim3A_53] : memref<2000x16xf32, #tpu.memory_space<vmem>>[vector<16xi32>, vector<16xi32>], vector<16xf32>,
        %gather3A_308 = arith.constant 0 : i32
        %gather3A_309 = arith.constant 0 : i32
        %gather3A_310 = arith.constant 0 : i32
        %gather3A_311 = tpu.memref_slice %arg4[%gather3A_308, %gather3A_309, %gather3A_310] : memref<2x2000x16xf32, #tpu.memory_space<vmem>> -> memref<1x2000x16xf32, #tpu.memory_space<vmem>>
        %gather3A_312 = tpu.memref_squeeze %gather3A_311 : memref<1x2000x16xf32, #tpu.memory_space<vmem>> -> memref<2000x16xf32, #tpu.memory_space<vmem>>
        %gather3A_313 = tpu.vector_load_idx %gather3A_312[%add3A_242, %broadcast_in_dim3A_55] : memref<2000x16xf32, #tpu.memory_space<vmem>>[vector<16xi32>, vector<16xi32>], vector<16xf32>,
        %gather3A_314 = arith.constant 0 : i32
        %gather3A_315 = arith.constant 0 : i32
        %gather3A_316 = arith.constant 0 : i32
        %gather3A_317 = tpu.memref_slice %arg4[%gather3A_314, %gather3A_315, %gather3A_316] : memref<2x2000x16xf32, #tpu.memory_space<vmem>> -> memref<1x2000x16xf32, #tpu.memory_space<vmem>>
        %gather3A_318 = tpu.memref_squeeze %gather3A_317 : memref<1x2000x16xf32, #tpu.memory_space<vmem>> -> memref<2000x16xf32, #tpu.memory_space<vmem>>
        %gather3A_319 = tpu.vector_load_idx %gather3A_318[%add3A_242, %broadcast_in_dim3A_57] : memref<2000x16xf32, #tpu.memory_space<vmem>>[vector<16xi32>, vector<16xi32>], vector<16xf32>,
        %gather3A_320 = arith.constant 0 : i32
        %gather3A_321 = arith.constant 0 : i32
        %gather3A_322 = arith.constant 0 : i32
        %gather3A_323 = tpu.memref_slice %arg4[%gather3A_320, %gather3A_321, %gather3A_322] : memref<2x2000x16xf32, #tpu.memory_space<vmem>> -> memref<1x2000x16xf32, #tpu.memory_space<vmem>>
        %gather3A_324 = tpu.memref_squeeze %gather3A_323 : memref<1x2000x16xf32, #tpu.memory_space<vmem>> -> memref<2000x16xf32, #tpu.memory_space<vmem>>
        %gather3A_325 = tpu.vector_load_idx %gather3A_324[%add3A_242, %broadcast_in_dim3A_59] : memref<2000x16xf32, #tpu.memory_space<vmem>>[vector<16xi32>, vector<16xi32>], vector<16xf32>,
        %gather3A_326 = arith.constant 0 : i32
        %gather3A_327 = arith.constant 0 : i32
        %gather3A_328 = arith.constant 0 : i32
        %gather3A_329 = tpu.memref_slice %arg4[%gather3A_326, %gather3A_327, %gather3A_328] : memref<2x2000x16xf32, #tpu.memory_space<vmem>> -> memref<1x2000x16xf32, #tpu.memory_space<vmem>>
        %gather3A_330 = tpu.memref_squeeze %gather3A_329 : memref<1x2000x16xf32, #tpu.memory_space<vmem>> -> memref<2000x16xf32, #tpu.memory_space<vmem>>
        %gather3A_331 = tpu.vector_load_idx %gather3A_330[%add3A_242, %broadcast_in_dim3A_61] : memref<2000x16xf32, #tpu.memory_space<vmem>>[vector<16xi32>, vector<16xi32>], vector<16xf32>,
        %gather3A_332 = arith.constant 0 : i32
        %gather3A_333 = arith.constant 0 : i32
        %gather3A_334 = arith.constant 0 : i32
        %gather3A_335 = tpu.memref_slice %arg4[%gather3A_332, %gather3A_333, %gather3A_334] : memref<2x2000x16xf32, #tpu.memory_space<vmem>> -> memref<1x2000x16xf32, #tpu.memory_space<vmem>>
        %gather3A_336 = tpu.memref_squeeze %gather3A_335 : memref<1x2000x16xf32, #tpu.memory_space<vmem>> -> memref<2000x16xf32, #tpu.memory_space<vmem>>
        %gather3A_337 = tpu.vector_load_idx %gather3A_336[%add3A_242, %broadcast_in_dim3A_63] : memref<2000x16xf32, #tpu.memory_space<vmem>>[vector<16xi32>, vector<16xi32>], vector<16xf32>,
        %mul3A_338 = arith.constant 16 : i32
        %mul3A_339 = arith.muli %scan3A_238, %mul3A_338 : i32
        %swap3A = arith.constant 0 : i32
        %swap3A_340 = arith.constant 0 : i32
        %swap3A_341 = arith.constant 0 : i32
        %swap3A_342 = arith.constant 0 : i32
        %swap3A_343 = tpu.memref_slice %arg5[%swap3A, %swap3A_341, %swap3A_342] : memref<2x16x2000xf32, #tpu.memory_space<vmem>> -> memref<1x16x2000xf32, #tpu.memory_space<vmem>>
        %swap3A_344 = tpu.memref_squeeze %swap3A_343 : memref<1x16x2000xf32, #tpu.memory_space<vmem>> -> memref<16x2000xf32, #tpu.memory_space<vmem>>
        %swap3A_345 = arith.index_cast %swap3A_340 : i32 to index
        %swap3A_346 = arith.index_cast %mul3A_339 : i32 to index
        %swap3A_347 = tpu.vector_load %swap3A_344[%swap3A_345, %swap3A_346] {strides = array<i32>} : memref<16x2000xf32, #tpu.memory_space<vmem>>, vector<16xf32>,
        tpu.vector_store %swap3A_344[%swap3A_345, %swap3A_346], %gather3A_247 {strides = array<i32>} : memref<16x2000xf32, #tpu.memory_space<vmem>>, vector<16xf32>,
        %mul3A_348 = arith.constant 16 : i32
        %mul3A_349 = arith.muli %scan3A_238, %mul3A_348 : i32
        %swap3A_350 = arith.constant 0 : i32
        %swap3A_351 = arith.constant 1 : i32
        %swap3A_352 = arith.constant 0 : i32
        %swap3A_353 = arith.constant 0 : i32
        %swap3A_354 = tpu.memref_slice %arg5[%swap3A_350, %swap3A_352, %swap3A_353] : memref<2x16x2000xf32, #tpu.memory_space<vmem>> -> memref<1x16x2000xf32, #tpu.memory_space<vmem>>
        %swap3A_355 = tpu.memref_squeeze %swap3A_354 : memref<1x16x2000xf32, #tpu.memory_space<vmem>> -> memref<16x2000xf32, #tpu.memory_space<vmem>>
        %swap3A_356 = arith.index_cast %swap3A_351 : i32 to index
        %swap3A_357 = arith.index_cast %mul3A_349 : i32 to index
        %swap3A_358 = tpu.vector_load %swap3A_355[%swap3A_356, %swap3A_357] {strides = array<i32>} : memref<16x2000xf32, #tpu.memory_space<vmem>>, vector<16xf32>,
        tpu.vector_store %swap3A_355[%swap3A_356, %swap3A_357], %gather3A_253 {strides = array<i32>} : memref<16x2000xf32, #tpu.memory_space<vmem>>, vector<16xf32>,
        %mul3A_359 = arith.constant 16 : i32
        %mul3A_360 = arith.muli %scan3A_238, %mul3A_359 : i32
        %swap3A_361 = arith.constant 0 : i32
        %swap3A_362 = arith.constant 2 : i32
        %swap3A_363 = arith.constant 0 : i32
        %swap3A_364 = arith.constant 0 : i32
        %swap3A_365 = tpu.memref_slice %arg5[%swap3A_361, %swap3A_363, %swap3A_364] : memref<2x16x2000xf32, #tpu.memory_space<vmem>> -> memref<1x16x2000xf32, #tpu.memory_space<vmem>>
        %swap3A_366 = tpu.memref_squeeze %swap3A_365 : memref<1x16x2000xf32, #tpu.memory_space<vmem>> -> memref<16x2000xf32, #tpu.memory_space<vmem>>
        %swap3A_367 = arith.index_cast %swap3A_362 : i32 to index
        %swap3A_368 = arith.index_cast %mul3A_360 : i32 to index
        %swap3A_369 = tpu.vector_load %swap3A_366[%swap3A_367, %swap3A_368] {strides = array<i32>} : memref<16x2000xf32, #tpu.memory_space<vmem>>, vector<16xf32>,
        tpu.vector_store %swap3A_366[%swap3A_367, %swap3A_368], %gather3A_259 {strides = array<i32>} : memref<16x2000xf32, #tpu.memory_space<vmem>>, vector<16xf32>,
        %mul3A_370 = arith.constant 16 : i32
        %mul3A_371 = arith.muli %scan3A_238, %mul3A_370 : i32
        %swap3A_372 = arith.constant 0 : i32
        %swap3A_373 = arith.constant 3 : i32
        %swap3A_374 = arith.constant 0 : i32
        %swap3A_375 = arith.constant 0 : i32
        %swap3A_376 = tpu.memref_slice %arg5[%swap3A_372, %swap3A_374, %swap3A_375] : memref<2x16x2000xf32, #tpu.memory_space<vmem>> -> memref<1x16x2000xf32, #tpu.memory_space<vmem>>
        %swap3A_377 = tpu.memref_squeeze %swap3A_376 : memref<1x16x2000xf32, #tpu.memory_space<vmem>> -> memref<16x2000xf32, #tpu.memory_space<vmem>>
        %swap3A_378 = arith.index_cast %swap3A_373 : i32 to index
        %swap3A_379 = arith.index_cast %mul3A_371 : i32 to index
        %swap3A_380 = tpu.vector_load %swap3A_377[%swap3A_378, %swap3A_379] {strides = array<i32>} : memref<16x2000xf32, #tpu.memory_space<vmem>>, vector<16xf32>,
        tpu.vector_store %swap3A_377[%swap3A_378, %swap3A_379], %gather3A_265 {strides = array<i32>} : memref<16x2000xf32, #tpu.memory_space<vmem>>, vector<16xf32>,
        %mul3A_381 = arith.constant 16 : i32
        %mul3A_382 = arith.muli %scan3A_238, %mul3A_381 : i32
        %swap3A_383 = arith.constant 0 : i32
        %swap3A_384 = arith.constant 4 : i32
        %swap3A_385 = arith.constant 0 : i32
        %swap3A_386 = arith.constant 0 : i32
        %swap3A_387 = tpu.memref_slice %arg5[%swap3A_383, %swap3A_385, %swap3A_386] : memref<2x16x2000xf32, #tpu.memory_space<vmem>> -> memref<1x16x2000xf32, #tpu.memory_space<vmem>>
        %swap3A_388 = tpu.memref_squeeze %swap3A_387 : memref<1x16x2000xf32, #tpu.memory_space<vmem>> -> memref<16x2000xf32, #tpu.memory_space<vmem>>
        %swap3A_389 = arith.index_cast %swap3A_384 : i32 to index
        %swap3A_390 = arith.index_cast %mul3A_382 : i32 to index
        %swap3A_391 = tpu.vector_load %swap3A_388[%swap3A_389, %swap3A_390] {strides = array<i32>} : memref<16x2000xf32, #tpu.memory_space<vmem>>, vector<16xf32>,
        tpu.vector_store %swap3A_388[%swap3A_389, %swap3A_390], %gather3A_271 {strides = array<i32>} : memref<16x2000xf32, #tpu.memory_space<vmem>>, vector<16xf32>,
        %mul3A_392 = arith.constant 16 : i32
        %mul3A_393 = arith.muli %scan3A_238, %mul3A_392 : i32
        %swap3A_394 = arith.constant 0 : i32
        %swap3A_395 = arith.constant 5 : i32
        %swap3A_396 = arith.constant 0 : i32
        %swap3A_397 = arith.constant 0 : i32
        %swap3A_398 = tpu.memref_slice %arg5[%swap3A_394, %swap3A_396, %swap3A_397] : memref<2x16x2000xf32, #tpu.memory_space<vmem>> -> memref<1x16x2000xf32, #tpu.memory_space<vmem>>
        %swap3A_399 = tpu.memref_squeeze %swap3A_398 : memref<1x16x2000xf32, #tpu.memory_space<vmem>> -> memref<16x2000xf32, #tpu.memory_space<vmem>>
        %swap3A_400 = arith.index_cast %swap3A_395 : i32 to index
        %swap3A_401 = arith.index_cast %mul3A_393 : i32 to index
        %swap3A_402 = tpu.vector_load %swap3A_399[%swap3A_400, %swap3A_401] {strides = array<i32>} : memref<16x2000xf32, #tpu.memory_space<vmem>>, vector<16xf32>,
        tpu.vector_store %swap3A_399[%swap3A_400, %swap3A_401], %gather3A_277 {strides = array<i32>} : memref<16x2000xf32, #tpu.memory_space<vmem>>, vector<16xf32>,
        %mul3A_403 = arith.constant 16 : i32
        %mul3A_404 = arith.muli %scan3A_238, %mul3A_403 : i32
        %swap3A_405 = arith.constant 0 : i32
        %swap3A_406 = arith.constant 6 : i32
        %swap3A_407 = arith.constant 0 : i32
        %swap3A_408 = arith.constant 0 : i32
        %swap3A_409 = tpu.memref_slice %arg5[%swap3A_405, %swap3A_407, %swap3A_408] : memref<2x16x2000xf32, #tpu.memory_space<vmem>> -> memref<1x16x2000xf32, #tpu.memory_space<vmem>>
        %swap3A_410 = tpu.memref_squeeze %swap3A_409 : memref<1x16x2000xf32, #tpu.memory_space<vmem>> -> memref<16x2000xf32, #tpu.memory_space<vmem>>
        %swap3A_411 = arith.index_cast %swap3A_406 : i32 to index
        %swap3A_412 = arith.index_cast %mul3A_404 : i32 to index
        %swap3A_413 = tpu.vector_load %swap3A_410[%swap3A_411, %swap3A_412] {strides = array<i32>} : memref<16x2000xf32, #tpu.memory_space<vmem>>, vector<16xf32>,
        tpu.vector_store %swap3A_410[%swap3A_411, %swap3A_412], %gather3A_283 {strides = array<i32>} : memref<16x2000xf32, #tpu.memory_space<vmem>>, vector<16xf32>,
        %mul3A_414 = arith.constant 16 : i32
        %mul3A_415 = arith.muli %scan3A_238, %mul3A_414 : i32
        %swap3A_416 = arith.constant 0 : i32
        %swap3A_417 = arith.constant 7 : i32
        %swap3A_418 = arith.constant 0 : i32
        %swap3A_419 = arith.constant 0 : i32
        %swap3A_420 = tpu.memref_slice %arg5[%swap3A_416, %swap3A_418, %swap3A_419] : memref<2x16x2000xf32, #tpu.memory_space<vmem>> -> memref<1x16x2000xf32, #tpu.memory_space<vmem>>
        %swap3A_421 = tpu.memref_squeeze %swap3A_420 : memref<1x16x2000xf32, #tpu.memory_space<vmem>> -> memref<16x2000xf32, #tpu.memory_space<vmem>>
        %swap3A_422 = arith.index_cast %swap3A_417 : i32 to index
        %swap3A_423 = arith.index_cast %mul3A_415 : i32 to index
        %swap3A_424 = tpu.vector_load %swap3A_421[%swap3A_422, %swap3A_423] {strides = array<i32>} : memref<16x2000xf32, #tpu.memory_space<vmem>>, vector<16xf32>,
        tpu.vector_store %swap3A_421[%swap3A_422, %swap3A_423], %gather3A_289 {strides = array<i32>} : memref<16x2000xf32, #tpu.memory_space<vmem>>, vector<16xf32>,
        %mul3A_425 = arith.constant 16 : i32
        %mul3A_426 = arith.muli %scan3A_238, %mul3A_425 : i32
        %swap3A_427 = arith.constant 0 : i32
        %swap3A_428 = arith.constant 8 : i32
        %swap3A_429 = arith.constant 0 : i32
        %swap3A_430 = arith.constant 0 : i32
        %swap3A_431 = tpu.memref_slice %arg5[%swap3A_427, %swap3A_429, %swap3A_430] : memref<2x16x2000xf32, #tpu.memory_space<vmem>> -> memref<1x16x2000xf32, #tpu.memory_space<vmem>>
        %swap3A_432 = tpu.memref_squeeze %swap3A_431 : memref<1x16x2000xf32, #tpu.memory_space<vmem>> -> memref<16x2000xf32, #tpu.memory_space<vmem>>
        %swap3A_433 = arith.index_cast %swap3A_428 : i32 to index
        %swap3A_434 = arith.index_cast %mul3A_426 : i32 to index
        %swap3A_435 = tpu.vector_load %swap3A_432[%swap3A_433, %swap3A_434] {strides = array<i32>} : memref<16x2000xf32, #tpu.memory_space<vmem>>, vector<16xf32>,
        tpu.vector_store %swap3A_432[%swap3A_433, %swap3A_434], %gather3A_295 {strides = array<i32>} : memref<16x2000xf32, #tpu.memory_space<vmem>>, vector<16xf32>,
        %mul3A_436 = arith.constant 16 : i32
        %mul3A_437 = arith.muli %scan3A_238, %mul3A_436 : i32
        %swap3A_438 = arith.constant 0 : i32
        %swap3A_439 = arith.constant 9 : i32
        %swap3A_440 = arith.constant 0 : i32
        %swap3A_441 = arith.constant 0 : i32
        %swap3A_442 = tpu.memref_slice %arg5[%swap3A_438, %swap3A_440, %swap3A_441] : memref<2x16x2000xf32, #tpu.memory_space<vmem>> -> memref<1x16x2000xf32, #tpu.memory_space<vmem>>
        %swap3A_443 = tpu.memref_squeeze %swap3A_442 : memref<1x16x2000xf32, #tpu.memory_space<vmem>> -> memref<16x2000xf32, #tpu.memory_space<vmem>>
        %swap3A_444 = arith.index_cast %swap3A_439 : i32 to index
        %swap3A_445 = arith.index_cast %mul3A_437 : i32 to index
        %swap3A_446 = tpu.vector_load %swap3A_443[%swap3A_444, %swap3A_445] {strides = array<i32>} : memref<16x2000xf32, #tpu.memory_space<vmem>>, vector<16xf32>,
        tpu.vector_store %swap3A_443[%swap3A_444, %swap3A_445], %gather3A_301 {strides = array<i32>} : memref<16x2000xf32, #tpu.memory_space<vmem>>, vector<16xf32>,
        %mul3A_447 = arith.constant 16 : i32
        %mul3A_448 = arith.muli %scan3A_238, %mul3A_447 : i32
        %swap3A_449 = arith.constant 0 : i32
        %swap3A_450 = arith.constant 10 : i32
        %swap3A_451 = arith.constant 0 : i32
        %swap3A_452 = arith.constant 0 : i32
        %swap3A_453 = tpu.memref_slice %arg5[%swap3A_449, %swap3A_451, %swap3A_452] : memref<2x16x2000xf32, #tpu.memory_space<vmem>> -> memref<1x16x2000xf32, #tpu.memory_space<vmem>>
        %swap3A_454 = tpu.memref_squeeze %swap3A_453 : memref<1x16x2000xf32, #tpu.memory_space<vmem>> -> memref<16x2000xf32, #tpu.memory_space<vmem>>
        %swap3A_455 = arith.index_cast %swap3A_450 : i32 to index
        %swap3A_456 = arith.index_cast %mul3A_448 : i32 to index
        %swap3A_457 = tpu.vector_load %swap3A_454[%swap3A_455, %swap3A_456] {strides = array<i32>} : memref<16x2000xf32, #tpu.memory_space<vmem>>, vector<16xf32>,
        tpu.vector_store %swap3A_454[%swap3A_455, %swap3A_456], %gather3A_307 {strides = array<i32>} : memref<16x2000xf32, #tpu.memory_space<vmem>>, vector<16xf32>,
        %mul3A_458 = arith.constant 16 : i32
        %mul3A_459 = arith.muli %scan3A_238, %mul3A_458 : i32
        %swap3A_460 = arith.constant 0 : i32
        %swap3A_461 = arith.constant 11 : i32
        %swap3A_462 = arith.constant 0 : i32
        %swap3A_463 = arith.constant 0 : i32
        %swap3A_464 = tpu.memref_slice %arg5[%swap3A_460, %swap3A_462, %swap3A_463] : memref<2x16x2000xf32, #tpu.memory_space<vmem>> -> memref<1x16x2000xf32, #tpu.memory_space<vmem>>
        %swap3A_465 = tpu.memref_squeeze %swap3A_464 : memref<1x16x2000xf32, #tpu.memory_space<vmem>> -> memref<16x2000xf32, #tpu.memory_space<vmem>>
        %swap3A_466 = arith.index_cast %swap3A_461 : i32 to index
        %swap3A_467 = arith.index_cast %mul3A_459 : i32 to index
        %swap3A_468 = tpu.vector_load %swap3A_465[%swap3A_466, %swap3A_467] {strides = array<i32>} : memref<16x2000xf32, #tpu.memory_space<vmem>>, vector<16xf32>,
        tpu.vector_store %swap3A_465[%swap3A_466, %swap3A_467], %gather3A_313 {strides = array<i32>} : memref<16x2000xf32, #tpu.memory_space<vmem>>, vector<16xf32>,
        %mul3A_469 = arith.constant 16 : i32
        %mul3A_470 = arith.muli %scan3A_238, %mul3A_469 : i32
        %swap3A_471 = arith.constant 0 : i32
        %swap3A_472 = arith.constant 12 : i32
        %swap3A_473 = arith.constant 0 : i32
        %swap3A_474 = arith.constant 0 : i32
        %swap3A_475 = tpu.memref_slice %arg5[%swap3A_471, %swap3A_473, %swap3A_474] : memref<2x16x2000xf32, #tpu.memory_space<vmem>> -> memref<1x16x2000xf32, #tpu.memory_space<vmem>>
        %swap3A_476 = tpu.memref_squeeze %swap3A_475 : memref<1x16x2000xf32, #tpu.memory_space<vmem>> -> memref<16x2000xf32, #tpu.memory_space<vmem>>
        %swap3A_477 = arith.index_cast %swap3A_472 : i32 to index
        %swap3A_478 = arith.index_cast %mul3A_470 : i32 to index
        %swap3A_479 = tpu.vector_load %swap3A_476[%swap3A_477, %swap3A_478] {strides = array<i32>} : memref<16x2000xf32, #tpu.memory_space<vmem>>, vector<16xf32>,
        tpu.vector_store %swap3A_476[%swap3A_477, %swap3A_478], %gather3A_319 {strides = array<i32>} : memref<16x2000xf32, #tpu.memory_space<vmem>>, vector<16xf32>,
        %mul3A_480 = arith.constant 16 : i32
        %mul3A_481 = arith.muli %scan3A_238, %mul3A_480 : i32
        %swap3A_482 = arith.constant 0 : i32
        %swap3A_483 = arith.constant 13 : i32
        %swap3A_484 = arith.constant 0 : i32
        %swap3A_485 = arith.constant 0 : i32
        %swap3A_486 = tpu.memref_slice %arg5[%swap3A_482, %swap3A_484, %swap3A_485] : memref<2x16x2000xf32, #tpu.memory_space<vmem>> -> memref<1x16x2000xf32, #tpu.memory_space<vmem>>
        %swap3A_487 = tpu.memref_squeeze %swap3A_486 : memref<1x16x2000xf32, #tpu.memory_space<vmem>> -> memref<16x2000xf32, #tpu.memory_space<vmem>>
        %swap3A_488 = arith.index_cast %swap3A_483 : i32 to index
        %swap3A_489 = arith.index_cast %mul3A_481 : i32 to index
        %swap3A_490 = tpu.vector_load %swap3A_487[%swap3A_488, %swap3A_489] {strides = array<i32>} : memref<16x2000xf32, #tpu.memory_space<vmem>>, vector<16xf32>,
        tpu.vector_store %swap3A_487[%swap3A_488, %swap3A_489], %gather3A_325 {strides = array<i32>} : memref<16x2000xf32, #tpu.memory_space<vmem>>, vector<16xf32>,
        %mul3A_491 = arith.constant 16 : i32
        %mul3A_492 = arith.muli %scan3A_238, %mul3A_491 : i32
        %swap3A_493 = arith.constant 0 : i32
        %swap3A_494 = arith.constant 14 : i32
        %swap3A_495 = arith.constant 0 : i32
        %swap3A_496 = arith.constant 0 : i32
        %swap3A_497 = tpu.memref_slice %arg5[%swap3A_493, %swap3A_495, %swap3A_496] : memref<2x16x2000xf32, #tpu.memory_space<vmem>> -> memref<1x16x2000xf32, #tpu.memory_space<vmem>>
        %swap3A_498 = tpu.memref_squeeze %swap3A_497 : memref<1x16x2000xf32, #tpu.memory_space<vmem>> -> memref<16x2000xf32, #tpu.memory_space<vmem>>
        %swap3A_499 = arith.index_cast %swap3A_494 : i32 to index
        %swap3A_500 = arith.index_cast %mul3A_492 : i32 to index
        %swap3A_501 = tpu.vector_load %swap3A_498[%swap3A_499, %swap3A_500] {strides = array<i32>} : memref<16x2000xf32, #tpu.memory_space<vmem>>, vector<16xf32>,
        tpu.vector_store %swap3A_498[%swap3A_499, %swap3A_500], %gather3A_331 {strides = array<i32>} : memref<16x2000xf32, #tpu.memory_space<vmem>>, vector<16xf32>,
        %mul3A_502 = arith.constant 16 : i32
        %mul3A_503 = arith.muli %scan3A_238, %mul3A_502 : i32
        %swap3A_504 = arith.constant 0 : i32
        %swap3A_505 = arith.constant 15 : i32
        %swap3A_506 = arith.constant 0 : i32
        %swap3A_507 = arith.constant 0 : i32
        %swap3A_508 = tpu.memref_slice %arg5[%swap3A_504, %swap3A_506, %swap3A_507] : memref<2x16x2000xf32, #tpu.memory_space<vmem>> -> memref<1x16x2000xf32, #tpu.memory_space<vmem>>
        %swap3A_509 = tpu.memref_squeeze %swap3A_508 : memref<1x16x2000xf32, #tpu.memory_space<vmem>> -> memref<16x2000xf32, #tpu.memory_space<vmem>>
        %swap3A_510 = arith.index_cast %swap3A_505 : i32 to index
        %swap3A_511 = arith.index_cast %mul3A_503 : i32 to index
        %swap3A_512 = tpu.vector_load %swap3A_509[%swap3A_510, %swap3A_511] {strides = array<i32>} : memref<16x2000xf32, #tpu.memory_space<vmem>>, vector<16xf32>,
        tpu.vector_store %swap3A_509[%swap3A_510, %swap3A_511], %gather3A_337 {strides = array<i32>} : memref<16x2000xf32, #tpu.memory_space<vmem>>, vector<16xf32>,
      }
      %scan3A_161 = arith.constant 125 : i32
      %add3A_162 = arith.constant 2 : i32
      %add3A_163 = arith.addi %add3A_136, %add3A_162 : i32
      %lt3A_164 = arith.constant 50 : i32
      %lt3A_165 = arith.cmpi slt, %add3A_163, %lt3A_164 : i32
      %convert_element_type3A_166 = arith.extui %lt3A_165 : i1 to i32
      %cond3A_167 = arith.constant 0 : i32
      %cond3A_168 = arith.cmpi ne, %convert_element_type3A_166, %cond3A_167 : i32
      scf.if %cond3A_168 {
        %add3A_238 = arith.constant 2 : i32
        %add3A_239 = arith.addi %add3A_136, %add3A_238 : i32
        %mul3A_240 = arith.constant 2000 : i32
        %mul3A_241 = arith.muli %add3A_239, %mul3A_240 : i32
        %dma_start3A_242 = arith.constant 0 : i32
        %dma_start3A_243 = arith.constant 0 : i32
        %dma_start3A_244 = arith.constant 0 : i32
        %dma_start3A_245 = tpu.memref_slice %arg4[%dma_start3A_242, %dma_start3A_243, %dma_start3A_244] : memref<2x2000x16xf32, #tpu.memory_space<vmem>> -> memref<1x2000x16xf32, #tpu.memory_space<vmem>>
        %dma_start3A_246 = tpu.memref_squeeze %dma_start3A_245 : memref<1x2000x16xf32, #tpu.memory_space<vmem>> -> memref<2000x16xf32, #tpu.memory_space<vmem>>
        %dma_start3A_247 = tpu.memref_slice %arg2[%select_n3A, %mul3A_241, %add3A_32] : memref<4x100000x128xf32, #tpu.memory_space<hbm>> -> memref<1x2000x16xf32, #tpu.memory_space<hbm>>
        %dma_start3A_248 = tpu.memref_squeeze %dma_start3A_247 : memref<1x2000x16xf32, #tpu.memory_space<hbm>> -> memref<2000x16xf32, #tpu.memory_space<hbm>>
        %dma_start3A_249 = arith.constant 0 : i32
        %dma_start3A_250 = arith.constant 0 : i32
        %dma_start3A_251 = tpu.memref_slice %arg4[%dma_start3A_242, %dma_start3A_249, %dma_start3A_250] : memref<2x2000x16xf32, #tpu.memory_space<vmem>> -> memref<1x2000x16xf32, #tpu.memory_space<vmem>>
        %dma_start3A_252 = tpu.memref_squeeze %dma_start3A_251 : memref<1x2000x16xf32, #tpu.memory_space<vmem>> -> memref<2000x16xf32, #tpu.memory_space<vmem>>
        %dma_start3A_253 = tpu.memref_slice %arg2[%select_n3A, %mul3A_241, %add3A_32] : memref<4x100000x128xf32, #tpu.memory_space<hbm>> -> memref<1x2000x16xf32, #tpu.memory_space<hbm>>
        %dma_start3A_254 = tpu.memref_squeeze %dma_start3A_253 : memref<1x2000x16xf32, #tpu.memory_space<hbm>> -> memref<2000x16xf32, #tpu.memory_space<hbm>>
        tpu.enqueue_dma source(%dma_start3A_254 : memref<2000x16xf32, #tpu.memory_space<hbm>>) target(%dma_start3A_252 : memref<2000x16xf32, #tpu.memory_space<vmem>>) target_semaphore(%arg6 : memref<!tpu.dma_semaphore, #tpu.memory_space<semaphore_mem>>)
      } else {
      }
      %mul3A_169 = arith.constant 2000 : i32
      %mul3A_170 = arith.muli %add3A_136, %mul3A_169 : i32
      %dma_start3A_171 = arith.constant 0 : i32
      %dma_start3A_172 = arith.constant 0 : i32
      %dma_start3A_173 = arith.constant 0 : i32
      %dma_start3A_174 = tpu.memref_slice %arg5[%dma_start3A_171, %dma_start3A_172, %dma_start3A_173] : memref<2x16x2000xf32, #tpu.memory_space<vmem>> -> memref<1x16x2000xf32, #tpu.memory_space<vmem>>
      %dma_start3A_175 = tpu.memref_squeeze %dma_start3A_174 : memref<1x16x2000xf32, #tpu.memory_space<vmem>> -> memref<16x2000xf32, #tpu.memory_space<vmem>>
      %dma_start3A_176 = tpu.memref_slice %arg3[%select_n3A, %add3A_32, %mul3A_170] : memref<4x128x100000xf32, #tpu.memory_space<hbm>> -> memref<1x16x2000xf32, #tpu.memory_space<hbm>>
      %dma_start3A_177 = tpu.memref_squeeze %dma_start3A_176 : memref<1x16x2000xf32, #tpu.memory_space<hbm>> -> memref<16x2000xf32, #tpu.memory_space<hbm>>
      %dma_start3A_178 = tpu.memref_slice %arg3[%select_n3A, %add3A_32, %mul3A_170] : memref<4x128x100000xf32, #tpu.memory_space<hbm>> -> memref<1x16x2000xf32, #tpu.memory_space<hbm>>
      %dma_start3A_179 = tpu.memref_squeeze %dma_start3A_178 : memref<1x16x2000xf32, #tpu.memory_space<hbm>> -> memref<16x2000xf32, #tpu.memory_space<hbm>>
      %dma_start3A_180 = arith.constant 0 : i32
      %dma_start3A_181 = arith.constant 0 : i32
      %dma_start3A_182 = tpu.memref_slice %arg5[%dma_start3A_171, %dma_start3A_180, %dma_start3A_181] : memref<2x16x2000xf32, #tpu.memory_space<vmem>> -> memref<1x16x2000xf32, #tpu.memory_space<vmem>>
      %dma_start3A_183 = tpu.memref_squeeze %dma_start3A_182 : memref<1x16x2000xf32, #tpu.memory_space<vmem>> -> memref<16x2000xf32, #tpu.memory_space<vmem>>
      tpu.enqueue_dma source(%dma_start3A_183 : memref<16x2000xf32, #tpu.memory_space<vmem>>) target(%dma_start3A_179 : memref<16x2000xf32, #tpu.memory_space<hbm>>) target_semaphore(%arg8 : memref<!tpu.dma_semaphore, #tpu.memory_space<semaphore_mem>>)
      %mul3A_184 = arith.constant 2 : i32
      %mul3A_185 = arith.muli %scan3A_132, %mul3A_184 : i32
      %add3A_186 = arith.constant 1 : i32
      %add3A_187 = arith.addi %mul3A_185, %add3A_186 : i32
      %dma_wait3A_188 = arith.constant 0 : i32
      %dma_wait3A_189 = arith.constant 1 : i32
      %dma_wait3A_190 = arith.constant 0 : i32
      %dma_wait3A_191 = arith.constant 0 : i32
      %dma_wait3A_192 = tpu.memref_slice %arg4[%dma_wait3A_189, %dma_wait3A_190, %dma_wait3A_191] : memref<2x2000x16xf32, #tpu.memory_space<vmem>> -> memref<1x2000x16xf32, #tpu.memory_space<vmem>>
      %dma_wait3A_193 = tpu.memref_squeeze %dma_wait3A_192 : memref<1x2000x16xf32, #tpu.memory_space<vmem>> -> memref<2000x16xf32, #tpu.memory_space<vmem>>
      %dma_wait3A_194 = arith.constant 0 : i32
      %dma_wait3A_195 = arith.constant 0 : i32
      %dma_wait3A_196 = tpu.memref_slice %arg2[%dma_wait3A_188, %dma_wait3A_194, %dma_wait3A_195] : memref<4x100000x128xf32, #tpu.memory_space<hbm>> -> memref<1x2000x16xf32, #tpu.memory_space<hbm>>
      %dma_wait3A_197 = tpu.memref_squeeze %dma_wait3A_196 : memref<1x2000x16xf32, #tpu.memory_space<hbm>> -> memref<2000x16xf32, #tpu.memory_space<hbm>>
      %dma_wait3A_198 = arith.constant 0 : i32
      %dma_wait3A_199 = arith.constant 0 : i32
      %dma_wait3A_200 = tpu.memref_slice %arg4[%dma_wait3A_189, %dma_wait3A_198, %dma_wait3A_199] : memref<2x2000x16xf32, #tpu.memory_space<vmem>> -> memref<1x2000x16xf32, #tpu.memory_space<vmem>>
      %dma_wait3A_201 = tpu.memref_squeeze %dma_wait3A_200 : memref<1x2000x16xf32, #tpu.memory_space<vmem>> -> memref<2000x16xf32, #tpu.memory_space<vmem>>
      %dma_wait3A_202 = arith.constant 0 : i32
      %dma_wait3A_203 = arith.constant 0 : i32
      %dma_wait3A_204 = tpu.memref_slice %arg2[%dma_wait3A_188, %dma_wait3A_202, %dma_wait3A_203] : memref<4x100000x128xf32, #tpu.memory_space<hbm>> -> memref<1x2000x16xf32, #tpu.memory_space<hbm>>
      %dma_wait3A_205 = tpu.memref_squeeze %dma_wait3A_204 : memref<1x2000x16xf32, #tpu.memory_space<hbm>> -> memref<2000x16xf32, #tpu.memory_space<hbm>>
      tpu.wait_dma2 semaphore(%arg7 : memref<!tpu.dma_semaphore, #tpu.memory_space<semaphore_mem>>) src(%dma_wait3A_205 : memref<2000x16xf32, #tpu.memory_space<hbm>>) dst(%dma_wait3A_201 : memref<2000x16xf32, #tpu.memory_space<vmem>>)
      %ge3A_206 = arith.constant 2 : i32
      %ge3A_207 = arith.cmpi sge, %add3A_187, %ge3A_206 : i32
      %convert_element_type3A_208 = arith.extui %ge3A_207 : i1 to i32
      %cond3A_209 = arith.constant 0 : i32
      %cond3A_210 = arith.cmpi ne, %convert_element_type3A_208, %cond3A_209 : i32
      scf.if %cond3A_210 {
        %dma_wait3A_238 = arith.constant 1 : i32
        %dma_wait3A_239 = arith.constant 0 : i32
        %dma_wait3A_240 = arith.constant 0 : i32
        %dma_wait3A_241 = arith.constant 0 : i32
        %dma_wait3A_242 = tpu.memref_slice %arg5[%dma_wait3A_238, %dma_wait3A_240, %dma_wait3A_241] : memref<2x16x2000xf32, #tpu.memory_space<vmem>> -> memref<1x16x2000xf32, #tpu.memory_space<vmem>>
        %dma_wait3A_243 = tpu.memref_squeeze %dma_wait3A_242 : memref<1x16x2000xf32, #tpu.memory_space<vmem>> -> memref<16x2000xf32, #tpu.memory_space<vmem>>
        %dma_wait3A_244 = arith.constant 0 : i32
        %dma_wait3A_245 = arith.constant 0 : i32
        %dma_wait3A_246 = tpu.memref_slice %arg3[%dma_wait3A_239, %dma_wait3A_244, %dma_wait3A_245] : memref<4x128x100000xf32, #tpu.memory_space<hbm>> -> memref<1x16x2000xf32, #tpu.memory_space<hbm>>
        %dma_wait3A_247 = tpu.memref_squeeze %dma_wait3A_246 : memref<1x16x2000xf32, #tpu.memory_space<hbm>> -> memref<16x2000xf32, #tpu.memory_space<hbm>>
        %dma_wait3A_248 = arith.constant 0 : i32
        %dma_wait3A_249 = arith.constant 0 : i32
        %dma_wait3A_250 = tpu.memref_slice %arg3[%dma_wait3A_239, %dma_wait3A_248, %dma_wait3A_249] : memref<4x128x100000xf32, #tpu.memory_space<hbm>> -> memref<1x16x2000xf32, #tpu.memory_space<hbm>>
        %dma_wait3A_251 = tpu.memref_squeeze %dma_wait3A_250 : memref<1x16x2000xf32, #tpu.memory_space<hbm>> -> memref<16x2000xf32, #tpu.memory_space<hbm>>
        %dma_wait3A_252 = arith.constant 0 : i32
        %dma_wait3A_253 = arith.constant 0 : i32
        %dma_wait3A_254 = tpu.memref_slice %arg5[%dma_wait3A_238, %dma_wait3A_252, %dma_wait3A_253] : memref<2x16x2000xf32, #tpu.memory_space<vmem>> -> memref<1x16x2000xf32, #tpu.memory_space<vmem>>
        %dma_wait3A_255 = tpu.memref_squeeze %dma_wait3A_254 : memref<1x16x2000xf32, #tpu.memory_space<vmem>> -> memref<16x2000xf32, #tpu.memory_space<vmem>>
        tpu.wait_dma2 semaphore(%arg8 : memref<!tpu.dma_semaphore, #tpu.memory_space<semaphore_mem>>) src(%dma_wait3A_255 : memref<16x2000xf32, #tpu.memory_space<vmem>>) dst(%dma_wait3A_251 : memref<16x2000xf32, #tpu.memory_space<hbm>>)
      } else {
      }
      %scan3A_211 = arith.constant 0 : i32
      %scan3A_212 = arith.constant 125 : i32
      %scan3A_213 = arith.addi %scan3A_211, %scan3A_212 : i32
      %scan3A_214 = arith.constant 1 : i32
      scf.for %scan3A_238 = %scan3A_211 to %scan3A_213 step %scan3A_214  : i32 {
        %mul3A_239 = arith.constant 16 : i32
        %mul3A_240 = arith.muli %scan3A_238, %mul3A_239 : i32
        %add3A_241 = vector.broadcast %mul3A_240 : i32 to vector<16xi32>
        %add3A_242 = arith.addi %iota3A, %add3A_241 : vector<16xi32>
        %gather3A = arith.constant 1 : i32
        %gather3A_243 = arith.constant 0 : i32
        %gather3A_244 = arith.constant 0 : i32
        %gather3A_245 = tpu.memref_slice %arg4[%gather3A, %gather3A_243, %gather3A_244] : memref<2x2000x16xf32, #tpu.memory_space<vmem>> -> memref<1x2000x16xf32, #tpu.memory_space<vmem>>
        %gather3A_246 = tpu.memref_squeeze %gather3A_245 : memref<1x2000x16xf32, #tpu.memory_space<vmem>> -> memref<2000x16xf32, #tpu.memory_space<vmem>>
        %gather3A_247 = tpu.vector_load_idx %gather3A_246[%add3A_242, %broadcast_in_dim3A_33] : memref<2000x16xf32, #tpu.memory_space<vmem>>[vector<16xi32>, vector<16xi32>], vector<16xf32>,
        %gather3A_248 = arith.constant 1 : i32
        %gather3A_249 = arith.constant 0 : i32
        %gather3A_250 = arith.constant 0 : i32
        %gather3A_251 = tpu.memref_slice %arg4[%gather3A_248, %gather3A_249, %gather3A_250] : memref<2x2000x16xf32, #tpu.memory_space<vmem>> -> memref<1x2000x16xf32, #tpu.memory_space<vmem>>
        %gather3A_252 = tpu.memref_squeeze %gather3A_251 : memref<1x2000x16xf32, #tpu.memory_space<vmem>> -> memref<2000x16xf32, #tpu.memory_space<vmem>>
        %gather3A_253 = tpu.vector_load_idx %gather3A_252[%add3A_242, %broadcast_in_dim3A_35] : memref<2000x16xf32, #tpu.memory_space<vmem>>[vector<16xi32>, vector<16xi32>], vector<16xf32>,
        %gather3A_254 = arith.constant 1 : i32
        %gather3A_255 = arith.constant 0 : i32
        %gather3A_256 = arith.constant 0 : i32
        %gather3A_257 = tpu.memref_slice %arg4[%gather3A_254, %gather3A_255, %gather3A_256] : memref<2x2000x16xf32, #tpu.memory_space<vmem>> -> memref<1x2000x16xf32, #tpu.memory_space<vmem>>
        %gather3A_258 = tpu.memref_squeeze %gather3A_257 : memref<1x2000x16xf32, #tpu.memory_space<vmem>> -> memref<2000x16xf32, #tpu.memory_space<vmem>>
        %gather3A_259 = tpu.vector_load_idx %gather3A_258[%add3A_242, %broadcast_in_dim3A_37] : memref<2000x16xf32, #tpu.memory_space<vmem>>[vector<16xi32>, vector<16xi32>], vector<16xf32>,
        %gather3A_260 = arith.constant 1 : i32
        %gather3A_261 = arith.constant 0 : i32
        %gather3A_262 = arith.constant 0 : i32
        %gather3A_263 = tpu.memref_slice %arg4[%gather3A_260, %gather3A_261, %gather3A_262] : memref<2x2000x16xf32, #tpu.memory_space<vmem>> -> memref<1x2000x16xf32, #tpu.memory_space<vmem>>
        %gather3A_264 = tpu.memref_squeeze %gather3A_263 : memref<1x2000x16xf32, #tpu.memory_space<vmem>> -> memref<2000x16xf32, #tpu.memory_space<vmem>>
        %gather3A_265 = tpu.vector_load_idx %gather3A_264[%add3A_242, %broadcast_in_dim3A_39] : memref<2000x16xf32, #tpu.memory_space<vmem>>[vector<16xi32>, vector<16xi32>], vector<16xf32>,
        %gather3A_266 = arith.constant 1 : i32
        %gather3A_267 = arith.constant 0 : i32
        %gather3A_268 = arith.constant 0 : i32
        %gather3A_269 = tpu.memref_slice %arg4[%gather3A_266, %gather3A_267, %gather3A_268] : memref<2x2000x16xf32, #tpu.memory_space<vmem>> -> memref<1x2000x16xf32, #tpu.memory_space<vmem>>
        %gather3A_270 = tpu.memref_squeeze %gather3A_269 : memref<1x2000x16xf32, #tpu.memory_space<vmem>> -> memref<2000x16xf32, #tpu.memory_space<vmem>>
        %gather3A_271 = tpu.vector_load_idx %gather3A_270[%add3A_242, %broadcast_in_dim3A_41] : memref<2000x16xf32, #tpu.memory_space<vmem>>[vector<16xi32>, vector<16xi32>], vector<16xf32>,
        %gather3A_272 = arith.constant 1 : i32
        %gather3A_273 = arith.constant 0 : i32
        %gather3A_274 = arith.constant 0 : i32
        %gather3A_275 = tpu.memref_slice %arg4[%gather3A_272, %gather3A_273, %gather3A_274] : memref<2x2000x16xf32, #tpu.memory_space<vmem>> -> memref<1x2000x16xf32, #tpu.memory_space<vmem>>
        %gather3A_276 = tpu.memref_squeeze %gather3A_275 : memref<1x2000x16xf32, #tpu.memory_space<vmem>> -> memref<2000x16xf32, #tpu.memory_space<vmem>>
        %gather3A_277 = tpu.vector_load_idx %gather3A_276[%add3A_242, %broadcast_in_dim3A_43] : memref<2000x16xf32, #tpu.memory_space<vmem>>[vector<16xi32>, vector<16xi32>], vector<16xf32>,
        %gather3A_278 = arith.constant 1 : i32
        %gather3A_279 = arith.constant 0 : i32
        %gather3A_280 = arith.constant 0 : i32
        %gather3A_281 = tpu.memref_slice %arg4[%gather3A_278, %gather3A_279, %gather3A_280] : memref<2x2000x16xf32, #tpu.memory_space<vmem>> -> memref<1x2000x16xf32, #tpu.memory_space<vmem>>
        %gather3A_282 = tpu.memref_squeeze %gather3A_281 : memref<1x2000x16xf32, #tpu.memory_space<vmem>> -> memref<2000x16xf32, #tpu.memory_space<vmem>>
        %gather3A_283 = tpu.vector_load_idx %gather3A_282[%add3A_242, %broadcast_in_dim3A_45] : memref<2000x16xf32, #tpu.memory_space<vmem>>[vector<16xi32>, vector<16xi32>], vector<16xf32>,
        %gather3A_284 = arith.constant 1 : i32
        %gather3A_285 = arith.constant 0 : i32
        %gather3A_286 = arith.constant 0 : i32
        %gather3A_287 = tpu.memref_slice %arg4[%gather3A_284, %gather3A_285, %gather3A_286] : memref<2x2000x16xf32, #tpu.memory_space<vmem>> -> memref<1x2000x16xf32, #tpu.memory_space<vmem>>
        %gather3A_288 = tpu.memref_squeeze %gather3A_287 : memref<1x2000x16xf32, #tpu.memory_space<vmem>> -> memref<2000x16xf32, #tpu.memory_space<vmem>>
        %gather3A_289 = tpu.vector_load_idx %gather3A_288[%add3A_242, %broadcast_in_dim3A_47] : memref<2000x16xf32, #tpu.memory_space<vmem>>[vector<16xi32>, vector<16xi32>], vector<16xf32>,
        %gather3A_290 = arith.constant 1 : i32
        %gather3A_291 = arith.constant 0 : i32
        %gather3A_292 = arith.constant 0 : i32
        %gather3A_293 = tpu.memref_slice %arg4[%gather3A_290, %gather3A_291, %gather3A_292] : memref<2x2000x16xf32, #tpu.memory_space<vmem>> -> memref<1x2000x16xf32, #tpu.memory_space<vmem>>
        %gather3A_294 = tpu.memref_squeeze %gather3A_293 : memref<1x2000x16xf32, #tpu.memory_space<vmem>> -> memref<2000x16xf32, #tpu.memory_space<vmem>>
        %gather3A_295 = tpu.vector_load_idx %gather3A_294[%add3A_242, %broadcast_in_dim3A_49] : memref<2000x16xf32, #tpu.memory_space<vmem>>[vector<16xi32>, vector<16xi32>], vector<16xf32>,
        %gather3A_296 = arith.constant 1 : i32
        %gather3A_297 = arith.constant 0 : i32
        %gather3A_298 = arith.constant 0 : i32
        %gather3A_299 = tpu.memref_slice %arg4[%gather3A_296, %gather3A_297, %gather3A_298] : memref<2x2000x16xf32, #tpu.memory_space<vmem>> -> memref<1x2000x16xf32, #tpu.memory_space<vmem>>
        %gather3A_300 = tpu.memref_squeeze %gather3A_299 : memref<1x2000x16xf32, #tpu.memory_space<vmem>> -> memref<2000x16xf32, #tpu.memory_space<vmem>>
        %gather3A_301 = tpu.vector_load_idx %gather3A_300[%add3A_242, %broadcast_in_dim3A_51] : memref<2000x16xf32, #tpu.memory_space<vmem>>[vector<16xi32>, vector<16xi32>], vector<16xf32>,
        %gather3A_302 = arith.constant 1 : i32
        %gather3A_303 = arith.constant 0 : i32
        %gather3A_304 = arith.constant 0 : i32
        %gather3A_305 = tpu.memref_slice %arg4[%gather3A_302, %gather3A_303, %gather3A_304] : memref<2x2000x16xf32, #tpu.memory_space<vmem>> -> memref<1x2000x16xf32, #tpu.memory_space<vmem>>
        %gather3A_306 = tpu.memref_squeeze %gather3A_305 : memref<1x2000x16xf32, #tpu.memory_space<vmem>> -> memref<2000x16xf32, #tpu.memory_space<vmem>>
        %gather3A_307 = tpu.vector_load_idx %gather3A_306[%add3A_242, %broadcast_in_dim3A_53] : memref<2000x16xf32, #tpu.memory_space<vmem>>[vector<16xi32>, vector<16xi32>], vector<16xf32>,
        %gather3A_308 = arith.constant 1 : i32
        %gather3A_309 = arith.constant 0 : i32
        %gather3A_310 = arith.constant 0 : i32
        %gather3A_311 = tpu.memref_slice %arg4[%gather3A_308, %gather3A_309, %gather3A_310] : memref<2x2000x16xf32, #tpu.memory_space<vmem>> -> memref<1x2000x16xf32, #tpu.memory_space<vmem>>
        %gather3A_312 = tpu.memref_squeeze %gather3A_311 : memref<1x2000x16xf32, #tpu.memory_space<vmem>> -> memref<2000x16xf32, #tpu.memory_space<vmem>>
        %gather3A_313 = tpu.vector_load_idx %gather3A_312[%add3A_242, %broadcast_in_dim3A_55] : memref<2000x16xf32, #tpu.memory_space<vmem>>[vector<16xi32>, vector<16xi32>], vector<16xf32>,
        %gather3A_314 = arith.constant 1 : i32
        %gather3A_315 = arith.constant 0 : i32
        %gather3A_316 = arith.constant 0 : i32
        %gather3A_317 = tpu.memref_slice %arg4[%gather3A_314, %gather3A_315, %gather3A_316] : memref<2x2000x16xf32, #tpu.memory_space<vmem>> -> memref<1x2000x16xf32, #tpu.memory_space<vmem>>
        %gather3A_318 = tpu.memref_squeeze %gather3A_317 : memref<1x2000x16xf32, #tpu.memory_space<vmem>> -> memref<2000x16xf32, #tpu.memory_space<vmem>>
        %gather3A_319 = tpu.vector_load_idx %gather3A_318[%add3A_242, %broadcast_in_dim3A_57] : memref<2000x16xf32, #tpu.memory_space<vmem>>[vector<16xi32>, vector<16xi32>], vector<16xf32>,
        %gather3A_320 = arith.constant 1 : i32
        %gather3A_321 = arith.constant 0 : i32
        %gather3A_322 = arith.constant 0 : i32
        %gather3A_323 = tpu.memref_slice %arg4[%gather3A_320, %gather3A_321, %gather3A_322] : memref<2x2000x16xf32, #tpu.memory_space<vmem>> -> memref<1x2000x16xf32, #tpu.memory_space<vmem>>
        %gather3A_324 = tpu.memref_squeeze %gather3A_323 : memref<1x2000x16xf32, #tpu.memory_space<vmem>> -> memref<2000x16xf32, #tpu.memory_space<vmem>>
        %gather3A_325 = tpu.vector_load_idx %gather3A_324[%add3A_242, %broadcast_in_dim3A_59] : memref<2000x16xf32, #tpu.memory_space<vmem>>[vector<16xi32>, vector<16xi32>], vector<16xf32>,
        %gather3A_326 = arith.constant 1 : i32
        %gather3A_327 = arith.constant 0 : i32
        %gather3A_328 = arith.constant 0 : i32
        %gather3A_329 = tpu.memref_slice %arg4[%gather3A_326, %gather3A_327, %gather3A_328] : memref<2x2000x16xf32, #tpu.memory_space<vmem>> -> memref<1x2000x16xf32, #tpu.memory_space<vmem>>
        %gather3A_330 = tpu.memref_squeeze %gather3A_329 : memref<1x2000x16xf32, #tpu.memory_space<vmem>> -> memref<2000x16xf32, #tpu.memory_space<vmem>>
        %gather3A_331 = tpu.vector_load_idx %gather3A_330[%add3A_242, %broadcast_in_dim3A_61] : memref<2000x16xf32, #tpu.memory_space<vmem>>[vector<16xi32>, vector<16xi32>], vector<16xf32>,
        %gather3A_332 = arith.constant 1 : i32
        %gather3A_333 = arith.constant 0 : i32
        %gather3A_334 = arith.constant 0 : i32
        %gather3A_335 = tpu.memref_slice %arg4[%gather3A_332, %gather3A_333, %gather3A_334] : memref<2x2000x16xf32, #tpu.memory_space<vmem>> -> memref<1x2000x16xf32, #tpu.memory_space<vmem>>
        %gather3A_336 = tpu.memref_squeeze %gather3A_335 : memref<1x2000x16xf32, #tpu.memory_space<vmem>> -> memref<2000x16xf32, #tpu.memory_space<vmem>>
        %gather3A_337 = tpu.vector_load_idx %gather3A_336[%add3A_242, %broadcast_in_dim3A_63] : memref<2000x16xf32, #tpu.memory_space<vmem>>[vector<16xi32>, vector<16xi32>], vector<16xf32>,
        %mul3A_338 = arith.constant 16 : i32
        %mul3A_339 = arith.muli %scan3A_238, %mul3A_338 : i32
        %swap3A = arith.constant 1 : i32
        %swap3A_340 = arith.constant 0 : i32
        %swap3A_341 = arith.constant 0 : i32
        %swap3A_342 = arith.constant 0 : i32
        %swap3A_343 = tpu.memref_slice %arg5[%swap3A, %swap3A_341, %swap3A_342] : memref<2x16x2000xf32, #tpu.memory_space<vmem>> -> memref<1x16x2000xf32, #tpu.memory_space<vmem>>
        %swap3A_344 = tpu.memref_squeeze %swap3A_343 : memref<1x16x2000xf32, #tpu.memory_space<vmem>> -> memref<16x2000xf32, #tpu.memory_space<vmem>>
        %swap3A_345 = arith.index_cast %swap3A_340 : i32 to index
        %swap3A_346 = arith.index_cast %mul3A_339 : i32 to index
        %swap3A_347 = tpu.vector_load %swap3A_344[%swap3A_345, %swap3A_346] {strides = array<i32>} : memref<16x2000xf32, #tpu.memory_space<vmem>>, vector<16xf32>,
        tpu.vector_store %swap3A_344[%swap3A_345, %swap3A_346], %gather3A_247 {strides = array<i32>} : memref<16x2000xf32, #tpu.memory_space<vmem>>, vector<16xf32>,
        %mul3A_348 = arith.constant 16 : i32
        %mul3A_349 = arith.muli %scan3A_238, %mul3A_348 : i32
        %swap3A_350 = arith.constant 1 : i32
        %swap3A_351 = arith.constant 1 : i32
        %swap3A_352 = arith.constant 0 : i32
        %swap3A_353 = arith.constant 0 : i32
        %swap3A_354 = tpu.memref_slice %arg5[%swap3A_350, %swap3A_352, %swap3A_353] : memref<2x16x2000xf32, #tpu.memory_space<vmem>> -> memref<1x16x2000xf32, #tpu.memory_space<vmem>>
        %swap3A_355 = tpu.memref_squeeze %swap3A_354 : memref<1x16x2000xf32, #tpu.memory_space<vmem>> -> memref<16x2000xf32, #tpu.memory_space<vmem>>
        %swap3A_356 = arith.index_cast %swap3A_351 : i32 to index
        %swap3A_357 = arith.index_cast %mul3A_349 : i32 to index
        %swap3A_358 = tpu.vector_load %swap3A_355[%swap3A_356, %swap3A_357] {strides = array<i32>} : memref<16x2000xf32, #tpu.memory_space<vmem>>, vector<16xf32>,
        tpu.vector_store %swap3A_355[%swap3A_356, %swap3A_357], %gather3A_253 {strides = array<i32>} : memref<16x2000xf32, #tpu.memory_space<vmem>>, vector<16xf32>,
        %mul3A_359 = arith.constant 16 : i32
        %mul3A_360 = arith.muli %scan3A_238, %mul3A_359 : i32
        %swap3A_361 = arith.constant 1 : i32
        %swap3A_362 = arith.constant 2 : i32
        %swap3A_363 = arith.constant 0 : i32
        %swap3A_364 = arith.constant 0 : i32
        %swap3A_365 = tpu.memref_slice %arg5[%swap3A_361, %swap3A_363, %swap3A_364] : memref<2x16x2000xf32, #tpu.memory_space<vmem>> -> memref<1x16x2000xf32, #tpu.memory_space<vmem>>
        %swap3A_366 = tpu.memref_squeeze %swap3A_365 : memref<1x16x2000xf32, #tpu.memory_space<vmem>> -> memref<16x2000xf32, #tpu.memory_space<vmem>>
        %swap3A_367 = arith.index_cast %swap3A_362 : i32 to index
        %swap3A_368 = arith.index_cast %mul3A_360 : i32 to index
        %swap3A_369 = tpu.vector_load %swap3A_366[%swap3A_367, %swap3A_368] {strides = array<i32>} : memref<16x2000xf32, #tpu.memory_space<vmem>>, vector<16xf32>,
        tpu.vector_store %swap3A_366[%swap3A_367, %swap3A_368], %gather3A_259 {strides = array<i32>} : memref<16x2000xf32, #tpu.memory_space<vmem>>, vector<16xf32>,
        %mul3A_370 = arith.constant 16 : i32
        %mul3A_371 = arith.muli %scan3A_238, %mul3A_370 : i32
        %swap3A_372 = arith.constant 1 : i32
        %swap3A_373 = arith.constant 3 : i32
        %swap3A_374 = arith.constant 0 : i32
        %swap3A_375 = arith.constant 0 : i32
        %swap3A_376 = tpu.memref_slice %arg5[%swap3A_372, %swap3A_374, %swap3A_375] : memref<2x16x2000xf32, #tpu.memory_space<vmem>> -> memref<1x16x2000xf32, #tpu.memory_space<vmem>>
        %swap3A_377 = tpu.memref_squeeze %swap3A_376 : memref<1x16x2000xf32, #tpu.memory_space<vmem>> -> memref<16x2000xf32, #tpu.memory_space<vmem>>
        %swap3A_378 = arith.index_cast %swap3A_373 : i32 to index
        %swap3A_379 = arith.index_cast %mul3A_371 : i32 to index
        %swap3A_380 = tpu.vector_load %swap3A_377[%swap3A_378, %swap3A_379] {strides = array<i32>} : memref<16x2000xf32, #tpu.memory_space<vmem>>, vector<16xf32>,
        tpu.vector_store %swap3A_377[%swap3A_378, %swap3A_379], %gather3A_265 {strides = array<i32>} : memref<16x2000xf32, #tpu.memory_space<vmem>>, vector<16xf32>,
        %mul3A_381 = arith.constant 16 : i32
        %mul3A_382 = arith.muli %scan3A_238, %mul3A_381 : i32
        %swap3A_383 = arith.constant 1 : i32
        %swap3A_384 = arith.constant 4 : i32
        %swap3A_385 = arith.constant 0 : i32
        %swap3A_386 = arith.constant 0 : i32
        %swap3A_387 = tpu.memref_slice %arg5[%swap3A_383, %swap3A_385, %swap3A_386] : memref<2x16x2000xf32, #tpu.memory_space<vmem>> -> memref<1x16x2000xf32, #tpu.memory_space<vmem>>
        %swap3A_388 = tpu.memref_squeeze %swap3A_387 : memref<1x16x2000xf32, #tpu.memory_space<vmem>> -> memref<16x2000xf32, #tpu.memory_space<vmem>>
        %swap3A_389 = arith.index_cast %swap3A_384 : i32 to index
        %swap3A_390 = arith.index_cast %mul3A_382 : i32 to index
        %swap3A_391 = tpu.vector_load %swap3A_388[%swap3A_389, %swap3A_390] {strides = array<i32>} : memref<16x2000xf32, #tpu.memory_space<vmem>>, vector<16xf32>,
        tpu.vector_store %swap3A_388[%swap3A_389, %swap3A_390], %gather3A_271 {strides = array<i32>} : memref<16x2000xf32, #tpu.memory_space<vmem>>, vector<16xf32>,
        %mul3A_392 = arith.constant 16 : i32
        %mul3A_393 = arith.muli %scan3A_238, %mul3A_392 : i32
        %swap3A_394 = arith.constant 1 : i32
        %swap3A_395 = arith.constant 5 : i32
        %swap3A_396 = arith.constant 0 : i32
        %swap3A_397 = arith.constant 0 : i32
        %swap3A_398 = tpu.memref_slice %arg5[%swap3A_394, %swap3A_396, %swap3A_397] : memref<2x16x2000xf32, #tpu.memory_space<vmem>> -> memref<1x16x2000xf32, #tpu.memory_space<vmem>>
        %swap3A_399 = tpu.memref_squeeze %swap3A_398 : memref<1x16x2000xf32, #tpu.memory_space<vmem>> -> memref<16x2000xf32, #tpu.memory_space<vmem>>
        %swap3A_400 = arith.index_cast %swap3A_395 : i32 to index
        %swap3A_401 = arith.index_cast %mul3A_393 : i32 to index
        %swap3A_402 = tpu.vector_load %swap3A_399[%swap3A_400, %swap3A_401] {strides = array<i32>} : memref<16x2000xf32, #tpu.memory_space<vmem>>, vector<16xf32>,
        tpu.vector_store %swap3A_399[%swap3A_400, %swap3A_401], %gather3A_277 {strides = array<i32>} : memref<16x2000xf32, #tpu.memory_space<vmem>>, vector<16xf32>,
        %mul3A_403 = arith.constant 16 : i32
        %mul3A_404 = arith.muli %scan3A_238, %mul3A_403 : i32
        %swap3A_405 = arith.constant 1 : i32
        %swap3A_406 = arith.constant 6 : i32
        %swap3A_407 = arith.constant 0 : i32
        %swap3A_408 = arith.constant 0 : i32
        %swap3A_409 = tpu.memref_slice %arg5[%swap3A_405, %swap3A_407, %swap3A_408] : memref<2x16x2000xf32, #tpu.memory_space<vmem>> -> memref<1x16x2000xf32, #tpu.memory_space<vmem>>
        %swap3A_410 = tpu.memref_squeeze %swap3A_409 : memref<1x16x2000xf32, #tpu.memory_space<vmem>> -> memref<16x2000xf32, #tpu.memory_space<vmem>>
        %swap3A_411 = arith.index_cast %swap3A_406 : i32 to index
        %swap3A_412 = arith.index_cast %mul3A_404 : i32 to index
        %swap3A_413 = tpu.vector_load %swap3A_410[%swap3A_411, %swap3A_412] {strides = array<i32>} : memref<16x2000xf32, #tpu.memory_space<vmem>>, vector<16xf32>,
        tpu.vector_store %swap3A_410[%swap3A_411, %swap3A_412], %gather3A_283 {strides = array<i32>} : memref<16x2000xf32, #tpu.memory_space<vmem>>, vector<16xf32>,
        %mul3A_414 = arith.constant 16 : i32
        %mul3A_415 = arith.muli %scan3A_238, %mul3A_414 : i32
        %swap3A_416 = arith.constant 1 : i32
        %swap3A_417 = arith.constant 7 : i32
        %swap3A_418 = arith.constant 0 : i32
        %swap3A_419 = arith.constant 0 : i32
        %swap3A_420 = tpu.memref_slice %arg5[%swap3A_416, %swap3A_418, %swap3A_419] : memref<2x16x2000xf32, #tpu.memory_space<vmem>> -> memref<1x16x2000xf32, #tpu.memory_space<vmem>>
        %swap3A_421 = tpu.memref_squeeze %swap3A_420 : memref<1x16x2000xf32, #tpu.memory_space<vmem>> -> memref<16x2000xf32, #tpu.memory_space<vmem>>
        %swap3A_422 = arith.index_cast %swap3A_417 : i32 to index
        %swap3A_423 = arith.index_cast %mul3A_415 : i32 to index
        %swap3A_424 = tpu.vector_load %swap3A_421[%swap3A_422, %swap3A_423] {strides = array<i32>} : memref<16x2000xf32, #tpu.memory_space<vmem>>, vector<16xf32>,
        tpu.vector_store %swap3A_421[%swap3A_422, %swap3A_423], %gather3A_289 {strides = array<i32>} : memref<16x2000xf32, #tpu.memory_space<vmem>>, vector<16xf32>,
        %mul3A_425 = arith.constant 16 : i32
        %mul3A_426 = arith.muli %scan3A_238, %mul3A_425 : i32
        %swap3A_427 = arith.constant 1 : i32
        %swap3A_428 = arith.constant 8 : i32
        %swap3A_429 = arith.constant 0 : i32
        %swap3A_430 = arith.constant 0 : i32
        %swap3A_431 = tpu.memref_slice %arg5[%swap3A_427, %swap3A_429, %swap3A_430] : memref<2x16x2000xf32, #tpu.memory_space<vmem>> -> memref<1x16x2000xf32, #tpu.memory_space<vmem>>
        %swap3A_432 = tpu.memref_squeeze %swap3A_431 : memref<1x16x2000xf32, #tpu.memory_space<vmem>> -> memref<16x2000xf32, #tpu.memory_space<vmem>>
        %swap3A_433 = arith.index_cast %swap3A_428 : i32 to index
        %swap3A_434 = arith.index_cast %mul3A_426 : i32 to index
        %swap3A_435 = tpu.vector_load %swap3A_432[%swap3A_433, %swap3A_434] {strides = array<i32>} : memref<16x2000xf32, #tpu.memory_space<vmem>>, vector<16xf32>,
        tpu.vector_store %swap3A_432[%swap3A_433, %swap3A_434], %gather3A_295 {strides = array<i32>} : memref<16x2000xf32, #tpu.memory_space<vmem>>, vector<16xf32>,
        %mul3A_436 = arith.constant 16 : i32
        %mul3A_437 = arith.muli %scan3A_238, %mul3A_436 : i32
        %swap3A_438 = arith.constant 1 : i32
        %swap3A_439 = arith.constant 9 : i32
        %swap3A_440 = arith.constant 0 : i32
        %swap3A_441 = arith.constant 0 : i32
        %swap3A_442 = tpu.memref_slice %arg5[%swap3A_438, %swap3A_440, %swap3A_441] : memref<2x16x2000xf32, #tpu.memory_space<vmem>> -> memref<1x16x2000xf32, #tpu.memory_space<vmem>>
        %swap3A_443 = tpu.memref_squeeze %swap3A_442 : memref<1x16x2000xf32, #tpu.memory_space<vmem>> -> memref<16x2000xf32, #tpu.memory_space<vmem>>
        %swap3A_444 = arith.index_cast %swap3A_439 : i32 to index
        %swap3A_445 = arith.index_cast %mul3A_437 : i32 to index
        %swap3A_446 = tpu.vector_load %swap3A_443[%swap3A_444, %swap3A_445] {strides = array<i32>} : memref<16x2000xf32, #tpu.memory_space<vmem>>, vector<16xf32>,
        tpu.vector_store %swap3A_443[%swap3A_444, %swap3A_445], %gather3A_301 {strides = array<i32>} : memref<16x2000xf32, #tpu.memory_space<vmem>>, vector<16xf32>,
        %mul3A_447 = arith.constant 16 : i32
        %mul3A_448 = arith.muli %scan3A_238, %mul3A_447 : i32
        %swap3A_449 = arith.constant 1 : i32
        %swap3A_450 = arith.constant 10 : i32
        %swap3A_451 = arith.constant 0 : i32
        %swap3A_452 = arith.constant 0 : i32
        %swap3A_453 = tpu.memref_slice %arg5[%swap3A_449, %swap3A_451, %swap3A_452] : memref<2x16x2000xf32, #tpu.memory_space<vmem>> -> memref<1x16x2000xf32, #tpu.memory_space<vmem>>
        %swap3A_454 = tpu.memref_squeeze %swap3A_453 : memref<1x16x2000xf32, #tpu.memory_space<vmem>> -> memref<16x2000xf32, #tpu.memory_space<vmem>>
        %swap3A_455 = arith.index_cast %swap3A_450 : i32 to index
        %swap3A_456 = arith.index_cast %mul3A_448 : i32 to index
        %swap3A_457 = tpu.vector_load %swap3A_454[%swap3A_455, %swap3A_456] {strides = array<i32>} : memref<16x2000xf32, #tpu.memory_space<vmem>>, vector<16xf32>,
        tpu.vector_store %swap3A_454[%swap3A_455, %swap3A_456], %gather3A_307 {strides = array<i32>} : memref<16x2000xf32, #tpu.memory_space<vmem>>, vector<16xf32>,
        %mul3A_458 = arith.constant 16 : i32
        %mul3A_459 = arith.muli %scan3A_238, %mul3A_458 : i32
        %swap3A_460 = arith.constant 1 : i32
        %swap3A_461 = arith.constant 11 : i32
        %swap3A_462 = arith.constant 0 : i32
        %swap3A_463 = arith.constant 0 : i32
        %swap3A_464 = tpu.memref_slice %arg5[%swap3A_460, %swap3A_462, %swap3A_463] : memref<2x16x2000xf32, #tpu.memory_space<vmem>> -> memref<1x16x2000xf32, #tpu.memory_space<vmem>>
        %swap3A_465 = tpu.memref_squeeze %swap3A_464 : memref<1x16x2000xf32, #tpu.memory_space<vmem>> -> memref<16x2000xf32, #tpu.memory_space<vmem>>
        %swap3A_466 = arith.index_cast %swap3A_461 : i32 to index
        %swap3A_467 = arith.index_cast %mul3A_459 : i32 to index
        %swap3A_468 = tpu.vector_load %swap3A_465[%swap3A_466, %swap3A_467] {strides = array<i32>} : memref<16x2000xf32, #tpu.memory_space<vmem>>, vector<16xf32>,
        tpu.vector_store %swap3A_465[%swap3A_466, %swap3A_467], %gather3A_313 {strides = array<i32>} : memref<16x2000xf32, #tpu.memory_space<vmem>>, vector<16xf32>,
        %mul3A_469 = arith.constant 16 : i32
        %mul3A_470 = arith.muli %scan3A_238, %mul3A_469 : i32
        %swap3A_471 = arith.constant 1 : i32
        %swap3A_472 = arith.constant 12 : i32
        %swap3A_473 = arith.constant 0 : i32
        %swap3A_474 = arith.constant 0 : i32
        %swap3A_475 = tpu.memref_slice %arg5[%swap3A_471, %swap3A_473, %swap3A_474] : memref<2x16x2000xf32, #tpu.memory_space<vmem>> -> memref<1x16x2000xf32, #tpu.memory_space<vmem>>
        %swap3A_476 = tpu.memref_squeeze %swap3A_475 : memref<1x16x2000xf32, #tpu.memory_space<vmem>> -> memref<16x2000xf32, #tpu.memory_space<vmem>>
        %swap3A_477 = arith.index_cast %swap3A_472 : i32 to index
        %swap3A_478 = arith.index_cast %mul3A_470 : i32 to index
        %swap3A_479 = tpu.vector_load %swap3A_476[%swap3A_477, %swap3A_478] {strides = array<i32>} : memref<16x2000xf32, #tpu.memory_space<vmem>>, vector<16xf32>,
        tpu.vector_store %swap3A_476[%swap3A_477, %swap3A_478], %gather3A_319 {strides = array<i32>} : memref<16x2000xf32, #tpu.memory_space<vmem>>, vector<16xf32>,
        %mul3A_480 = arith.constant 16 : i32
        %mul3A_481 = arith.muli %scan3A_238, %mul3A_480 : i32
        %swap3A_482 = arith.constant 1 : i32
        %swap3A_483 = arith.constant 13 : i32
        %swap3A_484 = arith.constant 0 : i32
        %swap3A_485 = arith.constant 0 : i32
        %swap3A_486 = tpu.memref_slice %arg5[%swap3A_482, %swap3A_484, %swap3A_485] : memref<2x16x2000xf32, #tpu.memory_space<vmem>> -> memref<1x16x2000xf32, #tpu.memory_space<vmem>>
        %swap3A_487 = tpu.memref_squeeze %swap3A_486 : memref<1x16x2000xf32, #tpu.memory_space<vmem>> -> memref<16x2000xf32, #tpu.memory_space<vmem>>
        %swap3A_488 = arith.index_cast %swap3A_483 : i32 to index
        %swap3A_489 = arith.index_cast %mul3A_481 : i32 to index
        %swap3A_490 = tpu.vector_load %swap3A_487[%swap3A_488, %swap3A_489] {strides = array<i32>} : memref<16x2000xf32, #tpu.memory_space<vmem>>, vector<16xf32>,
        tpu.vector_store %swap3A_487[%swap3A_488, %swap3A_489], %gather3A_325 {strides = array<i32>} : memref<16x2000xf32, #tpu.memory_space<vmem>>, vector<16xf32>,
        %mul3A_491 = arith.constant 16 : i32
        %mul3A_492 = arith.muli %scan3A_238, %mul3A_491 : i32
        %swap3A_493 = arith.constant 1 : i32
        %swap3A_494 = arith.constant 14 : i32
        %swap3A_495 = arith.constant 0 : i32
        %swap3A_496 = arith.constant 0 : i32
        %swap3A_497 = tpu.memref_slice %arg5[%swap3A_493, %swap3A_495, %swap3A_496] : memref<2x16x2000xf32, #tpu.memory_space<vmem>> -> memref<1x16x2000xf32, #tpu.memory_space<vmem>>
        %swap3A_498 = tpu.memref_squeeze %swap3A_497 : memref<1x16x2000xf32, #tpu.memory_space<vmem>> -> memref<16x2000xf32, #tpu.memory_space<vmem>>
        %swap3A_499 = arith.index_cast %swap3A_494 : i32 to index
        %swap3A_500 = arith.index_cast %mul3A_492 : i32 to index
        %swap3A_501 = tpu.vector_load %swap3A_498[%swap3A_499, %swap3A_500] {strides = array<i32>} : memref<16x2000xf32, #tpu.memory_space<vmem>>, vector<16xf32>,
        tpu.vector_store %swap3A_498[%swap3A_499, %swap3A_500], %gather3A_331 {strides = array<i32>} : memref<16x2000xf32, #tpu.memory_space<vmem>>, vector<16xf32>,
        %mul3A_502 = arith.constant 16 : i32
        %mul3A_503 = arith.muli %scan3A_238, %mul3A_502 : i32
        %swap3A_504 = arith.constant 1 : i32
        %swap3A_505 = arith.constant 15 : i32
        %swap3A_506 = arith.constant 0 : i32
        %swap3A_507 = arith.constant 0 : i32
        %swap3A_508 = tpu.memref_slice %arg5[%swap3A_504, %swap3A_506, %swap3A_507] : memref<2x16x2000xf32, #tpu.memory_space<vmem>> -> memref<1x16x2000xf32, #tpu.memory_space<vmem>>
        %swap3A_509 = tpu.memref_squeeze %swap3A_508 : memref<1x16x2000xf32, #tpu.memory_space<vmem>> -> memref<16x2000xf32, #tpu.memory_space<vmem>>
        %swap3A_510 = arith.index_cast %swap3A_505 : i32 to index
        %swap3A_511 = arith.index_cast %mul3A_503 : i32 to index
        %swap3A_512 = tpu.vector_load %swap3A_509[%swap3A_510, %swap3A_511] {strides = array<i32>} : memref<16x2000xf32, #tpu.memory_space<vmem>>, vector<16xf32>,
        tpu.vector_store %swap3A_509[%swap3A_510, %swap3A_511], %gather3A_337 {strides = array<i32>} : memref<16x2000xf32, #tpu.memory_space<vmem>>, vector<16xf32>,
      }
      %scan3A_215 = arith.constant 125 : i32
      %add3A_216 = arith.constant 2 : i32
      %add3A_217 = arith.addi %add3A_187, %add3A_216 : i32
      %lt3A_218 = arith.constant 50 : i32
      %lt3A_219 = arith.cmpi slt, %add3A_217, %lt3A_218 : i32
      %convert_element_type3A_220 = arith.extui %lt3A_219 : i1 to i32
      %cond3A_221 = arith.constant 0 : i32
      %cond3A_222 = arith.cmpi ne, %convert_element_type3A_220, %cond3A_221 : i32
      scf.if %cond3A_222 {
        %add3A_238 = arith.constant 2 : i32
        %add3A_239 = arith.addi %add3A_187, %add3A_238 : i32
        %mul3A_240 = arith.constant 2000 : i32
        %mul3A_241 = arith.muli %add3A_239, %mul3A_240 : i32
        %dma_start3A_242 = arith.constant 1 : i32
        %dma_start3A_243 = arith.constant 0 : i32
        %dma_start3A_244 = arith.constant 0 : i32
        %dma_start3A_245 = tpu.memref_slice %arg4[%dma_start3A_242, %dma_start3A_243, %dma_start3A_244] : memref<2x2000x16xf32, #tpu.memory_space<vmem>> -> memref<1x2000x16xf32, #tpu.memory_space<vmem>>
        %dma_start3A_246 = tpu.memref_squeeze %dma_start3A_245 : memref<1x2000x16xf32, #tpu.memory_space<vmem>> -> memref<2000x16xf32, #tpu.memory_space<vmem>>
        %dma_start3A_247 = tpu.memref_slice %arg2[%select_n3A, %mul3A_241, %add3A_32] : memref<4x100000x128xf32, #tpu.memory_space<hbm>> -> memref<1x2000x16xf32, #tpu.memory_space<hbm>>
        %dma_start3A_248 = tpu.memref_squeeze %dma_start3A_247 : memref<1x2000x16xf32, #tpu.memory_space<hbm>> -> memref<2000x16xf32, #tpu.memory_space<hbm>>
        %dma_start3A_249 = arith.constant 0 : i32
        %dma_start3A_250 = arith.constant 0 : i32
        %dma_start3A_251 = tpu.memref_slice %arg4[%dma_start3A_242, %dma_start3A_249, %dma_start3A_250] : memref<2x2000x16xf32, #tpu.memory_space<vmem>> -> memref<1x2000x16xf32, #tpu.memory_space<vmem>>
        %dma_start3A_252 = tpu.memref_squeeze %dma_start3A_251 : memref<1x2000x16xf32, #tpu.memory_space<vmem>> -> memref<2000x16xf32, #tpu.memory_space<vmem>>
        %dma_start3A_253 = tpu.memref_slice %arg2[%select_n3A, %mul3A_241, %add3A_32] : memref<4x100000x128xf32, #tpu.memory_space<hbm>> -> memref<1x2000x16xf32, #tpu.memory_space<hbm>>
        %dma_start3A_254 = tpu.memref_squeeze %dma_start3A_253 : memref<1x2000x16xf32, #tpu.memory_space<hbm>> -> memref<2000x16xf32, #tpu.memory_space<hbm>>
        tpu.enqueue_dma source(%dma_start3A_254 : memref<2000x16xf32, #tpu.memory_space<hbm>>) target(%dma_start3A_252 : memref<2000x16xf32, #tpu.memory_space<vmem>>) target_semaphore(%arg7 : memref<!tpu.dma_semaphore, #tpu.memory_space<semaphore_mem>>)
      } else {
      }
      %mul3A_223 = arith.constant 2000 : i32
      %mul3A_224 = arith.muli %add3A_187, %mul3A_223 : i32
      %dma_start3A_225 = arith.constant 1 : i32
      %dma_start3A_226 = arith.constant 0 : i32
      %dma_start3A_227 = arith.constant 0 : i32
      %dma_start3A_228 = tpu.memref_slice %arg5[%dma_start3A_225, %dma_start3A_226, %dma_start3A_227] : memref<2x16x2000xf32, #tpu.memory_space<vmem>> -> memref<1x16x2000xf32, #tpu.memory_space<vmem>>
      %dma_start3A_229 = tpu.memref_squeeze %dma_start3A_228 : memref<1x16x2000xf32, #tpu.memory_space<vmem>> -> memref<16x2000xf32, #tpu.memory_space<vmem>>
      %dma_start3A_230 = tpu.memref_slice %arg3[%select_n3A, %add3A_32, %mul3A_224] : memref<4x128x100000xf32, #tpu.memory_space<hbm>> -> memref<1x16x2000xf32, #tpu.memory_space<hbm>>
      %dma_start3A_231 = tpu.memref_squeeze %dma_start3A_230 : memref<1x16x2000xf32, #tpu.memory_space<hbm>> -> memref<16x2000xf32, #tpu.memory_space<hbm>>
      %dma_start3A_232 = tpu.memref_slice %arg3[%select_n3A, %add3A_32, %mul3A_224] : memref<4x128x100000xf32, #tpu.memory_space<hbm>> -> memref<1x16x2000xf32, #tpu.memory_space<hbm>>
      %dma_start3A_233 = tpu.memref_squeeze %dma_start3A_232 : memref<1x16x2000xf32, #tpu.memory_space<hbm>> -> memref<16x2000xf32, #tpu.memory_space<hbm>>
      %dma_start3A_234 = arith.constant 0 : i32
      %dma_start3A_235 = arith.constant 0 : i32
      %dma_start3A_236 = tpu.memref_slice %arg5[%dma_start3A_225, %dma_start3A_234, %dma_start3A_235] : memref<2x16x2000xf32, #tpu.memory_space<vmem>> -> memref<1x16x2000xf32, #tpu.memory_space<vmem>>
      %dma_start3A_237 = tpu.memref_squeeze %dma_start3A_236 : memref<1x16x2000xf32, #tpu.memory_space<vmem>> -> memref<16x2000xf32, #tpu.memory_space<vmem>>
      tpu.enqueue_dma source(%dma_start3A_237 : memref<16x2000xf32, #tpu.memory_space<vmem>>) target(%dma_start3A_233 : memref<16x2000xf32, #tpu.memory_space<hbm>>) target_semaphore(%arg8 : memref<!tpu.dma_semaphore, #tpu.memory_space<semaphore_mem>>)
    }
    %scan3A_96 = arith.constant 25 : i32
    %dma_wait3A = arith.constant 0 : i32
    %dma_wait3A_97 = arith.constant 0 : i32
    %dma_wait3A_98 = arith.constant 0 : i32
    %dma_wait3A_99 = arith.constant 0 : i32
    %dma_wait3A_100 = tpu.memref_slice %arg5[%dma_wait3A, %dma_wait3A_98, %dma_wait3A_99] : memref<2x16x2000xf32, #tpu.memory_space<vmem>> -> memref<1x16x2000xf32, #tpu.memory_space<vmem>>
    %dma_wait3A_101 = tpu.memref_squeeze %dma_wait3A_100 : memref<1x16x2000xf32, #tpu.memory_space<vmem>> -> memref<16x2000xf32, #tpu.memory_space<vmem>>
    %dma_wait3A_102 = arith.constant 0 : i32
    %dma_wait3A_103 = arith.constant 0 : i32
    %dma_wait3A_104 = tpu.memref_slice %arg3[%dma_wait3A_97, %dma_wait3A_102, %dma_wait3A_103] : memref<4x128x100000xf32, #tpu.memory_space<hbm>> -> memref<1x16x2000xf32, #tpu.memory_space<hbm>>
    %dma_wait3A_105 = tpu.memref_squeeze %dma_wait3A_104 : memref<1x16x2000xf32, #tpu.memory_space<hbm>> -> memref<16x2000xf32, #tpu.memory_space<hbm>>
    %dma_wait3A_106 = arith.constant 0 : i32
    %dma_wait3A_107 = arith.constant 0 : i32
    %dma_wait3A_108 = tpu.memref_slice %arg3[%dma_wait3A_97, %dma_wait3A_106, %dma_wait3A_107] : memref<4x128x100000xf32, #tpu.memory_space<hbm>> -> memref<1x16x2000xf32, #tpu.memory_space<hbm>>
    %dma_wait3A_109 = tpu.memref_squeeze %dma_wait3A_108 : memref<1x16x2000xf32, #tpu.memory_space<hbm>> -> memref<16x2000xf32, #tpu.memory_space<hbm>>
    %dma_wait3A_110 = arith.constant 0 : i32
    %dma_wait3A_111 = arith.constant 0 : i32
    %dma_wait3A_112 = tpu.memref_slice %arg5[%dma_wait3A, %dma_wait3A_110, %dma_wait3A_111] : memref<2x16x2000xf32, #tpu.memory_space<vmem>> -> memref<1x16x2000xf32, #tpu.memory_space<vmem>>
    %dma_wait3A_113 = tpu.memref_squeeze %dma_wait3A_112 : memref<1x16x2000xf32, #tpu.memory_space<vmem>> -> memref<16x2000xf32, #tpu.memory_space<vmem>>
    tpu.wait_dma2 semaphore(%arg8 : memref<!tpu.dma_semaphore, #tpu.memory_space<semaphore_mem>>) src(%dma_wait3A_113 : memref<16x2000xf32, #tpu.memory_space<vmem>>) dst(%dma_wait3A_109 : memref<16x2000xf32, #tpu.memory_space<hbm>>)
    %dma_wait3A_114 = arith.constant 1 : i32
    %dma_wait3A_115 = arith.constant 0 : i32
    %dma_wait3A_116 = arith.constant 0 : i32
    %dma_wait3A_117 = arith.constant 0 : i32
    %dma_wait3A_118 = tpu.memref_slice %arg5[%dma_wait3A_114, %dma_wait3A_116, %dma_wait3A_117] : memref<2x16x2000xf32, #tpu.memory_space<vmem>> -> memref<1x16x2000xf32, #tpu.memory_space<vmem>>
    %dma_wait3A_119 = tpu.memref_squeeze %dma_wait3A_118 : memref<1x16x2000xf32, #tpu.memory_space<vmem>> -> memref<16x2000xf32, #tpu.memory_space<vmem>>
    %dma_wait3A_120 = arith.constant 0 : i32
    %dma_wait3A_121 = arith.constant 0 : i32
    %dma_wait3A_122 = tpu.memref_slice %arg3[%dma_wait3A_115, %dma_wait3A_120, %dma_wait3A_121] : memref<4x128x100000xf32, #tpu.memory_space<hbm>> -> memref<1x16x2000xf32, #tpu.memory_space<hbm>>
    %dma_wait3A_123 = tpu.memref_squeeze %dma_wait3A_122 : memref<1x16x2000xf32, #tpu.memory_space<hbm>> -> memref<16x2000xf32, #tpu.memory_space<hbm>>
    %dma_wait3A_124 = arith.constant 0 : i32
    %dma_wait3A_125 = arith.constant 0 : i32
    %dma_wait3A_126 = tpu.memref_slice %arg3[%dma_wait3A_115, %dma_wait3A_124, %dma_wait3A_125] : memref<4x128x100000xf32, #tpu.memory_space<hbm>> -> memref<1x16x2000xf32, #tpu.memory_space<hbm>>
    %dma_wait3A_127 = tpu.memref_squeeze %dma_wait3A_126 : memref<1x16x2000xf32, #tpu.memory_space<hbm>> -> memref<16x2000xf32, #tpu.memory_space<hbm>>
    %dma_wait3A_128 = arith.constant 0 : i32
    %dma_wait3A_129 = arith.constant 0 : i32
    %dma_wait3A_130 = tpu.memref_slice %arg5[%dma_wait3A_114, %dma_wait3A_128, %dma_wait3A_129] : memref<2x16x2000xf32, #tpu.memory_space<vmem>> -> memref<1x16x2000xf32, #tpu.memory_space<vmem>>
    %dma_wait3A_131 = tpu.memref_squeeze %dma_wait3A_130 : memref<1x16x2000xf32, #tpu.memory_space<vmem>> -> memref<16x2000xf32, #tpu.memory_space<vmem>>
    tpu.wait_dma2 semaphore(%arg8 : memref<!tpu.dma_semaphore, #tpu.memory_space<semaphore_mem>>) src(%dma_wait3A_131 : memref<16x2000xf32, #tpu.memory_space<vmem>>) dst(%dma_wait3A_127 : memref<16x2000xf32, #tpu.memory_space<hbm>>)
    return
  }
}

#map = affine_map<(d0, d1) -> (0)>
module attributes {stable_mosaic.version = 14 : i64} {
  func.func @_counts_body(%arg0: i32, %arg1: i32, %arg2: memref<401408xi32, #tpu.memory_space<hbm>>, %arg3: memref<131072xf32, #tpu.memory_space<hbm>>, %arg4: memref<32768xf32, #tpu.memory_space<vmem>>, %arg5: memref<2x4000xi32, #tpu.memory_space<vmem>>, %arg6: memref<!tpu.dma_semaphore, #tpu.memory_space<semaphore_mem>>, %arg7: memref<!tpu.dma_semaphore, #tpu.memory_space<semaphore_mem>>) attributes {dimension_semantics = [#tpu.dimension_semantics<core_parallel>, #tpu.dimension_semantics<subcore_parallel>], iteration_bounds = array<i64: 2, 16>, scalar_prefetch = 0 : i64, scratch_operands = 4 : i64, tpu.core_type = #tpu.core_type<sc_vector_subcore>, window_params = [{transform_indices = #map}, {transform_indices = #map}]} {
    %broadcast_in_dim3A = arith.constant 0.000000e+00 : f32
    %broadcast_in_dim3A_0 = vector.broadcast %broadcast_in_dim3A : f32 to vector<16xf32>
    %broadcast_in_dim3A_1 = arith.constant 1.000000e+00 : f32
    %broadcast_in_dim3A_2 = vector.broadcast %broadcast_in_dim3A_1 : f32 to vector<16xf32>
    %eq3A = arith.constant 0 : i32
    %eq3A_3 = arith.cmpi eq, %arg0, %eq3A : i32
    %lt3A = arith.constant 4 : i32
    %lt3A_4 = arith.cmpi slt, %arg1, %lt3A : i32
    %and3A = arith.andi %eq3A_3, %lt3A_4 : i1
    %convert_element_type3A = arith.extui %and3A : i1 to i32
    %cond3A = arith.constant 0 : i32
    %cond3A_5 = arith.cmpi ne, %convert_element_type3A, %cond3A : i32
    scf.if %cond3A_5 {
      %scan3A = arith.constant 0 : i32
      %scan3A_6 = arith.constant 256 : i32
      %scan3A_7 = arith.addi %scan3A, %scan3A_6 : i32
      %scan3A_8 = arith.constant 1 : i32
      scf.for %scan3A_45 = %scan3A to %scan3A_7 step %scan3A_8  : i32 {
        %mul3A_46 = arith.constant 8 : i32
        %mul3A_47 = arith.muli %scan3A_45, %mul3A_46 : i32
        %add3A_48 = arith.constant 0 : i32
        %add3A_49 = arith.addi %mul3A_47, %add3A_48 : i32
        %mul3A_50 = arith.constant 16 : i32
        %mul3A_51 = arith.muli %add3A_49, %mul3A_50 : i32
        %swap3A = arith.index_cast %mul3A_51 : i32 to index
        %swap3A_52 = tpu.vector_load %arg4[%swap3A] {strides = array<i32>} : memref<32768xf32, #tpu.memory_space<vmem>>, vector<16xf32>,
        tpu.vector_store %arg4[%swap3A], %broadcast_in_dim3A_0 {strides = array<i32>} : memref<32768xf32, #tpu.memory_space<vmem>>, vector<16xf32>,
        %mul3A_53 = arith.constant 8 : i32
        %mul3A_54 = arith.muli %scan3A_45, %mul3A_53 : i32
        %add3A_55 = arith.constant 1 : i32
        %add3A_56 = arith.addi %mul3A_54, %add3A_55 : i32
        %mul3A_57 = arith.constant 16 : i32
        %mul3A_58 = arith.muli %add3A_56, %mul3A_57 : i32
        %swap3A_59 = arith.index_cast %mul3A_58 : i32 to index
        %swap3A_60 = tpu.vector_load %arg4[%swap3A_59] {strides = array<i32>} : memref<32768xf32, #tpu.memory_space<vmem>>, vector<16xf32>,
        tpu.vector_store %arg4[%swap3A_59], %broadcast_in_dim3A_0 {strides = array<i32>} : memref<32768xf32, #tpu.memory_space<vmem>>, vector<16xf32>,
        %mul3A_61 = arith.constant 8 : i32
        %mul3A_62 = arith.muli %scan3A_45, %mul3A_61 : i32
        %add3A_63 = arith.constant 2 : i32
        %add3A_64 = arith.addi %mul3A_62, %add3A_63 : i32
        %mul3A_65 = arith.constant 16 : i32
        %mul3A_66 = arith.muli %add3A_64, %mul3A_65 : i32
        %swap3A_67 = arith.index_cast %mul3A_66 : i32 to index
        %swap3A_68 = tpu.vector_load %arg4[%swap3A_67] {strides = array<i32>} : memref<32768xf32, #tpu.memory_space<vmem>>, vector<16xf32>,
        tpu.vector_store %arg4[%swap3A_67], %broadcast_in_dim3A_0 {strides = array<i32>} : memref<32768xf32, #tpu.memory_space<vmem>>, vector<16xf32>,
        %mul3A_69 = arith.constant 8 : i32
        %mul3A_70 = arith.muli %scan3A_45, %mul3A_69 : i32
        %add3A_71 = arith.constant 3 : i32
        %add3A_72 = arith.addi %mul3A_70, %add3A_71 : i32
        %mul3A_73 = arith.constant 16 : i32
        %mul3A_74 = arith.muli %add3A_72, %mul3A_73 : i32
        %swap3A_75 = arith.index_cast %mul3A_74 : i32 to index
        %swap3A_76 = tpu.vector_load %arg4[%swap3A_75] {strides = array<i32>} : memref<32768xf32, #tpu.memory_space<vmem>>, vector<16xf32>,
        tpu.vector_store %arg4[%swap3A_75], %broadcast_in_dim3A_0 {strides = array<i32>} : memref<32768xf32, #tpu.memory_space<vmem>>, vector<16xf32>,
        %mul3A_77 = arith.constant 8 : i32
        %mul3A_78 = arith.muli %scan3A_45, %mul3A_77 : i32
        %add3A_79 = arith.constant 4 : i32
        %add3A_80 = arith.addi %mul3A_78, %add3A_79 : i32
        %mul3A_81 = arith.constant 16 : i32
        %mul3A_82 = arith.muli %add3A_80, %mul3A_81 : i32
        %swap3A_83 = arith.index_cast %mul3A_82 : i32 to index
        %swap3A_84 = tpu.vector_load %arg4[%swap3A_83] {strides = array<i32>} : memref<32768xf32, #tpu.memory_space<vmem>>, vector<16xf32>,
        tpu.vector_store %arg4[%swap3A_83], %broadcast_in_dim3A_0 {strides = array<i32>} : memref<32768xf32, #tpu.memory_space<vmem>>, vector<16xf32>,
        %mul3A_85 = arith.constant 8 : i32
        %mul3A_86 = arith.muli %scan3A_45, %mul3A_85 : i32
        %add3A_87 = arith.constant 5 : i32
        %add3A_88 = arith.addi %mul3A_86, %add3A_87 : i32
        %mul3A_89 = arith.constant 16 : i32
        %mul3A_90 = arith.muli %add3A_88, %mul3A_89 : i32
        %swap3A_91 = arith.index_cast %mul3A_90 : i32 to index
        %swap3A_92 = tpu.vector_load %arg4[%swap3A_91] {strides = array<i32>} : memref<32768xf32, #tpu.memory_space<vmem>>, vector<16xf32>,
        tpu.vector_store %arg4[%swap3A_91], %broadcast_in_dim3A_0 {strides = array<i32>} : memref<32768xf32, #tpu.memory_space<vmem>>, vector<16xf32>,
        %mul3A_93 = arith.constant 8 : i32
        %mul3A_94 = arith.muli %scan3A_45, %mul3A_93 : i32
        %add3A_95 = arith.constant 6 : i32
        %add3A_96 = arith.addi %mul3A_94, %add3A_95 : i32
        %mul3A_97 = arith.constant 16 : i32
        %mul3A_98 = arith.muli %add3A_96, %mul3A_97 : i32
        %swap3A_99 = arith.index_cast %mul3A_98 : i32 to index
        %swap3A_100 = tpu.vector_load %arg4[%swap3A_99] {strides = array<i32>} : memref<32768xf32, #tpu.memory_space<vmem>>, vector<16xf32>,
        tpu.vector_store %arg4[%swap3A_99], %broadcast_in_dim3A_0 {strides = array<i32>} : memref<32768xf32, #tpu.memory_space<vmem>>, vector<16xf32>,
        %mul3A_101 = arith.constant 8 : i32
        %mul3A_102 = arith.muli %scan3A_45, %mul3A_101 : i32
        %add3A_103 = arith.constant 7 : i32
        %add3A_104 = arith.addi %mul3A_102, %add3A_103 : i32
        %mul3A_105 = arith.constant 16 : i32
        %mul3A_106 = arith.muli %add3A_104, %mul3A_105 : i32
        %swap3A_107 = arith.index_cast %mul3A_106 : i32 to index
        %swap3A_108 = tpu.vector_load %arg4[%swap3A_107] {strides = array<i32>} : memref<32768xf32, #tpu.memory_space<vmem>>, vector<16xf32>,
        tpu.vector_store %arg4[%swap3A_107], %broadcast_in_dim3A_0 {strides = array<i32>} : memref<32768xf32, #tpu.memory_space<vmem>>, vector<16xf32>,
      }
      %scan3A_9 = arith.constant 256 : i32
      %mul3A = arith.constant 100352 : i32
      %mul3A_10 = arith.muli %arg1, %mul3A : i32
      %add3A = arith.constant 0 : i32
      %add3A_11 = arith.addi %mul3A_10, %add3A : i32
      %dma_start3A = arith.constant 0 : i32
      %dma_start3A_12 = arith.constant 0 : i32
      %dma_start3A_13 = tpu.memref_slice %arg5[%dma_start3A, %dma_start3A_12] : memref<2x4000xi32, #tpu.memory_space<vmem>> -> memref<1x4000xi32, #tpu.memory_space<vmem>>
      %dma_start3A_14 = tpu.memref_squeeze %dma_start3A_13 : memref<1x4000xi32, #tpu.memory_space<vmem>> -> memref<4000xi32, #tpu.memory_space<vmem>>
      %dma_start3A_15 = tpu.memref_slice %arg2[%add3A_11] : memref<401408xi32, #tpu.memory_space<hbm>> -> memref<4000xi32, #tpu.memory_space<hbm>>
      %dma_start3A_16 = arith.constant 0 : i32
      %dma_start3A_17 = tpu.memref_slice %arg5[%dma_start3A, %dma_start3A_16] : memref<2x4000xi32, #tpu.memory_space<vmem>> -> memref<1x4000xi32, #tpu.memory_space<vmem>>
      %dma_start3A_18 = tpu.memref_squeeze %dma_start3A_17 : memref<1x4000xi32, #tpu.memory_space<vmem>> -> memref<4000xi32, #tpu.memory_space<vmem>>
      %dma_start3A_19 = tpu.memref_slice %arg2[%add3A_11] : memref<401408xi32, #tpu.memory_space<hbm>> -> memref<4000xi32, #tpu.memory_space<hbm>>
      tpu.enqueue_dma source(%dma_start3A_19 : memref<4000xi32, #tpu.memory_space<hbm>>) target(%dma_start3A_18 : memref<4000xi32, #tpu.memory_space<vmem>>) target_semaphore(%arg6 : memref<!tpu.dma_semaphore, #tpu.memory_space<semaphore_mem>>)
      %mul3A_20 = arith.constant 100352 : i32
      %mul3A_21 = arith.muli %arg1, %mul3A_20 : i32
      %add3A_22 = arith.constant 4000 : i32
      %add3A_23 = arith.addi %mul3A_21, %add3A_22 : i32
      %dma_start3A_24 = arith.constant 1 : i32
      %dma_start3A_25 = arith.constant 0 : i32
      %dma_start3A_26 = tpu.memref_slice %arg5[%dma_start3A_24, %dma_start3A_25] : memref<2x4000xi32, #tpu.memory_space<vmem>> -> memref<1x4000xi32, #tpu.memory_space<vmem>>
      %dma_start3A_27 = tpu.memref_squeeze %dma_start3A_26 : memref<1x4000xi32, #tpu.memory_space<vmem>> -> memref<4000xi32, #tpu.memory_space<vmem>>
      %dma_start3A_28 = tpu.memref_slice %arg2[%add3A_23] : memref<401408xi32, #tpu.memory_space<hbm>> -> memref<4000xi32, #tpu.memory_space<hbm>>
      %dma_start3A_29 = arith.constant 0 : i32
      %dma_start3A_30 = tpu.memref_slice %arg5[%dma_start3A_24, %dma_start3A_29] : memref<2x4000xi32, #tpu.memory_space<vmem>> -> memref<1x4000xi32, #tpu.memory_space<vmem>>
      %dma_start3A_31 = tpu.memref_squeeze %dma_start3A_30 : memref<1x4000xi32, #tpu.memory_space<vmem>> -> memref<4000xi32, #tpu.memory_space<vmem>>
      %dma_start3A_32 = tpu.memref_slice %arg2[%add3A_23] : memref<401408xi32, #tpu.memory_space<hbm>> -> memref<4000xi32, #tpu.memory_space<hbm>>
      tpu.enqueue_dma source(%dma_start3A_32 : memref<4000xi32, #tpu.memory_space<hbm>>) target(%dma_start3A_31 : memref<4000xi32, #tpu.memory_space<vmem>>) target_semaphore(%arg7 : memref<!tpu.dma_semaphore, #tpu.memory_space<semaphore_mem>>)
      %scan3A_33 = arith.constant 0 : i32
      %scan3A_34 = arith.constant 13 : i32
      %scan3A_35 = arith.addi %scan3A_33, %scan3A_34 : i32
      %scan3A_36 = arith.constant 1 : i32
      scf.for %scan3A_45 = %scan3A_33 to %scan3A_35 step %scan3A_36  : i32 {
        %mul3A_46 = arith.constant 2 : i32
        %mul3A_47 = arith.muli %scan3A_45, %mul3A_46 : i32
        %add3A_48 = arith.constant 0 : i32
        %add3A_49 = arith.addi %mul3A_47, %add3A_48 : i32
        %lt3A_50 = arith.constant 25 : i32
        %lt3A_51 = arith.cmpi slt, %add3A_49, %lt3A_50 : i32
        %convert_element_type3A_52 = arith.extui %lt3A_51 : i1 to i32
        %cond3A_53 = arith.constant 0 : i32
        %cond3A_54 = arith.cmpi ne, %convert_element_type3A_52, %cond3A_53 : i32
        scf.if %cond3A_54 {
          %dma_wait3A = arith.constant 0 : i32
          %dma_wait3A_64 = arith.constant 0 : i32
          %dma_wait3A_65 = tpu.memref_slice %arg5[%dma_wait3A, %dma_wait3A_64] : memref<2x4000xi32, #tpu.memory_space<vmem>> -> memref<1x4000xi32, #tpu.memory_space<vmem>>
          %dma_wait3A_66 = tpu.memref_squeeze %dma_wait3A_65 : memref<1x4000xi32, #tpu.memory_space<vmem>> -> memref<4000xi32, #tpu.memory_space<vmem>>
          %dma_wait3A_67 = arith.constant 0 : i32
          %dma_wait3A_68 = tpu.memref_slice %arg2[%dma_wait3A_67] : memref<401408xi32, #tpu.memory_space<hbm>> -> memref<4000xi32, #tpu.memory_space<hbm>>
          %dma_wait3A_69 = arith.constant 0 : i32
          %dma_wait3A_70 = tpu.memref_slice %arg5[%dma_wait3A, %dma_wait3A_69] : memref<2x4000xi32, #tpu.memory_space<vmem>> -> memref<1x4000xi32, #tpu.memory_space<vmem>>
          %dma_wait3A_71 = tpu.memref_squeeze %dma_wait3A_70 : memref<1x4000xi32, #tpu.memory_space<vmem>> -> memref<4000xi32, #tpu.memory_space<vmem>>
          %dma_wait3A_72 = arith.constant 0 : i32
          %dma_wait3A_73 = tpu.memref_slice %arg2[%dma_wait3A_72] : memref<401408xi32, #tpu.memory_space<hbm>> -> memref<4000xi32, #tpu.memory_space<hbm>>
          tpu.wait_dma2 semaphore(%arg6 : memref<!tpu.dma_semaphore, #tpu.memory_space<semaphore_mem>>) src(%dma_wait3A_73 : memref<4000xi32, #tpu.memory_space<hbm>>) dst(%dma_wait3A_71 : memref<4000xi32, #tpu.memory_space<vmem>>)
          %scan3A_74 = arith.constant 0 : i32
          %scan3A_75 = arith.constant 25 : i32
          %scan3A_76 = arith.addi %scan3A_74, %scan3A_75 : i32
          %scan3A_77 = arith.constant 1 : i32
          scf.for %scan3A_86 = %scan3A_74 to %scan3A_76 step %scan3A_77  : i32 {
            %mul3A_87 = arith.constant 10 : i32
            %mul3A_88 = arith.muli %scan3A_86, %mul3A_87 : i32
            %add3A_89 = arith.constant 0 : i32
            %add3A_90 = arith.addi %mul3A_88, %add3A_89 : i32
            %mul3A_91 = arith.constant 16 : i32
            %mul3A_92 = arith.muli %add3A_90, %mul3A_91 : i32
            %get3A = arith.constant 0 : i32
            %get3A_93 = arith.constant 0 : i32
            %get3A_94 = tpu.memref_slice %arg5[%get3A, %get3A_93] : memref<2x4000xi32, #tpu.memory_space<vmem>> -> memref<1x4000xi32, #tpu.memory_space<vmem>>
            %get3A_95 = tpu.memref_squeeze %get3A_94 : memref<1x4000xi32, #tpu.memory_space<vmem>> -> memref<4000xi32, #tpu.memory_space<vmem>>
            %get3A_96 = arith.index_cast %mul3A_92 : i32 to index
            %get3A_97 = tpu.vector_load %get3A_95[%get3A_96] {strides = array<i32>} : memref<4000xi32, #tpu.memory_space<vmem>>, vector<16xi32>,
            %mul3A_98 = arith.constant 10 : i32
            %mul3A_99 = arith.muli %scan3A_86, %mul3A_98 : i32
            %add3A_100 = arith.constant 1 : i32
            %add3A_101 = arith.addi %mul3A_99, %add3A_100 : i32
            %mul3A_102 = arith.constant 16 : i32
            %mul3A_103 = arith.muli %add3A_101, %mul3A_102 : i32
            %get3A_104 = arith.constant 0 : i32
            %get3A_105 = arith.constant 0 : i32
            %get3A_106 = tpu.memref_slice %arg5[%get3A_104, %get3A_105] : memref<2x4000xi32, #tpu.memory_space<vmem>> -> memref<1x4000xi32, #tpu.memory_space<vmem>>
            %get3A_107 = tpu.memref_squeeze %get3A_106 : memref<1x4000xi32, #tpu.memory_space<vmem>> -> memref<4000xi32, #tpu.memory_space<vmem>>
            %get3A_108 = arith.index_cast %mul3A_103 : i32 to index
            %get3A_109 = tpu.vector_load %get3A_107[%get3A_108] {strides = array<i32>} : memref<4000xi32, #tpu.memory_space<vmem>>, vector<16xi32>,
            %mul3A_110 = arith.constant 10 : i32
            %mul3A_111 = arith.muli %scan3A_86, %mul3A_110 : i32
            %add3A_112 = arith.constant 2 : i32
            %add3A_113 = arith.addi %mul3A_111, %add3A_112 : i32
            %mul3A_114 = arith.constant 16 : i32
            %mul3A_115 = arith.muli %add3A_113, %mul3A_114 : i32
            %get3A_116 = arith.constant 0 : i32
            %get3A_117 = arith.constant 0 : i32
            %get3A_118 = tpu.memref_slice %arg5[%get3A_116, %get3A_117] : memref<2x4000xi32, #tpu.memory_space<vmem>> -> memref<1x4000xi32, #tpu.memory_space<vmem>>
            %get3A_119 = tpu.memref_squeeze %get3A_118 : memref<1x4000xi32, #tpu.memory_space<vmem>> -> memref<4000xi32, #tpu.memory_space<vmem>>
            %get3A_120 = arith.index_cast %mul3A_115 : i32 to index
            %get3A_121 = tpu.vector_load %get3A_119[%get3A_120] {strides = array<i32>} : memref<4000xi32, #tpu.memory_space<vmem>>, vector<16xi32>,
            %mul3A_122 = arith.constant 10 : i32
            %mul3A_123 = arith.muli %scan3A_86, %mul3A_122 : i32
            %add3A_124 = arith.constant 3 : i32
            %add3A_125 = arith.addi %mul3A_123, %add3A_124 : i32
            %mul3A_126 = arith.constant 16 : i32
            %mul3A_127 = arith.muli %add3A_125, %mul3A_126 : i32
            %get3A_128 = arith.constant 0 : i32
            %get3A_129 = arith.constant 0 : i32
            %get3A_130 = tpu.memref_slice %arg5[%get3A_128, %get3A_129] : memref<2x4000xi32, #tpu.memory_space<vmem>> -> memref<1x4000xi32, #tpu.memory_space<vmem>>
            %get3A_131 = tpu.memref_squeeze %get3A_130 : memref<1x4000xi32, #tpu.memory_space<vmem>> -> memref<4000xi32, #tpu.memory_space<vmem>>
            %get3A_132 = arith.index_cast %mul3A_127 : i32 to index
            %get3A_133 = tpu.vector_load %get3A_131[%get3A_132] {strides = array<i32>} : memref<4000xi32, #tpu.memory_space<vmem>>, vector<16xi32>,
            %mul3A_134 = arith.constant 10 : i32
            %mul3A_135 = arith.muli %scan3A_86, %mul3A_134 : i32
            %add3A_136 = arith.constant 4 : i32
            %add3A_137 = arith.addi %mul3A_135, %add3A_136 : i32
            %mul3A_138 = arith.constant 16 : i32
            %mul3A_139 = arith.muli %add3A_137, %mul3A_138 : i32
            %get3A_140 = arith.constant 0 : i32
            %get3A_141 = arith.constant 0 : i32
            %get3A_142 = tpu.memref_slice %arg5[%get3A_140, %get3A_141] : memref<2x4000xi32, #tpu.memory_space<vmem>> -> memref<1x4000xi32, #tpu.memory_space<vmem>>
            %get3A_143 = tpu.memref_squeeze %get3A_142 : memref<1x4000xi32, #tpu.memory_space<vmem>> -> memref<4000xi32, #tpu.memory_space<vmem>>
            %get3A_144 = arith.index_cast %mul3A_139 : i32 to index
            %get3A_145 = tpu.vector_load %get3A_143[%get3A_144] {strides = array<i32>} : memref<4000xi32, #tpu.memory_space<vmem>>, vector<16xi32>,
            %mul3A_146 = arith.constant 10 : i32
            %mul3A_147 = arith.muli %scan3A_86, %mul3A_146 : i32
            %add3A_148 = arith.constant 5 : i32
            %add3A_149 = arith.addi %mul3A_147, %add3A_148 : i32
            %mul3A_150 = arith.constant 16 : i32
            %mul3A_151 = arith.muli %add3A_149, %mul3A_150 : i32
            %get3A_152 = arith.constant 0 : i32
            %get3A_153 = arith.constant 0 : i32
            %get3A_154 = tpu.memref_slice %arg5[%get3A_152, %get3A_153] : memref<2x4000xi32, #tpu.memory_space<vmem>> -> memref<1x4000xi32, #tpu.memory_space<vmem>>
            %get3A_155 = tpu.memref_squeeze %get3A_154 : memref<1x4000xi32, #tpu.memory_space<vmem>> -> memref<4000xi32, #tpu.memory_space<vmem>>
            %get3A_156 = arith.index_cast %mul3A_151 : i32 to index
            %get3A_157 = tpu.vector_load %get3A_155[%get3A_156] {strides = array<i32>} : memref<4000xi32, #tpu.memory_space<vmem>>, vector<16xi32>,
            %mul3A_158 = arith.constant 10 : i32
            %mul3A_159 = arith.muli %scan3A_86, %mul3A_158 : i32
            %add3A_160 = arith.constant 6 : i32
            %add3A_161 = arith.addi %mul3A_159, %add3A_160 : i32
            %mul3A_162 = arith.constant 16 : i32
            %mul3A_163 = arith.muli %add3A_161, %mul3A_162 : i32
            %get3A_164 = arith.constant 0 : i32
            %get3A_165 = arith.constant 0 : i32
            %get3A_166 = tpu.memref_slice %arg5[%get3A_164, %get3A_165] : memref<2x4000xi32, #tpu.memory_space<vmem>> -> memref<1x4000xi32, #tpu.memory_space<vmem>>
            %get3A_167 = tpu.memref_squeeze %get3A_166 : memref<1x4000xi32, #tpu.memory_space<vmem>> -> memref<4000xi32, #tpu.memory_space<vmem>>
            %get3A_168 = arith.index_cast %mul3A_163 : i32 to index
            %get3A_169 = tpu.vector_load %get3A_167[%get3A_168] {strides = array<i32>} : memref<4000xi32, #tpu.memory_space<vmem>>, vector<16xi32>,
            %mul3A_170 = arith.constant 10 : i32
            %mul3A_171 = arith.muli %scan3A_86, %mul3A_170 : i32
            %add3A_172 = arith.constant 7 : i32
            %add3A_173 = arith.addi %mul3A_171, %add3A_172 : i32
            %mul3A_174 = arith.constant 16 : i32
            %mul3A_175 = arith.muli %add3A_173, %mul3A_174 : i32
            %get3A_176 = arith.constant 0 : i32
            %get3A_177 = arith.constant 0 : i32
            %get3A_178 = tpu.memref_slice %arg5[%get3A_176, %get3A_177] : memref<2x4000xi32, #tpu.memory_space<vmem>> -> memref<1x4000xi32, #tpu.memory_space<vmem>>
            %get3A_179 = tpu.memref_squeeze %get3A_178 : memref<1x4000xi32, #tpu.memory_space<vmem>> -> memref<4000xi32, #tpu.memory_space<vmem>>
            %get3A_180 = arith.index_cast %mul3A_175 : i32 to index
            %get3A_181 = tpu.vector_load %get3A_179[%get3A_180] {strides = array<i32>} : memref<4000xi32, #tpu.memory_space<vmem>>, vector<16xi32>,
            %mul3A_182 = arith.constant 10 : i32
            %mul3A_183 = arith.muli %scan3A_86, %mul3A_182 : i32
            %add3A_184 = arith.constant 8 : i32
            %add3A_185 = arith.addi %mul3A_183, %add3A_184 : i32
            %mul3A_186 = arith.constant 16 : i32
            %mul3A_187 = arith.muli %add3A_185, %mul3A_186 : i32
            %get3A_188 = arith.constant 0 : i32
            %get3A_189 = arith.constant 0 : i32
            %get3A_190 = tpu.memref_slice %arg5[%get3A_188, %get3A_189] : memref<2x4000xi32, #tpu.memory_space<vmem>> -> memref<1x4000xi32, #tpu.memory_space<vmem>>
            %get3A_191 = tpu.memref_squeeze %get3A_190 : memref<1x4000xi32, #tpu.memory_space<vmem>> -> memref<4000xi32, #tpu.memory_space<vmem>>
            %get3A_192 = arith.index_cast %mul3A_187 : i32 to index
            %get3A_193 = tpu.vector_load %get3A_191[%get3A_192] {strides = array<i32>} : memref<4000xi32, #tpu.memory_space<vmem>>, vector<16xi32>,
            %mul3A_194 = arith.constant 10 : i32
            %mul3A_195 = arith.muli %scan3A_86, %mul3A_194 : i32
            %add3A_196 = arith.constant 9 : i32
            %add3A_197 = arith.addi %mul3A_195, %add3A_196 : i32
            %mul3A_198 = arith.constant 16 : i32
            %mul3A_199 = arith.muli %add3A_197, %mul3A_198 : i32
            %get3A_200 = arith.constant 0 : i32
            %get3A_201 = arith.constant 0 : i32
            %get3A_202 = tpu.memref_slice %arg5[%get3A_200, %get3A_201] : memref<2x4000xi32, #tpu.memory_space<vmem>> -> memref<1x4000xi32, #tpu.memory_space<vmem>>
            %get3A_203 = tpu.memref_squeeze %get3A_202 : memref<1x4000xi32, #tpu.memory_space<vmem>> -> memref<4000xi32, #tpu.memory_space<vmem>>
            %get3A_204 = arith.index_cast %mul3A_199 : i32 to index
            %get3A_205 = tpu.vector_load %get3A_203[%get3A_204] {strides = array<i32>} : memref<4000xi32, #tpu.memory_space<vmem>>, vector<16xi32>,
            tpu.vector_store_idx %arg4[%get3A_97], %broadcast_in_dim3A_2 {add = true} : memref<32768xf32, #tpu.memory_space<vmem>>[vector<16xi32>], vector<16xf32>,
            tpu.vector_store_idx %arg4[%get3A_109], %broadcast_in_dim3A_2 {add = true} : memref<32768xf32, #tpu.memory_space<vmem>>[vector<16xi32>], vector<16xf32>,
            tpu.vector_store_idx %arg4[%get3A_121], %broadcast_in_dim3A_2 {add = true} : memref<32768xf32, #tpu.memory_space<vmem>>[vector<16xi32>], vector<16xf32>,
            tpu.vector_store_idx %arg4[%get3A_133], %broadcast_in_dim3A_2 {add = true} : memref<32768xf32, #tpu.memory_space<vmem>>[vector<16xi32>], vector<16xf32>,
            tpu.vector_store_idx %arg4[%get3A_145], %broadcast_in_dim3A_2 {add = true} : memref<32768xf32, #tpu.memory_space<vmem>>[vector<16xi32>], vector<16xf32>,
            tpu.vector_store_idx %arg4[%get3A_157], %broadcast_in_dim3A_2 {add = true} : memref<32768xf32, #tpu.memory_space<vmem>>[vector<16xi32>], vector<16xf32>,
            tpu.vector_store_idx %arg4[%get3A_169], %broadcast_in_dim3A_2 {add = true} : memref<32768xf32, #tpu.memory_space<vmem>>[vector<16xi32>], vector<16xf32>,
            tpu.vector_store_idx %arg4[%get3A_181], %broadcast_in_dim3A_2 {add = true} : memref<32768xf32, #tpu.memory_space<vmem>>[vector<16xi32>], vector<16xf32>,
            tpu.vector_store_idx %arg4[%get3A_193], %broadcast_in_dim3A_2 {add = true} : memref<32768xf32, #tpu.memory_space<vmem>>[vector<16xi32>], vector<16xf32>,
            tpu.vector_store_idx %arg4[%get3A_205], %broadcast_in_dim3A_2 {add = true} : memref<32768xf32, #tpu.memory_space<vmem>>[vector<16xi32>], vector<16xf32>,
          }
          %scan3A_78 = arith.constant 25 : i32
          %add3A_79 = arith.constant 2 : i32
          %add3A_80 = arith.addi %add3A_49, %add3A_79 : i32
          %lt3A_81 = arith.constant 25 : i32
          %lt3A_82 = arith.cmpi slt, %add3A_80, %lt3A_81 : i32
          %convert_element_type3A_83 = arith.extui %lt3A_82 : i1 to i32
          %cond3A_84 = arith.constant 0 : i32
          %cond3A_85 = arith.cmpi ne, %convert_element_type3A_83, %cond3A_84 : i32
          scf.if %cond3A_85 {
            %add3A_86 = arith.constant 2 : i32
            %add3A_87 = arith.addi %add3A_49, %add3A_86 : i32
            %mul3A_88 = arith.constant 100352 : i32
            %mul3A_89 = arith.muli %arg1, %mul3A_88 : i32
            %mul3A_90 = arith.constant 4000 : i32
            %mul3A_91 = arith.muli %add3A_87, %mul3A_90 : i32
            %add3A_92 = arith.addi %mul3A_89, %mul3A_91 : i32
            %dma_start3A_93 = arith.constant 0 : i32
            %dma_start3A_94 = arith.constant 0 : i32
            %dma_start3A_95 = tpu.memref_slice %arg5[%dma_start3A_93, %dma_start3A_94] : memref<2x4000xi32, #tpu.memory_space<vmem>> -> memref<1x4000xi32, #tpu.memory_space<vmem>>
            %dma_start3A_96 = tpu.memref_squeeze %dma_start3A_95 : memref<1x4000xi32, #tpu.memory_space<vmem>> -> memref<4000xi32, #tpu.memory_space<vmem>>
            %dma_start3A_97 = tpu.memref_slice %arg2[%add3A_92] : memref<401408xi32, #tpu.memory_space<hbm>> -> memref<4000xi32, #tpu.memory_space<hbm>>
            %dma_start3A_98 = arith.constant 0 : i32
            %dma_start3A_99 = tpu.memref_slice %arg5[%dma_start3A_93, %dma_start3A_98] : memref<2x4000xi32, #tpu.memory_space<vmem>> -> memref<1x4000xi32, #tpu.memory_space<vmem>>
            %dma_start3A_100 = tpu.memref_squeeze %dma_start3A_99 : memref<1x4000xi32, #tpu.memory_space<vmem>> -> memref<4000xi32, #tpu.memory_space<vmem>>
            %dma_start3A_101 = tpu.memref_slice %arg2[%add3A_92] : memref<401408xi32, #tpu.memory_space<hbm>> -> memref<4000xi32, #tpu.memory_space<hbm>>
            tpu.enqueue_dma source(%dma_start3A_101 : memref<4000xi32, #tpu.memory_space<hbm>>) target(%dma_start3A_100 : memref<4000xi32, #tpu.memory_space<vmem>>) target_semaphore(%arg6 : memref<!tpu.dma_semaphore, #tpu.memory_space<semaphore_mem>>)
          } else {
          }
        } else {
        }
        %mul3A_55 = arith.constant 2 : i32
        %mul3A_56 = arith.muli %scan3A_45, %mul3A_55 : i32
        %add3A_57 = arith.constant 1 : i32
        %add3A_58 = arith.addi %mul3A_56, %add3A_57 : i32
        %lt3A_59 = arith.constant 25 : i32
        %lt3A_60 = arith.cmpi slt, %add3A_58, %lt3A_59 : i32
        %convert_element_type3A_61 = arith.extui %lt3A_60 : i1 to i32
        %cond3A_62 = arith.constant 0 : i32
        %cond3A_63 = arith.cmpi ne, %convert_element_type3A_61, %cond3A_62 : i32
        scf.if %cond3A_63 {
          %dma_wait3A = arith.constant 1 : i32
          %dma_wait3A_64 = arith.constant 0 : i32
          %dma_wait3A_65 = tpu.memref_slice %arg5[%dma_wait3A, %dma_wait3A_64] : memref<2x4000xi32, #tpu.memory_space<vmem>> -> memref<1x4000xi32, #tpu.memory_space<vmem>>
          %dma_wait3A_66 = tpu.memref_squeeze %dma_wait3A_65 : memref<1x4000xi32, #tpu.memory_space<vmem>> -> memref<4000xi32, #tpu.memory_space<vmem>>
          %dma_wait3A_67 = arith.constant 0 : i32
          %dma_wait3A_68 = tpu.memref_slice %arg2[%dma_wait3A_67] : memref<401408xi32, #tpu.memory_space<hbm>> -> memref<4000xi32, #tpu.memory_space<hbm>>
          %dma_wait3A_69 = arith.constant 0 : i32
          %dma_wait3A_70 = tpu.memref_slice %arg5[%dma_wait3A, %dma_wait3A_69] : memref<2x4000xi32, #tpu.memory_space<vmem>> -> memref<1x4000xi32, #tpu.memory_space<vmem>>
          %dma_wait3A_71 = tpu.memref_squeeze %dma_wait3A_70 : memref<1x4000xi32, #tpu.memory_space<vmem>> -> memref<4000xi32, #tpu.memory_space<vmem>>
          %dma_wait3A_72 = arith.constant 0 : i32
          %dma_wait3A_73 = tpu.memref_slice %arg2[%dma_wait3A_72] : memref<401408xi32, #tpu.memory_space<hbm>> -> memref<4000xi32, #tpu.memory_space<hbm>>
          tpu.wait_dma2 semaphore(%arg7 : memref<!tpu.dma_semaphore, #tpu.memory_space<semaphore_mem>>) src(%dma_wait3A_73 : memref<4000xi32, #tpu.memory_space<hbm>>) dst(%dma_wait3A_71 : memref<4000xi32, #tpu.memory_space<vmem>>)
          %scan3A_74 = arith.constant 0 : i32
          %scan3A_75 = arith.constant 25 : i32
          %scan3A_76 = arith.addi %scan3A_74, %scan3A_75 : i32
          %scan3A_77 = arith.constant 1 : i32
          scf.for %scan3A_86 = %scan3A_74 to %scan3A_76 step %scan3A_77  : i32 {
            %mul3A_87 = arith.constant 10 : i32
            %mul3A_88 = arith.muli %scan3A_86, %mul3A_87 : i32
            %add3A_89 = arith.constant 0 : i32
            %add3A_90 = arith.addi %mul3A_88, %add3A_89 : i32
            %mul3A_91 = arith.constant 16 : i32
            %mul3A_92 = arith.muli %add3A_90, %mul3A_91 : i32
            %get3A = arith.constant 1 : i32
            %get3A_93 = arith.constant 0 : i32
            %get3A_94 = tpu.memref_slice %arg5[%get3A, %get3A_93] : memref<2x4000xi32, #tpu.memory_space<vmem>> -> memref<1x4000xi32, #tpu.memory_space<vmem>>
            %get3A_95 = tpu.memref_squeeze %get3A_94 : memref<1x4000xi32, #tpu.memory_space<vmem>> -> memref<4000xi32, #tpu.memory_space<vmem>>
            %get3A_96 = arith.index_cast %mul3A_92 : i32 to index
            %get3A_97 = tpu.vector_load %get3A_95[%get3A_96] {strides = array<i32>} : memref<4000xi32, #tpu.memory_space<vmem>>, vector<16xi32>,
            %mul3A_98 = arith.constant 10 : i32
            %mul3A_99 = arith.muli %scan3A_86, %mul3A_98 : i32
            %add3A_100 = arith.constant 1 : i32
            %add3A_101 = arith.addi %mul3A_99, %add3A_100 : i32
            %mul3A_102 = arith.constant 16 : i32
            %mul3A_103 = arith.muli %add3A_101, %mul3A_102 : i32
            %get3A_104 = arith.constant 1 : i32
            %get3A_105 = arith.constant 0 : i32
            %get3A_106 = tpu.memref_slice %arg5[%get3A_104, %get3A_105] : memref<2x4000xi32, #tpu.memory_space<vmem>> -> memref<1x4000xi32, #tpu.memory_space<vmem>>
            %get3A_107 = tpu.memref_squeeze %get3A_106 : memref<1x4000xi32, #tpu.memory_space<vmem>> -> memref<4000xi32, #tpu.memory_space<vmem>>
            %get3A_108 = arith.index_cast %mul3A_103 : i32 to index
            %get3A_109 = tpu.vector_load %get3A_107[%get3A_108] {strides = array<i32>} : memref<4000xi32, #tpu.memory_space<vmem>>, vector<16xi32>,
            %mul3A_110 = arith.constant 10 : i32
            %mul3A_111 = arith.muli %scan3A_86, %mul3A_110 : i32
            %add3A_112 = arith.constant 2 : i32
            %add3A_113 = arith.addi %mul3A_111, %add3A_112 : i32
            %mul3A_114 = arith.constant 16 : i32
            %mul3A_115 = arith.muli %add3A_113, %mul3A_114 : i32
            %get3A_116 = arith.constant 1 : i32
            %get3A_117 = arith.constant 0 : i32
            %get3A_118 = tpu.memref_slice %arg5[%get3A_116, %get3A_117] : memref<2x4000xi32, #tpu.memory_space<vmem>> -> memref<1x4000xi32, #tpu.memory_space<vmem>>
            %get3A_119 = tpu.memref_squeeze %get3A_118 : memref<1x4000xi32, #tpu.memory_space<vmem>> -> memref<4000xi32, #tpu.memory_space<vmem>>
            %get3A_120 = arith.index_cast %mul3A_115 : i32 to index
            %get3A_121 = tpu.vector_load %get3A_119[%get3A_120] {strides = array<i32>} : memref<4000xi32, #tpu.memory_space<vmem>>, vector<16xi32>,
            %mul3A_122 = arith.constant 10 : i32
            %mul3A_123 = arith.muli %scan3A_86, %mul3A_122 : i32
            %add3A_124 = arith.constant 3 : i32
            %add3A_125 = arith.addi %mul3A_123, %add3A_124 : i32
            %mul3A_126 = arith.constant 16 : i32
            %mul3A_127 = arith.muli %add3A_125, %mul3A_126 : i32
            %get3A_128 = arith.constant 1 : i32
            %get3A_129 = arith.constant 0 : i32
            %get3A_130 = tpu.memref_slice %arg5[%get3A_128, %get3A_129] : memref<2x4000xi32, #tpu.memory_space<vmem>> -> memref<1x4000xi32, #tpu.memory_space<vmem>>
            %get3A_131 = tpu.memref_squeeze %get3A_130 : memref<1x4000xi32, #tpu.memory_space<vmem>> -> memref<4000xi32, #tpu.memory_space<vmem>>
            %get3A_132 = arith.index_cast %mul3A_127 : i32 to index
            %get3A_133 = tpu.vector_load %get3A_131[%get3A_132] {strides = array<i32>} : memref<4000xi32, #tpu.memory_space<vmem>>, vector<16xi32>,
            %mul3A_134 = arith.constant 10 : i32
            %mul3A_135 = arith.muli %scan3A_86, %mul3A_134 : i32
            %add3A_136 = arith.constant 4 : i32
            %add3A_137 = arith.addi %mul3A_135, %add3A_136 : i32
            %mul3A_138 = arith.constant 16 : i32
            %mul3A_139 = arith.muli %add3A_137, %mul3A_138 : i32
            %get3A_140 = arith.constant 1 : i32
            %get3A_141 = arith.constant 0 : i32
            %get3A_142 = tpu.memref_slice %arg5[%get3A_140, %get3A_141] : memref<2x4000xi32, #tpu.memory_space<vmem>> -> memref<1x4000xi32, #tpu.memory_space<vmem>>
            %get3A_143 = tpu.memref_squeeze %get3A_142 : memref<1x4000xi32, #tpu.memory_space<vmem>> -> memref<4000xi32, #tpu.memory_space<vmem>>
            %get3A_144 = arith.index_cast %mul3A_139 : i32 to index
            %get3A_145 = tpu.vector_load %get3A_143[%get3A_144] {strides = array<i32>} : memref<4000xi32, #tpu.memory_space<vmem>>, vector<16xi32>,
            %mul3A_146 = arith.constant 10 : i32
            %mul3A_147 = arith.muli %scan3A_86, %mul3A_146 : i32
            %add3A_148 = arith.constant 5 : i32
            %add3A_149 = arith.addi %mul3A_147, %add3A_148 : i32
            %mul3A_150 = arith.constant 16 : i32
            %mul3A_151 = arith.muli %add3A_149, %mul3A_150 : i32
            %get3A_152 = arith.constant 1 : i32
            %get3A_153 = arith.constant 0 : i32
            %get3A_154 = tpu.memref_slice %arg5[%get3A_152, %get3A_153] : memref<2x4000xi32, #tpu.memory_space<vmem>> -> memref<1x4000xi32, #tpu.memory_space<vmem>>
            %get3A_155 = tpu.memref_squeeze %get3A_154 : memref<1x4000xi32, #tpu.memory_space<vmem>> -> memref<4000xi32, #tpu.memory_space<vmem>>
            %get3A_156 = arith.index_cast %mul3A_151 : i32 to index
            %get3A_157 = tpu.vector_load %get3A_155[%get3A_156] {strides = array<i32>} : memref<4000xi32, #tpu.memory_space<vmem>>, vector<16xi32>,
            %mul3A_158 = arith.constant 10 : i32
            %mul3A_159 = arith.muli %scan3A_86, %mul3A_158 : i32
            %add3A_160 = arith.constant 6 : i32
            %add3A_161 = arith.addi %mul3A_159, %add3A_160 : i32
            %mul3A_162 = arith.constant 16 : i32
            %mul3A_163 = arith.muli %add3A_161, %mul3A_162 : i32
            %get3A_164 = arith.constant 1 : i32
            %get3A_165 = arith.constant 0 : i32
            %get3A_166 = tpu.memref_slice %arg5[%get3A_164, %get3A_165] : memref<2x4000xi32, #tpu.memory_space<vmem>> -> memref<1x4000xi32, #tpu.memory_space<vmem>>
            %get3A_167 = tpu.memref_squeeze %get3A_166 : memref<1x4000xi32, #tpu.memory_space<vmem>> -> memref<4000xi32, #tpu.memory_space<vmem>>
            %get3A_168 = arith.index_cast %mul3A_163 : i32 to index
            %get3A_169 = tpu.vector_load %get3A_167[%get3A_168] {strides = array<i32>} : memref<4000xi32, #tpu.memory_space<vmem>>, vector<16xi32>,
            %mul3A_170 = arith.constant 10 : i32
            %mul3A_171 = arith.muli %scan3A_86, %mul3A_170 : i32
            %add3A_172 = arith.constant 7 : i32
            %add3A_173 = arith.addi %mul3A_171, %add3A_172 : i32
            %mul3A_174 = arith.constant 16 : i32
            %mul3A_175 = arith.muli %add3A_173, %mul3A_174 : i32
            %get3A_176 = arith.constant 1 : i32
            %get3A_177 = arith.constant 0 : i32
            %get3A_178 = tpu.memref_slice %arg5[%get3A_176, %get3A_177] : memref<2x4000xi32, #tpu.memory_space<vmem>> -> memref<1x4000xi32, #tpu.memory_space<vmem>>
            %get3A_179 = tpu.memref_squeeze %get3A_178 : memref<1x4000xi32, #tpu.memory_space<vmem>> -> memref<4000xi32, #tpu.memory_space<vmem>>
            %get3A_180 = arith.index_cast %mul3A_175 : i32 to index
            %get3A_181 = tpu.vector_load %get3A_179[%get3A_180] {strides = array<i32>} : memref<4000xi32, #tpu.memory_space<vmem>>, vector<16xi32>,
            %mul3A_182 = arith.constant 10 : i32
            %mul3A_183 = arith.muli %scan3A_86, %mul3A_182 : i32
            %add3A_184 = arith.constant 8 : i32
            %add3A_185 = arith.addi %mul3A_183, %add3A_184 : i32
            %mul3A_186 = arith.constant 16 : i32
            %mul3A_187 = arith.muli %add3A_185, %mul3A_186 : i32
            %get3A_188 = arith.constant 1 : i32
            %get3A_189 = arith.constant 0 : i32
            %get3A_190 = tpu.memref_slice %arg5[%get3A_188, %get3A_189] : memref<2x4000xi32, #tpu.memory_space<vmem>> -> memref<1x4000xi32, #tpu.memory_space<vmem>>
            %get3A_191 = tpu.memref_squeeze %get3A_190 : memref<1x4000xi32, #tpu.memory_space<vmem>> -> memref<4000xi32, #tpu.memory_space<vmem>>
            %get3A_192 = arith.index_cast %mul3A_187 : i32 to index
            %get3A_193 = tpu.vector_load %get3A_191[%get3A_192] {strides = array<i32>} : memref<4000xi32, #tpu.memory_space<vmem>>, vector<16xi32>,
            %mul3A_194 = arith.constant 10 : i32
            %mul3A_195 = arith.muli %scan3A_86, %mul3A_194 : i32
            %add3A_196 = arith.constant 9 : i32
            %add3A_197 = arith.addi %mul3A_195, %add3A_196 : i32
            %mul3A_198 = arith.constant 16 : i32
            %mul3A_199 = arith.muli %add3A_197, %mul3A_198 : i32
            %get3A_200 = arith.constant 1 : i32
            %get3A_201 = arith.constant 0 : i32
            %get3A_202 = tpu.memref_slice %arg5[%get3A_200, %get3A_201] : memref<2x4000xi32, #tpu.memory_space<vmem>> -> memref<1x4000xi32, #tpu.memory_space<vmem>>
            %get3A_203 = tpu.memref_squeeze %get3A_202 : memref<1x4000xi32, #tpu.memory_space<vmem>> -> memref<4000xi32, #tpu.memory_space<vmem>>
            %get3A_204 = arith.index_cast %mul3A_199 : i32 to index
            %get3A_205 = tpu.vector_load %get3A_203[%get3A_204] {strides = array<i32>} : memref<4000xi32, #tpu.memory_space<vmem>>, vector<16xi32>,
            tpu.vector_store_idx %arg4[%get3A_97], %broadcast_in_dim3A_2 {add = true} : memref<32768xf32, #tpu.memory_space<vmem>>[vector<16xi32>], vector<16xf32>,
            tpu.vector_store_idx %arg4[%get3A_109], %broadcast_in_dim3A_2 {add = true} : memref<32768xf32, #tpu.memory_space<vmem>>[vector<16xi32>], vector<16xf32>,
            tpu.vector_store_idx %arg4[%get3A_121], %broadcast_in_dim3A_2 {add = true} : memref<32768xf32, #tpu.memory_space<vmem>>[vector<16xi32>], vector<16xf32>,
            tpu.vector_store_idx %arg4[%get3A_133], %broadcast_in_dim3A_2 {add = true} : memref<32768xf32, #tpu.memory_space<vmem>>[vector<16xi32>], vector<16xf32>,
            tpu.vector_store_idx %arg4[%get3A_145], %broadcast_in_dim3A_2 {add = true} : memref<32768xf32, #tpu.memory_space<vmem>>[vector<16xi32>], vector<16xf32>,
            tpu.vector_store_idx %arg4[%get3A_157], %broadcast_in_dim3A_2 {add = true} : memref<32768xf32, #tpu.memory_space<vmem>>[vector<16xi32>], vector<16xf32>,
            tpu.vector_store_idx %arg4[%get3A_169], %broadcast_in_dim3A_2 {add = true} : memref<32768xf32, #tpu.memory_space<vmem>>[vector<16xi32>], vector<16xf32>,
            tpu.vector_store_idx %arg4[%get3A_181], %broadcast_in_dim3A_2 {add = true} : memref<32768xf32, #tpu.memory_space<vmem>>[vector<16xi32>], vector<16xf32>,
            tpu.vector_store_idx %arg4[%get3A_193], %broadcast_in_dim3A_2 {add = true} : memref<32768xf32, #tpu.memory_space<vmem>>[vector<16xi32>], vector<16xf32>,
            tpu.vector_store_idx %arg4[%get3A_205], %broadcast_in_dim3A_2 {add = true} : memref<32768xf32, #tpu.memory_space<vmem>>[vector<16xi32>], vector<16xf32>,
          }
          %scan3A_78 = arith.constant 25 : i32
          %add3A_79 = arith.constant 2 : i32
          %add3A_80 = arith.addi %add3A_58, %add3A_79 : i32
          %lt3A_81 = arith.constant 25 : i32
          %lt3A_82 = arith.cmpi slt, %add3A_80, %lt3A_81 : i32
          %convert_element_type3A_83 = arith.extui %lt3A_82 : i1 to i32
          %cond3A_84 = arith.constant 0 : i32
          %cond3A_85 = arith.cmpi ne, %convert_element_type3A_83, %cond3A_84 : i32
          scf.if %cond3A_85 {
            %add3A_86 = arith.constant 2 : i32
            %add3A_87 = arith.addi %add3A_58, %add3A_86 : i32
            %mul3A_88 = arith.constant 100352 : i32
            %mul3A_89 = arith.muli %arg1, %mul3A_88 : i32
            %mul3A_90 = arith.constant 4000 : i32
            %mul3A_91 = arith.muli %add3A_87, %mul3A_90 : i32
            %add3A_92 = arith.addi %mul3A_89, %mul3A_91 : i32
            %dma_start3A_93 = arith.constant 1 : i32
            %dma_start3A_94 = arith.constant 0 : i32
            %dma_start3A_95 = tpu.memref_slice %arg5[%dma_start3A_93, %dma_start3A_94] : memref<2x4000xi32, #tpu.memory_space<vmem>> -> memref<1x4000xi32, #tpu.memory_space<vmem>>
            %dma_start3A_96 = tpu.memref_squeeze %dma_start3A_95 : memref<1x4000xi32, #tpu.memory_space<vmem>> -> memref<4000xi32, #tpu.memory_space<vmem>>
            %dma_start3A_97 = tpu.memref_slice %arg2[%add3A_92] : memref<401408xi32, #tpu.memory_space<hbm>> -> memref<4000xi32, #tpu.memory_space<hbm>>
            %dma_start3A_98 = arith.constant 0 : i32
            %dma_start3A_99 = tpu.memref_slice %arg5[%dma_start3A_93, %dma_start3A_98] : memref<2x4000xi32, #tpu.memory_space<vmem>> -> memref<1x4000xi32, #tpu.memory_space<vmem>>
            %dma_start3A_100 = tpu.memref_squeeze %dma_start3A_99 : memref<1x4000xi32, #tpu.memory_space<vmem>> -> memref<4000xi32, #tpu.memory_space<vmem>>
            %dma_start3A_101 = tpu.memref_slice %arg2[%add3A_92] : memref<401408xi32, #tpu.memory_space<hbm>> -> memref<4000xi32, #tpu.memory_space<hbm>>
            tpu.enqueue_dma source(%dma_start3A_101 : memref<4000xi32, #tpu.memory_space<hbm>>) target(%dma_start3A_100 : memref<4000xi32, #tpu.memory_space<vmem>>) target_semaphore(%arg7 : memref<!tpu.dma_semaphore, #tpu.memory_space<semaphore_mem>>)
          } else {
          }
        } else {
        }
      }
      %scan3A_37 = arith.constant 13 : i32
      %scan3A_38 = arith.constant 0 : i32
      %scan3A_39 = arith.constant 512 : i32
      %scan3A_40 = arith.addi %scan3A_38, %scan3A_39 : i32
      %scan3A_41 = arith.constant 1 : i32
      scf.for %scan3A_45 = %scan3A_38 to %scan3A_40 step %scan3A_41  : i32 {
        %mul3A_46 = arith.constant 4 : i32
        %mul3A_47 = arith.muli %scan3A_45, %mul3A_46 : i32
        %add3A_48 = arith.constant 0 : i32
        %add3A_49 = arith.addi %mul3A_47, %add3A_48 : i32
        %mul3A_50 = arith.constant 16 : i32
        %mul3A_51 = arith.muli %add3A_49, %mul3A_50 : i32
        %mul3A_52 = arith.constant 4 : i32
        %mul3A_53 = arith.muli %scan3A_45, %mul3A_52 : i32
        %add3A_54 = arith.constant 1 : i32
        %add3A_55 = arith.addi %mul3A_53, %add3A_54 : i32
        %mul3A_56 = arith.constant 16 : i32
        %mul3A_57 = arith.muli %add3A_55, %mul3A_56 : i32
        %mul3A_58 = arith.constant 4 : i32
        %mul3A_59 = arith.muli %scan3A_45, %mul3A_58 : i32
        %add3A_60 = arith.constant 2 : i32
        %add3A_61 = arith.addi %mul3A_59, %add3A_60 : i32
        %mul3A_62 = arith.constant 16 : i32
        %mul3A_63 = arith.muli %add3A_61, %mul3A_62 : i32
        %mul3A_64 = arith.constant 4 : i32
        %mul3A_65 = arith.muli %scan3A_45, %mul3A_64 : i32
        %add3A_66 = arith.constant 3 : i32
        %add3A_67 = arith.addi %mul3A_65, %add3A_66 : i32
        %mul3A_68 = arith.constant 16 : i32
        %mul3A_69 = arith.muli %add3A_67, %mul3A_68 : i32
        %get3A = arith.index_cast %mul3A_51 : i32 to index
        %get3A_70 = tpu.vector_load %arg4[%get3A] {strides = array<i32>} : memref<32768xf32, #tpu.memory_space<vmem>>, vector<16xf32>,
        %get3A_71 = arith.index_cast %mul3A_57 : i32 to index
        %get3A_72 = tpu.vector_load %arg4[%get3A_71] {strides = array<i32>} : memref<32768xf32, #tpu.memory_space<vmem>>, vector<16xf32>,
        %get3A_73 = arith.index_cast %mul3A_63 : i32 to index
        %get3A_74 = tpu.vector_load %arg4[%get3A_73] {strides = array<i32>} : memref<32768xf32, #tpu.memory_space<vmem>>, vector<16xf32>,
        %get3A_75 = arith.index_cast %mul3A_69 : i32 to index
        %get3A_76 = tpu.vector_load %arg4[%get3A_75] {strides = array<i32>} : memref<32768xf32, #tpu.memory_space<vmem>>, vector<16xf32>,
        %max3A = arith.constant 1.000000e+00 : f32
        %max3A_77 = vector.broadcast %max3A : f32 to vector<16xf32>
        %max3A_78 = arith.maximumf %get3A_70, %max3A_77 : vector<16xf32>
        %div3A = arith.constant 1.000000e+00 : f32
        %div3A_79 = vector.broadcast %div3A : f32 to vector<16xf32>
        %div3A_80 = arith.divf %div3A_79, %max3A_78 : vector<16xf32>
        %swap3A = arith.index_cast %mul3A_51 : i32 to index
        %swap3A_81 = tpu.vector_load %arg4[%swap3A] {strides = array<i32>} : memref<32768xf32, #tpu.memory_space<vmem>>, vector<16xf32>,
        tpu.vector_store %arg4[%swap3A], %div3A_80 {strides = array<i32>} : memref<32768xf32, #tpu.memory_space<vmem>>, vector<16xf32>,
        %max3A_82 = arith.constant 1.000000e+00 : f32
        %max3A_83 = vector.broadcast %max3A_82 : f32 to vector<16xf32>
        %max3A_84 = arith.maximumf %get3A_72, %max3A_83 : vector<16xf32>
        %div3A_85 = arith.constant 1.000000e+00 : f32
        %div3A_86 = vector.broadcast %div3A_85 : f32 to vector<16xf32>
        %div3A_87 = arith.divf %div3A_86, %max3A_84 : vector<16xf32>
        %swap3A_88 = arith.index_cast %mul3A_57 : i32 to index
        %swap3A_89 = tpu.vector_load %arg4[%swap3A_88] {strides = array<i32>} : memref<32768xf32, #tpu.memory_space<vmem>>, vector<16xf32>,
        tpu.vector_store %arg4[%swap3A_88], %div3A_87 {strides = array<i32>} : memref<32768xf32, #tpu.memory_space<vmem>>, vector<16xf32>,
        %max3A_90 = arith.constant 1.000000e+00 : f32
        %max3A_91 = vector.broadcast %max3A_90 : f32 to vector<16xf32>
        %max3A_92 = arith.maximumf %get3A_74, %max3A_91 : vector<16xf32>
        %div3A_93 = arith.constant 1.000000e+00 : f32
        %div3A_94 = vector.broadcast %div3A_93 : f32 to vector<16xf32>
        %div3A_95 = arith.divf %div3A_94, %max3A_92 : vector<16xf32>
        %swap3A_96 = arith.index_cast %mul3A_63 : i32 to index
        %swap3A_97 = tpu.vector_load %arg4[%swap3A_96] {strides = array<i32>} : memref<32768xf32, #tpu.memory_space<vmem>>, vector<16xf32>,
        tpu.vector_store %arg4[%swap3A_96], %div3A_95 {strides = array<i32>} : memref<32768xf32, #tpu.memory_space<vmem>>, vector<16xf32>,
        %max3A_98 = arith.constant 1.000000e+00 : f32
        %max3A_99 = vector.broadcast %max3A_98 : f32 to vector<16xf32>
        %max3A_100 = arith.maximumf %get3A_76, %max3A_99 : vector<16xf32>
        %div3A_101 = arith.constant 1.000000e+00 : f32
        %div3A_102 = vector.broadcast %div3A_101 : f32 to vector<16xf32>
        %div3A_103 = arith.divf %div3A_102, %max3A_100 : vector<16xf32>
        %swap3A_104 = arith.index_cast %mul3A_69 : i32 to index
        %swap3A_105 = tpu.vector_load %arg4[%swap3A_104] {strides = array<i32>} : memref<32768xf32, #tpu.memory_space<vmem>>, vector<16xf32>,
        tpu.vector_store %arg4[%swap3A_104], %div3A_103 {strides = array<i32>} : memref<32768xf32, #tpu.memory_space<vmem>>, vector<16xf32>,
      }
      %scan3A_42 = arith.constant 512 : i32
      %mul3A_43 = arith.constant 32768 : i32
      %mul3A_44 = arith.muli %arg1, %mul3A_43 : i32
      "tpu.region"() ({
        %run_scoped3A = tpu.sem_alloc : memref<!tpu.dma_semaphore, #tpu.memory_space<semaphore_mem>>
        %dma_start3A_45 = tpu.memref_slice %arg3[%mul3A_44] : memref<131072xf32, #tpu.memory_space<hbm>> -> memref<32768xf32, #tpu.memory_space<hbm>>
        %dma_start3A_46 = tpu.memref_slice %arg3[%mul3A_44] : memref<131072xf32, #tpu.memory_space<hbm>> -> memref<32768xf32, #tpu.memory_space<hbm>>
        tpu.enqueue_dma source(%arg4 : memref<32768xf32, #tpu.memory_space<vmem>>) target(%dma_start3A_46 : memref<32768xf32, #tpu.memory_space<hbm>>) target_semaphore(%run_scoped3A : memref<!tpu.dma_semaphore, #tpu.memory_space<semaphore_mem>>)
        %dma_wait3A = tpu.memref_slice %arg3[%mul3A_44] : memref<131072xf32, #tpu.memory_space<hbm>> -> memref<32768xf32, #tpu.memory_space<hbm>>
        %dma_wait3A_47 = tpu.memref_slice %arg3[%mul3A_44] : memref<131072xf32, #tpu.memory_space<hbm>> -> memref<32768xf32, #tpu.memory_space<hbm>>
        tpu.wait_dma2 semaphore(%run_scoped3A : memref<!tpu.dma_semaphore, #tpu.memory_space<semaphore_mem>>) src(%arg4 : memref<32768xf32, #tpu.memory_space<vmem>>) dst(%dma_wait3A_47 : memref<32768xf32, #tpu.memory_space<hbm>>)
        tpu.yield
      }) : () -> ()
    } else {
    }
    return
  }
}

#map = affine_map<(d0, d1) -> (0, 0, 0)>
#map1 = affine_map<(d0, d1) -> (0)>
module attributes {stable_mosaic.version = 14 : i64} {
  func.func @_scatter_body(%arg0: i32, %arg1: i32, %arg2: memref<4x128x100000xf32, #tpu.memory_space<hbm>>, %arg3: memref<401408xi32, #tpu.memory_space<hbm>>, %arg4: memref<131072xf32, #tpu.memory_space<hbm>>, %arg5: memref<4x128x32768xf32, #tpu.memory_space<hbm>>, %arg6: memref<32768xf32, #tpu.memory_space<vmem>>, %arg7: memref<32768xf32, #tpu.memory_space<vmem>>, %arg8: memref<32768xf32, #tpu.memory_space<vmem>>, %arg9: memref<2x4000xi32, #tpu.memory_space<vmem>>, %arg10: memref<2x4000xf32, #tpu.memory_space<vmem>>, %arg11: memref<2x4000xf32, #tpu.memory_space<vmem>>, %arg12: memref<!tpu.dma_semaphore, #tpu.memory_space<semaphore_mem>>, %arg13: memref<!tpu.dma_semaphore, #tpu.memory_space<semaphore_mem>>) attributes {dimension_semantics = [#tpu.dimension_semantics<core_parallel>, #tpu.dimension_semantics<subcore_parallel>], iteration_bounds = array<i64: 2, 16>, scalar_prefetch = 0 : i64, scratch_operands = 8 : i64, tpu.core_type = #tpu.core_type<sc_vector_subcore>, window_params = [{transform_indices = #map}, {transform_indices = #map1}, {transform_indices = #map1}, {transform_indices = #map}]} {
    %jit3A = arith.constant 4 : i32
    %div3A = arith.divsi %arg1, %jit3A : i32
    %sign3A = arith.constant 0 : i32
    %sign3A_0 = arith.cmpi sgt, %arg1, %sign3A : i32
    %sign3A_1 = arith.extui %sign3A_0 : i1 to i32
    %sign3A_2 = arith.constant 0 : i32
    %sign3A_3 = arith.cmpi slt, %arg1, %sign3A_2 : i32
    %sign3A_4 = arith.extui %sign3A_3 : i1 to i32
    %sign3A_5 = arith.subi %sign3A_1, %sign3A_4 : i32
    %sign3A_6 = arith.constant 0 : i32
    %sign3A_7 = arith.cmpi sgt, %jit3A, %sign3A_6 : i32
    %sign3A_8 = arith.extui %sign3A_7 : i1 to i32
    %sign3A_9 = arith.constant 0 : i32
    %sign3A_10 = arith.cmpi slt, %jit3A, %sign3A_9 : i32
    %sign3A_11 = arith.extui %sign3A_10 : i1 to i32
    %sign3A_12 = arith.subi %sign3A_8, %sign3A_11 : i32
    %ne3A = arith.cmpi ne, %sign3A_5, %sign3A_12 : i32
    %rem3A = arith.remsi %arg1, %jit3A : i32
    %ne3A_13 = arith.constant 0 : i32
    %ne3A_14 = arith.cmpi ne, %rem3A, %ne3A_13 : i32
    %and3A = arith.andi %ne3A, %ne3A_14 : i1
    %sub3A = arith.constant 1 : i32
    %sub3A_15 = arith.subi %div3A, %sub3A : i32
    %select_n3A = arith.select %and3A, %sub3A_15, %div3A : i32
    %mul3A = arith.constant 64 : i32
    %mul3A_16 = arith.muli %arg0, %mul3A : i32
    %jit3A_17 = arith.constant 4 : i32
    %eq3A = arith.constant 0 : i32
    %eq3A_18 = arith.cmpi eq, %jit3A_17, %eq3A : i32
    %jit3A_19 = arith.constant 1 : i32
    %select_n3A_20 = arith.select %eq3A_18, %jit3A_19, %jit3A_17 : i32
    %rem3A_21 = arith.remsi %arg1, %select_n3A_20 : i32
    %ne3A_22 = arith.constant 0 : i32
    %ne3A_23 = arith.cmpi ne, %rem3A_21, %ne3A_22 : i32
    %lt3A = arith.constant 0 : i32
    %lt3A_24 = arith.cmpi slt, %rem3A_21, %lt3A : i32
    %lt3A_25 = arith.constant 0 : i32
    %lt3A_26 = arith.cmpi slt, %select_n3A_20, %lt3A_25 : i32
    %ne3A_27 = arith.xori %lt3A_24, %lt3A_26 : i1
    %and3A_28 = arith.andi %ne3A_27, %ne3A_23 : i1
    %add3A = arith.addi %rem3A_21, %select_n3A_20 : i32
    %select_n3A_29 = arith.select %and3A_28, %add3A, %rem3A_21 : i32
    %mul3A_30 = arith.constant 16 : i32
    %mul3A_31 = arith.muli %select_n3A_29, %mul3A_30 : i32
    %add3A_32 = arith.addi %mul3A_16, %mul3A_31 : i32
    %broadcast_in_dim3A = arith.constant 0.000000e+00 : f32
    %broadcast_in_dim3A_33 = vector.broadcast %broadcast_in_dim3A : f32 to vector<16xf32>
    %mul3A_34 = arith.constant 32768 : i32
    %mul3A_35 = arith.muli %select_n3A, %mul3A_34 : i32
    "tpu.region"() ({
      %run_scoped3A = tpu.sem_alloc : memref<!tpu.dma_semaphore, #tpu.memory_space<semaphore_mem>>
      %dma_start3A = tpu.memref_slice %arg4[%mul3A_35] : memref<131072xf32, #tpu.memory_space<hbm>> -> memref<32768xf32, #tpu.memory_space<hbm>>
      %dma_start3A_40 = tpu.memref_slice %arg4[%mul3A_35] : memref<131072xf32, #tpu.memory_space<hbm>> -> memref<32768xf32, #tpu.memory_space<hbm>>
      tpu.enqueue_dma source(%dma_start3A_40 : memref<32768xf32, #tpu.memory_space<hbm>>) target(%arg8 : memref<32768xf32, #tpu.memory_space<vmem>>) target_semaphore(%run_scoped3A : memref<!tpu.dma_semaphore, #tpu.memory_space<semaphore_mem>>)
      %dma_wait3A = tpu.memref_slice %arg4[%mul3A_35] : memref<131072xf32, #tpu.memory_space<hbm>> -> memref<32768xf32, #tpu.memory_space<hbm>>
      %dma_wait3A_41 = tpu.memref_slice %arg4[%mul3A_35] : memref<131072xf32, #tpu.memory_space<hbm>> -> memref<32768xf32, #tpu.memory_space<hbm>>
      tpu.wait_dma2 semaphore(%run_scoped3A : memref<!tpu.dma_semaphore, #tpu.memory_space<semaphore_mem>>) src(%dma_wait3A_41 : memref<32768xf32, #tpu.memory_space<hbm>>) dst(%arg8 : memref<32768xf32, #tpu.memory_space<vmem>>)
      tpu.yield
    }) : () -> ()
    %scan3A = arith.constant 0 : i32
    %scan3A_36 = arith.constant 8 : i32
    %scan3A_37 = arith.addi %scan3A, %scan3A_36 : i32
    %scan3A_38 = arith.constant 1 : i32
    scf.for %scan3A_40 = %scan3A to %scan3A_37 step %scan3A_38  : i32 {
      %mul3A_41 = arith.constant 2 : i32
      %mul3A_42 = arith.muli %mul3A_41, %scan3A_40 : i32
      %add3A_43 = arith.addi %add3A_32, %mul3A_42 : i32
      %add3A_44 = arith.constant 1 : i32
      %add3A_45 = arith.addi %add3A_43, %add3A_44 : i32
      %scan3A_46 = arith.constant 0 : i32
      %scan3A_47 = arith.constant 256 : i32
      %scan3A_48 = arith.addi %scan3A_46, %scan3A_47 : i32
      %scan3A_49 = arith.constant 1 : i32
      scf.for %scan3A_138 = %scan3A_46 to %scan3A_48 step %scan3A_49  : i32 {
        %mul3A_139 = arith.constant 8 : i32
        %mul3A_140 = arith.muli %scan3A_138, %mul3A_139 : i32
        %add3A_141 = arith.constant 0 : i32
        %add3A_142 = arith.addi %mul3A_140, %add3A_141 : i32
        %mul3A_143 = arith.constant 16 : i32
        %mul3A_144 = arith.muli %add3A_142, %mul3A_143 : i32
        %swap3A = arith.index_cast %mul3A_144 : i32 to index
        %swap3A_145 = tpu.vector_load %arg6[%swap3A] {strides = array<i32>} : memref<32768xf32, #tpu.memory_space<vmem>>, vector<16xf32>,
        tpu.vector_store %arg6[%swap3A], %broadcast_in_dim3A_33 {strides = array<i32>} : memref<32768xf32, #tpu.memory_space<vmem>>, vector<16xf32>,
        %swap3A_146 = arith.index_cast %mul3A_144 : i32 to index
        %swap3A_147 = tpu.vector_load %arg7[%swap3A_146] {strides = array<i32>} : memref<32768xf32, #tpu.memory_space<vmem>>, vector<16xf32>,
        tpu.vector_store %arg7[%swap3A_146], %broadcast_in_dim3A_33 {strides = array<i32>} : memref<32768xf32, #tpu.memory_space<vmem>>, vector<16xf32>,
        %mul3A_148 = arith.constant 8 : i32
        %mul3A_149 = arith.muli %scan3A_138, %mul3A_148 : i32
        %add3A_150 = arith.constant 1 : i32
        %add3A_151 = arith.addi %mul3A_149, %add3A_150 : i32
        %mul3A_152 = arith.constant 16 : i32
        %mul3A_153 = arith.muli %add3A_151, %mul3A_152 : i32
        %swap3A_154 = arith.index_cast %mul3A_153 : i32 to index
        %swap3A_155 = tpu.vector_load %arg6[%swap3A_154] {strides = array<i32>} : memref<32768xf32, #tpu.memory_space<vmem>>, vector<16xf32>,
        tpu.vector_store %arg6[%swap3A_154], %broadcast_in_dim3A_33 {strides = array<i32>} : memref<32768xf32, #tpu.memory_space<vmem>>, vector<16xf32>,
        %swap3A_156 = arith.index_cast %mul3A_153 : i32 to index
        %swap3A_157 = tpu.vector_load %arg7[%swap3A_156] {strides = array<i32>} : memref<32768xf32, #tpu.memory_space<vmem>>, vector<16xf32>,
        tpu.vector_store %arg7[%swap3A_156], %broadcast_in_dim3A_33 {strides = array<i32>} : memref<32768xf32, #tpu.memory_space<vmem>>, vector<16xf32>,
        %mul3A_158 = arith.constant 8 : i32
        %mul3A_159 = arith.muli %scan3A_138, %mul3A_158 : i32
        %add3A_160 = arith.constant 2 : i32
        %add3A_161 = arith.addi %mul3A_159, %add3A_160 : i32
        %mul3A_162 = arith.constant 16 : i32
        %mul3A_163 = arith.muli %add3A_161, %mul3A_162 : i32
        %swap3A_164 = arith.index_cast %mul3A_163 : i32 to index
        %swap3A_165 = tpu.vector_load %arg6[%swap3A_164] {strides = array<i32>} : memref<32768xf32, #tpu.memory_space<vmem>>, vector<16xf32>,
        tpu.vector_store %arg6[%swap3A_164], %broadcast_in_dim3A_33 {strides = array<i32>} : memref<32768xf32, #tpu.memory_space<vmem>>, vector<16xf32>,
        %swap3A_166 = arith.index_cast %mul3A_163 : i32 to index
        %swap3A_167 = tpu.vector_load %arg7[%swap3A_166] {strides = array<i32>} : memref<32768xf32, #tpu.memory_space<vmem>>, vector<16xf32>,
        tpu.vector_store %arg7[%swap3A_166], %broadcast_in_dim3A_33 {strides = array<i32>} : memref<32768xf32, #tpu.memory_space<vmem>>, vector<16xf32>,
        %mul3A_168 = arith.constant 8 : i32
        %mul3A_169 = arith.muli %scan3A_138, %mul3A_168 : i32
        %add3A_170 = arith.constant 3 : i32
        %add3A_171 = arith.addi %mul3A_169, %add3A_170 : i32
        %mul3A_172 = arith.constant 16 : i32
        %mul3A_173 = arith.muli %add3A_171, %mul3A_172 : i32
        %swap3A_174 = arith.index_cast %mul3A_173 : i32 to index
        %swap3A_175 = tpu.vector_load %arg6[%swap3A_174] {strides = array<i32>} : memref<32768xf32, #tpu.memory_space<vmem>>, vector<16xf32>,
        tpu.vector_store %arg6[%swap3A_174], %broadcast_in_dim3A_33 {strides = array<i32>} : memref<32768xf32, #tpu.memory_space<vmem>>, vector<16xf32>,
        %swap3A_176 = arith.index_cast %mul3A_173 : i32 to index
        %swap3A_177 = tpu.vector_load %arg7[%swap3A_176] {strides = array<i32>} : memref<32768xf32, #tpu.memory_space<vmem>>, vector<16xf32>,
        tpu.vector_store %arg7[%swap3A_176], %broadcast_in_dim3A_33 {strides = array<i32>} : memref<32768xf32, #tpu.memory_space<vmem>>, vector<16xf32>,
        %mul3A_178 = arith.constant 8 : i32
        %mul3A_179 = arith.muli %scan3A_138, %mul3A_178 : i32
        %add3A_180 = arith.constant 4 : i32
        %add3A_181 = arith.addi %mul3A_179, %add3A_180 : i32
        %mul3A_182 = arith.constant 16 : i32
        %mul3A_183 = arith.muli %add3A_181, %mul3A_182 : i32
        %swap3A_184 = arith.index_cast %mul3A_183 : i32 to index
        %swap3A_185 = tpu.vector_load %arg6[%swap3A_184] {strides = array<i32>} : memref<32768xf32, #tpu.memory_space<vmem>>, vector<16xf32>,
        tpu.vector_store %arg6[%swap3A_184], %broadcast_in_dim3A_33 {strides = array<i32>} : memref<32768xf32, #tpu.memory_space<vmem>>, vector<16xf32>,
        %swap3A_186 = arith.index_cast %mul3A_183 : i32 to index
        %swap3A_187 = tpu.vector_load %arg7[%swap3A_186] {strides = array<i32>} : memref<32768xf32, #tpu.memory_space<vmem>>, vector<16xf32>,
        tpu.vector_store %arg7[%swap3A_186], %broadcast_in_dim3A_33 {strides = array<i32>} : memref<32768xf32, #tpu.memory_space<vmem>>, vector<16xf32>,
        %mul3A_188 = arith.constant 8 : i32
        %mul3A_189 = arith.muli %scan3A_138, %mul3A_188 : i32
        %add3A_190 = arith.constant 5 : i32
        %add3A_191 = arith.addi %mul3A_189, %add3A_190 : i32
        %mul3A_192 = arith.constant 16 : i32
        %mul3A_193 = arith.muli %add3A_191, %mul3A_192 : i32
        %swap3A_194 = arith.index_cast %mul3A_193 : i32 to index
        %swap3A_195 = tpu.vector_load %arg6[%swap3A_194] {strides = array<i32>} : memref<32768xf32, #tpu.memory_space<vmem>>, vector<16xf32>,
        tpu.vector_store %arg6[%swap3A_194], %broadcast_in_dim3A_33 {strides = array<i32>} : memref<32768xf32, #tpu.memory_space<vmem>>, vector<16xf32>,
        %swap3A_196 = arith.index_cast %mul3A_193 : i32 to index
        %swap3A_197 = tpu.vector_load %arg7[%swap3A_196] {strides = array<i32>} : memref<32768xf32, #tpu.memory_space<vmem>>, vector<16xf32>,
        tpu.vector_store %arg7[%swap3A_196], %broadcast_in_dim3A_33 {strides = array<i32>} : memref<32768xf32, #tpu.memory_space<vmem>>, vector<16xf32>,
        %mul3A_198 = arith.constant 8 : i32
        %mul3A_199 = arith.muli %scan3A_138, %mul3A_198 : i32
        %add3A_200 = arith.constant 6 : i32
        %add3A_201 = arith.addi %mul3A_199, %add3A_200 : i32
        %mul3A_202 = arith.constant 16 : i32
        %mul3A_203 = arith.muli %add3A_201, %mul3A_202 : i32
        %swap3A_204 = arith.index_cast %mul3A_203 : i32 to index
        %swap3A_205 = tpu.vector_load %arg6[%swap3A_204] {strides = array<i32>} : memref<32768xf32, #tpu.memory_space<vmem>>, vector<16xf32>,
        tpu.vector_store %arg6[%swap3A_204], %broadcast_in_dim3A_33 {strides = array<i32>} : memref<32768xf32, #tpu.memory_space<vmem>>, vector<16xf32>,
        %swap3A_206 = arith.index_cast %mul3A_203 : i32 to index
        %swap3A_207 = tpu.vector_load %arg7[%swap3A_206] {strides = array<i32>} : memref<32768xf32, #tpu.memory_space<vmem>>, vector<16xf32>,
        tpu.vector_store %arg7[%swap3A_206], %broadcast_in_dim3A_33 {strides = array<i32>} : memref<32768xf32, #tpu.memory_space<vmem>>, vector<16xf32>,
        %mul3A_208 = arith.constant 8 : i32
        %mul3A_209 = arith.muli %scan3A_138, %mul3A_208 : i32
        %add3A_210 = arith.constant 7 : i32
        %add3A_211 = arith.addi %mul3A_209, %add3A_210 : i32
        %mul3A_212 = arith.constant 16 : i32
        %mul3A_213 = arith.muli %add3A_211, %mul3A_212 : i32
        %swap3A_214 = arith.index_cast %mul3A_213 : i32 to index
        %swap3A_215 = tpu.vector_load %arg6[%swap3A_214] {strides = array<i32>} : memref<32768xf32, #tpu.memory_space<vmem>>, vector<16xf32>,
        tpu.vector_store %arg6[%swap3A_214], %broadcast_in_dim3A_33 {strides = array<i32>} : memref<32768xf32, #tpu.memory_space<vmem>>, vector<16xf32>,
        %swap3A_216 = arith.index_cast %mul3A_213 : i32 to index
        %swap3A_217 = tpu.vector_load %arg7[%swap3A_216] {strides = array<i32>} : memref<32768xf32, #tpu.memory_space<vmem>>, vector<16xf32>,
        tpu.vector_store %arg7[%swap3A_216], %broadcast_in_dim3A_33 {strides = array<i32>} : memref<32768xf32, #tpu.memory_space<vmem>>, vector<16xf32>,
      }
      %scan3A_50 = arith.constant 256 : i32
      %mul3A_51 = arith.constant 100352 : i32
      %mul3A_52 = arith.muli %select_n3A, %mul3A_51 : i32
      %add3A_53 = arith.constant 0 : i32
      %add3A_54 = arith.addi %mul3A_52, %add3A_53 : i32
      %dma_start3A = arith.constant 0 : i32
      %dma_start3A_55 = arith.constant 0 : i32
      %dma_start3A_56 = tpu.memref_slice %arg9[%dma_start3A, %dma_start3A_55] : memref<2x4000xi32, #tpu.memory_space<vmem>> -> memref<1x4000xi32, #tpu.memory_space<vmem>>
      %dma_start3A_57 = tpu.memref_squeeze %dma_start3A_56 : memref<1x4000xi32, #tpu.memory_space<vmem>> -> memref<4000xi32, #tpu.memory_space<vmem>>
      %dma_start3A_58 = tpu.memref_slice %arg3[%add3A_54] : memref<401408xi32, #tpu.memory_space<hbm>> -> memref<4000xi32, #tpu.memory_space<hbm>>
      %dma_start3A_59 = arith.constant 0 : i32
      %dma_start3A_60 = tpu.memref_slice %arg9[%dma_start3A, %dma_start3A_59] : memref<2x4000xi32, #tpu.memory_space<vmem>> -> memref<1x4000xi32, #tpu.memory_space<vmem>>
      %dma_start3A_61 = tpu.memref_squeeze %dma_start3A_60 : memref<1x4000xi32, #tpu.memory_space<vmem>> -> memref<4000xi32, #tpu.memory_space<vmem>>
      %dma_start3A_62 = tpu.memref_slice %arg3[%add3A_54] : memref<401408xi32, #tpu.memory_space<hbm>> -> memref<4000xi32, #tpu.memory_space<hbm>>
      tpu.enqueue_dma source(%dma_start3A_62 : memref<4000xi32, #tpu.memory_space<hbm>>) target(%dma_start3A_61 : memref<4000xi32, #tpu.memory_space<vmem>>) target_semaphore(%arg12 : memref<!tpu.dma_semaphore, #tpu.memory_space<semaphore_mem>>)
      %dma_start3A_63 = arith.constant 0 : i32
      %dma_start3A_64 = arith.constant 0 : i32
      %dma_start3A_65 = tpu.memref_slice %arg10[%dma_start3A_63, %dma_start3A_64] : memref<2x4000xf32, #tpu.memory_space<vmem>> -> memref<1x4000xf32, #tpu.memory_space<vmem>>
      %dma_start3A_66 = tpu.memref_squeeze %dma_start3A_65 : memref<1x4000xf32, #tpu.memory_space<vmem>> -> memref<4000xf32, #tpu.memory_space<vmem>>
      %dma_start3A_67 = arith.constant 0 : i32
      %dma_start3A_68 = tpu.memref_slice %arg2[%select_n3A, %add3A_43, %dma_start3A_67] : memref<4x128x100000xf32, #tpu.memory_space<hbm>> -> memref<1x1x4000xf32, #tpu.memory_space<hbm>>
      %dma_start3A_69 = tpu.memref_squeeze %dma_start3A_68 : memref<1x1x4000xf32, #tpu.memory_space<hbm>> -> memref<4000xf32, #tpu.memory_space<hbm>>
      %dma_start3A_70 = arith.constant 0 : i32
      %dma_start3A_71 = tpu.memref_slice %arg10[%dma_start3A_63, %dma_start3A_70] : memref<2x4000xf32, #tpu.memory_space<vmem>> -> memref<1x4000xf32, #tpu.memory_space<vmem>>
      %dma_start3A_72 = tpu.memref_squeeze %dma_start3A_71 : memref<1x4000xf32, #tpu.memory_space<vmem>> -> memref<4000xf32, #tpu.memory_space<vmem>>
      %dma_start3A_73 = arith.constant 0 : i32
      %dma_start3A_74 = tpu.memref_slice %arg2[%select_n3A, %add3A_43, %dma_start3A_73] : memref<4x128x100000xf32, #tpu.memory_space<hbm>> -> memref<1x1x4000xf32, #tpu.memory_space<hbm>>
      %dma_start3A_75 = tpu.memref_squeeze %dma_start3A_74 : memref<1x1x4000xf32, #tpu.memory_space<hbm>> -> memref<4000xf32, #tpu.memory_space<hbm>>
      tpu.enqueue_dma source(%dma_start3A_75 : memref<4000xf32, #tpu.memory_space<hbm>>) target(%dma_start3A_72 : memref<4000xf32, #tpu.memory_space<vmem>>) target_semaphore(%arg12 : memref<!tpu.dma_semaphore, #tpu.memory_space<semaphore_mem>>)
      %dma_start3A_76 = arith.constant 0 : i32
      %dma_start3A_77 = arith.constant 0 : i32
      %dma_start3A_78 = tpu.memref_slice %arg11[%dma_start3A_76, %dma_start3A_77] : memref<2x4000xf32, #tpu.memory_space<vmem>> -> memref<1x4000xf32, #tpu.memory_space<vmem>>
      %dma_start3A_79 = tpu.memref_squeeze %dma_start3A_78 : memref<1x4000xf32, #tpu.memory_space<vmem>> -> memref<4000xf32, #tpu.memory_space<vmem>>
      %dma_start3A_80 = arith.constant 0 : i32
      %dma_start3A_81 = tpu.memref_slice %arg2[%select_n3A, %add3A_45, %dma_start3A_80] : memref<4x128x100000xf32, #tpu.memory_space<hbm>> -> memref<1x1x4000xf32, #tpu.memory_space<hbm>>
      %dma_start3A_82 = tpu.memref_squeeze %dma_start3A_81 : memref<1x1x4000xf32, #tpu.memory_space<hbm>> -> memref<4000xf32, #tpu.memory_space<hbm>>
      %dma_start3A_83 = arith.constant 0 : i32
      %dma_start3A_84 = tpu.memref_slice %arg11[%dma_start3A_76, %dma_start3A_83] : memref<2x4000xf32, #tpu.memory_space<vmem>> -> memref<1x4000xf32, #tpu.memory_space<vmem>>
      %dma_start3A_85 = tpu.memref_squeeze %dma_start3A_84 : memref<1x4000xf32, #tpu.memory_space<vmem>> -> memref<4000xf32, #tpu.memory_space<vmem>>
      %dma_start3A_86 = arith.constant 0 : i32
      %dma_start3A_87 = tpu.memref_slice %arg2[%select_n3A, %add3A_45, %dma_start3A_86] : memref<4x128x100000xf32, #tpu.memory_space<hbm>> -> memref<1x1x4000xf32, #tpu.memory_space<hbm>>
      %dma_start3A_88 = tpu.memref_squeeze %dma_start3A_87 : memref<1x1x4000xf32, #tpu.memory_space<hbm>> -> memref<4000xf32, #tpu.memory_space<hbm>>
      tpu.enqueue_dma source(%dma_start3A_88 : memref<4000xf32, #tpu.memory_space<hbm>>) target(%dma_start3A_85 : memref<4000xf32, #tpu.memory_space<vmem>>) target_semaphore(%arg12 : memref<!tpu.dma_semaphore, #tpu.memory_space<semaphore_mem>>)
      %mul3A_89 = arith.constant 100352 : i32
      %mul3A_90 = arith.muli %select_n3A, %mul3A_89 : i32
      %add3A_91 = arith.constant 4000 : i32
      %add3A_92 = arith.addi %mul3A_90, %add3A_91 : i32
      %dma_start3A_93 = arith.constant 1 : i32
      %dma_start3A_94 = arith.constant 0 : i32
      %dma_start3A_95 = tpu.memref_slice %arg9[%dma_start3A_93, %dma_start3A_94] : memref<2x4000xi32, #tpu.memory_space<vmem>> -> memref<1x4000xi32, #tpu.memory_space<vmem>>
      %dma_start3A_96 = tpu.memref_squeeze %dma_start3A_95 : memref<1x4000xi32, #tpu.memory_space<vmem>> -> memref<4000xi32, #tpu.memory_space<vmem>>
      %dma_start3A_97 = tpu.memref_slice %arg3[%add3A_92] : memref<401408xi32, #tpu.memory_space<hbm>> -> memref<4000xi32, #tpu.memory_space<hbm>>
      %dma_start3A_98 = arith.constant 0 : i32
      %dma_start3A_99 = tpu.memref_slice %arg9[%dma_start3A_93, %dma_start3A_98] : memref<2x4000xi32, #tpu.memory_space<vmem>> -> memref<1x4000xi32, #tpu.memory_space<vmem>>
      %dma_start3A_100 = tpu.memref_squeeze %dma_start3A_99 : memref<1x4000xi32, #tpu.memory_space<vmem>> -> memref<4000xi32, #tpu.memory_space<vmem>>
      %dma_start3A_101 = tpu.memref_slice %arg3[%add3A_92] : memref<401408xi32, #tpu.memory_space<hbm>> -> memref<4000xi32, #tpu.memory_space<hbm>>
      tpu.enqueue_dma source(%dma_start3A_101 : memref<4000xi32, #tpu.memory_space<hbm>>) target(%dma_start3A_100 : memref<4000xi32, #tpu.memory_space<vmem>>) target_semaphore(%arg13 : memref<!tpu.dma_semaphore, #tpu.memory_space<semaphore_mem>>)
      %dma_start3A_102 = arith.constant 1 : i32
      %dma_start3A_103 = arith.constant 0 : i32
      %dma_start3A_104 = tpu.memref_slice %arg10[%dma_start3A_102, %dma_start3A_103] : memref<2x4000xf32, #tpu.memory_space<vmem>> -> memref<1x4000xf32, #tpu.memory_space<vmem>>
      %dma_start3A_105 = tpu.memref_squeeze %dma_start3A_104 : memref<1x4000xf32, #tpu.memory_space<vmem>> -> memref<4000xf32, #tpu.memory_space<vmem>>
      %dma_start3A_106 = arith.constant 4000 : i32
      %dma_start3A_107 = tpu.memref_slice %arg2[%select_n3A, %add3A_43, %dma_start3A_106] : memref<4x128x100000xf32, #tpu.memory_space<hbm>> -> memref<1x1x4000xf32, #tpu.memory_space<hbm>>
      %dma_start3A_108 = tpu.memref_squeeze %dma_start3A_107 : memref<1x1x4000xf32, #tpu.memory_space<hbm>> -> memref<4000xf32, #tpu.memory_space<hbm>>
      %dma_start3A_109 = arith.constant 0 : i32
      %dma_start3A_110 = tpu.memref_slice %arg10[%dma_start3A_102, %dma_start3A_109] : memref<2x4000xf32, #tpu.memory_space<vmem>> -> memref<1x4000xf32, #tpu.memory_space<vmem>>
      %dma_start3A_111 = tpu.memref_squeeze %dma_start3A_110 : memref<1x4000xf32, #tpu.memory_space<vmem>> -> memref<4000xf32, #tpu.memory_space<vmem>>
      %dma_start3A_112 = arith.constant 4000 : i32
      %dma_start3A_113 = tpu.memref_slice %arg2[%select_n3A, %add3A_43, %dma_start3A_112] : memref<4x128x100000xf32, #tpu.memory_space<hbm>> -> memref<1x1x4000xf32, #tpu.memory_space<hbm>>
      %dma_start3A_114 = tpu.memref_squeeze %dma_start3A_113 : memref<1x1x4000xf32, #tpu.memory_space<hbm>> -> memref<4000xf32, #tpu.memory_space<hbm>>
      tpu.enqueue_dma source(%dma_start3A_114 : memref<4000xf32, #tpu.memory_space<hbm>>) target(%dma_start3A_111 : memref<4000xf32, #tpu.memory_space<vmem>>) target_semaphore(%arg13 : memref<!tpu.dma_semaphore, #tpu.memory_space<semaphore_mem>>)
      %dma_start3A_115 = arith.constant 1 : i32
      %dma_start3A_116 = arith.constant 0 : i32
      %dma_start3A_117 = tpu.memref_slice %arg11[%dma_start3A_115, %dma_start3A_116] : memref<2x4000xf32, #tpu.memory_space<vmem>> -> memref<1x4000xf32, #tpu.memory_space<vmem>>
      %dma_start3A_118 = tpu.memref_squeeze %dma_start3A_117 : memref<1x4000xf32, #tpu.memory_space<vmem>> -> memref<4000xf32, #tpu.memory_space<vmem>>
      %dma_start3A_119 = arith.constant 4000 : i32
      %dma_start3A_120 = tpu.memref_slice %arg2[%select_n3A, %add3A_45, %dma_start3A_119] : memref<4x128x100000xf32, #tpu.memory_space<hbm>> -> memref<1x1x4000xf32, #tpu.memory_space<hbm>>
      %dma_start3A_121 = tpu.memref_squeeze %dma_start3A_120 : memref<1x1x4000xf32, #tpu.memory_space<hbm>> -> memref<4000xf32, #tpu.memory_space<hbm>>
      %dma_start3A_122 = arith.constant 0 : i32
      %dma_start3A_123 = tpu.memref_slice %arg11[%dma_start3A_115, %dma_start3A_122] : memref<2x4000xf32, #tpu.memory_space<vmem>> -> memref<1x4000xf32, #tpu.memory_space<vmem>>
      %dma_start3A_124 = tpu.memref_squeeze %dma_start3A_123 : memref<1x4000xf32, #tpu.memory_space<vmem>> -> memref<4000xf32, #tpu.memory_space<vmem>>
      %dma_start3A_125 = arith.constant 4000 : i32
      %dma_start3A_126 = tpu.memref_slice %arg2[%select_n3A, %add3A_45, %dma_start3A_125] : memref<4x128x100000xf32, #tpu.memory_space<hbm>> -> memref<1x1x4000xf32, #tpu.memory_space<hbm>>
      %dma_start3A_127 = tpu.memref_squeeze %dma_start3A_126 : memref<1x1x4000xf32, #tpu.memory_space<hbm>> -> memref<4000xf32, #tpu.memory_space<hbm>>
      tpu.enqueue_dma source(%dma_start3A_127 : memref<4000xf32, #tpu.memory_space<hbm>>) target(%dma_start3A_124 : memref<4000xf32, #tpu.memory_space<vmem>>) target_semaphore(%arg13 : memref<!tpu.dma_semaphore, #tpu.memory_space<semaphore_mem>>)
      %scan3A_128 = arith.constant 0 : i32
      %scan3A_129 = arith.constant 13 : i32
      %scan3A_130 = arith.addi %scan3A_128, %scan3A_129 : i32
      %scan3A_131 = arith.constant 1 : i32
      scf.for %scan3A_138 = %scan3A_128 to %scan3A_130 step %scan3A_131  : i32 {
        %mul3A_139 = arith.constant 2 : i32
        %mul3A_140 = arith.muli %scan3A_138, %mul3A_139 : i32
        %add3A_141 = arith.constant 0 : i32
        %add3A_142 = arith.addi %mul3A_140, %add3A_141 : i32
        %lt3A_143 = arith.constant 25 : i32
        %lt3A_144 = arith.cmpi slt, %add3A_142, %lt3A_143 : i32
        %convert_element_type3A = arith.extui %lt3A_144 : i1 to i32
        %cond3A = arith.constant 0 : i32
        %cond3A_145 = arith.cmpi ne, %convert_element_type3A, %cond3A : i32
        scf.if %cond3A_145 {
          %dma_wait3A = arith.constant 0 : i32
          %dma_wait3A_155 = arith.constant 0 : i32
          %dma_wait3A_156 = tpu.memref_slice %arg9[%dma_wait3A, %dma_wait3A_155] : memref<2x4000xi32, #tpu.memory_space<vmem>> -> memref<1x4000xi32, #tpu.memory_space<vmem>>
          %dma_wait3A_157 = tpu.memref_squeeze %dma_wait3A_156 : memref<1x4000xi32, #tpu.memory_space<vmem>> -> memref<4000xi32, #tpu.memory_space<vmem>>
          %dma_wait3A_158 = arith.constant 0 : i32
          %dma_wait3A_159 = tpu.memref_slice %arg3[%dma_wait3A_158] : memref<401408xi32, #tpu.memory_space<hbm>> -> memref<4000xi32, #tpu.memory_space<hbm>>
          %dma_wait3A_160 = arith.constant 0 : i32
          %dma_wait3A_161 = tpu.memref_slice %arg9[%dma_wait3A, %dma_wait3A_160] : memref<2x4000xi32, #tpu.memory_space<vmem>> -> memref<1x4000xi32, #tpu.memory_space<vmem>>
          %dma_wait3A_162 = tpu.memref_squeeze %dma_wait3A_161 : memref<1x4000xi32, #tpu.memory_space<vmem>> -> memref<4000xi32, #tpu.memory_space<vmem>>
          %dma_wait3A_163 = arith.constant 0 : i32
          %dma_wait3A_164 = tpu.memref_slice %arg3[%dma_wait3A_163] : memref<401408xi32, #tpu.memory_space<hbm>> -> memref<4000xi32, #tpu.memory_space<hbm>>
          tpu.wait_dma2 semaphore(%arg12 : memref<!tpu.dma_semaphore, #tpu.memory_space<semaphore_mem>>) src(%dma_wait3A_164 : memref<4000xi32, #tpu.memory_space<hbm>>) dst(%dma_wait3A_162 : memref<4000xi32, #tpu.memory_space<vmem>>)
          %dma_wait3A_165 = arith.constant 0 : i32
          %dma_wait3A_166 = arith.constant 0 : i32
          %dma_wait3A_167 = arith.constant 0 : i32
          %dma_wait3A_168 = arith.constant 0 : i32
          %dma_wait3A_169 = tpu.memref_slice %arg10[%dma_wait3A_167, %dma_wait3A_168] : memref<2x4000xf32, #tpu.memory_space<vmem>> -> memref<1x4000xf32, #tpu.memory_space<vmem>>
          %dma_wait3A_170 = tpu.memref_squeeze %dma_wait3A_169 : memref<1x4000xf32, #tpu.memory_space<vmem>> -> memref<4000xf32, #tpu.memory_space<vmem>>
          %dma_wait3A_171 = arith.constant 0 : i32
          %dma_wait3A_172 = tpu.memref_slice %arg2[%dma_wait3A_165, %dma_wait3A_166, %dma_wait3A_171] : memref<4x128x100000xf32, #tpu.memory_space<hbm>> -> memref<1x1x4000xf32, #tpu.memory_space<hbm>>
          %dma_wait3A_173 = tpu.memref_squeeze %dma_wait3A_172 : memref<1x1x4000xf32, #tpu.memory_space<hbm>> -> memref<4000xf32, #tpu.memory_space<hbm>>
          %dma_wait3A_174 = arith.constant 0 : i32
          %dma_wait3A_175 = tpu.memref_slice %arg10[%dma_wait3A_167, %dma_wait3A_174] : memref<2x4000xf32, #tpu.memory_space<vmem>> -> memref<1x4000xf32, #tpu.memory_space<vmem>>
          %dma_wait3A_176 = tpu.memref_squeeze %dma_wait3A_175 : memref<1x4000xf32, #tpu.memory_space<vmem>> -> memref<4000xf32, #tpu.memory_space<vmem>>
          %dma_wait3A_177 = arith.constant 0 : i32
          %dma_wait3A_178 = tpu.memref_slice %arg2[%dma_wait3A_165, %dma_wait3A_166, %dma_wait3A_177] : memref<4x128x100000xf32, #tpu.memory_space<hbm>> -> memref<1x1x4000xf32, #tpu.memory_space<hbm>>
          %dma_wait3A_179 = tpu.memref_squeeze %dma_wait3A_178 : memref<1x1x4000xf32, #tpu.memory_space<hbm>> -> memref<4000xf32, #tpu.memory_space<hbm>>
          tpu.wait_dma2 semaphore(%arg12 : memref<!tpu.dma_semaphore, #tpu.memory_space<semaphore_mem>>) src(%dma_wait3A_179 : memref<4000xf32, #tpu.memory_space<hbm>>) dst(%dma_wait3A_176 : memref<4000xf32, #tpu.memory_space<vmem>>)
          %dma_wait3A_180 = arith.constant 0 : i32
          %dma_wait3A_181 = arith.constant 0 : i32
          %dma_wait3A_182 = arith.constant 0 : i32
          %dma_wait3A_183 = arith.constant 0 : i32
          %dma_wait3A_184 = tpu.memref_slice %arg11[%dma_wait3A_182, %dma_wait3A_183] : memref<2x4000xf32, #tpu.memory_space<vmem>> -> memref<1x4000xf32, #tpu.memory_space<vmem>>
          %dma_wait3A_185 = tpu.memref_squeeze %dma_wait3A_184 : memref<1x4000xf32, #tpu.memory_space<vmem>> -> memref<4000xf32, #tpu.memory_space<vmem>>
          %dma_wait3A_186 = arith.constant 0 : i32
          %dma_wait3A_187 = tpu.memref_slice %arg2[%dma_wait3A_180, %dma_wait3A_181, %dma_wait3A_186] : memref<4x128x100000xf32, #tpu.memory_space<hbm>> -> memref<1x1x4000xf32, #tpu.memory_space<hbm>>
          %dma_wait3A_188 = tpu.memref_squeeze %dma_wait3A_187 : memref<1x1x4000xf32, #tpu.memory_space<hbm>> -> memref<4000xf32, #tpu.memory_space<hbm>>
          %dma_wait3A_189 = arith.constant 0 : i32
          %dma_wait3A_190 = tpu.memref_slice %arg11[%dma_wait3A_182, %dma_wait3A_189] : memref<2x4000xf32, #tpu.memory_space<vmem>> -> memref<1x4000xf32, #tpu.memory_space<vmem>>
          %dma_wait3A_191 = tpu.memref_squeeze %dma_wait3A_190 : memref<1x4000xf32, #tpu.memory_space<vmem>> -> memref<4000xf32, #tpu.memory_space<vmem>>
          %dma_wait3A_192 = arith.constant 0 : i32
          %dma_wait3A_193 = tpu.memref_slice %arg2[%dma_wait3A_180, %dma_wait3A_181, %dma_wait3A_192] : memref<4x128x100000xf32, #tpu.memory_space<hbm>> -> memref<1x1x4000xf32, #tpu.memory_space<hbm>>
          %dma_wait3A_194 = tpu.memref_squeeze %dma_wait3A_193 : memref<1x1x4000xf32, #tpu.memory_space<hbm>> -> memref<4000xf32, #tpu.memory_space<hbm>>
          tpu.wait_dma2 semaphore(%arg12 : memref<!tpu.dma_semaphore, #tpu.memory_space<semaphore_mem>>) src(%dma_wait3A_194 : memref<4000xf32, #tpu.memory_space<hbm>>) dst(%dma_wait3A_191 : memref<4000xf32, #tpu.memory_space<vmem>>)
          %scan3A_195 = arith.constant 0 : i32
          %scan3A_196 = arith.constant 25 : i32
          %scan3A_197 = arith.addi %scan3A_195, %scan3A_196 : i32
          %scan3A_198 = arith.constant 1 : i32
          scf.for %scan3A_207 = %scan3A_195 to %scan3A_197 step %scan3A_198  : i32 {
            %mul3A_208 = arith.constant 10 : i32
            %mul3A_209 = arith.muli %scan3A_207, %mul3A_208 : i32
            %add3A_210 = arith.constant 0 : i32
            %add3A_211 = arith.addi %mul3A_209, %add3A_210 : i32
            %mul3A_212 = arith.constant 16 : i32
            %mul3A_213 = arith.muli %add3A_211, %mul3A_212 : i32
            %mul3A_214 = arith.constant 10 : i32
            %mul3A_215 = arith.muli %scan3A_207, %mul3A_214 : i32
            %add3A_216 = arith.constant 1 : i32
            %add3A_217 = arith.addi %mul3A_215, %add3A_216 : i32
            %mul3A_218 = arith.constant 16 : i32
            %mul3A_219 = arith.muli %add3A_217, %mul3A_218 : i32
            %mul3A_220 = arith.constant 10 : i32
            %mul3A_221 = arith.muli %scan3A_207, %mul3A_220 : i32
            %add3A_222 = arith.constant 2 : i32
            %add3A_223 = arith.addi %mul3A_221, %add3A_222 : i32
            %mul3A_224 = arith.constant 16 : i32
            %mul3A_225 = arith.muli %add3A_223, %mul3A_224 : i32
            %mul3A_226 = arith.constant 10 : i32
            %mul3A_227 = arith.muli %scan3A_207, %mul3A_226 : i32
            %add3A_228 = arith.constant 3 : i32
            %add3A_229 = arith.addi %mul3A_227, %add3A_228 : i32
            %mul3A_230 = arith.constant 16 : i32
            %mul3A_231 = arith.muli %add3A_229, %mul3A_230 : i32
            %mul3A_232 = arith.constant 10 : i32
            %mul3A_233 = arith.muli %scan3A_207, %mul3A_232 : i32
            %add3A_234 = arith.constant 4 : i32
            %add3A_235 = arith.addi %mul3A_233, %add3A_234 : i32
            %mul3A_236 = arith.constant 16 : i32
            %mul3A_237 = arith.muli %add3A_235, %mul3A_236 : i32
            %mul3A_238 = arith.constant 10 : i32
            %mul3A_239 = arith.muli %scan3A_207, %mul3A_238 : i32
            %add3A_240 = arith.constant 5 : i32
            %add3A_241 = arith.addi %mul3A_239, %add3A_240 : i32
            %mul3A_242 = arith.constant 16 : i32
            %mul3A_243 = arith.muli %add3A_241, %mul3A_242 : i32
            %mul3A_244 = arith.constant 10 : i32
            %mul3A_245 = arith.muli %scan3A_207, %mul3A_244 : i32
            %add3A_246 = arith.constant 6 : i32
            %add3A_247 = arith.addi %mul3A_245, %add3A_246 : i32
            %mul3A_248 = arith.constant 16 : i32
            %mul3A_249 = arith.muli %add3A_247, %mul3A_248 : i32
            %mul3A_250 = arith.constant 10 : i32
            %mul3A_251 = arith.muli %scan3A_207, %mul3A_250 : i32
            %add3A_252 = arith.constant 7 : i32
            %add3A_253 = arith.addi %mul3A_251, %add3A_252 : i32
            %mul3A_254 = arith.constant 16 : i32
            %mul3A_255 = arith.muli %add3A_253, %mul3A_254 : i32
            %mul3A_256 = arith.constant 10 : i32
            %mul3A_257 = arith.muli %scan3A_207, %mul3A_256 : i32
            %add3A_258 = arith.constant 8 : i32
            %add3A_259 = arith.addi %mul3A_257, %add3A_258 : i32
            %mul3A_260 = arith.constant 16 : i32
            %mul3A_261 = arith.muli %add3A_259, %mul3A_260 : i32
            %mul3A_262 = arith.constant 10 : i32
            %mul3A_263 = arith.muli %scan3A_207, %mul3A_262 : i32
            %add3A_264 = arith.constant 9 : i32
            %add3A_265 = arith.addi %mul3A_263, %add3A_264 : i32
            %mul3A_266 = arith.constant 16 : i32
            %mul3A_267 = arith.muli %add3A_265, %mul3A_266 : i32
            %get3A = arith.constant 0 : i32
            %get3A_268 = arith.constant 0 : i32
            %get3A_269 = tpu.memref_slice %arg9[%get3A, %get3A_268] : memref<2x4000xi32, #tpu.memory_space<vmem>> -> memref<1x4000xi32, #tpu.memory_space<vmem>>
            %get3A_270 = tpu.memref_squeeze %get3A_269 : memref<1x4000xi32, #tpu.memory_space<vmem>> -> memref<4000xi32, #tpu.memory_space<vmem>>
            %get3A_271 = arith.index_cast %mul3A_213 : i32 to index
            %get3A_272 = tpu.vector_load %get3A_270[%get3A_271] {strides = array<i32>} : memref<4000xi32, #tpu.memory_space<vmem>>, vector<16xi32>,
            %get3A_273 = arith.constant 0 : i32
            %get3A_274 = arith.constant 0 : i32
            %get3A_275 = tpu.memref_slice %arg9[%get3A_273, %get3A_274] : memref<2x4000xi32, #tpu.memory_space<vmem>> -> memref<1x4000xi32, #tpu.memory_space<vmem>>
            %get3A_276 = tpu.memref_squeeze %get3A_275 : memref<1x4000xi32, #tpu.memory_space<vmem>> -> memref<4000xi32, #tpu.memory_space<vmem>>
            %get3A_277 = arith.index_cast %mul3A_219 : i32 to index
            %get3A_278 = tpu.vector_load %get3A_276[%get3A_277] {strides = array<i32>} : memref<4000xi32, #tpu.memory_space<vmem>>, vector<16xi32>,
            %get3A_279 = arith.constant 0 : i32
            %get3A_280 = arith.constant 0 : i32
            %get3A_281 = tpu.memref_slice %arg9[%get3A_279, %get3A_280] : memref<2x4000xi32, #tpu.memory_space<vmem>> -> memref<1x4000xi32, #tpu.memory_space<vmem>>
            %get3A_282 = tpu.memref_squeeze %get3A_281 : memref<1x4000xi32, #tpu.memory_space<vmem>> -> memref<4000xi32, #tpu.memory_space<vmem>>
            %get3A_283 = arith.index_cast %mul3A_225 : i32 to index
            %get3A_284 = tpu.vector_load %get3A_282[%get3A_283] {strides = array<i32>} : memref<4000xi32, #tpu.memory_space<vmem>>, vector<16xi32>,
            %get3A_285 = arith.constant 0 : i32
            %get3A_286 = arith.constant 0 : i32
            %get3A_287 = tpu.memref_slice %arg9[%get3A_285, %get3A_286] : memref<2x4000xi32, #tpu.memory_space<vmem>> -> memref<1x4000xi32, #tpu.memory_space<vmem>>
            %get3A_288 = tpu.memref_squeeze %get3A_287 : memref<1x4000xi32, #tpu.memory_space<vmem>> -> memref<4000xi32, #tpu.memory_space<vmem>>
            %get3A_289 = arith.index_cast %mul3A_231 : i32 to index
            %get3A_290 = tpu.vector_load %get3A_288[%get3A_289] {strides = array<i32>} : memref<4000xi32, #tpu.memory_space<vmem>>, vector<16xi32>,
            %get3A_291 = arith.constant 0 : i32
            %get3A_292 = arith.constant 0 : i32
            %get3A_293 = tpu.memref_slice %arg9[%get3A_291, %get3A_292] : memref<2x4000xi32, #tpu.memory_space<vmem>> -> memref<1x4000xi32, #tpu.memory_space<vmem>>
            %get3A_294 = tpu.memref_squeeze %get3A_293 : memref<1x4000xi32, #tpu.memory_space<vmem>> -> memref<4000xi32, #tpu.memory_space<vmem>>
            %get3A_295 = arith.index_cast %mul3A_237 : i32 to index
            %get3A_296 = tpu.vector_load %get3A_294[%get3A_295] {strides = array<i32>} : memref<4000xi32, #tpu.memory_space<vmem>>, vector<16xi32>,
            %get3A_297 = arith.constant 0 : i32
            %get3A_298 = arith.constant 0 : i32
            %get3A_299 = tpu.memref_slice %arg9[%get3A_297, %get3A_298] : memref<2x4000xi32, #tpu.memory_space<vmem>> -> memref<1x4000xi32, #tpu.memory_space<vmem>>
            %get3A_300 = tpu.memref_squeeze %get3A_299 : memref<1x4000xi32, #tpu.memory_space<vmem>> -> memref<4000xi32, #tpu.memory_space<vmem>>
            %get3A_301 = arith.index_cast %mul3A_243 : i32 to index
            %get3A_302 = tpu.vector_load %get3A_300[%get3A_301] {strides = array<i32>} : memref<4000xi32, #tpu.memory_space<vmem>>, vector<16xi32>,
            %get3A_303 = arith.constant 0 : i32
            %get3A_304 = arith.constant 0 : i32
            %get3A_305 = tpu.memref_slice %arg9[%get3A_303, %get3A_304] : memref<2x4000xi32, #tpu.memory_space<vmem>> -> memref<1x4000xi32, #tpu.memory_space<vmem>>
            %get3A_306 = tpu.memref_squeeze %get3A_305 : memref<1x4000xi32, #tpu.memory_space<vmem>> -> memref<4000xi32, #tpu.memory_space<vmem>>
            %get3A_307 = arith.index_cast %mul3A_249 : i32 to index
            %get3A_308 = tpu.vector_load %get3A_306[%get3A_307] {strides = array<i32>} : memref<4000xi32, #tpu.memory_space<vmem>>, vector<16xi32>,
            %get3A_309 = arith.constant 0 : i32
            %get3A_310 = arith.constant 0 : i32
            %get3A_311 = tpu.memref_slice %arg9[%get3A_309, %get3A_310] : memref<2x4000xi32, #tpu.memory_space<vmem>> -> memref<1x4000xi32, #tpu.memory_space<vmem>>
            %get3A_312 = tpu.memref_squeeze %get3A_311 : memref<1x4000xi32, #tpu.memory_space<vmem>> -> memref<4000xi32, #tpu.memory_space<vmem>>
            %get3A_313 = arith.index_cast %mul3A_255 : i32 to index
            %get3A_314 = tpu.vector_load %get3A_312[%get3A_313] {strides = array<i32>} : memref<4000xi32, #tpu.memory_space<vmem>>, vector<16xi32>,
            %get3A_315 = arith.constant 0 : i32
            %get3A_316 = arith.constant 0 : i32
            %get3A_317 = tpu.memref_slice %arg9[%get3A_315, %get3A_316] : memref<2x4000xi32, #tpu.memory_space<vmem>> -> memref<1x4000xi32, #tpu.memory_space<vmem>>
            %get3A_318 = tpu.memref_squeeze %get3A_317 : memref<1x4000xi32, #tpu.memory_space<vmem>> -> memref<4000xi32, #tpu.memory_space<vmem>>
            %get3A_319 = arith.index_cast %mul3A_261 : i32 to index
            %get3A_320 = tpu.vector_load %get3A_318[%get3A_319] {strides = array<i32>} : memref<4000xi32, #tpu.memory_space<vmem>>, vector<16xi32>,
            %get3A_321 = arith.constant 0 : i32
            %get3A_322 = arith.constant 0 : i32
            %get3A_323 = tpu.memref_slice %arg9[%get3A_321, %get3A_322] : memref<2x4000xi32, #tpu.memory_space<vmem>> -> memref<1x4000xi32, #tpu.memory_space<vmem>>
            %get3A_324 = tpu.memref_squeeze %get3A_323 : memref<1x4000xi32, #tpu.memory_space<vmem>> -> memref<4000xi32, #tpu.memory_space<vmem>>
            %get3A_325 = arith.index_cast %mul3A_267 : i32 to index
            %get3A_326 = tpu.vector_load %get3A_324[%get3A_325] {strides = array<i32>} : memref<4000xi32, #tpu.memory_space<vmem>>, vector<16xi32>,
            %get3A_327 = arith.constant 0 : i32
            %get3A_328 = arith.constant 0 : i32
            %get3A_329 = tpu.memref_slice %arg10[%get3A_327, %get3A_328] : memref<2x4000xf32, #tpu.memory_space<vmem>> -> memref<1x4000xf32, #tpu.memory_space<vmem>>
            %get3A_330 = tpu.memref_squeeze %get3A_329 : memref<1x4000xf32, #tpu.memory_space<vmem>> -> memref<4000xf32, #tpu.memory_space<vmem>>
            %get3A_331 = arith.index_cast %mul3A_213 : i32 to index
            %get3A_332 = tpu.vector_load %get3A_330[%get3A_331] {strides = array<i32>} : memref<4000xf32, #tpu.memory_space<vmem>>, vector<16xf32>,
            %get3A_333 = arith.constant 0 : i32
            %get3A_334 = arith.constant 0 : i32
            %get3A_335 = tpu.memref_slice %arg10[%get3A_333, %get3A_334] : memref<2x4000xf32, #tpu.memory_space<vmem>> -> memref<1x4000xf32, #tpu.memory_space<vmem>>
            %get3A_336 = tpu.memref_squeeze %get3A_335 : memref<1x4000xf32, #tpu.memory_space<vmem>> -> memref<4000xf32, #tpu.memory_space<vmem>>
            %get3A_337 = arith.index_cast %mul3A_219 : i32 to index
            %get3A_338 = tpu.vector_load %get3A_336[%get3A_337] {strides = array<i32>} : memref<4000xf32, #tpu.memory_space<vmem>>, vector<16xf32>,
            %get3A_339 = arith.constant 0 : i32
            %get3A_340 = arith.constant 0 : i32
            %get3A_341 = tpu.memref_slice %arg10[%get3A_339, %get3A_340] : memref<2x4000xf32, #tpu.memory_space<vmem>> -> memref<1x4000xf32, #tpu.memory_space<vmem>>
            %get3A_342 = tpu.memref_squeeze %get3A_341 : memref<1x4000xf32, #tpu.memory_space<vmem>> -> memref<4000xf32, #tpu.memory_space<vmem>>
            %get3A_343 = arith.index_cast %mul3A_225 : i32 to index
            %get3A_344 = tpu.vector_load %get3A_342[%get3A_343] {strides = array<i32>} : memref<4000xf32, #tpu.memory_space<vmem>>, vector<16xf32>,
            %get3A_345 = arith.constant 0 : i32
            %get3A_346 = arith.constant 0 : i32
            %get3A_347 = tpu.memref_slice %arg10[%get3A_345, %get3A_346] : memref<2x4000xf32, #tpu.memory_space<vmem>> -> memref<1x4000xf32, #tpu.memory_space<vmem>>
            %get3A_348 = tpu.memref_squeeze %get3A_347 : memref<1x4000xf32, #tpu.memory_space<vmem>> -> memref<4000xf32, #tpu.memory_space<vmem>>
            %get3A_349 = arith.index_cast %mul3A_231 : i32 to index
            %get3A_350 = tpu.vector_load %get3A_348[%get3A_349] {strides = array<i32>} : memref<4000xf32, #tpu.memory_space<vmem>>, vector<16xf32>,
            %get3A_351 = arith.constant 0 : i32
            %get3A_352 = arith.constant 0 : i32
            %get3A_353 = tpu.memref_slice %arg10[%get3A_351, %get3A_352] : memref<2x4000xf32, #tpu.memory_space<vmem>> -> memref<1x4000xf32, #tpu.memory_space<vmem>>
            %get3A_354 = tpu.memref_squeeze %get3A_353 : memref<1x4000xf32, #tpu.memory_space<vmem>> -> memref<4000xf32, #tpu.memory_space<vmem>>
            %get3A_355 = arith.index_cast %mul3A_237 : i32 to index
            %get3A_356 = tpu.vector_load %get3A_354[%get3A_355] {strides = array<i32>} : memref<4000xf32, #tpu.memory_space<vmem>>, vector<16xf32>,
            %get3A_357 = arith.constant 0 : i32
            %get3A_358 = arith.constant 0 : i32
            %get3A_359 = tpu.memref_slice %arg10[%get3A_357, %get3A_358] : memref<2x4000xf32, #tpu.memory_space<vmem>> -> memref<1x4000xf32, #tpu.memory_space<vmem>>
            %get3A_360 = tpu.memref_squeeze %get3A_359 : memref<1x4000xf32, #tpu.memory_space<vmem>> -> memref<4000xf32, #tpu.memory_space<vmem>>
            %get3A_361 = arith.index_cast %mul3A_243 : i32 to index
            %get3A_362 = tpu.vector_load %get3A_360[%get3A_361] {strides = array<i32>} : memref<4000xf32, #tpu.memory_space<vmem>>, vector<16xf32>,
            %get3A_363 = arith.constant 0 : i32
            %get3A_364 = arith.constant 0 : i32
            %get3A_365 = tpu.memref_slice %arg10[%get3A_363, %get3A_364] : memref<2x4000xf32, #tpu.memory_space<vmem>> -> memref<1x4000xf32, #tpu.memory_space<vmem>>
            %get3A_366 = tpu.memref_squeeze %get3A_365 : memref<1x4000xf32, #tpu.memory_space<vmem>> -> memref<4000xf32, #tpu.memory_space<vmem>>
            %get3A_367 = arith.index_cast %mul3A_249 : i32 to index
            %get3A_368 = tpu.vector_load %get3A_366[%get3A_367] {strides = array<i32>} : memref<4000xf32, #tpu.memory_space<vmem>>, vector<16xf32>,
            %get3A_369 = arith.constant 0 : i32
            %get3A_370 = arith.constant 0 : i32
            %get3A_371 = tpu.memref_slice %arg10[%get3A_369, %get3A_370] : memref<2x4000xf32, #tpu.memory_space<vmem>> -> memref<1x4000xf32, #tpu.memory_space<vmem>>
            %get3A_372 = tpu.memref_squeeze %get3A_371 : memref<1x4000xf32, #tpu.memory_space<vmem>> -> memref<4000xf32, #tpu.memory_space<vmem>>
            %get3A_373 = arith.index_cast %mul3A_255 : i32 to index
            %get3A_374 = tpu.vector_load %get3A_372[%get3A_373] {strides = array<i32>} : memref<4000xf32, #tpu.memory_space<vmem>>, vector<16xf32>,
            %get3A_375 = arith.constant 0 : i32
            %get3A_376 = arith.constant 0 : i32
            %get3A_377 = tpu.memref_slice %arg10[%get3A_375, %get3A_376] : memref<2x4000xf32, #tpu.memory_space<vmem>> -> memref<1x4000xf32, #tpu.memory_space<vmem>>
            %get3A_378 = tpu.memref_squeeze %get3A_377 : memref<1x4000xf32, #tpu.memory_space<vmem>> -> memref<4000xf32, #tpu.memory_space<vmem>>
            %get3A_379 = arith.index_cast %mul3A_261 : i32 to index
            %get3A_380 = tpu.vector_load %get3A_378[%get3A_379] {strides = array<i32>} : memref<4000xf32, #tpu.memory_space<vmem>>, vector<16xf32>,
            %get3A_381 = arith.constant 0 : i32
            %get3A_382 = arith.constant 0 : i32
            %get3A_383 = tpu.memref_slice %arg10[%get3A_381, %get3A_382] : memref<2x4000xf32, #tpu.memory_space<vmem>> -> memref<1x4000xf32, #tpu.memory_space<vmem>>
            %get3A_384 = tpu.memref_squeeze %get3A_383 : memref<1x4000xf32, #tpu.memory_space<vmem>> -> memref<4000xf32, #tpu.memory_space<vmem>>
            %get3A_385 = arith.index_cast %mul3A_267 : i32 to index
            %get3A_386 = tpu.vector_load %get3A_384[%get3A_385] {strides = array<i32>} : memref<4000xf32, #tpu.memory_space<vmem>>, vector<16xf32>,
            %get3A_387 = arith.constant 0 : i32
            %get3A_388 = arith.constant 0 : i32
            %get3A_389 = tpu.memref_slice %arg11[%get3A_387, %get3A_388] : memref<2x4000xf32, #tpu.memory_space<vmem>> -> memref<1x4000xf32, #tpu.memory_space<vmem>>
            %get3A_390 = tpu.memref_squeeze %get3A_389 : memref<1x4000xf32, #tpu.memory_space<vmem>> -> memref<4000xf32, #tpu.memory_space<vmem>>
            %get3A_391 = arith.index_cast %mul3A_213 : i32 to index
            %get3A_392 = tpu.vector_load %get3A_390[%get3A_391] {strides = array<i32>} : memref<4000xf32, #tpu.memory_space<vmem>>, vector<16xf32>,
            %get3A_393 = arith.constant 0 : i32
            %get3A_394 = arith.constant 0 : i32
            %get3A_395 = tpu.memref_slice %arg11[%get3A_393, %get3A_394] : memref<2x4000xf32, #tpu.memory_space<vmem>> -> memref<1x4000xf32, #tpu.memory_space<vmem>>
            %get3A_396 = tpu.memref_squeeze %get3A_395 : memref<1x4000xf32, #tpu.memory_space<vmem>> -> memref<4000xf32, #tpu.memory_space<vmem>>
            %get3A_397 = arith.index_cast %mul3A_219 : i32 to index
            %get3A_398 = tpu.vector_load %get3A_396[%get3A_397] {strides = array<i32>} : memref<4000xf32, #tpu.memory_space<vmem>>, vector<16xf32>,
            %get3A_399 = arith.constant 0 : i32
            %get3A_400 = arith.constant 0 : i32
            %get3A_401 = tpu.memref_slice %arg11[%get3A_399, %get3A_400] : memref<2x4000xf32, #tpu.memory_space<vmem>> -> memref<1x4000xf32, #tpu.memory_space<vmem>>
            %get3A_402 = tpu.memref_squeeze %get3A_401 : memref<1x4000xf32, #tpu.memory_space<vmem>> -> memref<4000xf32, #tpu.memory_space<vmem>>
            %get3A_403 = arith.index_cast %mul3A_225 : i32 to index
            %get3A_404 = tpu.vector_load %get3A_402[%get3A_403] {strides = array<i32>} : memref<4000xf32, #tpu.memory_space<vmem>>, vector<16xf32>,
            %get3A_405 = arith.constant 0 : i32
            %get3A_406 = arith.constant 0 : i32
            %get3A_407 = tpu.memref_slice %arg11[%get3A_405, %get3A_406] : memref<2x4000xf32, #tpu.memory_space<vmem>> -> memref<1x4000xf32, #tpu.memory_space<vmem>>
            %get3A_408 = tpu.memref_squeeze %get3A_407 : memref<1x4000xf32, #tpu.memory_space<vmem>> -> memref<4000xf32, #tpu.memory_space<vmem>>
            %get3A_409 = arith.index_cast %mul3A_231 : i32 to index
            %get3A_410 = tpu.vector_load %get3A_408[%get3A_409] {strides = array<i32>} : memref<4000xf32, #tpu.memory_space<vmem>>, vector<16xf32>,
            %get3A_411 = arith.constant 0 : i32
            %get3A_412 = arith.constant 0 : i32
            %get3A_413 = tpu.memref_slice %arg11[%get3A_411, %get3A_412] : memref<2x4000xf32, #tpu.memory_space<vmem>> -> memref<1x4000xf32, #tpu.memory_space<vmem>>
            %get3A_414 = tpu.memref_squeeze %get3A_413 : memref<1x4000xf32, #tpu.memory_space<vmem>> -> memref<4000xf32, #tpu.memory_space<vmem>>
            %get3A_415 = arith.index_cast %mul3A_237 : i32 to index
            %get3A_416 = tpu.vector_load %get3A_414[%get3A_415] {strides = array<i32>} : memref<4000xf32, #tpu.memory_space<vmem>>, vector<16xf32>,
            %get3A_417 = arith.constant 0 : i32
            %get3A_418 = arith.constant 0 : i32
            %get3A_419 = tpu.memref_slice %arg11[%get3A_417, %get3A_418] : memref<2x4000xf32, #tpu.memory_space<vmem>> -> memref<1x4000xf32, #tpu.memory_space<vmem>>
            %get3A_420 = tpu.memref_squeeze %get3A_419 : memref<1x4000xf32, #tpu.memory_space<vmem>> -> memref<4000xf32, #tpu.memory_space<vmem>>
            %get3A_421 = arith.index_cast %mul3A_243 : i32 to index
            %get3A_422 = tpu.vector_load %get3A_420[%get3A_421] {strides = array<i32>} : memref<4000xf32, #tpu.memory_space<vmem>>, vector<16xf32>,
            %get3A_423 = arith.constant 0 : i32
            %get3A_424 = arith.constant 0 : i32
            %get3A_425 = tpu.memref_slice %arg11[%get3A_423, %get3A_424] : memref<2x4000xf32, #tpu.memory_space<vmem>> -> memref<1x4000xf32, #tpu.memory_space<vmem>>
            %get3A_426 = tpu.memref_squeeze %get3A_425 : memref<1x4000xf32, #tpu.memory_space<vmem>> -> memref<4000xf32, #tpu.memory_space<vmem>>
            %get3A_427 = arith.index_cast %mul3A_249 : i32 to index
            %get3A_428 = tpu.vector_load %get3A_426[%get3A_427] {strides = array<i32>} : memref<4000xf32, #tpu.memory_space<vmem>>, vector<16xf32>,
            %get3A_429 = arith.constant 0 : i32
            %get3A_430 = arith.constant 0 : i32
            %get3A_431 = tpu.memref_slice %arg11[%get3A_429, %get3A_430] : memref<2x4000xf32, #tpu.memory_space<vmem>> -> memref<1x4000xf32, #tpu.memory_space<vmem>>
            %get3A_432 = tpu.memref_squeeze %get3A_431 : memref<1x4000xf32, #tpu.memory_space<vmem>> -> memref<4000xf32, #tpu.memory_space<vmem>>
            %get3A_433 = arith.index_cast %mul3A_255 : i32 to index
            %get3A_434 = tpu.vector_load %get3A_432[%get3A_433] {strides = array<i32>} : memref<4000xf32, #tpu.memory_space<vmem>>, vector<16xf32>,
            %get3A_435 = arith.constant 0 : i32
            %get3A_436 = arith.constant 0 : i32
            %get3A_437 = tpu.memref_slice %arg11[%get3A_435, %get3A_436] : memref<2x4000xf32, #tpu.memory_space<vmem>> -> memref<1x4000xf32, #tpu.memory_space<vmem>>
            %get3A_438 = tpu.memref_squeeze %get3A_437 : memref<1x4000xf32, #tpu.memory_space<vmem>> -> memref<4000xf32, #tpu.memory_space<vmem>>
            %get3A_439 = arith.index_cast %mul3A_261 : i32 to index
            %get3A_440 = tpu.vector_load %get3A_438[%get3A_439] {strides = array<i32>} : memref<4000xf32, #tpu.memory_space<vmem>>, vector<16xf32>,
            %get3A_441 = arith.constant 0 : i32
            %get3A_442 = arith.constant 0 : i32
            %get3A_443 = tpu.memref_slice %arg11[%get3A_441, %get3A_442] : memref<2x4000xf32, #tpu.memory_space<vmem>> -> memref<1x4000xf32, #tpu.memory_space<vmem>>
            %get3A_444 = tpu.memref_squeeze %get3A_443 : memref<1x4000xf32, #tpu.memory_space<vmem>> -> memref<4000xf32, #tpu.memory_space<vmem>>
            %get3A_445 = arith.index_cast %mul3A_267 : i32 to index
            %get3A_446 = tpu.vector_load %get3A_444[%get3A_445] {strides = array<i32>} : memref<4000xf32, #tpu.memory_space<vmem>>, vector<16xf32>,
            tpu.vector_store_idx %arg6[%get3A_272], %get3A_332 {add = true} : memref<32768xf32, #tpu.memory_space<vmem>>[vector<16xi32>], vector<16xf32>,
            tpu.vector_store_idx %arg7[%get3A_272], %get3A_392 {add = true} : memref<32768xf32, #tpu.memory_space<vmem>>[vector<16xi32>], vector<16xf32>,
            tpu.vector_store_idx %arg6[%get3A_278], %get3A_338 {add = true} : memref<32768xf32, #tpu.memory_space<vmem>>[vector<16xi32>], vector<16xf32>,
            tpu.vector_store_idx %arg7[%get3A_278], %get3A_398 {add = true} : memref<32768xf32, #tpu.memory_space<vmem>>[vector<16xi32>], vector<16xf32>,
            tpu.vector_store_idx %arg6[%get3A_284], %get3A_344 {add = true} : memref<32768xf32, #tpu.memory_space<vmem>>[vector<16xi32>], vector<16xf32>,
            tpu.vector_store_idx %arg7[%get3A_284], %get3A_404 {add = true} : memref<32768xf32, #tpu.memory_space<vmem>>[vector<16xi32>], vector<16xf32>,
            tpu.vector_store_idx %arg6[%get3A_290], %get3A_350 {add = true} : memref<32768xf32, #tpu.memory_space<vmem>>[vector<16xi32>], vector<16xf32>,
            tpu.vector_store_idx %arg7[%get3A_290], %get3A_410 {add = true} : memref<32768xf32, #tpu.memory_space<vmem>>[vector<16xi32>], vector<16xf32>,
            tpu.vector_store_idx %arg6[%get3A_296], %get3A_356 {add = true} : memref<32768xf32, #tpu.memory_space<vmem>>[vector<16xi32>], vector<16xf32>,
            tpu.vector_store_idx %arg7[%get3A_296], %get3A_416 {add = true} : memref<32768xf32, #tpu.memory_space<vmem>>[vector<16xi32>], vector<16xf32>,
            tpu.vector_store_idx %arg6[%get3A_302], %get3A_362 {add = true} : memref<32768xf32, #tpu.memory_space<vmem>>[vector<16xi32>], vector<16xf32>,
            tpu.vector_store_idx %arg7[%get3A_302], %get3A_422 {add = true} : memref<32768xf32, #tpu.memory_space<vmem>>[vector<16xi32>], vector<16xf32>,
            tpu.vector_store_idx %arg6[%get3A_308], %get3A_368 {add = true} : memref<32768xf32, #tpu.memory_space<vmem>>[vector<16xi32>], vector<16xf32>,
            tpu.vector_store_idx %arg7[%get3A_308], %get3A_428 {add = true} : memref<32768xf32, #tpu.memory_space<vmem>>[vector<16xi32>], vector<16xf32>,
            tpu.vector_store_idx %arg6[%get3A_314], %get3A_374 {add = true} : memref<32768xf32, #tpu.memory_space<vmem>>[vector<16xi32>], vector<16xf32>,
            tpu.vector_store_idx %arg7[%get3A_314], %get3A_434 {add = true} : memref<32768xf32, #tpu.memory_space<vmem>>[vector<16xi32>], vector<16xf32>,
            tpu.vector_store_idx %arg6[%get3A_320], %get3A_380 {add = true} : memref<32768xf32, #tpu.memory_space<vmem>>[vector<16xi32>], vector<16xf32>,
            tpu.vector_store_idx %arg7[%get3A_320], %get3A_440 {add = true} : memref<32768xf32, #tpu.memory_space<vmem>>[vector<16xi32>], vector<16xf32>,
            tpu.vector_store_idx %arg6[%get3A_326], %get3A_386 {add = true} : memref<32768xf32, #tpu.memory_space<vmem>>[vector<16xi32>], vector<16xf32>,
            tpu.vector_store_idx %arg7[%get3A_326], %get3A_446 {add = true} : memref<32768xf32, #tpu.memory_space<vmem>>[vector<16xi32>], vector<16xf32>,
          }
          %scan3A_199 = arith.constant 25 : i32
          %add3A_200 = arith.constant 2 : i32
          %add3A_201 = arith.addi %add3A_142, %add3A_200 : i32
          %lt3A_202 = arith.constant 25 : i32
          %lt3A_203 = arith.cmpi slt, %add3A_201, %lt3A_202 : i32
          %convert_element_type3A_204 = arith.extui %lt3A_203 : i1 to i32
          %cond3A_205 = arith.constant 0 : i32
          %cond3A_206 = arith.cmpi ne, %convert_element_type3A_204, %cond3A_205 : i32
          scf.if %cond3A_206 {
            %add3A_207 = arith.constant 2 : i32
            %add3A_208 = arith.addi %add3A_142, %add3A_207 : i32
            %mul3A_209 = arith.constant 100352 : i32
            %mul3A_210 = arith.muli %select_n3A, %mul3A_209 : i32
            %mul3A_211 = arith.constant 4000 : i32
            %mul3A_212 = arith.muli %add3A_208, %mul3A_211 : i32
            %add3A_213 = arith.addi %mul3A_210, %mul3A_212 : i32
            %dma_start3A_214 = arith.constant 0 : i32
            %dma_start3A_215 = arith.constant 0 : i32
            %dma_start3A_216 = tpu.memref_slice %arg9[%dma_start3A_214, %dma_start3A_215] : memref<2x4000xi32, #tpu.memory_space<vmem>> -> memref<1x4000xi32, #tpu.memory_space<vmem>>
            %dma_start3A_217 = tpu.memref_squeeze %dma_start3A_216 : memref<1x4000xi32, #tpu.memory_space<vmem>> -> memref<4000xi32, #tpu.memory_space<vmem>>
            %dma_start3A_218 = tpu.memref_slice %arg3[%add3A_213] : memref<401408xi32, #tpu.memory_space<hbm>> -> memref<4000xi32, #tpu.memory_space<hbm>>
            %dma_start3A_219 = arith.constant 0 : i32
            %dma_start3A_220 = tpu.memref_slice %arg9[%dma_start3A_214, %dma_start3A_219] : memref<2x4000xi32, #tpu.memory_space<vmem>> -> memref<1x4000xi32, #tpu.memory_space<vmem>>
            %dma_start3A_221 = tpu.memref_squeeze %dma_start3A_220 : memref<1x4000xi32, #tpu.memory_space<vmem>> -> memref<4000xi32, #tpu.memory_space<vmem>>
            %dma_start3A_222 = tpu.memref_slice %arg3[%add3A_213] : memref<401408xi32, #tpu.memory_space<hbm>> -> memref<4000xi32, #tpu.memory_space<hbm>>
            tpu.enqueue_dma source(%dma_start3A_222 : memref<4000xi32, #tpu.memory_space<hbm>>) target(%dma_start3A_221 : memref<4000xi32, #tpu.memory_space<vmem>>) target_semaphore(%arg12 : memref<!tpu.dma_semaphore, #tpu.memory_space<semaphore_mem>>)
            %add3A_223 = arith.constant 2 : i32
            %add3A_224 = arith.addi %add3A_142, %add3A_223 : i32
            %mul3A_225 = arith.constant 4000 : i32
            %mul3A_226 = arith.muli %add3A_224, %mul3A_225 : i32
            %dma_start3A_227 = arith.constant 0 : i32
            %dma_start3A_228 = arith.constant 0 : i32
            %dma_start3A_229 = tpu.memref_slice %arg10[%dma_start3A_227, %dma_start3A_228] : memref<2x4000xf32, #tpu.memory_space<vmem>> -> memref<1x4000xf32, #tpu.memory_space<vmem>>
            %dma_start3A_230 = tpu.memref_squeeze %dma_start3A_229 : memref<1x4000xf32, #tpu.memory_space<vmem>> -> memref<4000xf32, #tpu.memory_space<vmem>>
            %dma_start3A_231 = tpu.memref_slice %arg2[%select_n3A, %add3A_43, %mul3A_226] : memref<4x128x100000xf32, #tpu.memory_space<hbm>> -> memref<1x1x4000xf32, #tpu.memory_space<hbm>>
            %dma_start3A_232 = tpu.memref_squeeze %dma_start3A_231 : memref<1x1x4000xf32, #tpu.memory_space<hbm>> -> memref<4000xf32, #tpu.memory_space<hbm>>
            %dma_start3A_233 = arith.constant 0 : i32
            %dma_start3A_234 = tpu.memref_slice %arg10[%dma_start3A_227, %dma_start3A_233] : memref<2x4000xf32, #tpu.memory_space<vmem>> -> memref<1x4000xf32, #tpu.memory_space<vmem>>
            %dma_start3A_235 = tpu.memref_squeeze %dma_start3A_234 : memref<1x4000xf32, #tpu.memory_space<vmem>> -> memref<4000xf32, #tpu.memory_space<vmem>>
            %dma_start3A_236 = tpu.memref_slice %arg2[%select_n3A, %add3A_43, %mul3A_226] : memref<4x128x100000xf32, #tpu.memory_space<hbm>> -> memref<1x1x4000xf32, #tpu.memory_space<hbm>>
            %dma_start3A_237 = tpu.memref_squeeze %dma_start3A_236 : memref<1x1x4000xf32, #tpu.memory_space<hbm>> -> memref<4000xf32, #tpu.memory_space<hbm>>
            tpu.enqueue_dma source(%dma_start3A_237 : memref<4000xf32, #tpu.memory_space<hbm>>) target(%dma_start3A_235 : memref<4000xf32, #tpu.memory_space<vmem>>) target_semaphore(%arg12 : memref<!tpu.dma_semaphore, #tpu.memory_space<semaphore_mem>>)
            %dma_start3A_238 = arith.constant 0 : i32
            %dma_start3A_239 = arith.constant 0 : i32
            %dma_start3A_240 = tpu.memref_slice %arg11[%dma_start3A_238, %dma_start3A_239] : memref<2x4000xf32, #tpu.memory_space<vmem>> -> memref<1x4000xf32, #tpu.memory_space<vmem>>
            %dma_start3A_241 = tpu.memref_squeeze %dma_start3A_240 : memref<1x4000xf32, #tpu.memory_space<vmem>> -> memref<4000xf32, #tpu.memory_space<vmem>>
            %dma_start3A_242 = tpu.memref_slice %arg2[%select_n3A, %add3A_45, %mul3A_226] : memref<4x128x100000xf32, #tpu.memory_space<hbm>> -> memref<1x1x4000xf32, #tpu.memory_space<hbm>>
            %dma_start3A_243 = tpu.memref_squeeze %dma_start3A_242 : memref<1x1x4000xf32, #tpu.memory_space<hbm>> -> memref<4000xf32, #tpu.memory_space<hbm>>
            %dma_start3A_244 = arith.constant 0 : i32
            %dma_start3A_245 = tpu.memref_slice %arg11[%dma_start3A_238, %dma_start3A_244] : memref<2x4000xf32, #tpu.memory_space<vmem>> -> memref<1x4000xf32, #tpu.memory_space<vmem>>
            %dma_start3A_246 = tpu.memref_squeeze %dma_start3A_245 : memref<1x4000xf32, #tpu.memory_space<vmem>> -> memref<4000xf32, #tpu.memory_space<vmem>>
            %dma_start3A_247 = tpu.memref_slice %arg2[%select_n3A, %add3A_45, %mul3A_226] : memref<4x128x100000xf32, #tpu.memory_space<hbm>> -> memref<1x1x4000xf32, #tpu.memory_space<hbm>>
            %dma_start3A_248 = tpu.memref_squeeze %dma_start3A_247 : memref<1x1x4000xf32, #tpu.memory_space<hbm>> -> memref<4000xf32, #tpu.memory_space<hbm>>
            tpu.enqueue_dma source(%dma_start3A_248 : memref<4000xf32, #tpu.memory_space<hbm>>) target(%dma_start3A_246 : memref<4000xf32, #tpu.memory_space<vmem>>) target_semaphore(%arg12 : memref<!tpu.dma_semaphore, #tpu.memory_space<semaphore_mem>>)
          } else {
          }
        } else {
        }
        %mul3A_146 = arith.constant 2 : i32
        %mul3A_147 = arith.muli %scan3A_138, %mul3A_146 : i32
        %add3A_148 = arith.constant 1 : i32
        %add3A_149 = arith.addi %mul3A_147, %add3A_148 : i32
        %lt3A_150 = arith.constant 25 : i32
        %lt3A_151 = arith.cmpi slt, %add3A_149, %lt3A_150 : i32
        %convert_element_type3A_152 = arith.extui %lt3A_151 : i1 to i32
        %cond3A_153 = arith.constant 0 : i32
        %cond3A_154 = arith.cmpi ne, %convert_element_type3A_152, %cond3A_153 : i32
        scf.if %cond3A_154 {
          %dma_wait3A = arith.constant 1 : i32
          %dma_wait3A_155 = arith.constant 0 : i32
          %dma_wait3A_156 = tpu.memref_slice %arg9[%dma_wait3A, %dma_wait3A_155] : memref<2x4000xi32, #tpu.memory_space<vmem>> -> memref<1x4000xi32, #tpu.memory_space<vmem>>
          %dma_wait3A_157 = tpu.memref_squeeze %dma_wait3A_156 : memref<1x4000xi32, #tpu.memory_space<vmem>> -> memref<4000xi32, #tpu.memory_space<vmem>>
          %dma_wait3A_158 = arith.constant 0 : i32
          %dma_wait3A_159 = tpu.memref_slice %arg3[%dma_wait3A_158] : memref<401408xi32, #tpu.memory_space<hbm>> -> memref<4000xi32, #tpu.memory_space<hbm>>
          %dma_wait3A_160 = arith.constant 0 : i32
          %dma_wait3A_161 = tpu.memref_slice %arg9[%dma_wait3A, %dma_wait3A_160] : memref<2x4000xi32, #tpu.memory_space<vmem>> -> memref<1x4000xi32, #tpu.memory_space<vmem>>
          %dma_wait3A_162 = tpu.memref_squeeze %dma_wait3A_161 : memref<1x4000xi32, #tpu.memory_space<vmem>> -> memref<4000xi32, #tpu.memory_space<vmem>>
          %dma_wait3A_163 = arith.constant 0 : i32
          %dma_wait3A_164 = tpu.memref_slice %arg3[%dma_wait3A_163] : memref<401408xi32, #tpu.memory_space<hbm>> -> memref<4000xi32, #tpu.memory_space<hbm>>
          tpu.wait_dma2 semaphore(%arg13 : memref<!tpu.dma_semaphore, #tpu.memory_space<semaphore_mem>>) src(%dma_wait3A_164 : memref<4000xi32, #tpu.memory_space<hbm>>) dst(%dma_wait3A_162 : memref<4000xi32, #tpu.memory_space<vmem>>)
          %dma_wait3A_165 = arith.constant 0 : i32
          %dma_wait3A_166 = arith.constant 0 : i32
          %dma_wait3A_167 = arith.constant 1 : i32
          %dma_wait3A_168 = arith.constant 0 : i32
          %dma_wait3A_169 = tpu.memref_slice %arg10[%dma_wait3A_167, %dma_wait3A_168] : memref<2x4000xf32, #tpu.memory_space<vmem>> -> memref<1x4000xf32, #tpu.memory_space<vmem>>
          %dma_wait3A_170 = tpu.memref_squeeze %dma_wait3A_169 : memref<1x4000xf32, #tpu.memory_space<vmem>> -> memref<4000xf32, #tpu.memory_space<vmem>>
          %dma_wait3A_171 = arith.constant 0 : i32
          %dma_wait3A_172 = tpu.memref_slice %arg2[%dma_wait3A_165, %dma_wait3A_166, %dma_wait3A_171] : memref<4x128x100000xf32, #tpu.memory_space<hbm>> -> memref<1x1x4000xf32, #tpu.memory_space<hbm>>
          %dma_wait3A_173 = tpu.memref_squeeze %dma_wait3A_172 : memref<1x1x4000xf32, #tpu.memory_space<hbm>> -> memref<4000xf32, #tpu.memory_space<hbm>>
          %dma_wait3A_174 = arith.constant 0 : i32
          %dma_wait3A_175 = tpu.memref_slice %arg10[%dma_wait3A_167, %dma_wait3A_174] : memref<2x4000xf32, #tpu.memory_space<vmem>> -> memref<1x4000xf32, #tpu.memory_space<vmem>>
          %dma_wait3A_176 = tpu.memref_squeeze %dma_wait3A_175 : memref<1x4000xf32, #tpu.memory_space<vmem>> -> memref<4000xf32, #tpu.memory_space<vmem>>
          %dma_wait3A_177 = arith.constant 0 : i32
          %dma_wait3A_178 = tpu.memref_slice %arg2[%dma_wait3A_165, %dma_wait3A_166, %dma_wait3A_177] : memref<4x128x100000xf32, #tpu.memory_space<hbm>> -> memref<1x1x4000xf32, #tpu.memory_space<hbm>>
          %dma_wait3A_179 = tpu.memref_squeeze %dma_wait3A_178 : memref<1x1x4000xf32, #tpu.memory_space<hbm>> -> memref<4000xf32, #tpu.memory_space<hbm>>
          tpu.wait_dma2 semaphore(%arg13 : memref<!tpu.dma_semaphore, #tpu.memory_space<semaphore_mem>>) src(%dma_wait3A_179 : memref<4000xf32, #tpu.memory_space<hbm>>) dst(%dma_wait3A_176 : memref<4000xf32, #tpu.memory_space<vmem>>)
          %dma_wait3A_180 = arith.constant 0 : i32
          %dma_wait3A_181 = arith.constant 0 : i32
          %dma_wait3A_182 = arith.constant 1 : i32
          %dma_wait3A_183 = arith.constant 0 : i32
          %dma_wait3A_184 = tpu.memref_slice %arg11[%dma_wait3A_182, %dma_wait3A_183] : memref<2x4000xf32, #tpu.memory_space<vmem>> -> memref<1x4000xf32, #tpu.memory_space<vmem>>
          %dma_wait3A_185 = tpu.memref_squeeze %dma_wait3A_184 : memref<1x4000xf32, #tpu.memory_space<vmem>> -> memref<4000xf32, #tpu.memory_space<vmem>>
          %dma_wait3A_186 = arith.constant 0 : i32
          %dma_wait3A_187 = tpu.memref_slice %arg2[%dma_wait3A_180, %dma_wait3A_181, %dma_wait3A_186] : memref<4x128x100000xf32, #tpu.memory_space<hbm>> -> memref<1x1x4000xf32, #tpu.memory_space<hbm>>
          %dma_wait3A_188 = tpu.memref_squeeze %dma_wait3A_187 : memref<1x1x4000xf32, #tpu.memory_space<hbm>> -> memref<4000xf32, #tpu.memory_space<hbm>>
          %dma_wait3A_189 = arith.constant 0 : i32
          %dma_wait3A_190 = tpu.memref_slice %arg11[%dma_wait3A_182, %dma_wait3A_189] : memref<2x4000xf32, #tpu.memory_space<vmem>> -> memref<1x4000xf32, #tpu.memory_space<vmem>>
          %dma_wait3A_191 = tpu.memref_squeeze %dma_wait3A_190 : memref<1x4000xf32, #tpu.memory_space<vmem>> -> memref<4000xf32, #tpu.memory_space<vmem>>
          %dma_wait3A_192 = arith.constant 0 : i32
          %dma_wait3A_193 = tpu.memref_slice %arg2[%dma_wait3A_180, %dma_wait3A_181, %dma_wait3A_192] : memref<4x128x100000xf32, #tpu.memory_space<hbm>> -> memref<1x1x4000xf32, #tpu.memory_space<hbm>>
          %dma_wait3A_194 = tpu.memref_squeeze %dma_wait3A_193 : memref<1x1x4000xf32, #tpu.memory_space<hbm>> -> memref<4000xf32, #tpu.memory_space<hbm>>
          tpu.wait_dma2 semaphore(%arg13 : memref<!tpu.dma_semaphore, #tpu.memory_space<semaphore_mem>>) src(%dma_wait3A_194 : memref<4000xf32, #tpu.memory_space<hbm>>) dst(%dma_wait3A_191 : memref<4000xf32, #tpu.memory_space<vmem>>)
          %scan3A_195 = arith.constant 0 : i32
          %scan3A_196 = arith.constant 25 : i32
          %scan3A_197 = arith.addi %scan3A_195, %scan3A_196 : i32
          %scan3A_198 = arith.constant 1 : i32
          scf.for %scan3A_207 = %scan3A_195 to %scan3A_197 step %scan3A_198  : i32 {
            %mul3A_208 = arith.constant 10 : i32
            %mul3A_209 = arith.muli %scan3A_207, %mul3A_208 : i32
            %add3A_210 = arith.constant 0 : i32
            %add3A_211 = arith.addi %mul3A_209, %add3A_210 : i32
            %mul3A_212 = arith.constant 16 : i32
            %mul3A_213 = arith.muli %add3A_211, %mul3A_212 : i32
            %mul3A_214 = arith.constant 10 : i32
            %mul3A_215 = arith.muli %scan3A_207, %mul3A_214 : i32
            %add3A_216 = arith.constant 1 : i32
            %add3A_217 = arith.addi %mul3A_215, %add3A_216 : i32
            %mul3A_218 = arith.constant 16 : i32
            %mul3A_219 = arith.muli %add3A_217, %mul3A_218 : i32
            %mul3A_220 = arith.constant 10 : i32
            %mul3A_221 = arith.muli %scan3A_207, %mul3A_220 : i32
            %add3A_222 = arith.constant 2 : i32
            %add3A_223 = arith.addi %mul3A_221, %add3A_222 : i32
            %mul3A_224 = arith.constant 16 : i32
            %mul3A_225 = arith.muli %add3A_223, %mul3A_224 : i32
            %mul3A_226 = arith.constant 10 : i32
            %mul3A_227 = arith.muli %scan3A_207, %mul3A_226 : i32
            %add3A_228 = arith.constant 3 : i32
            %add3A_229 = arith.addi %mul3A_227, %add3A_228 : i32
            %mul3A_230 = arith.constant 16 : i32
            %mul3A_231 = arith.muli %add3A_229, %mul3A_230 : i32
            %mul3A_232 = arith.constant 10 : i32
            %mul3A_233 = arith.muli %scan3A_207, %mul3A_232 : i32
            %add3A_234 = arith.constant 4 : i32
            %add3A_235 = arith.addi %mul3A_233, %add3A_234 : i32
            %mul3A_236 = arith.constant 16 : i32
            %mul3A_237 = arith.muli %add3A_235, %mul3A_236 : i32
            %mul3A_238 = arith.constant 10 : i32
            %mul3A_239 = arith.muli %scan3A_207, %mul3A_238 : i32
            %add3A_240 = arith.constant 5 : i32
            %add3A_241 = arith.addi %mul3A_239, %add3A_240 : i32
            %mul3A_242 = arith.constant 16 : i32
            %mul3A_243 = arith.muli %add3A_241, %mul3A_242 : i32
            %mul3A_244 = arith.constant 10 : i32
            %mul3A_245 = arith.muli %scan3A_207, %mul3A_244 : i32
            %add3A_246 = arith.constant 6 : i32
            %add3A_247 = arith.addi %mul3A_245, %add3A_246 : i32
            %mul3A_248 = arith.constant 16 : i32
            %mul3A_249 = arith.muli %add3A_247, %mul3A_248 : i32
            %mul3A_250 = arith.constant 10 : i32
            %mul3A_251 = arith.muli %scan3A_207, %mul3A_250 : i32
            %add3A_252 = arith.constant 7 : i32
            %add3A_253 = arith.addi %mul3A_251, %add3A_252 : i32
            %mul3A_254 = arith.constant 16 : i32
            %mul3A_255 = arith.muli %add3A_253, %mul3A_254 : i32
            %mul3A_256 = arith.constant 10 : i32
            %mul3A_257 = arith.muli %scan3A_207, %mul3A_256 : i32
            %add3A_258 = arith.constant 8 : i32
            %add3A_259 = arith.addi %mul3A_257, %add3A_258 : i32
            %mul3A_260 = arith.constant 16 : i32
            %mul3A_261 = arith.muli %add3A_259, %mul3A_260 : i32
            %mul3A_262 = arith.constant 10 : i32
            %mul3A_263 = arith.muli %scan3A_207, %mul3A_262 : i32
            %add3A_264 = arith.constant 9 : i32
            %add3A_265 = arith.addi %mul3A_263, %add3A_264 : i32
            %mul3A_266 = arith.constant 16 : i32
            %mul3A_267 = arith.muli %add3A_265, %mul3A_266 : i32
            %get3A = arith.constant 1 : i32
            %get3A_268 = arith.constant 0 : i32
            %get3A_269 = tpu.memref_slice %arg9[%get3A, %get3A_268] : memref<2x4000xi32, #tpu.memory_space<vmem>> -> memref<1x4000xi32, #tpu.memory_space<vmem>>
            %get3A_270 = tpu.memref_squeeze %get3A_269 : memref<1x4000xi32, #tpu.memory_space<vmem>> -> memref<4000xi32, #tpu.memory_space<vmem>>
            %get3A_271 = arith.index_cast %mul3A_213 : i32 to index
            %get3A_272 = tpu.vector_load %get3A_270[%get3A_271] {strides = array<i32>} : memref<4000xi32, #tpu.memory_space<vmem>>, vector<16xi32>,
            %get3A_273 = arith.constant 1 : i32
            %get3A_274 = arith.constant 0 : i32
            %get3A_275 = tpu.memref_slice %arg9[%get3A_273, %get3A_274] : memref<2x4000xi32, #tpu.memory_space<vmem>> -> memref<1x4000xi32, #tpu.memory_space<vmem>>
            %get3A_276 = tpu.memref_squeeze %get3A_275 : memref<1x4000xi32, #tpu.memory_space<vmem>> -> memref<4000xi32, #tpu.memory_space<vmem>>
            %get3A_277 = arith.index_cast %mul3A_219 : i32 to index
            %get3A_278 = tpu.vector_load %get3A_276[%get3A_277] {strides = array<i32>} : memref<4000xi32, #tpu.memory_space<vmem>>, vector<16xi32>,
            %get3A_279 = arith.constant 1 : i32
            %get3A_280 = arith.constant 0 : i32
            %get3A_281 = tpu.memref_slice %arg9[%get3A_279, %get3A_280] : memref<2x4000xi32, #tpu.memory_space<vmem>> -> memref<1x4000xi32, #tpu.memory_space<vmem>>
            %get3A_282 = tpu.memref_squeeze %get3A_281 : memref<1x4000xi32, #tpu.memory_space<vmem>> -> memref<4000xi32, #tpu.memory_space<vmem>>
            %get3A_283 = arith.index_cast %mul3A_225 : i32 to index
            %get3A_284 = tpu.vector_load %get3A_282[%get3A_283] {strides = array<i32>} : memref<4000xi32, #tpu.memory_space<vmem>>, vector<16xi32>,
            %get3A_285 = arith.constant 1 : i32
            %get3A_286 = arith.constant 0 : i32
            %get3A_287 = tpu.memref_slice %arg9[%get3A_285, %get3A_286] : memref<2x4000xi32, #tpu.memory_space<vmem>> -> memref<1x4000xi32, #tpu.memory_space<vmem>>
            %get3A_288 = tpu.memref_squeeze %get3A_287 : memref<1x4000xi32, #tpu.memory_space<vmem>> -> memref<4000xi32, #tpu.memory_space<vmem>>
            %get3A_289 = arith.index_cast %mul3A_231 : i32 to index
            %get3A_290 = tpu.vector_load %get3A_288[%get3A_289] {strides = array<i32>} : memref<4000xi32, #tpu.memory_space<vmem>>, vector<16xi32>,
            %get3A_291 = arith.constant 1 : i32
            %get3A_292 = arith.constant 0 : i32
            %get3A_293 = tpu.memref_slice %arg9[%get3A_291, %get3A_292] : memref<2x4000xi32, #tpu.memory_space<vmem>> -> memref<1x4000xi32, #tpu.memory_space<vmem>>
            %get3A_294 = tpu.memref_squeeze %get3A_293 : memref<1x4000xi32, #tpu.memory_space<vmem>> -> memref<4000xi32, #tpu.memory_space<vmem>>
            %get3A_295 = arith.index_cast %mul3A_237 : i32 to index
            %get3A_296 = tpu.vector_load %get3A_294[%get3A_295] {strides = array<i32>} : memref<4000xi32, #tpu.memory_space<vmem>>, vector<16xi32>,
            %get3A_297 = arith.constant 1 : i32
            %get3A_298 = arith.constant 0 : i32
            %get3A_299 = tpu.memref_slice %arg9[%get3A_297, %get3A_298] : memref<2x4000xi32, #tpu.memory_space<vmem>> -> memref<1x4000xi32, #tpu.memory_space<vmem>>
            %get3A_300 = tpu.memref_squeeze %get3A_299 : memref<1x4000xi32, #tpu.memory_space<vmem>> -> memref<4000xi32, #tpu.memory_space<vmem>>
            %get3A_301 = arith.index_cast %mul3A_243 : i32 to index
            %get3A_302 = tpu.vector_load %get3A_300[%get3A_301] {strides = array<i32>} : memref<4000xi32, #tpu.memory_space<vmem>>, vector<16xi32>,
            %get3A_303 = arith.constant 1 : i32
            %get3A_304 = arith.constant 0 : i32
            %get3A_305 = tpu.memref_slice %arg9[%get3A_303, %get3A_304] : memref<2x4000xi32, #tpu.memory_space<vmem>> -> memref<1x4000xi32, #tpu.memory_space<vmem>>
            %get3A_306 = tpu.memref_squeeze %get3A_305 : memref<1x4000xi32, #tpu.memory_space<vmem>> -> memref<4000xi32, #tpu.memory_space<vmem>>
            %get3A_307 = arith.index_cast %mul3A_249 : i32 to index
            %get3A_308 = tpu.vector_load %get3A_306[%get3A_307] {strides = array<i32>} : memref<4000xi32, #tpu.memory_space<vmem>>, vector<16xi32>,
            %get3A_309 = arith.constant 1 : i32
            %get3A_310 = arith.constant 0 : i32
            %get3A_311 = tpu.memref_slice %arg9[%get3A_309, %get3A_310] : memref<2x4000xi32, #tpu.memory_space<vmem>> -> memref<1x4000xi32, #tpu.memory_space<vmem>>
            %get3A_312 = tpu.memref_squeeze %get3A_311 : memref<1x4000xi32, #tpu.memory_space<vmem>> -> memref<4000xi32, #tpu.memory_space<vmem>>
            %get3A_313 = arith.index_cast %mul3A_255 : i32 to index
            %get3A_314 = tpu.vector_load %get3A_312[%get3A_313] {strides = array<i32>} : memref<4000xi32, #tpu.memory_space<vmem>>, vector<16xi32>,
            %get3A_315 = arith.constant 1 : i32
            %get3A_316 = arith.constant 0 : i32
            %get3A_317 = tpu.memref_slice %arg9[%get3A_315, %get3A_316] : memref<2x4000xi32, #tpu.memory_space<vmem>> -> memref<1x4000xi32, #tpu.memory_space<vmem>>
            %get3A_318 = tpu.memref_squeeze %get3A_317 : memref<1x4000xi32, #tpu.memory_space<vmem>> -> memref<4000xi32, #tpu.memory_space<vmem>>
            %get3A_319 = arith.index_cast %mul3A_261 : i32 to index
            %get3A_320 = tpu.vector_load %get3A_318[%get3A_319] {strides = array<i32>} : memref<4000xi32, #tpu.memory_space<vmem>>, vector<16xi32>,
            %get3A_321 = arith.constant 1 : i32
            %get3A_322 = arith.constant 0 : i32
            %get3A_323 = tpu.memref_slice %arg9[%get3A_321, %get3A_322] : memref<2x4000xi32, #tpu.memory_space<vmem>> -> memref<1x4000xi32, #tpu.memory_space<vmem>>
            %get3A_324 = tpu.memref_squeeze %get3A_323 : memref<1x4000xi32, #tpu.memory_space<vmem>> -> memref<4000xi32, #tpu.memory_space<vmem>>
            %get3A_325 = arith.index_cast %mul3A_267 : i32 to index
            %get3A_326 = tpu.vector_load %get3A_324[%get3A_325] {strides = array<i32>} : memref<4000xi32, #tpu.memory_space<vmem>>, vector<16xi32>,
            %get3A_327 = arith.constant 1 : i32
            %get3A_328 = arith.constant 0 : i32
            %get3A_329 = tpu.memref_slice %arg10[%get3A_327, %get3A_328] : memref<2x4000xf32, #tpu.memory_space<vmem>> -> memref<1x4000xf32, #tpu.memory_space<vmem>>
            %get3A_330 = tpu.memref_squeeze %get3A_329 : memref<1x4000xf32, #tpu.memory_space<vmem>> -> memref<4000xf32, #tpu.memory_space<vmem>>
            %get3A_331 = arith.index_cast %mul3A_213 : i32 to index
            %get3A_332 = tpu.vector_load %get3A_330[%get3A_331] {strides = array<i32>} : memref<4000xf32, #tpu.memory_space<vmem>>, vector<16xf32>,
            %get3A_333 = arith.constant 1 : i32
            %get3A_334 = arith.constant 0 : i32
            %get3A_335 = tpu.memref_slice %arg10[%get3A_333, %get3A_334] : memref<2x4000xf32, #tpu.memory_space<vmem>> -> memref<1x4000xf32, #tpu.memory_space<vmem>>
            %get3A_336 = tpu.memref_squeeze %get3A_335 : memref<1x4000xf32, #tpu.memory_space<vmem>> -> memref<4000xf32, #tpu.memory_space<vmem>>
            %get3A_337 = arith.index_cast %mul3A_219 : i32 to index
            %get3A_338 = tpu.vector_load %get3A_336[%get3A_337] {strides = array<i32>} : memref<4000xf32, #tpu.memory_space<vmem>>, vector<16xf32>,
            %get3A_339 = arith.constant 1 : i32
            %get3A_340 = arith.constant 0 : i32
            %get3A_341 = tpu.memref_slice %arg10[%get3A_339, %get3A_340] : memref<2x4000xf32, #tpu.memory_space<vmem>> -> memref<1x4000xf32, #tpu.memory_space<vmem>>
            %get3A_342 = tpu.memref_squeeze %get3A_341 : memref<1x4000xf32, #tpu.memory_space<vmem>> -> memref<4000xf32, #tpu.memory_space<vmem>>
            %get3A_343 = arith.index_cast %mul3A_225 : i32 to index
            %get3A_344 = tpu.vector_load %get3A_342[%get3A_343] {strides = array<i32>} : memref<4000xf32, #tpu.memory_space<vmem>>, vector<16xf32>,
            %get3A_345 = arith.constant 1 : i32
            %get3A_346 = arith.constant 0 : i32
            %get3A_347 = tpu.memref_slice %arg10[%get3A_345, %get3A_346] : memref<2x4000xf32, #tpu.memory_space<vmem>> -> memref<1x4000xf32, #tpu.memory_space<vmem>>
            %get3A_348 = tpu.memref_squeeze %get3A_347 : memref<1x4000xf32, #tpu.memory_space<vmem>> -> memref<4000xf32, #tpu.memory_space<vmem>>
            %get3A_349 = arith.index_cast %mul3A_231 : i32 to index
            %get3A_350 = tpu.vector_load %get3A_348[%get3A_349] {strides = array<i32>} : memref<4000xf32, #tpu.memory_space<vmem>>, vector<16xf32>,
            %get3A_351 = arith.constant 1 : i32
            %get3A_352 = arith.constant 0 : i32
            %get3A_353 = tpu.memref_slice %arg10[%get3A_351, %get3A_352] : memref<2x4000xf32, #tpu.memory_space<vmem>> -> memref<1x4000xf32, #tpu.memory_space<vmem>>
            %get3A_354 = tpu.memref_squeeze %get3A_353 : memref<1x4000xf32, #tpu.memory_space<vmem>> -> memref<4000xf32, #tpu.memory_space<vmem>>
            %get3A_355 = arith.index_cast %mul3A_237 : i32 to index
            %get3A_356 = tpu.vector_load %get3A_354[%get3A_355] {strides = array<i32>} : memref<4000xf32, #tpu.memory_space<vmem>>, vector<16xf32>,
            %get3A_357 = arith.constant 1 : i32
            %get3A_358 = arith.constant 0 : i32
            %get3A_359 = tpu.memref_slice %arg10[%get3A_357, %get3A_358] : memref<2x4000xf32, #tpu.memory_space<vmem>> -> memref<1x4000xf32, #tpu.memory_space<vmem>>
            %get3A_360 = tpu.memref_squeeze %get3A_359 : memref<1x4000xf32, #tpu.memory_space<vmem>> -> memref<4000xf32, #tpu.memory_space<vmem>>
            %get3A_361 = arith.index_cast %mul3A_243 : i32 to index
            %get3A_362 = tpu.vector_load %get3A_360[%get3A_361] {strides = array<i32>} : memref<4000xf32, #tpu.memory_space<vmem>>, vector<16xf32>,
            %get3A_363 = arith.constant 1 : i32
            %get3A_364 = arith.constant 0 : i32
            %get3A_365 = tpu.memref_slice %arg10[%get3A_363, %get3A_364] : memref<2x4000xf32, #tpu.memory_space<vmem>> -> memref<1x4000xf32, #tpu.memory_space<vmem>>
            %get3A_366 = tpu.memref_squeeze %get3A_365 : memref<1x4000xf32, #tpu.memory_space<vmem>> -> memref<4000xf32, #tpu.memory_space<vmem>>
            %get3A_367 = arith.index_cast %mul3A_249 : i32 to index
            %get3A_368 = tpu.vector_load %get3A_366[%get3A_367] {strides = array<i32>} : memref<4000xf32, #tpu.memory_space<vmem>>, vector<16xf32>,
            %get3A_369 = arith.constant 1 : i32
            %get3A_370 = arith.constant 0 : i32
            %get3A_371 = tpu.memref_slice %arg10[%get3A_369, %get3A_370] : memref<2x4000xf32, #tpu.memory_space<vmem>> -> memref<1x4000xf32, #tpu.memory_space<vmem>>
            %get3A_372 = tpu.memref_squeeze %get3A_371 : memref<1x4000xf32, #tpu.memory_space<vmem>> -> memref<4000xf32, #tpu.memory_space<vmem>>
            %get3A_373 = arith.index_cast %mul3A_255 : i32 to index
            %get3A_374 = tpu.vector_load %get3A_372[%get3A_373] {strides = array<i32>} : memref<4000xf32, #tpu.memory_space<vmem>>, vector<16xf32>,
            %get3A_375 = arith.constant 1 : i32
            %get3A_376 = arith.constant 0 : i32
            %get3A_377 = tpu.memref_slice %arg10[%get3A_375, %get3A_376] : memref<2x4000xf32, #tpu.memory_space<vmem>> -> memref<1x4000xf32, #tpu.memory_space<vmem>>
            %get3A_378 = tpu.memref_squeeze %get3A_377 : memref<1x4000xf32, #tpu.memory_space<vmem>> -> memref<4000xf32, #tpu.memory_space<vmem>>
            %get3A_379 = arith.index_cast %mul3A_261 : i32 to index
            %get3A_380 = tpu.vector_load %get3A_378[%get3A_379] {strides = array<i32>} : memref<4000xf32, #tpu.memory_space<vmem>>, vector<16xf32>,
            %get3A_381 = arith.constant 1 : i32
            %get3A_382 = arith.constant 0 : i32
            %get3A_383 = tpu.memref_slice %arg10[%get3A_381, %get3A_382] : memref<2x4000xf32, #tpu.memory_space<vmem>> -> memref<1x4000xf32, #tpu.memory_space<vmem>>
            %get3A_384 = tpu.memref_squeeze %get3A_383 : memref<1x4000xf32, #tpu.memory_space<vmem>> -> memref<4000xf32, #tpu.memory_space<vmem>>
            %get3A_385 = arith.index_cast %mul3A_267 : i32 to index
            %get3A_386 = tpu.vector_load %get3A_384[%get3A_385] {strides = array<i32>} : memref<4000xf32, #tpu.memory_space<vmem>>, vector<16xf32>,
            %get3A_387 = arith.constant 1 : i32
            %get3A_388 = arith.constant 0 : i32
            %get3A_389 = tpu.memref_slice %arg11[%get3A_387, %get3A_388] : memref<2x4000xf32, #tpu.memory_space<vmem>> -> memref<1x4000xf32, #tpu.memory_space<vmem>>
            %get3A_390 = tpu.memref_squeeze %get3A_389 : memref<1x4000xf32, #tpu.memory_space<vmem>> -> memref<4000xf32, #tpu.memory_space<vmem>>
            %get3A_391 = arith.index_cast %mul3A_213 : i32 to index
            %get3A_392 = tpu.vector_load %get3A_390[%get3A_391] {strides = array<i32>} : memref<4000xf32, #tpu.memory_space<vmem>>, vector<16xf32>,
            %get3A_393 = arith.constant 1 : i32
            %get3A_394 = arith.constant 0 : i32
            %get3A_395 = tpu.memref_slice %arg11[%get3A_393, %get3A_394] : memref<2x4000xf32, #tpu.memory_space<vmem>> -> memref<1x4000xf32, #tpu.memory_space<vmem>>
            %get3A_396 = tpu.memref_squeeze %get3A_395 : memref<1x4000xf32, #tpu.memory_space<vmem>> -> memref<4000xf32, #tpu.memory_space<vmem>>
            %get3A_397 = arith.index_cast %mul3A_219 : i32 to index
            %get3A_398 = tpu.vector_load %get3A_396[%get3A_397] {strides = array<i32>} : memref<4000xf32, #tpu.memory_space<vmem>>, vector<16xf32>,
            %get3A_399 = arith.constant 1 : i32
            %get3A_400 = arith.constant 0 : i32
            %get3A_401 = tpu.memref_slice %arg11[%get3A_399, %get3A_400] : memref<2x4000xf32, #tpu.memory_space<vmem>> -> memref<1x4000xf32, #tpu.memory_space<vmem>>
            %get3A_402 = tpu.memref_squeeze %get3A_401 : memref<1x4000xf32, #tpu.memory_space<vmem>> -> memref<4000xf32, #tpu.memory_space<vmem>>
            %get3A_403 = arith.index_cast %mul3A_225 : i32 to index
            %get3A_404 = tpu.vector_load %get3A_402[%get3A_403] {strides = array<i32>} : memref<4000xf32, #tpu.memory_space<vmem>>, vector<16xf32>,
            %get3A_405 = arith.constant 1 : i32
            %get3A_406 = arith.constant 0 : i32
            %get3A_407 = tpu.memref_slice %arg11[%get3A_405, %get3A_406] : memref<2x4000xf32, #tpu.memory_space<vmem>> -> memref<1x4000xf32, #tpu.memory_space<vmem>>
            %get3A_408 = tpu.memref_squeeze %get3A_407 : memref<1x4000xf32, #tpu.memory_space<vmem>> -> memref<4000xf32, #tpu.memory_space<vmem>>
            %get3A_409 = arith.index_cast %mul3A_231 : i32 to index
            %get3A_410 = tpu.vector_load %get3A_408[%get3A_409] {strides = array<i32>} : memref<4000xf32, #tpu.memory_space<vmem>>, vector<16xf32>,
            %get3A_411 = arith.constant 1 : i32
            %get3A_412 = arith.constant 0 : i32
            %get3A_413 = tpu.memref_slice %arg11[%get3A_411, %get3A_412] : memref<2x4000xf32, #tpu.memory_space<vmem>> -> memref<1x4000xf32, #tpu.memory_space<vmem>>
            %get3A_414 = tpu.memref_squeeze %get3A_413 : memref<1x4000xf32, #tpu.memory_space<vmem>> -> memref<4000xf32, #tpu.memory_space<vmem>>
            %get3A_415 = arith.index_cast %mul3A_237 : i32 to index
            %get3A_416 = tpu.vector_load %get3A_414[%get3A_415] {strides = array<i32>} : memref<4000xf32, #tpu.memory_space<vmem>>, vector<16xf32>,
            %get3A_417 = arith.constant 1 : i32
            %get3A_418 = arith.constant 0 : i32
            %get3A_419 = tpu.memref_slice %arg11[%get3A_417, %get3A_418] : memref<2x4000xf32, #tpu.memory_space<vmem>> -> memref<1x4000xf32, #tpu.memory_space<vmem>>
            %get3A_420 = tpu.memref_squeeze %get3A_419 : memref<1x4000xf32, #tpu.memory_space<vmem>> -> memref<4000xf32, #tpu.memory_space<vmem>>
            %get3A_421 = arith.index_cast %mul3A_243 : i32 to index
            %get3A_422 = tpu.vector_load %get3A_420[%get3A_421] {strides = array<i32>} : memref<4000xf32, #tpu.memory_space<vmem>>, vector<16xf32>,
            %get3A_423 = arith.constant 1 : i32
            %get3A_424 = arith.constant 0 : i32
            %get3A_425 = tpu.memref_slice %arg11[%get3A_423, %get3A_424] : memref<2x4000xf32, #tpu.memory_space<vmem>> -> memref<1x4000xf32, #tpu.memory_space<vmem>>
            %get3A_426 = tpu.memref_squeeze %get3A_425 : memref<1x4000xf32, #tpu.memory_space<vmem>> -> memref<4000xf32, #tpu.memory_space<vmem>>
            %get3A_427 = arith.index_cast %mul3A_249 : i32 to index
            %get3A_428 = tpu.vector_load %get3A_426[%get3A_427] {strides = array<i32>} : memref<4000xf32, #tpu.memory_space<vmem>>, vector<16xf32>,
            %get3A_429 = arith.constant 1 : i32
            %get3A_430 = arith.constant 0 : i32
            %get3A_431 = tpu.memref_slice %arg11[%get3A_429, %get3A_430] : memref<2x4000xf32, #tpu.memory_space<vmem>> -> memref<1x4000xf32, #tpu.memory_space<vmem>>
            %get3A_432 = tpu.memref_squeeze %get3A_431 : memref<1x4000xf32, #tpu.memory_space<vmem>> -> memref<4000xf32, #tpu.memory_space<vmem>>
            %get3A_433 = arith.index_cast %mul3A_255 : i32 to index
            %get3A_434 = tpu.vector_load %get3A_432[%get3A_433] {strides = array<i32>} : memref<4000xf32, #tpu.memory_space<vmem>>, vector<16xf32>,
            %get3A_435 = arith.constant 1 : i32
            %get3A_436 = arith.constant 0 : i32
            %get3A_437 = tpu.memref_slice %arg11[%get3A_435, %get3A_436] : memref<2x4000xf32, #tpu.memory_space<vmem>> -> memref<1x4000xf32, #tpu.memory_space<vmem>>
            %get3A_438 = tpu.memref_squeeze %get3A_437 : memref<1x4000xf32, #tpu.memory_space<vmem>> -> memref<4000xf32, #tpu.memory_space<vmem>>
            %get3A_439 = arith.index_cast %mul3A_261 : i32 to index
            %get3A_440 = tpu.vector_load %get3A_438[%get3A_439] {strides = array<i32>} : memref<4000xf32, #tpu.memory_space<vmem>>, vector<16xf32>,
            %get3A_441 = arith.constant 1 : i32
            %get3A_442 = arith.constant 0 : i32
            %get3A_443 = tpu.memref_slice %arg11[%get3A_441, %get3A_442] : memref<2x4000xf32, #tpu.memory_space<vmem>> -> memref<1x4000xf32, #tpu.memory_space<vmem>>
            %get3A_444 = tpu.memref_squeeze %get3A_443 : memref<1x4000xf32, #tpu.memory_space<vmem>> -> memref<4000xf32, #tpu.memory_space<vmem>>
            %get3A_445 = arith.index_cast %mul3A_267 : i32 to index
            %get3A_446 = tpu.vector_load %get3A_444[%get3A_445] {strides = array<i32>} : memref<4000xf32, #tpu.memory_space<vmem>>, vector<16xf32>,
            tpu.vector_store_idx %arg6[%get3A_272], %get3A_332 {add = true} : memref<32768xf32, #tpu.memory_space<vmem>>[vector<16xi32>], vector<16xf32>,
            tpu.vector_store_idx %arg7[%get3A_272], %get3A_392 {add = true} : memref<32768xf32, #tpu.memory_space<vmem>>[vector<16xi32>], vector<16xf32>,
            tpu.vector_store_idx %arg6[%get3A_278], %get3A_338 {add = true} : memref<32768xf32, #tpu.memory_space<vmem>>[vector<16xi32>], vector<16xf32>,
            tpu.vector_store_idx %arg7[%get3A_278], %get3A_398 {add = true} : memref<32768xf32, #tpu.memory_space<vmem>>[vector<16xi32>], vector<16xf32>,
            tpu.vector_store_idx %arg6[%get3A_284], %get3A_344 {add = true} : memref<32768xf32, #tpu.memory_space<vmem>>[vector<16xi32>], vector<16xf32>,
            tpu.vector_store_idx %arg7[%get3A_284], %get3A_404 {add = true} : memref<32768xf32, #tpu.memory_space<vmem>>[vector<16xi32>], vector<16xf32>,
            tpu.vector_store_idx %arg6[%get3A_290], %get3A_350 {add = true} : memref<32768xf32, #tpu.memory_space<vmem>>[vector<16xi32>], vector<16xf32>,
            tpu.vector_store_idx %arg7[%get3A_290], %get3A_410 {add = true} : memref<32768xf32, #tpu.memory_space<vmem>>[vector<16xi32>], vector<16xf32>,
            tpu.vector_store_idx %arg6[%get3A_296], %get3A_356 {add = true} : memref<32768xf32, #tpu.memory_space<vmem>>[vector<16xi32>], vector<16xf32>,
            tpu.vector_store_idx %arg7[%get3A_296], %get3A_416 {add = true} : memref<32768xf32, #tpu.memory_space<vmem>>[vector<16xi32>], vector<16xf32>,
            tpu.vector_store_idx %arg6[%get3A_302], %get3A_362 {add = true} : memref<32768xf32, #tpu.memory_space<vmem>>[vector<16xi32>], vector<16xf32>,
            tpu.vector_store_idx %arg7[%get3A_302], %get3A_422 {add = true} : memref<32768xf32, #tpu.memory_space<vmem>>[vector<16xi32>], vector<16xf32>,
            tpu.vector_store_idx %arg6[%get3A_308], %get3A_368 {add = true} : memref<32768xf32, #tpu.memory_space<vmem>>[vector<16xi32>], vector<16xf32>,
            tpu.vector_store_idx %arg7[%get3A_308], %get3A_428 {add = true} : memref<32768xf32, #tpu.memory_space<vmem>>[vector<16xi32>], vector<16xf32>,
            tpu.vector_store_idx %arg6[%get3A_314], %get3A_374 {add = true} : memref<32768xf32, #tpu.memory_space<vmem>>[vector<16xi32>], vector<16xf32>,
            tpu.vector_store_idx %arg7[%get3A_314], %get3A_434 {add = true} : memref<32768xf32, #tpu.memory_space<vmem>>[vector<16xi32>], vector<16xf32>,
            tpu.vector_store_idx %arg6[%get3A_320], %get3A_380 {add = true} : memref<32768xf32, #tpu.memory_space<vmem>>[vector<16xi32>], vector<16xf32>,
            tpu.vector_store_idx %arg7[%get3A_320], %get3A_440 {add = true} : memref<32768xf32, #tpu.memory_space<vmem>>[vector<16xi32>], vector<16xf32>,
            tpu.vector_store_idx %arg6[%get3A_326], %get3A_386 {add = true} : memref<32768xf32, #tpu.memory_space<vmem>>[vector<16xi32>], vector<16xf32>,
            tpu.vector_store_idx %arg7[%get3A_326], %get3A_446 {add = true} : memref<32768xf32, #tpu.memory_space<vmem>>[vector<16xi32>], vector<16xf32>,
          }
          %scan3A_199 = arith.constant 25 : i32
          %add3A_200 = arith.constant 2 : i32
          %add3A_201 = arith.addi %add3A_149, %add3A_200 : i32
          %lt3A_202 = arith.constant 25 : i32
          %lt3A_203 = arith.cmpi slt, %add3A_201, %lt3A_202 : i32
          %convert_element_type3A_204 = arith.extui %lt3A_203 : i1 to i32
          %cond3A_205 = arith.constant 0 : i32
          %cond3A_206 = arith.cmpi ne, %convert_element_type3A_204, %cond3A_205 : i32
          scf.if %cond3A_206 {
            %add3A_207 = arith.constant 2 : i32
            %add3A_208 = arith.addi %add3A_149, %add3A_207 : i32
            %mul3A_209 = arith.constant 100352 : i32
            %mul3A_210 = arith.muli %select_n3A, %mul3A_209 : i32
            %mul3A_211 = arith.constant 4000 : i32
            %mul3A_212 = arith.muli %add3A_208, %mul3A_211 : i32
            %add3A_213 = arith.addi %mul3A_210, %mul3A_212 : i32
            %dma_start3A_214 = arith.constant 1 : i32
            %dma_start3A_215 = arith.constant 0 : i32
            %dma_start3A_216 = tpu.memref_slice %arg9[%dma_start3A_214, %dma_start3A_215] : memref<2x4000xi32, #tpu.memory_space<vmem>> -> memref<1x4000xi32, #tpu.memory_space<vmem>>
            %dma_start3A_217 = tpu.memref_squeeze %dma_start3A_216 : memref<1x4000xi32, #tpu.memory_space<vmem>> -> memref<4000xi32, #tpu.memory_space<vmem>>
            %dma_start3A_218 = tpu.memref_slice %arg3[%add3A_213] : memref<401408xi32, #tpu.memory_space<hbm>> -> memref<4000xi32, #tpu.memory_space<hbm>>
            %dma_start3A_219 = arith.constant 0 : i32
            %dma_start3A_220 = tpu.memref_slice %arg9[%dma_start3A_214, %dma_start3A_219] : memref<2x4000xi32, #tpu.memory_space<vmem>> -> memref<1x4000xi32, #tpu.memory_space<vmem>>
            %dma_start3A_221 = tpu.memref_squeeze %dma_start3A_220 : memref<1x4000xi32, #tpu.memory_space<vmem>> -> memref<4000xi32, #tpu.memory_space<vmem>>
            %dma_start3A_222 = tpu.memref_slice %arg3[%add3A_213] : memref<401408xi32, #tpu.memory_space<hbm>> -> memref<4000xi32, #tpu.memory_space<hbm>>
            tpu.enqueue_dma source(%dma_start3A_222 : memref<4000xi32, #tpu.memory_space<hbm>>) target(%dma_start3A_221 : memref<4000xi32, #tpu.memory_space<vmem>>) target_semaphore(%arg13 : memref<!tpu.dma_semaphore, #tpu.memory_space<semaphore_mem>>)
            %add3A_223 = arith.constant 2 : i32
            %add3A_224 = arith.addi %add3A_149, %add3A_223 : i32
            %mul3A_225 = arith.constant 4000 : i32
            %mul3A_226 = arith.muli %add3A_224, %mul3A_225 : i32
            %dma_start3A_227 = arith.constant 1 : i32
            %dma_start3A_228 = arith.constant 0 : i32
            %dma_start3A_229 = tpu.memref_slice %arg10[%dma_start3A_227, %dma_start3A_228] : memref<2x4000xf32, #tpu.memory_space<vmem>> -> memref<1x4000xf32, #tpu.memory_space<vmem>>
            %dma_start3A_230 = tpu.memref_squeeze %dma_start3A_229 : memref<1x4000xf32, #tpu.memory_space<vmem>> -> memref<4000xf32, #tpu.memory_space<vmem>>
            %dma_start3A_231 = tpu.memref_slice %arg2[%select_n3A, %add3A_43, %mul3A_226] : memref<4x128x100000xf32, #tpu.memory_space<hbm>> -> memref<1x1x4000xf32, #tpu.memory_space<hbm>>
            %dma_start3A_232 = tpu.memref_squeeze %dma_start3A_231 : memref<1x1x4000xf32, #tpu.memory_space<hbm>> -> memref<4000xf32, #tpu.memory_space<hbm>>
            %dma_start3A_233 = arith.constant 0 : i32
            %dma_start3A_234 = tpu.memref_slice %arg10[%dma_start3A_227, %dma_start3A_233] : memref<2x4000xf32, #tpu.memory_space<vmem>> -> memref<1x4000xf32, #tpu.memory_space<vmem>>
            %dma_start3A_235 = tpu.memref_squeeze %dma_start3A_234 : memref<1x4000xf32, #tpu.memory_space<vmem>> -> memref<4000xf32, #tpu.memory_space<vmem>>
            %dma_start3A_236 = tpu.memref_slice %arg2[%select_n3A, %add3A_43, %mul3A_226] : memref<4x128x100000xf32, #tpu.memory_space<hbm>> -> memref<1x1x4000xf32, #tpu.memory_space<hbm>>
            %dma_start3A_237 = tpu.memref_squeeze %dma_start3A_236 : memref<1x1x4000xf32, #tpu.memory_space<hbm>> -> memref<4000xf32, #tpu.memory_space<hbm>>
            tpu.enqueue_dma source(%dma_start3A_237 : memref<4000xf32, #tpu.memory_space<hbm>>) target(%dma_start3A_235 : memref<4000xf32, #tpu.memory_space<vmem>>) target_semaphore(%arg13 : memref<!tpu.dma_semaphore, #tpu.memory_space<semaphore_mem>>)
            %dma_start3A_238 = arith.constant 1 : i32
            %dma_start3A_239 = arith.constant 0 : i32
            %dma_start3A_240 = tpu.memref_slice %arg11[%dma_start3A_238, %dma_start3A_239] : memref<2x4000xf32, #tpu.memory_space<vmem>> -> memref<1x4000xf32, #tpu.memory_space<vmem>>
            %dma_start3A_241 = tpu.memref_squeeze %dma_start3A_240 : memref<1x4000xf32, #tpu.memory_space<vmem>> -> memref<4000xf32, #tpu.memory_space<vmem>>
            %dma_start3A_242 = tpu.memref_slice %arg2[%select_n3A, %add3A_45, %mul3A_226] : memref<4x128x100000xf32, #tpu.memory_space<hbm>> -> memref<1x1x4000xf32, #tpu.memory_space<hbm>>
            %dma_start3A_243 = tpu.memref_squeeze %dma_start3A_242 : memref<1x1x4000xf32, #tpu.memory_space<hbm>> -> memref<4000xf32, #tpu.memory_space<hbm>>
            %dma_start3A_244 = arith.constant 0 : i32
            %dma_start3A_245 = tpu.memref_slice %arg11[%dma_start3A_238, %dma_start3A_244] : memref<2x4000xf32, #tpu.memory_space<vmem>> -> memref<1x4000xf32, #tpu.memory_space<vmem>>
            %dma_start3A_246 = tpu.memref_squeeze %dma_start3A_245 : memref<1x4000xf32, #tpu.memory_space<vmem>> -> memref<4000xf32, #tpu.memory_space<vmem>>
            %dma_start3A_247 = tpu.memref_slice %arg2[%select_n3A, %add3A_45, %mul3A_226] : memref<4x128x100000xf32, #tpu.memory_space<hbm>> -> memref<1x1x4000xf32, #tpu.memory_space<hbm>>
            %dma_start3A_248 = tpu.memref_squeeze %dma_start3A_247 : memref<1x1x4000xf32, #tpu.memory_space<hbm>> -> memref<4000xf32, #tpu.memory_space<hbm>>
            tpu.enqueue_dma source(%dma_start3A_248 : memref<4000xf32, #tpu.memory_space<hbm>>) target(%dma_start3A_246 : memref<4000xf32, #tpu.memory_space<vmem>>) target_semaphore(%arg13 : memref<!tpu.dma_semaphore, #tpu.memory_space<semaphore_mem>>)
          } else {
          }
        } else {
        }
      }
      %scan3A_132 = arith.constant 13 : i32
      %scan3A_133 = arith.constant 0 : i32
      %scan3A_134 = arith.constant 512 : i32
      %scan3A_135 = arith.addi %scan3A_133, %scan3A_134 : i32
      %scan3A_136 = arith.constant 1 : i32
      scf.for %scan3A_138 = %scan3A_133 to %scan3A_135 step %scan3A_136  : i32 {
        %mul3A_139 = arith.constant 4 : i32
        %mul3A_140 = arith.muli %scan3A_138, %mul3A_139 : i32
        %add3A_141 = arith.constant 0 : i32
        %add3A_142 = arith.addi %mul3A_140, %add3A_141 : i32
        %mul3A_143 = arith.constant 16 : i32
        %mul3A_144 = arith.muli %add3A_142, %mul3A_143 : i32
        %mul3A_145 = arith.constant 4 : i32
        %mul3A_146 = arith.muli %scan3A_138, %mul3A_145 : i32
        %add3A_147 = arith.constant 1 : i32
        %add3A_148 = arith.addi %mul3A_146, %add3A_147 : i32
        %mul3A_149 = arith.constant 16 : i32
        %mul3A_150 = arith.muli %add3A_148, %mul3A_149 : i32
        %mul3A_151 = arith.constant 4 : i32
        %mul3A_152 = arith.muli %scan3A_138, %mul3A_151 : i32
        %add3A_153 = arith.constant 2 : i32
        %add3A_154 = arith.addi %mul3A_152, %add3A_153 : i32
        %mul3A_155 = arith.constant 16 : i32
        %mul3A_156 = arith.muli %add3A_154, %mul3A_155 : i32
        %mul3A_157 = arith.constant 4 : i32
        %mul3A_158 = arith.muli %scan3A_138, %mul3A_157 : i32
        %add3A_159 = arith.constant 3 : i32
        %add3A_160 = arith.addi %mul3A_158, %add3A_159 : i32
        %mul3A_161 = arith.constant 16 : i32
        %mul3A_162 = arith.muli %add3A_160, %mul3A_161 : i32
        %get3A = arith.index_cast %mul3A_144 : i32 to index
        %get3A_163 = tpu.vector_load %arg8[%get3A] {strides = array<i32>} : memref<32768xf32, #tpu.memory_space<vmem>>, vector<16xf32>,
        %get3A_164 = arith.index_cast %mul3A_150 : i32 to index
        %get3A_165 = tpu.vector_load %arg8[%get3A_164] {strides = array<i32>} : memref<32768xf32, #tpu.memory_space<vmem>>, vector<16xf32>,
        %get3A_166 = arith.index_cast %mul3A_156 : i32 to index
        %get3A_167 = tpu.vector_load %arg8[%get3A_166] {strides = array<i32>} : memref<32768xf32, #tpu.memory_space<vmem>>, vector<16xf32>,
        %get3A_168 = arith.index_cast %mul3A_162 : i32 to index
        %get3A_169 = tpu.vector_load %arg8[%get3A_168] {strides = array<i32>} : memref<32768xf32, #tpu.memory_space<vmem>>, vector<16xf32>,
        %get3A_170 = arith.index_cast %mul3A_144 : i32 to index
        %get3A_171 = tpu.vector_load %arg6[%get3A_170] {strides = array<i32>} : memref<32768xf32, #tpu.memory_space<vmem>>, vector<16xf32>,
        %get3A_172 = arith.index_cast %mul3A_150 : i32 to index
        %get3A_173 = tpu.vector_load %arg6[%get3A_172] {strides = array<i32>} : memref<32768xf32, #tpu.memory_space<vmem>>, vector<16xf32>,
        %get3A_174 = arith.index_cast %mul3A_156 : i32 to index
        %get3A_175 = tpu.vector_load %arg6[%get3A_174] {strides = array<i32>} : memref<32768xf32, #tpu.memory_space<vmem>>, vector<16xf32>,
        %get3A_176 = arith.index_cast %mul3A_162 : i32 to index
        %get3A_177 = tpu.vector_load %arg6[%get3A_176] {strides = array<i32>} : memref<32768xf32, #tpu.memory_space<vmem>>, vector<16xf32>,
        %get3A_178 = arith.index_cast %mul3A_144 : i32 to index
        %get3A_179 = tpu.vector_load %arg7[%get3A_178] {strides = array<i32>} : memref<32768xf32, #tpu.memory_space<vmem>>, vector<16xf32>,
        %get3A_180 = arith.index_cast %mul3A_150 : i32 to index
        %get3A_181 = tpu.vector_load %arg7[%get3A_180] {strides = array<i32>} : memref<32768xf32, #tpu.memory_space<vmem>>, vector<16xf32>,
        %get3A_182 = arith.index_cast %mul3A_156 : i32 to index
        %get3A_183 = tpu.vector_load %arg7[%get3A_182] {strides = array<i32>} : memref<32768xf32, #tpu.memory_space<vmem>>, vector<16xf32>,
        %get3A_184 = arith.index_cast %mul3A_162 : i32 to index
        %get3A_185 = tpu.vector_load %arg7[%get3A_184] {strides = array<i32>} : memref<32768xf32, #tpu.memory_space<vmem>>, vector<16xf32>,
        %mul3A_186 = arith.mulf %get3A_171, %get3A_163 : vector<16xf32>
        %swap3A = arith.index_cast %mul3A_144 : i32 to index
        %swap3A_187 = tpu.vector_load %arg6[%swap3A] {strides = array<i32>} : memref<32768xf32, #tpu.memory_space<vmem>>, vector<16xf32>,
        tpu.vector_store %arg6[%swap3A], %mul3A_186 {strides = array<i32>} : memref<32768xf32, #tpu.memory_space<vmem>>, vector<16xf32>,
        %mul3A_188 = arith.mulf %get3A_179, %get3A_163 : vector<16xf32>
        %swap3A_189 = arith.index_cast %mul3A_144 : i32 to index
        %swap3A_190 = tpu.vector_load %arg7[%swap3A_189] {strides = array<i32>} : memref<32768xf32, #tpu.memory_space<vmem>>, vector<16xf32>,
        tpu.vector_store %arg7[%swap3A_189], %mul3A_188 {strides = array<i32>} : memref<32768xf32, #tpu.memory_space<vmem>>, vector<16xf32>,
        %mul3A_191 = arith.mulf %get3A_173, %get3A_165 : vector<16xf32>
        %swap3A_192 = arith.index_cast %mul3A_150 : i32 to index
        %swap3A_193 = tpu.vector_load %arg6[%swap3A_192] {strides = array<i32>} : memref<32768xf32, #tpu.memory_space<vmem>>, vector<16xf32>,
        tpu.vector_store %arg6[%swap3A_192], %mul3A_191 {strides = array<i32>} : memref<32768xf32, #tpu.memory_space<vmem>>, vector<16xf32>,
        %mul3A_194 = arith.mulf %get3A_181, %get3A_165 : vector<16xf32>
        %swap3A_195 = arith.index_cast %mul3A_150 : i32 to index
        %swap3A_196 = tpu.vector_load %arg7[%swap3A_195] {strides = array<i32>} : memref<32768xf32, #tpu.memory_space<vmem>>, vector<16xf32>,
        tpu.vector_store %arg7[%swap3A_195], %mul3A_194 {strides = array<i32>} : memref<32768xf32, #tpu.memory_space<vmem>>, vector<16xf32>,
        %mul3A_197 = arith.mulf %get3A_175, %get3A_167 : vector<16xf32>
        %swap3A_198 = arith.index_cast %mul3A_156 : i32 to index
        %swap3A_199 = tpu.vector_load %arg6[%swap3A_198] {strides = array<i32>} : memref<32768xf32, #tpu.memory_space<vmem>>, vector<16xf32>,
        tpu.vector_store %arg6[%swap3A_198], %mul3A_197 {strides = array<i32>} : memref<32768xf32, #tpu.memory_space<vmem>>, vector<16xf32>,
        %mul3A_200 = arith.mulf %get3A_183, %get3A_167 : vector<16xf32>
        %swap3A_201 = arith.index_cast %mul3A_156 : i32 to index
        %swap3A_202 = tpu.vector_load %arg7[%swap3A_201] {strides = array<i32>} : memref<32768xf32, #tpu.memory_space<vmem>>, vector<16xf32>,
        tpu.vector_store %arg7[%swap3A_201], %mul3A_200 {strides = array<i32>} : memref<32768xf32, #tpu.memory_space<vmem>>, vector<16xf32>,
        %mul3A_203 = arith.mulf %get3A_177, %get3A_169 : vector<16xf32>
        %swap3A_204 = arith.index_cast %mul3A_162 : i32 to index
        %swap3A_205 = tpu.vector_load %arg6[%swap3A_204] {strides = array<i32>} : memref<32768xf32, #tpu.memory_space<vmem>>, vector<16xf32>,
        tpu.vector_store %arg6[%swap3A_204], %mul3A_203 {strides = array<i32>} : memref<32768xf32, #tpu.memory_space<vmem>>, vector<16xf32>,
        %mul3A_206 = arith.mulf %get3A_185, %get3A_169 : vector<16xf32>
        %swap3A_207 = arith.index_cast %mul3A_162 : i32 to index
        %swap3A_208 = tpu.vector_load %arg7[%swap3A_207] {strides = array<i32>} : memref<32768xf32, #tpu.memory_space<vmem>>, vector<16xf32>,
        tpu.vector_store %arg7[%swap3A_207], %mul3A_206 {strides = array<i32>} : memref<32768xf32, #tpu.memory_space<vmem>>, vector<16xf32>,
      }
      %scan3A_137 = arith.constant 512 : i32
      "tpu.region"() ({
        %run_scoped3A = tpu.sem_alloc : memref<!tpu.dma_semaphore, #tpu.memory_space<semaphore_mem>>
        %dma_start3A_138 = arith.constant 0 : i32
        %dma_start3A_139 = tpu.memref_slice %arg5[%select_n3A, %add3A_43, %dma_start3A_138] : memref<4x128x32768xf32, #tpu.memory_space<hbm>> -> memref<1x1x32768xf32, #tpu.memory_space<hbm>>
        %dma_start3A_140 = tpu.memref_squeeze %dma_start3A_139 : memref<1x1x32768xf32, #tpu.memory_space<hbm>> -> memref<32768xf32, #tpu.memory_space<hbm>>
        %dma_start3A_141 = arith.constant 0 : i32
        %dma_start3A_142 = tpu.memref_slice %arg5[%select_n3A, %add3A_43, %dma_start3A_141] : memref<4x128x32768xf32, #tpu.memory_space<hbm>> -> memref<1x1x32768xf32, #tpu.memory_space<hbm>>
        %dma_start3A_143 = tpu.memref_squeeze %dma_start3A_142 : memref<1x1x32768xf32, #tpu.memory_space<hbm>> -> memref<32768xf32, #tpu.memory_space<hbm>>
        tpu.enqueue_dma source(%arg6 : memref<32768xf32, #tpu.memory_space<vmem>>) target(%dma_start3A_143 : memref<32768xf32, #tpu.memory_space<hbm>>) target_semaphore(%run_scoped3A : memref<!tpu.dma_semaphore, #tpu.memory_space<semaphore_mem>>)
        %dma_wait3A = arith.constant 0 : i32
        %dma_wait3A_144 = tpu.memref_slice %arg5[%select_n3A, %add3A_43, %dma_wait3A] : memref<4x128x32768xf32, #tpu.memory_space<hbm>> -> memref<1x1x32768xf32, #tpu.memory_space<hbm>>
        %dma_wait3A_145 = tpu.memref_squeeze %dma_wait3A_144 : memref<1x1x32768xf32, #tpu.memory_space<hbm>> -> memref<32768xf32, #tpu.memory_space<hbm>>
        %dma_wait3A_146 = arith.constant 0 : i32
        %dma_wait3A_147 = tpu.memref_slice %arg5[%select_n3A, %add3A_43, %dma_wait3A_146] : memref<4x128x32768xf32, #tpu.memory_space<hbm>> -> memref<1x1x32768xf32, #tpu.memory_space<hbm>>
        %dma_wait3A_148 = tpu.memref_squeeze %dma_wait3A_147 : memref<1x1x32768xf32, #tpu.memory_space<hbm>> -> memref<32768xf32, #tpu.memory_space<hbm>>
        tpu.wait_dma2 semaphore(%run_scoped3A : memref<!tpu.dma_semaphore, #tpu.memory_space<semaphore_mem>>) src(%arg6 : memref<32768xf32, #tpu.memory_space<vmem>>) dst(%dma_wait3A_148 : memref<32768xf32, #tpu.memory_space<hbm>>)
        tpu.yield
      }) : () -> ()
      "tpu.region"() ({
        %run_scoped3A = tpu.sem_alloc : memref<!tpu.dma_semaphore, #tpu.memory_space<semaphore_mem>>
        %dma_start3A_138 = arith.constant 0 : i32
        %dma_start3A_139 = tpu.memref_slice %arg5[%select_n3A, %add3A_45, %dma_start3A_138] : memref<4x128x32768xf32, #tpu.memory_space<hbm>> -> memref<1x1x32768xf32, #tpu.memory_space<hbm>>
        %dma_start3A_140 = tpu.memref_squeeze %dma_start3A_139 : memref<1x1x32768xf32, #tpu.memory_space<hbm>> -> memref<32768xf32, #tpu.memory_space<hbm>>
        %dma_start3A_141 = arith.constant 0 : i32
        %dma_start3A_142 = tpu.memref_slice %arg5[%select_n3A, %add3A_45, %dma_start3A_141] : memref<4x128x32768xf32, #tpu.memory_space<hbm>> -> memref<1x1x32768xf32, #tpu.memory_space<hbm>>
        %dma_start3A_143 = tpu.memref_squeeze %dma_start3A_142 : memref<1x1x32768xf32, #tpu.memory_space<hbm>> -> memref<32768xf32, #tpu.memory_space<hbm>>
        tpu.enqueue_dma source(%arg7 : memref<32768xf32, #tpu.memory_space<vmem>>) target(%dma_start3A_143 : memref<32768xf32, #tpu.memory_space<hbm>>) target_semaphore(%run_scoped3A : memref<!tpu.dma_semaphore, #tpu.memory_space<semaphore_mem>>)
        %dma_wait3A = arith.constant 0 : i32
        %dma_wait3A_144 = tpu.memref_slice %arg5[%select_n3A, %add3A_45, %dma_wait3A] : memref<4x128x32768xf32, #tpu.memory_space<hbm>> -> memref<1x1x32768xf32, #tpu.memory_space<hbm>>
        %dma_wait3A_145 = tpu.memref_squeeze %dma_wait3A_144 : memref<1x1x32768xf32, #tpu.memory_space<hbm>> -> memref<32768xf32, #tpu.memory_space<hbm>>
        %dma_wait3A_146 = arith.constant 0 : i32
        %dma_wait3A_147 = tpu.memref_slice %arg5[%select_n3A, %add3A_45, %dma_wait3A_146] : memref<4x128x32768xf32, #tpu.memory_space<hbm>> -> memref<1x1x32768xf32, #tpu.memory_space<hbm>>
        %dma_wait3A_148 = tpu.memref_squeeze %dma_wait3A_147 : memref<1x1x32768xf32, #tpu.memory_space<hbm>> -> memref<32768xf32, #tpu.memory_space<hbm>>
        tpu.wait_dma2 semaphore(%run_scoped3A : memref<!tpu.dma_semaphore, #tpu.memory_space<semaphore_mem>>) src(%arg7 : memref<32768xf32, #tpu.memory_space<vmem>>) dst(%dma_wait3A_148 : memref<32768xf32, #tpu.memory_space<hbm>>)
        tpu.yield
      }) : () -> ()
    }
    %scan3A_39 = arith.constant 8 : i32
    return
  }
}

module attributes {stable_mosaic.version = 14 : i64} {
  func.func @_coords_body(%arg0: i32, %arg1: memref<1x3x100000xf32, #tpu.memory_space<vmem>>, %arg2: memref<1x3x100000xf32, #tpu.memory_space<vmem>>, %arg3: memref<100352xi32, #tpu.memory_space<vmem>>) attributes {dimension_semantics = [#tpu.dimension_semantics<arbitrary>], iteration_bounds = array<i64: 4>, scalar_prefetch = 0 : i64, scratch_operands = 0 : i64, tpu.core_type = #tpu.core_type<tc>, window_params = [{transform_indices = @transform_0, window_bounds = array<i64: 1, 3, 100000>}, {transform_indices = @transform_1, window_bounds = array<i64: 1, 3, 100000>}, {transform_indices = @transform_2, window_bounds = array<i64: 100352>}]} {
    %get3A = arith.constant 0 : index
    %get3A_0 = arith.constant 0 : index
    %get3A_1 = arith.constant 0 : index
    %get3A_2 = vector.load %arg1[%get3A, %get3A_0, %get3A_1] : memref<1x3x100000xf32, #tpu.memory_space<vmem>>, vector<1x3x100000xf32>
    %get3A_3 = vector.shape_cast %get3A_2 : vector<1x3x100000xf32> to vector<3x100000xf32>
    %reduce_sum3A = arith.constant dense<0.000000e+00> : vector<3xf32>
    %reduce_sum3A_4 = vector.multi_reduction <add>, %get3A_3, %reduce_sum3A [1] : vector<3x100000xf32> to vector<3xf32>
    %broadcast_in_dim3A = vector.shape_cast %reduce_sum3A_4 : vector<3xf32> to vector<3x1xf32>
    %div3A = arith.constant 1.000000e+05 : f32
    %div3A_5 = vector.broadcast %div3A : f32 to vector<3x1xf32>
    %div3A_6 = arith.divf %broadcast_in_dim3A, %div3A_5 : vector<3x1xf32>
    %sub3A = vector.broadcast %div3A_6 : vector<3x1xf32> to vector<3x100000xf32>
    %sub3A_7 = arith.subf %get3A_3, %sub3A : vector<3x100000xf32>
    %mul3A = arith.mulf %sub3A_7, %sub3A_7 : vector<3x100000xf32>
    %reduce_sum3A_8 = arith.constant dense<0.000000e+00> : vector<100000xf32>
    %reduce_sum3A_9 = vector.multi_reduction <add>, %mul3A, %reduce_sum3A_8 [0] : vector<3x100000xf32> to vector<100000xf32>
    %broadcast_in_dim3A_10 = vector.shape_cast %reduce_sum3A_9 : vector<100000xf32> to vector<1x100000xf32>
    %sqrt3A = math.sqrt %broadcast_in_dim3A_10 : vector<1x100000xf32>
    %reduce_max3A = vector.shape_cast %sqrt3A : vector<1x100000xf32> to vector<1x1x100000xf32>
    %reduce_max3A_11 = arith.constant dense<0xFF800000> : vector<1xf32>
    %reduce_max3A_12 = vector.multi_reduction <maximumf>, %reduce_max3A, %reduce_max3A_11 [1, 2] : vector<1x1x100000xf32> to vector<1xf32>
    %reduce_max3A_13 = vector.shape_cast %reduce_max3A_12 : vector<1xf32> to vector<1x1x1xf32>
    %reduce_max3A_14 = vector.extract %reduce_max3A_13[0, 0, 0] : f32 from vector<1x1x1xf32>
    %mul3A_15 = arith.constant 2.000000e+00 : f32
    %mul3A_16 = arith.mulf %reduce_max3A_14, %mul3A_15 : f32
    %max3A = arith.constant 9.99999997E-7 : f32
    %max3A_17 = arith.maximumf %mul3A_16, %max3A : f32
    %div3A_18 = vector.broadcast %max3A_17 : f32 to vector<3x100000xf32>
    %div3A_19 = arith.divf %sub3A_7, %div3A_18 : vector<3x100000xf32>
    %add3A = arith.constant 5.000000e-01 : f32
    %add3A_20 = vector.broadcast %add3A : f32 to vector<3x100000xf32>
    %add3A_21 = arith.addf %div3A_19, %add3A_20 : vector<3x100000xf32>
    %mul3A_22 = arith.constant 3.200000e+01 : f32
    %mul3A_23 = vector.broadcast %mul3A_22 : f32 to vector<3x100000xf32>
    %mul3A_24 = arith.mulf %add3A_21, %mul3A_23 : vector<3x100000xf32>
    %jit3A = arith.constant 0.000000e+00 : f32
    %jit3A_25 = arith.constant 3.100000e+01 : f32
    %max3A_26 = vector.broadcast %jit3A : f32 to vector<3x100000xf32>
    %max3A_27 = arith.maximumf %max3A_26, %mul3A_24 : vector<3x100000xf32>
    %min3A = vector.broadcast %jit3A_25 : f32 to vector<3x100000xf32>
    %min3A_28 = arith.minimumf %min3A, %max3A_27 : vector<3x100000xf32>
    %swap3A = arith.constant 0 : index
    %swap3A_29 = arith.constant 0 : index
    %swap3A_30 = arith.constant 0 : index
    %swap3A_31 = vector.load %arg2[%swap3A, %swap3A_29, %swap3A_30] : memref<1x3x100000xf32, #tpu.memory_space<vmem>>, vector<1x3x100000xf32>
    %swap3A_32 = vector.shape_cast %swap3A_31 : vector<1x3x100000xf32> to vector<3x100000xf32>
    %swap3A_33 = vector.shape_cast %min3A_28 : vector<3x100000xf32> to vector<1x3x100000xf32>
    tpu.vector_store %arg2[%swap3A, %swap3A_29, %swap3A_30], %swap3A_33 {strides = array<i32>} : memref<1x3x100000xf32, #tpu.memory_space<vmem>>, vector<1x3x100000xf32>,
    %round3A = math.roundeven %min3A_28 : vector<3x100000xf32>
    %convert_element_type3A = arith.fptosi %round3A : vector<3x100000xf32> to vector<3x100000xi32>
    %slice3A = vector.extract_strided_slice %convert_element_type3A {offsets = [0, 0], sizes = [1, 100000], strides = [1, 1]} : vector<3x100000xi32> to vector<1x100000xi32>
    %mul3A_34 = arith.constant 1024 : i32
    %mul3A_35 = vector.broadcast %mul3A_34 : i32 to vector<1x100000xi32>
    %mul3A_36 = arith.muli %slice3A, %mul3A_35 : vector<1x100000xi32>
    %slice3A_37 = vector.extract_strided_slice %convert_element_type3A {offsets = [1, 0], sizes = [1, 100000], strides = [1, 1]} : vector<3x100000xi32> to vector<1x100000xi32>
    %mul3A_38 = arith.constant 32 : i32
    %mul3A_39 = vector.broadcast %mul3A_38 : i32 to vector<1x100000xi32>
    %mul3A_40 = arith.muli %slice3A_37, %mul3A_39 : vector<1x100000xi32>
    %add3A_41 = arith.addi %mul3A_36, %mul3A_40 : vector<1x100000xi32>
    %slice3A_42 = vector.extract_strided_slice %convert_element_type3A {offsets = [2, 0], sizes = [1, 100000], strides = [1, 1]} : vector<3x100000xi32> to vector<1x100000xi32>
    %add3A_43 = arith.addi %add3A_41, %slice3A_42 : vector<1x100000xi32>
    %reshape3A = vector.shape_cast %add3A_43 : vector<1x100000xi32> to vector<100000xi32>
    %swap3A_44 = arith.constant 0 : index
    %swap3A_45 = vector.load %arg3[%swap3A_44] : memref<100352xi32, #tpu.memory_space<vmem>>, vector<100000xi32>
    tpu.vector_store %arg3[%swap3A_44], %reshape3A {strides = array<i32>} : memref<100352xi32, #tpu.memory_space<vmem>>, vector<100000xi32>,
    return
  }
  func.func @transform_0(%arg0: i32) -> (i32, i32, i32) {
    %c0_i32 = arith.constant 0 : i32
    %c0_i32_0 = arith.constant 0 : i32
    %c0_i32_1 = arith.constant 0 : i32
    return %arg0, %c0_i32, %c0_i32_0 : i32, i32, i32
  }
  func.func @transform_1(%arg0: i32) -> (i32, i32, i32) {
    %c0_i32 = arith.constant 0 : i32
    %c0_i32_0 = arith.constant 0 : i32
    %c0_i32_1 = arith.constant 0 : i32
    return %arg0, %c0_i32, %c0_i32_0 : i32, i32, i32
  }
  func.func @transform_2(%arg0: i32) -> i32 {
    %c0_i32 = arith.constant 0 : i32
    return %arg0 : i32
  }
}

</mosaic_0001>

<sc_bundles>
// kernel: kernel.12.cloned.1.call-start
scs
__scs_entry_jumppad:
0x0: {  	(pc) =	sbr.rel $0x88, $3  }
0x1: {  	(tag) =	ssettag $0x0;
	lr =	simm.s32 $0x1  }
0x2: {  	[smem:$0x3F9F] =	sst lr;
	_ =	strace $0xD0000000  }
0x3: {  	_ = 	snop  }
0x4: {  	_ = 	snop  }
0x5: {  	_ = 	snop  }
0x6: {  	_ = 	snop  }
0x7: {  	_ = 	snop  }
__scs_overlays_trampoline_lowered:
0x8: {  	[smem:$0x3FAE] =	sst s0  }
0x9: {  	[smem:$0x3FAF] =	sst s1  }
0xa: {  	[smem:$0x3FB0] =	sst s2  }
0xb: {  	[smem:$0x3FB1] =	sst s3  }
0xc: {  	[smem:$0x3FB2] =	sst s4  }
0xd: {  	[smem:$0x3FB3] =	sst s5  }
0xe: {  	[smem:$0x3FB4] =	sst s6  }
0xf: {  	[smem:$0x3FB5] =	sst s7  }
0x10: {  	[smem:$0x3FB6] =	sst s8  }
0x11: {  	[smem:$0x3FB7] =	sst s9;
	s0 =	simm.s32 @!p0 $0x0  }
0x12: {  	s1 =	sld [smem:$0x3F9D];
	s0 =	simm.s32 @p0 $0x1  }
0x13: {  	[smem:$0x3FB8] =	sst s0;
	s0 =	simm.s32 @!p1 $0x0  }
0x14: {  	s2 =	sld [smem:$0x3F9C];
	s0 =	simm.s32 @p1 $0x1  }
0x15: {  	[smem:$0x3FB9] =	sst s0;
	s0 =	simm.s32 @!p2 $0x0  }
0x16: {  	s3 =	sld [smem:$0x3FDB];
	s0 =	simm.s32 @p2 $0x1  }
0x17: {  	s4 =	simm.s32 $0x1BF5;
	[smem:$0x3FBB] =	sst s0  }
0x18: {  	s0 =	sld [smem:$0x3F9E];
	_ =	swait.ge [sflag:s4], $0x0  }
0x19: {  	s7 =	sld [smem:$0x3F9F]  }
0x1a: {  	s8 =	sadd.s32 $0xFFFFE003, lr  }
0x1b: {  	s9 =	sadd.s32 $0xFFFFFEF7, lr;
	s5 =	simm.s32 $0xFFFFFFFF;
	p2 =	slt.u32 s8, $0xFFFFF086  }
0x1c: {  	p1 =	slt.u32 s9, $0xF7A;
	s5 =	simm.s32 @!p2 $0x0  }
0x1d: {  	s5 =	simm.s32 @p1 $0x1;
	p0 =	seq.s32 s7, s2  }
0x1e: {  	s7 =	smul.u32 @!p0 $0xF7A, s2;
	p2 =	seq.s32 @!p0 s5, $0x0  }
0x1f: {  	s9 =	smul.u32 $0xF7A, s1;
	s8 =	simm.s32 @!p0 $0x1BF5;
	p2 =	por !p2, p0  }
0x20: {  	[sflag:s8] =	ssyncset.s32 @!p0 $0xFFFFF086;
	s6 =	sadd.s32 @!p0 s3, s7;
	s7 =	simm.s32 @!p0 $0x108  }
0x21: {  	s3 =	sadd.s32 s3, s9;
	s6 =	sadd.s32 @!p0 $0x88, s6;
	s7 =	simm.s32 @p2 $0x1082  }
0x22: {  	[simem:s7], [sflag:s8] =	dma.local @!p0 [hbm:s6], $0xF7A  }
0x23: {  	s9 =	sor.u32 $0xD0000000, s2;
	s6 =	simm.s32 $0x108;
	_ =	swait.ge @!p0 [sflag:s8], $0x0  }
0x24: {  	s3 =	sadd.s32 $0x88, s3;
	s6 =	simm.s32 @!p1 $0x1082;
	[sflag:s4] =	ssyncset.s32 $0xFFFFF086  }
0x25: {  	[simem:s6], [sflag:s4] =	dma.local [hbm:s3], $0xF7A  }
0x26: {  	[smem:$0x3F9F] =	sst s1;
	(tag) =	ssettag s2;
	_ =	strace s9  }
0x27: {  	s1 =	sld [smem:$0x3FAF]  }
0x28: {  	s2 =	sld [smem:$0x3FB0]  }
0x29: {  	s4 =	sld [smem:$0x3FB2]  }
0x2a: {  	p0 =	seq.s32 s5, $0x0;
	s5 =	sld [smem:$0x3FB3]  }
0x2b: {  	s6 =	sld [smem:$0x3FB4]  }
0x2c: {  	s7 =	sld [smem:$0x3FB5]  }
0x2d: {  	s3 =	simm.s32 $0x108;
	s8 =	sld [smem:$0x3FB6]  }
0x2e: {  	s3 =	simm.s32 @!p0 $0x1082;
	s9 =	sld [smem:$0x3FB7]  }
0x2f: {  	lr =	sadd.s32 s0, s3;
	s0 =	sld [smem:$0x3FAE]  }
0x30: {  	s3 =	sld [smem:$0x3FB1]  }
0x31: {  	[smem:$0x3FBA] =	sst s10  }
0x32: {  	s10 =	sld [smem:$0x3FB8];
	_ =	sdelay $0x3  }
0x33: {  	p0 =	seq.s32 s10, $0x1;
	s10 =	sld [smem:$0x3FBA];
	_ =	sdelay $0x3  }
0x34: {  	[smem:$0x3FBA] =	sst s10  }
0x35: {  	s10 =	sld [smem:$0x3FB9];
	_ =	sdelay $0x3  }
0x36: {  	p1 =	seq.s32 s10, $0x1;
	s10 =	sld [smem:$0x3FBA];
	_ =	sdelay $0x3  }
0x37: {  	[smem:$0x3FBA] =	sst s10  }
0x38: {  	s10 =	sld [smem:$0x3FBB]  }
0x39: {  	_ = 	snop;
	(pc) =	sbr.ind lr, $3  }
0x3a: {  	_ = 	snop  }
0x3b: {  	_ = 	snop  }
0x3c: {  	p2 =	seq.s32 s10, $0x1;
	s10 =	sld [smem:$0x3FBA]  }
0x3d: {  	_ =	shalt  }
0x3e: {  	_ =	shalt  }
0x3f: {  	_ =	shalt  }
0x40: {  	_ =	shalt  }
0x41: {  	_ =	shalt  }
0x42: {  	_ =	shalt  }
0x43: {  	_ =	shalt  }
0x44: {  	_ =	shalt  }
0x45: {  	_ =	shalt  }
0x46: {  	_ =	shalt  }
0x47: {  	_ =	shalt  }
0x48: {  	_ =	shalt  }
0x49: {  	_ =	shalt  }
0x4a: {  	_ =	shalt  }
0x4b: {  	_ =	shalt  }
0x4c: {  	_ =	shalt  }
0x4d: {  	_ =	shalt  }
0x4e: {  	_ =	shalt  }
0x4f: {  	_ =	shalt  }
0x50: {  	_ =	shalt  }
0x51: {  	_ =	shalt  }
0x52: {  	_ =	shalt  }
0x53: {  	_ =	shalt  }
0x54: {  	_ =	shalt  }
0x55: {  	_ =	shalt  }
0x56: {  	_ =	shalt  }
0x57: {  	_ =	shalt  }
0x58: {  	_ =	shalt  }
0x59: {  	_ =	shalt  }
0x5a: {  	_ =	shalt  }
0x5b: {  	_ =	shalt  }
0x5c: {  	_ =	shalt  }
0x5d: {  	_ =	shalt  }
0x5e: {  	_ =	shalt  }
0x5f: {  	_ =	shalt  }
0x60: {  	_ =	shalt  }
0x61: {  	_ =	shalt  }
0x62: {  	_ =	shalt  }
0x63: {  	_ =	shalt  }
0x64: {  	_ =	shalt  }
0x65: {  	_ =	shalt  }
0x66: {  	_ =	shalt  }
0x67: {  	_ =	shalt  }
0x68: {  	_ =	shalt  }
0x69: {  	_ =	shalt  }
0x6a: {  	_ =	shalt  }
0x6b: {  	_ =	shalt  }
0x6c: {  	_ =	shalt  }
0x6d: {  	_ =	shalt  }
0x6e: {  	_ =	shalt  }
0x6f: {  	_ =	shalt  }
0x70: {  	_ =	shalt  }
0x71: {  	_ =	shalt  }
0x72: {  	_ =	shalt  }
0x73: {  	_ =	shalt  }
0x74: {  	_ =	shalt  }
0x75: {  	_ =	shalt  }
0x76: {  	_ =	shalt  }
0x77: {  	_ =	shalt  }
0x78: {  	_ =	shalt  }
0x79: {  	_ =	shalt  }
0x7a: {  	_ =	shalt  }
0x7b: {  	_ =	shalt  }
0x7c: {  	_ =	shalt  }
0x7d: {  	_ =	shalt  }
0x7e: {  	_ =	shalt  }
0x7f: {  	_ =	shalt  }
0x80: {  	_ =	shalt  }
0x81: {  	_ =	shalt  }
0x82: {  	_ =	shalt  }
0x83: {  	_ =	shalt  }
0x84: {  	_ =	shalt  }
0x85: {  	_ =	shalt  }
0x86: {  	_ =	shalt  }
0x87: {  	_ =	shalt  }
.Lfunc_end0:
.L_simem_size_0:
called_computation.3_lowered:
.L_overlay_start_0:
0x88: {  	s2 =	sld [smem:$0x3FD9]  }
0x89: {  	s3 =	sld [smem:$0x3FFE];
	_ =	sdelay $0x1  }
0x8a: {  	s1 =	srdreg.scid  }
0x8b: {  	s0 =	sand.u32 $0x1, s1  }
0x8c: {  	s14 =	sshll.u32 s0, $0xA;
	s2 =	sadd.s32 s3, s2  }
0x8d: {  	s2 =	sadd.s32 s2, s14  }
0x8e: {  	[smem:$0x3FC6] =	sst s2  }
0x8f: {  	_ = 	snop  }
0x90: {  	s2 =	sld [smem:$0x3FD0];
	_ =	sdelay $0x2  }
0x91: {  	s15 =	simm.s32 $0xB;
	s4 =	simm.s32 $0x10  }
0x92: {  	[smem:s4], [sflag:s15] =	dma.local [hbm:s2], $0x1  }
0x93: {  	_ =	swait.eq [sflag:s15], $0x1  }
0x94: {  	[sflag:s15] =	ssyncset.done $0x0  }
0x95: {  	s16 =	sld [smem:$0x10];
	[sflag:s15] =	ssyncadd.s32 $0xFFFFFFFF  }
0x96: {  	s17 =	sld [smem:$0x11];
	(tm) =	ssettm $0x1  }
0x97: {  	s18 =	sld [smem:$0x3FFB];
	_ =	sdelay $0x3  }
0x98: {  	_ =	strace s18  }
0x99: {  	s4 =	sld [smem:$0x3FFC];
	_ =	sdelay $0x3  }
0x9a: {  	_ =	strace s4  }
0x9b: {  	s4 =	sld [smem:$0x3FFD];
	_ =	sdelay $0x3  }
0x9c: {  	_ =	strace s4  }
0x9d: {  	_ =	strace $0x8FFFFFFF  }
0x9e: {  	s19 =	sld [smem:$0x3FDB];
	_ =	sdelay $0x1  }
0x9f: {  	s5 =	simm.s32 $_scs_section_size  }
0xa0: {  	s6 =	simm.s32 $_size__tile_overlayer_lowered;
	s7 =	simm.s32 $_tile_overlayer_lowered  }
0xa1: {  	s22 =	simm.s32 $0x1BFF;
	s21 =	sshll.u32 s7, $0x1;
	s4 =	sadd.s32 s5, s19  }
0xa2: {  	s8 =	simm.s32 $0x0;
	s20 =	sshll.u32 s6, $0x1;
	s6 =	sadd.s32 s21, s4  }
0xa3: {  	[timem:s8], [sflag:s22] =	dma.local [hbm:s6], s20  }
0xa4: {  	_ =	swait.ge [sflag:s22], s20  }
0xa5: {  	s5 =	ssub.s32 $0x0, s20;
	[sflag:s22] =	ssyncset.done $0x0  }
0xa6: {  	[sflag:s22] =	ssyncadd.s32 s5;
	_ =	sdelay $0x1  }
0xa7: {  	s23 =	simm.s32 $0x1B8B  }
0xa8: {  	_ =	swait.ge [sflag:s23], $0x1  }
0xa9: {  	[sflag:s23] =	ssyncset.done $0x0  }
0xaa: {  	s25 =	simm.s32 $0x1B8E;
	s24 =	sld [smem:$0x3FFE];
	[sflag:s23] =	ssyncadd.s32 $0xFFFFFFFF  }
0xab: {  	s26 =	simm.s32 $execute0_lowered;
	[smem:$0x3FD2] =	sst s25  }
0xac: {  	s6 =	sshll.u32 s26, $0x1;
	_ =	strace $0x8000004C;
	[dreg:$0x1] =	wrdreg $0xFFFFFFFF  }
0xad: {  	s28 =	simm.s32 $_size_execute0_lowered;
	s4 =	sadd.s32 s4, s6;
	[dreg:$0x0] =	wrdreg $0x0  }
0xae: {  	s6 =	sshll.u32 s28, $0x1;
	[dreg:$0x2] =	wrdreg s4  }
0xaf: {  	[dreg:$0x3] =	wrdreg s6  }
0xb0: {  	[dreg:$0x4] =	wrdreg $0xC0  }
0xb1: {  	_ =	task [dreg:s8], $0x5FFFF  }
0xb2: {  	[dreg:$0x1] =	wrdreg $0xFFFFFFFF  }
0xb3: {  	[dreg:$0x0] =	wrdreg $0x60  }
0xb4: {  	[dreg:$0x2] =	wrdreg s24  }
0xb5: {  	[dreg:$0x3] =	wrdreg s17  }
0xb6: {  	[dreg:$0x4] =	wrdreg s16  }
0xb7: {  	[dreg:$0x5] =	wrdreg $0x9  }
0xb8: {  	_ =	task.clear_ibuf [dreg:s8], $0x6FFFF;
	_ =	strace $0x9000004C  }
0xb9: {  	s29 =	simm.s32 $0x9;
	_ =	strace $0x8000004E  }
0xba: {  	_ =	swait.ge [sflag:s29], $0x1  }
0xbb: {  	[sflag:s29] =	ssyncadd.s32 $0xFFFFFFFF  }
0xbc: {  	_ =	strace $0x9000004E  }
0xbd: {  	_ =	sfence  }
0xbe: {  	s30 =	sld [smem:$0x0];
	_ =	sdelay $0x2  }
0xbf: {  	s31 =	sshll.u32 s1, $0xD;
	s1 =	sshrl.u32 s1, $0x2  }
0xc0: {  	s3 =	sand.u32 $0x4000, s31;
	s1 =	sadd.s32 s1, s30  }
0xc1: {  	s0 =	sor.u32 s3, s0;
	s1 =	sshll.u32 s1, $0x11  }
0xc2: {  	s0 =	sor.u32 s1, s0  }
0xc3: {  	s0 =	sadd.s32 $0x8F2B, s0  }
0xc4: {  	[sflag:s0] =	ssyncadd.remote.s32 $0x1  }
0xc5: {  	_ =	sfence.sel $0xFFFF  }
0xc6: {  	[dreg:$0x0] =	wrdreg $0xFFFFFFFF;
	(pc) =	sbr.abs _section_cstart, $3  }
0xc7: {  	[dreg:$0x1] =	wrdreg $0xFFFFFFFF  }
0xc8: {  	_ =	task.clear_ibuf [dreg:s8], $0x2FFFF;
	_ =	strace $0x9FFFFFFF  }
0xc9: {  	(tm) =	ssettm $0x7FFFFFFF  }
tec
execute0_lowered:
.L_overlay_start_1:
0x0: {  	(tag) =	ssettag $0x1  }
0x1: {  	s0 =	rddreg [dreg:$0x0]  }
0x2: {  	s2 =	rddreg [dreg:$0x1]  }
0x3: {  	s3 =	rddreg [dreg:$0x2];
	s4 =	simm.s32 $0x0;
	s9 =	stileid.u32  }
0x4: {  	s7 =	srdreg.scid;
	s15 =	simm.s32 $0x3;
	s16 =	simm.s32 $0x18000  }
0x5: {  	s17 =	simm.s32 $0x19F40;
	s18 =	simm.s32 $0x1BE80;
	s19 =	simm.s32 $0x18FA0  }
0x6: {  	s20 =	simm.s32 $0x1AEE0;
	s21 =	simm.s32 $0x1CE20;
	s22 =	simm.s32 $0x1  }
0x7: {  	s23 =	simm.s32 $0x8000;
	s24 =	simm.s32 $0x2;
	s25 =	simm.s32 $0x0  }
0x8: {  	[smem:$0x7FF] =	sst s4;
	s1 =	sshrl.u32 s9, $0x2;
	s5 =	sadd.s32 $0x36600, s0  }
0x9: {  	s7 =	sand.u32 $0x1, s7;
	s9 =	sshll.u32 s9, $0x4;
	_ =	strace $0x8000004D  }
0xa: {  	s6 =	sshll.u32 s1, $0xC;
	s8 =	ssub.s32 $0x2, s7;
	s7 =	sshll.u32 s7, $0x6  }
0xb: {  	s9 =	sand.u32 $0x30, s9;
	s0 =	sadd.s32 s6, s0;
	s6 =	smul.u32 $0x18800, s1  }
0xc: {  	s12 =	sshll.u32 s1, $0x16;
	s10 =	sshrl.u32 s8, $0x1;
	s7 =	sor.u32 s7, s9  }
0xd: {  	s8 =	ssub.s32 s8, s10;
	s0 =	sadd.s32 $0x32600, s0;
	s30 =	sshrl.u32 s6, $0x3  }
0xe: {  	[dreg:$0x4] =	wrdreg s0;
	s31 =	smax.u32 s8, $0x1;
	s9 =	sadd.s32 s2, s30  }
0xf: {  	v0 =	vimm.f32 $0.0e+00;
	s10 =	smul.u32 $0xC35000, s1;
	[dreg:$0x5] =	wrdreg s31;
	s11 =	sadd.s32 $0x1F4, s9  }
.LBB2_1:
0x10: {  	s0 =	rddreg [dreg:$0x4];
	s1 =	simm.s32 $0x10000  }
0x11: {  	[tilespmem:s1], [sflag:$0x3] =	stream.linear.gather [hbm4b:s0+s4], $0x8000, $0x38;
	[tilespmem:$0x1DDC0] =	vst v63  }
0x12: {  	_ =	swait.ge [sflag:s15], $0x8000  }
0x13: {  	[sflag:s15] =	ssyncset.done $0x0  }
0x14: {  	s26 =	simm.s32 $0x0;
	[sflag:s15] =	ssyncadd.s32 $0xFFFF8000  }
.LBB2_2:
0x15: {  	s0 =	simm.s32 $0x0;
	s1 =	simm.s32 $0x200  }
.LBB2_3:
0x16: {  	p0 =	sne.s32 s1, $0x1FE00;
	[tilespmem:s0+$0x8070] =	vst v0  }
0x17: {  	[tilespmem:s0+$0x0] =	vst v0  }
0x18: {  	[tilespmem:s0+$0x8000] =	vst v0  }
0x19: {  	[tilespmem:s0+$0x10] =	vst v0  }
0x1a: {  	[tilespmem:s0+$0x8010] =	vst v0  }
0x1b: {  	[tilespmem:s0+$0x20] =	vst v0  }
0x1c: {  	[tilespmem:s0+$0x8020] =	vst v0  }
0x1d: {  	[tilespmem:s0+$0x30] =	vst v0  }
0x1e: {  	[tilespmem:s0+$0x8030] =	vst v0  }
0x1f: {  	[tilespmem:s0+$0x40] =	vst v0  }
0x20: {  	[tilespmem:s0+$0x8040] =	vst v0  }
.Ltmp0:
0x21: {  	[tilespmem:s0+$0x50] =	vst v0;
	(pc) =	sbr.rel @p0 .LBB2_3-.Ltmp0, $4  }
0x22: {  	[tilespmem:s0+$0x8050] =	vst v0  }
0x23: {  	[tilespmem:s0+$0x60] =	vst v0  }
0x24: {  	[tilespmem:s0+$0x8060] =	vst v0  }
0x25: {  	[tilespmem:s0+$0x70] =	vst v0;
	s0 =	sshra.s32 s1, $0x2;
	s1 =	sadd.s32 $0x200, s1  }
0x26: {  	[tilespmem:s0+$0x8070] =	vst v0  }
0x27: {  	[tilespmem:s0+$0x0] =	vst v0  }
0x28: {  	[tilespmem:s0+$0x8000] =	vst v0  }
0x29: {  	[tilespmem:s0+$0x10] =	vst v0  }
0x2a: {  	[tilespmem:s0+$0x8010] =	vst v0  }
0x2b: {  	[tilespmem:s0+$0x20] =	vst v0  }
0x2c: {  	[tilespmem:s0+$0x8020] =	vst v0  }
0x2d: {  	[tilespmem:s0+$0x30] =	vst v0  }
0x2e: {  	[tilespmem:s0+$0x8030] =	vst v0  }
0x2f: {  	[tilespmem:s0+$0x40] =	vst v0  }
0x30: {  	[tilespmem:s0+$0x8040] =	vst v0  }
0x31: {  	[tilespmem:s0+$0x50] =	vst v0  }
0x32: {  	[tilespmem:s0+$0x8050] =	vst v0  }
0x33: {  	[tilespmem:s0+$0x60] =	vst v0  }
0x34: {  	s1 =	sshll.u32 s26, $0x1;
	[tilespmem:s0+$0x8060] =	vst v0  }
0x35: {  	[tilespmem:s0+$0x70] =	vst v0;
	s30 =	simm.s32 $0x0;
	s29 =	sadd.s32 s7, s1  }
0x36: {  	[tilespmem:s16], [sflag:$0x1] =	stream.linear.gather [hbm4b:s9+s30], $0xFA0, $0x38;
	[tilespmem:$0x1DDC0] =	vst v63  }
0x37: {  	s13 =	smul.u32 $0x186A0, s29  }
0x38: {  	s28 =	sor.u32 $0x1, s29  }
0x39: {  	s31 =	sadd.s32 s10, s13;
	s13 =	smul.u32 $0x186A0, s28  }
0x3a: {  	s0 =	sshrl.u32 s31, $0x3  }
0x3b: {  	s14 =	sadd.s32 s5, s0;
	s0 =	sadd.s32 s10, s13  }
0x3c: {  	[tilespmem:s17], [sflag:$0x1] =	stream.linear.gather [hbm4b:s14+s30], $0xFA0, $0x38;
	[tilespmem:$0x1DDC0] =	vst v63  }
0x3d: {  	s8 =	sshrl.u32 s0, $0x3  }
0x3e: {  	s8 =	sadd.s32 s5, s8  }
0x3f: {  	[tilespmem:s18], [sflag:$0x1] =	stream.linear.gather [hbm4b:s8+s30], $0xFA0, $0x38;
	[tilespmem:$0x1DDC0] =	vst v63  }
0x40: {  	_ = 	snop  }
0x41: {  	[tilespmem:s19], [sflag:$0x2] =	stream.linear.gather [hbm4b:s11+s30], $0xFA0, $0x38;
	[tilespmem:$0x1DDC0] =	vst v63  }
0x42: {  	s1 =	sadd.s32 $0x1F4, s14  }
0x43: {  	[tilespmem:s20], [sflag:$0x2] =	stream.linear.gather [hbm4b:s1+s30], $0xFA0, $0x38;
	[tilespmem:$0x1DDC0] =	vst v63  }
0x44: {  	s14 =	sadd.s32 $0x1F4, s8  }
0x45: {  	[tilespmem:s21], [sflag:$0x2] =	stream.linear.gather [hbm4b:s14+s30], $0xFA0, $0x38;
	[tilespmem:$0x1DDC0] =	vst v63  }
.LBB2_5:
0x46: {  	_ =	swait.ge [sflag:s22], $0xFA0  }
0x47: {  	[sflag:s22] =	ssyncset.done $0x0  }
0x48: {  	[sflag:s22] =	ssyncadd.s32 $0xFFFFF060  }
0x49: {  	_ =	swait.ge [sflag:s22], $0xFA0  }
0x4a: {  	[sflag:s22] =	ssyncset.done $0x0  }
0x4b: {  	[sflag:s22] =	ssyncadd.s32 $0xFFFFF060  }
0x4c: {  	_ =	swait.ge [sflag:s22], $0xFA0  }
0x4d: {  	[sflag:s22] =	ssyncset.done $0x0  }
0x4e: {  	s1 =	simm.s32 $0x0;
	[sflag:s22] =	ssyncadd.s32 $0xFFFFF060  }
0x4f: {  	v1 =	vld [tilespmem:s1+$0x1BF10]  }
0x50: {  	v3 =	vld [tilespmem:s1+$0x1BF00]  }
0x51: {  	v4 =	vld [tilespmem:s1+$0x1BEF0]  }
0x52: {  	v5 =	vld [tilespmem:s1+$0x1BEE0]  }
0x53: {  	v6 =	vld [tilespmem:s1+$0x1BED0]  }
0x54: {  	v7 =	vld [tilespmem:s1+$0x1BEC0]  }
0x55: {  	v8 =	vld [tilespmem:s1+$0x1BEB0]  }
0x56: {  	v9 =	vld [tilespmem:s1+$0x1BEA0]  }
0x57: {  	v10 =	vld [tilespmem:s1+$0x19FC0]  }
0x58: {  	v11 =	vld [tilespmem:s1+$0x19FD0]  }
0x59: {  	v12 =	vld [tilespmem:s1+$0x1BE90]  }
0x5a: {  	v13 =	vld [tilespmem:s1+$0x18030]  }
0x5b: {  	v14 =	vld [tilespmem:s1+$0x19F90]  }
0x5c: {  	v15 =	vld [tilespmem:s1+$0x19F80]  }
0x5d: {  	v16 =	vld [tilespmem:s1+$0x18020]  }
0x5e: {  	v17 =	vld [tilespmem:s1+$0x18060]  }
0x5f: {  	v2 =	vld [tilespmem:s1+$0x18090]  }
0x60: {  	v18 =	vld [tilespmem:s1+$0x18050]  }
0x61: {  	v19 =	vld [tilespmem:s1+$0x19F50]  }
0x62: {  	v20 =	vld [tilespmem:s1+$0x18010]  }
0x63: {  	v21 =	vld [tilespmem:s1+$0x1BE80]  }
0x64: {  	v22 =	vld [tilespmem:s1+$0x19F40]  }
0x65: {  	v23 =	vld [tilespmem:s1+$0x18000]  }
0x66: {  	v24 =	vld [tilespmem:s1+$0x18070]  }
0x67: {  	v25 =	vld [tilespmem:s1+$0x18040]  }
0x68: {  	v26 =	vld [tilespmem:s1+$0x19F70]  }
0x69: {  	v27 =	vld [tilespmem:s1+$0x19FB0]  }
0x6a: {  	v28 =	vld [tilespmem:s1+$0x18080]  }
0x6b: {  	v29 =	vld [tilespmem:s1+$0x19FA0]  }
0x6c: {  	v30 =	vld [tilespmem:s1+$0x19F60]  }
0x6d: {  	[tilespmem:v23+s4+$0x0] =	vst.idx.add.f32.msk $0xffff, v22  }
0x6e: {  	[tilespmem:v23+s23+$0x0] =	vst.idx.add.f32.msk $0xffff, v21  }
0x6f: {  	[tilespmem:v20+s4+$0x0] =	vst.idx.add.f32.msk $0xffff, v19  }
0x70: {  	[tilespmem:v20+s23+$0x0] =	vst.idx.add.f32.msk $0xffff, v12  }
0x71: {  	[tilespmem:v16+s4+$0x0] =	vst.idx.add.f32.msk $0xffff, v30  }
0x72: {  	[tilespmem:v16+s23+$0x0] =	vst.idx.add.f32.msk $0xffff, v9  }
0x73: {  	[tilespmem:v13+s4+$0x0] =	vst.idx.add.f32.msk $0xffff, v26  }
0x74: {  	[tilespmem:v13+s23+$0x0] =	vst.idx.add.f32.msk $0xffff, v8  }
0x75: {  	[tilespmem:v25+s4+$0x0] =	vst.idx.add.f32.msk $0xffff, v15  }
0x76: {  	[tilespmem:v25+s23+$0x0] =	vst.idx.add.f32.msk $0xffff, v7  }
0x77: {  	[tilespmem:v18+s4+$0x0] =	vst.idx.add.f32.msk $0xffff, v14  }
0x78: {  	[tilespmem:v18+s23+$0x0] =	vst.idx.add.f32.msk $0xffff, v6  }
0x79: {  	[tilespmem:v17+s4+$0x0] =	vst.idx.add.f32.msk $0xffff, v29  }
0x7a: {  	[tilespmem:v17+s23+$0x0] =	vst.idx.add.f32.msk $0xffff, v5  }
0x7b: {  	[tilespmem:v24+s4+$0x0] =	vst.idx.add.f32.msk $0xffff, v27  }
0x7c: {  	[tilespmem:v24+s23+$0x0] =	vst.idx.add.f32.msk $0xffff, v4  }
0x7d: {  	[tilespmem:v28+s4+$0x0] =	vst.idx.add.f32.msk $0xffff, v10  }
0x7e: {  	[tilespmem:v28+s23+$0x0] =	vst.idx.add.f32.msk $0xffff, v3  }
0x7f: {  	s1 =	simm.s32 $0x280;
	[tilespmem:v2+s4+$0x0] =	vst.idx.add.f32.msk $0xffff, v11  }
.LBB2_6:
0x80: {  	s14 =	sshra.s32 s1, $0x2;
	p0 =	sne.s32 s1, $0x3C00;
	s1 =	sadd.s32 $0x280, s1;
	[tilespmem:v2+s23+$0x0] =	vst.idx.add.f32.msk $0xffff, v1  }
0x81: {  	v1 =	vld [tilespmem:s14+$0x1BF10]  }
0x82: {  	v3 =	vld [tilespmem:s14+$0x1BF00]  }
0x83: {  	v4 =	vld [tilespmem:s14+$0x1BEF0]  }
0x84: {  	v5 =	vld [tilespmem:s14+$0x1BEE0]  }
0x85: {  	v6 =	vld [tilespmem:s14+$0x1BED0]  }
0x86: {  	v7 =	vld [tilespmem:s14+$0x1BEC0]  }
0x87: {  	v8 =	vld [tilespmem:s14+$0x1BEB0]  }
0x88: {  	v9 =	vld [tilespmem:s14+$0x1BEA0]  }
0x89: {  	v10 =	vld [tilespmem:s14+$0x19FC0]  }
0x8a: {  	v11 =	vld [tilespmem:s14+$0x19FD0]  }
0x8b: {  	v12 =	vld [tilespmem:s14+$0x1BE90]  }
0x8c: {  	v13 =	vld [tilespmem:s14+$0x18030]  }
0x8d: {  	v14 =	vld [tilespmem:s14+$0x19F90]  }
0x8e: {  	v15 =	vld [tilespmem:s14+$0x19F80]  }
0x8f: {  	v16 =	vld [tilespmem:s14+$0x18020]  }
0x90: {  	v17 =	vld [tilespmem:s14+$0x18060]  }
0x91: {  	v2 =	vld [tilespmem:s14+$0x18090]  }
0x92: {  	v18 =	vld [tilespmem:s14+$0x18050]  }
0x93: {  	v19 =	vld [tilespmem:s14+$0x19F50]  }
0x94: {  	v20 =	vld [tilespmem:s14+$0x18010]  }
0x95: {  	v21 =	vld [tilespmem:s14+$0x1BE80]  }
0x96: {  	v22 =	vld [tilespmem:s14+$0x19F40]  }
0x97: {  	v23 =	vld [tilespmem:s14+$0x18000]  }
0x98: {  	v24 =	vld [tilespmem:s14+$0x18070]  }
0x99: {  	v25 =	vld [tilespmem:s14+$0x18040]  }
0x9a: {  	v26 =	vld [tilespmem:s14+$0x19F70]  }
0x9b: {  	v27 =	vld [tilespmem:s14+$0x19FB0]  }
0x9c: {  	v28 =	vld [tilespmem:s14+$0x18080]  }
0x9d: {  	v29 =	vld [tilespmem:s14+$0x19FA0]  }
0x9e: {  	v30 =	vld [tilespmem:s14+$0x19F60]  }
0x9f: {  	[tilespmem:v23+s4+$0x0] =	vst.idx.add.f32.msk $0xffff, v22  }
0xa0: {  	[tilespmem:v23+s23+$0x0] =	vst.idx.add.f32.msk $0xffff, v21  }
0xa1: {  	[tilespmem:v20+s4+$0x0] =	vst.idx.add.f32.msk $0xffff, v19  }
0xa2: {  	[tilespmem:v20+s23+$0x0] =	vst.idx.add.f32.msk $0xffff, v12  }
0xa3: {  	[tilespmem:v16+s4+$0x0] =	vst.idx.add.f32.msk $0xffff, v30  }
0xa4: {  	[tilespmem:v16+s23+$0x0] =	vst.idx.add.f32.msk $0xffff, v9  }
0xa5: {  	[tilespmem:v13+s4+$0x0] =	vst.idx.add.f32.msk $0xffff, v26  }
0xa6: {  	[tilespmem:v13+s23+$0x0] =	vst.idx.add.f32.msk $0xffff, v8  }
0xa7: {  	[tilespmem:v25+s4+$0x0] =	vst.idx.add.f32.msk $0xffff, v15  }
0xa8: {  	[tilespmem:v25+s23+$0x0] =	vst.idx.add.f32.msk $0xffff, v7  }
0xa9: {  	[tilespmem:v18+s4+$0x0] =	vst.idx.add.f32.msk $0xffff, v14  }
0xaa: {  	[tilespmem:v18+s23+$0x0] =	vst.idx.add.f32.msk $0xffff, v6  }
0xab: {  	[tilespmem:v17+s4+$0x0] =	vst.idx.add.f32.msk $0xffff, v29  }
0xac: {  	[tilespmem:v17+s23+$0x0] =	vst.idx.add.f32.msk $0xffff, v5  }
.Ltmp1:
0xad: {  	[tilespmem:v24+s4+$0x0] =	vst.idx.add.f32.msk $0xffff, v27;
	(pc) =	sbr.rel @p0 .LBB2_6-.Ltmp1, $4  }
0xae: {  	[tilespmem:v24+s23+$0x0] =	vst.idx.add.f32.msk $0xffff, v4  }
0xaf: {  	[tilespmem:v28+s4+$0x0] =	vst.idx.add.f32.msk $0xffff, v10  }
0xb0: {  	[tilespmem:v28+s23+$0x0] =	vst.idx.add.f32.msk $0xffff, v3  }
0xb1: {  	[tilespmem:v2+s4+$0x0] =	vst.idx.add.f32.msk $0xffff, v11  }
0xb2: {  	p0 =	seq.s32 s30, $0xC  }
.Ltmp2:
0xb3: {  	_ = 	snop;
	(pc) =	sbr.rel @p0 .LBB2_11-.Ltmp2, $2  }
0xb4: {  	_ =	sdelay $0x2  }
0xb5: {  	[tilespmem:v2+s23+$0x0] =	vst.idx.add.f32.msk $0xffff, v1  }
0xb6: {  	s1 =	smul.u32 $0x1F40, s30;
	_ =	sdelay $0x1  }
0xb7: {  	s8 =	sadd.s32 $0x1F40, s1  }
0xb8: {  	s14 =	sadd.s32 s6, s8  }
0xb9: {  	s14 =	sshrl.u32 s14, $0x3  }
0xba: {  	s13 =	simm.s32 $0x0;
	s14 =	sadd.s32 s2, s14  }
0xbb: {  	[tilespmem:s16], [sflag:$0x1] =	stream.linear.gather [hbm4b:s14+s13], $0xFA0, $0x38;
	[tilespmem:$0x1DDC0] =	vst v63  }
0xbc: {  	s14 =	sadd.s32 s31, s8  }
0xbd: {  	s8 =	sadd.s32 s0, s8;
	s14 =	sshrl.u32 s14, $0x3  }
0xbe: {  	s8 =	sshrl.u32 s8, $0x3;
	s14 =	sadd.s32 s5, s14  }
0xbf: {  	[tilespmem:s17], [sflag:$0x1] =	stream.linear.gather [hbm4b:s14+s13], $0xFA0, $0x38;
	[tilespmem:$0x1DDC0] =	vst v63  }
0xc0: {  	s8 =	sadd.s32 s5, s8  }
0xc1: {  	[tilespmem:s18], [sflag:$0x1] =	stream.linear.gather [hbm4b:s8+s13], $0xFA0, $0x38;
	[tilespmem:$0x1DDC0] =	vst v63  }
0xc2: {  	_ =	swait.ge [sflag:s24], $0xFA0  }
0xc3: {  	[sflag:s24] =	ssyncset.done $0x0  }
0xc4: {  	[sflag:s24] =	ssyncadd.s32 $0xFFFFF060  }
0xc5: {  	_ =	swait.ge [sflag:s24], $0xFA0  }
0xc6: {  	[sflag:s24] =	ssyncset.done $0x0  }
0xc7: {  	[sflag:s24] =	ssyncadd.s32 $0xFFFFF060  }
0xc8: {  	_ =	swait.ge [sflag:s24], $0xFA0  }
0xc9: {  	[sflag:s24] =	ssyncset.done $0x0  }
0xca: {  	s14 =	simm.s32 $0x0;
	[sflag:s24] =	ssyncadd.s32 $0xFFFFF060  }
0xcb: {  	v1 =	vld [tilespmem:s14+$0x1CEB0]  }
0xcc: {  	v3 =	vld [tilespmem:s14+$0x1CEA0]  }
0xcd: {  	v4 =	vld [tilespmem:s14+$0x1CE90]  }
0xce: {  	v5 =	vld [tilespmem:s14+$0x1CE80]  }
0xcf: {  	v6 =	vld [tilespmem:s14+$0x1CE70]  }
0xd0: {  	v7 =	vld [tilespmem:s14+$0x1CE60]  }
0xd1: {  	v8 =	vld [tilespmem:s14+$0x1CE50]  }
0xd2: {  	v9 =	vld [tilespmem:s14+$0x1CE40]  }
0xd3: {  	v10 =	vld [tilespmem:s14+$0x1AF60]  }
0xd4: {  	v11 =	vld [tilespmem:s14+$0x1AF70]  }
0xd5: {  	v12 =	vld [tilespmem:s14+$0x1CE30]  }
0xd6: {  	v13 =	vld [tilespmem:s14+$0x18FD0]  }
0xd7: {  	v14 =	vld [tilespmem:s14+$0x1AF30]  }
0xd8: {  	v15 =	vld [tilespmem:s14+$0x1AF20]  }
0xd9: {  	v16 =	vld [tilespmem:s14+$0x18FC0]  }
0xda: {  	v17 =	vld [tilespmem:s14+$0x19000]  }
0xdb: {  	v2 =	vld [tilespmem:s14+$0x19030]  }
0xdc: {  	v18 =	vld [tilespmem:s14+$0x18FF0]  }
0xdd: {  	v19 =	vld [tilespmem:s14+$0x1AEF0]  }
0xde: {  	v20 =	vld [tilespmem:s14+$0x18FB0]  }
0xdf: {  	v21 =	vld [tilespmem:s14+$0x1CE20]  }
0xe0: {  	v22 =	vld [tilespmem:s14+$0x1AEE0]  }
0xe1: {  	v23 =	vld [tilespmem:s14+$0x18FA0]  }
0xe2: {  	v24 =	vld [tilespmem:s14+$0x19010]  }
0xe3: {  	v25 =	vld [tilespmem:s14+$0x18FE0]  }
0xe4: {  	v26 =	vld [tilespmem:s14+$0x1AF10]  }
0xe5: {  	v27 =	vld [tilespmem:s14+$0x1AF50]  }
0xe6: {  	v28 =	vld [tilespmem:s14+$0x19020]  }
0xe7: {  	v29 =	vld [tilespmem:s14+$0x1AF40]  }
0xe8: {  	v30 =	vld [tilespmem:s14+$0x1AF00]  }
0xe9: {  	[tilespmem:v23+s4+$0x0] =	vst.idx.add.f32.msk $0xffff, v22  }
0xea: {  	[tilespmem:v23+s23+$0x0] =	vst.idx.add.f32.msk $0xffff, v21  }
0xeb: {  	[tilespmem:v20+s4+$0x0] =	vst.idx.add.f32.msk $0xffff, v19  }
0xec: {  	[tilespmem:v20+s23+$0x0] =	vst.idx.add.f32.msk $0xffff, v12  }
0xed: {  	[tilespmem:v16+s4+$0x0] =	vst.idx.add.f32.msk $0xffff, v30  }
0xee: {  	[tilespmem:v16+s23+$0x0] =	vst.idx.add.f32.msk $0xffff, v9  }
0xef: {  	[tilespmem:v13+s4+$0x0] =	vst.idx.add.f32.msk $0xffff, v26  }
0xf0: {  	[tilespmem:v13+s23+$0x0] =	vst.idx.add.f32.msk $0xffff, v8  }
0xf1: {  	[tilespmem:v25+s4+$0x0] =	vst.idx.add.f32.msk $0xffff, v15  }
0xf2: {  	[tilespmem:v25+s23+$0x0] =	vst.idx.add.f32.msk $0xffff, v7  }
0xf3: {  	[tilespmem:v18+s4+$0x0] =	vst.idx.add.f32.msk $0xffff, v14  }
0xf4: {  	[tilespmem:v18+s23+$0x0] =	vst.idx.add.f32.msk $0xffff, v6  }
0xf5: {  	[tilespmem:v17+s4+$0x0] =	vst.idx.add.f32.msk $0xffff, v29  }
0xf6: {  	[tilespmem:v17+s23+$0x0] =	vst.idx.add.f32.msk $0xffff, v5  }
0xf7: {  	[tilespmem:v24+s4+$0x0] =	vst.idx.add.f32.msk $0xffff, v27  }
0xf8: {  	[tilespmem:v24+s23+$0x0] =	vst.idx.add.f32.msk $0xffff, v4  }
0xf9: {  	[tilespmem:v28+s4+$0x0] =	vst.idx.add.f32.msk $0xffff, v10  }
0xfa: {  	[tilespmem:v28+s23+$0x0] =	vst.idx.add.f32.msk $0xffff, v3  }
0xfb: {  	s14 =	simm.s32 $0x280;
	[tilespmem:v2+s4+$0x0] =	vst.idx.add.f32.msk $0xffff, v11  }
.LBB2_9:
0xfc: {  	s8 =	sshra.s32 s14, $0x2;
	p0 =	sne.s32 s14, $0x3C00;
	s14 =	sadd.s32 $0x280, s14;
	[tilespmem:v2+s23+$0x0] =	vst.idx.add.f32.msk $0xffff, v1  }
0xfd: {  	v1 =	vld [tilespmem:s8+$0x1CEB0]  }
0xfe: {  	v3 =	vld [tilespmem:s8+$0x1CEA0]  }
0xff: {  	v4 =	vld [tilespmem:s8+$0x1CE90]  }
0x100: {  	v5 =	vld [tilespmem:s8+$0x1CE80]  }
0x101: {  	v6 =	vld [tilespmem:s8+$0x1CE70]  }
0x102: {  	v7 =	vld [tilespmem:s8+$0x1CE60]  }
0x103: {  	v8 =	vld [tilespmem:s8+$0x1CE50]  }
0x104: {  	v9 =	vld [tilespmem:s8+$0x1CE40]  }
0x105: {  	v10 =	vld [tilespmem:s8+$0x1AF60]  }
0x106: {  	v11 =	vld [tilespmem:s8+$0x1AF70]  }
0x107: {  	v12 =	vld [tilespmem:s8+$0x1CE30]  }
0x108: {  	v13 =	vld [tilespmem:s8+$0x18FD0]  }
0x109: {  	v14 =	vld [tilespmem:s8+$0x1AF30]  }
0x10a: {  	v15 =	vld [tilespmem:s8+$0x1AF20]  }
0x10b: {  	v16 =	vld [tilespmem:s8+$0x18FC0]  }
0x10c: {  	v17 =	vld [tilespmem:s8+$0x19000]  }
0x10d: {  	v2 =	vld [tilespmem:s8+$0x19030]  }
0x10e: {  	v18 =	vld [tilespmem:s8+$0x18FF0]  }
0x10f: {  	v19 =	vld [tilespmem:s8+$0x1AEF0]  }
0x110: {  	v20 =	vld [tilespmem:s8+$0x18FB0]  }
0x111: {  	v21 =	vld [tilespmem:s8+$0x1CE20]  }
0x112: {  	v22 =	vld [tilespmem:s8+$0x1AEE0]  }
0x113: {  	v23 =	vld [tilespmem:s8+$0x18FA0]  }
0x114: {  	v24 =	vld [tilespmem:s8+$0x19010]  }
0x115: {  	v25 =	vld [tilespmem:s8+$0x18FE0]  }
0x116: {  	v26 =	vld [tilespmem:s8+$0x1AF10]  }
0x117: {  	v27 =	vld [tilespmem:s8+$0x1AF50]  }
0x118: {  	v28 =	vld [tilespmem:s8+$0x19020]  }
0x119: {  	v29 =	vld [tilespmem:s8+$0x1AF40]  }
0x11a: {  	v30 =	vld [tilespmem:s8+$0x1AF00]  }
0x11b: {  	[tilespmem:v23+s4+$0x0] =	vst.idx.add.f32.msk $0xffff, v22  }
0x11c: {  	[tilespmem:v23+s23+$0x0] =	vst.idx.add.f32.msk $0xffff, v21  }
0x11d: {  	[tilespmem:v20+s4+$0x0] =	vst.idx.add.f32.msk $0xffff, v19  }
0x11e: {  	[tilespmem:v20+s23+$0x0] =	vst.idx.add.f32.msk $0xffff, v12  }
0x11f: {  	[tilespmem:v16+s4+$0x0] =	vst.idx.add.f32.msk $0xffff, v30  }
0x120: {  	[tilespmem:v16+s23+$0x0] =	vst.idx.add.f32.msk $0xffff, v9  }
0x121: {  	[tilespmem:v13+s4+$0x0] =	vst.idx.add.f32.msk $0xffff, v26  }
0x122: {  	[tilespmem:v13+s23+$0x0] =	vst.idx.add.f32.msk $0xffff, v8  }
0x123: {  	[tilespmem:v25+s4+$0x0] =	vst.idx.add.f32.msk $0xffff, v15  }
0x124: {  	[tilespmem:v25+s23+$0x0] =	vst.idx.add.f32.msk $0xffff, v7  }
0x125: {  	[tilespmem:v18+s4+$0x0] =	vst.idx.add.f32.msk $0xffff, v14  }
0x126: {  	[tilespmem:v18+s23+$0x0] =	vst.idx.add.f32.msk $0xffff, v6  }
0x127: {  	[tilespmem:v17+s4+$0x0] =	vst.idx.add.f32.msk $0xffff, v29  }
0x128: {  	[tilespmem:v17+s23+$0x0] =	vst.idx.add.f32.msk $0xffff, v5  }
.Ltmp3:
0x129: {  	[tilespmem:v24+s4+$0x0] =	vst.idx.add.f32.msk $0xffff, v27;
	(pc) =	sbr.rel @p0 .LBB2_9-.Ltmp3, $4  }
0x12a: {  	[tilespmem:v24+s23+$0x0] =	vst.idx.add.f32.msk $0xffff, v4  }
0x12b: {  	[tilespmem:v28+s4+$0x0] =	vst.idx.add.f32.msk $0xffff, v10  }
0x12c: {  	[tilespmem:v28+s23+$0x0] =	vst.idx.add.f32.msk $0xffff, v3  }
0x12d: {  	[tilespmem:v2+s4+$0x0] =	vst.idx.add.f32.msk $0xffff, v11  }
0x12e: {  	p0 =	seq.s32 s30, $0xB  }
0x12f: {  	s1 =	sadd.s32 @!p0 $0x2EE0, s1  }
0x130: {  	s8 =	sadd.s32 @!p0 s6, s1  }
0x131: {  	s8 =	sshrl.u32 @!p0 s8, $0x3  }
0x132: {  	[tilespmem:v2+s23+$0x0] =	vst.idx.add.f32.msk $0xffff, v1;
	s13 =	simm.s32 @!p0 $0x0;
	s14 =	simm.s32 @!p0 $0x18FA0;
	s8 =	sadd.s32 @!p0 s2, s8  }
0x133: {  	[tilespmem:s14], [sflag:$0x2] =	stream.linear.gather @!p0 [hbm4b:s8+s13], $0xFA0, $0x38;
	[tilespmem:$0x1DDC0] =	vst v63  }
0x134: {  	s8 =	sadd.s32 @!p0 s31, s1  }
.Ltmp4:
0x135: {  	s1 =	sadd.s32 @!p0 s0, s1;
	s8 =	sshrl.u32 @!p0 s8, $0x3;
	(pc) =	sbr.rel .LBB2_5-.Ltmp4, $4  }
0x136: {  	s14 =	simm.s32 @!p0 $0x1AEE0;
	s1 =	sshrl.u32 @!p0 s1, $0x3;
	s8 =	sadd.s32 @!p0 s5, s8  }
0x137: {  	[tilespmem:s14], [sflag:$0x2] =	stream.linear.gather @!p0 [hbm4b:s8+s13], $0xFA0, $0x38;
	[tilespmem:$0x1DDC0] =	vst v63  }
0x138: {  	s30 =	sadd.s32 $0x1, s30;
	s1 =	sadd.s32 @!p0 s5, s1;
	s8 =	simm.s32 @!p0 $0x1CE20  }
0x139: {  	[tilespmem:s8], [sflag:$0x2] =	stream.linear.gather @!p0 [hbm4b:s1+s13], $0xFA0, $0x38;
	[tilespmem:$0x1DDC0] =	vst v63  }
.LBB2_11:
0x13a: {  	s0 =	simm.s32 $0x0  }
0x13b: {  	v4 =	vld [tilespmem:s0+$0x10000]  }
0x13c: {  	v3 =	vld [tilespmem:s0+$0x10010]  }
0x13d: {  	v2 =	vld [tilespmem:s0+$0x10020]  }
0x13e: {  	v1 =	vld [tilespmem:s0+$0x10030]  }
0x13f: {  	v5 =	vld [tilespmem:s0+$0x0]  }
0x140: {  	v10 =	vld [tilespmem:s0+$0x10]  }
0x141: {  	v7 =	vld [tilespmem:s0+$0x20]  }
0x142: {  	v8 =	vld [tilespmem:s0+$0x30]  }
0x143: {  	v9 =	vld [tilespmem:s0+$0x8000]  }
0x144: {  	v6 =	vld [tilespmem:s0+$0x8010];
	v11 =	vmul.f32 v5, v4  }
0x145: {  	s1 =	simm.s32 $0x100;
	v5 =	vld [tilespmem:s0+$0x8020];
	v10 =	vmul.f32 v10, v3  }
.LBB2_12:
0x146: {  	s8 =	sshra.s32 s1, $0x2;
	p0 =	sne.s32 s1, $0x1FF00;
	v12 =	vld [tilespmem:s0+$0x8030];
	[tilespmem:s0+$0x0] =	vst v11;
	v7 =	vmul.f32 v7, v2  }
0x147: {  	v11 =	vld [tilespmem:s8+$0x10000];
	[tilespmem:s0+$0x10] =	vst v10;
	v8 =	vmul.f32 v8, v1  }
0x148: {  	v10 =	vld [tilespmem:s8+$0x10010];
	v4 =	vmul.f32 v9, v4;
	[tilespmem:s0+$0x20] =	vst v7  }
0x149: {  	v9 =	vld [tilespmem:s8+$0x10020];
	v3 =	vmul.f32 v6, v3;
	[tilespmem:s0+$0x30] =	vst v8  }
0x14a: {  	v6 =	vld [tilespmem:s8+$0x10030];
	[tilespmem:s0+$0x8000] =	vst v4;
	v2 =	vmul.f32 v5, v2  }
0x14b: {  	v5 =	vld [tilespmem:s8+$0x0];
	[tilespmem:s0+$0x8010] =	vst v3;
	v1 =	vmul.f32 v12, v1  }
0x14c: {  	v12 =	vld [tilespmem:s8+$0x10];
	[tilespmem:s0+$0x8020] =	vst v2;
	v4 =	vmov v11  }
.Ltmp5:
0x14d: {  	v7 =	vld [tilespmem:s8+$0x20];
	[tilespmem:s0+$0x8030] =	vst v1;
	v3 =	vmov v10;
	s0 =	smov.u32 s8;
	(pc) =	sbr.rel @p0 .LBB2_12-.Ltmp5, $4  }
0x14e: {  	v8 =	vld [tilespmem:s0+$0x30];
	v2 =	vmov v9  }
0x14f: {  	v9 =	vld [tilespmem:s0+$0x8000];
	v1 =	vmov v6  }
0x150: {  	v6 =	vld [tilespmem:s0+$0x8010];
	v11 =	vmul.f32 v5, v4  }
0x151: {  	s1 =	sadd.s32 $0x100, s1;
	v5 =	vld [tilespmem:s0+$0x8020];
	v10 =	vmul.f32 v12, v3  }
0x152: {  	v12 =	vld [tilespmem:s0+$0x8030];
	[tilespmem:s0+$0x0] =	vst v11;
	v7 =	vmul.f32 v7, v2  }
0x153: {  	[tilespmem:s0+$0x10] =	vst v10;
	v8 =	vmul.f32 v8, v1  }
0x154: {  	v4 =	vmul.f32 v9, v4;
	[tilespmem:s0+$0x20] =	vst v7  }
0x155: {  	v3 =	vmul.f32 v6, v3;
	[tilespmem:s0+$0x30] =	vst v8  }
0x156: {  	s1 =	sshll.u32 s29, $0xF;
	[tilespmem:s0+$0x8000] =	vst v4;
	v2 =	vmul.f32 v5, v2  }
0x157: {  	s1 =	sadd.s32 s12, s1;
	[tilespmem:s0+$0x8010] =	vst v3;
	v1 =	vmul.f32 v12, v1  }
0x158: {  	s1 =	sshrl.u32 s1, $0x3;
	[tilespmem:s0+$0x8020] =	vst v2  }
0x159: {  	s31 =	sshll.u32 s28, $0xF;
	s30 =	sadd.s32 s3, s1;
	[tilespmem:s0+$0x8030] =	vst v1  }
0x15a: {  	[hbm4b:s30+s4] =	stream.linear.scatter [tilespmem:s4], [sflag:$0x3], $0x8000, $0x38;
	[tilespmem:$0x1DDC0] =	vst v63  }
0x15b: {  	s26 =	sadd.s32 $0x1, s26;
	s0 =	sadd.s32 s12, s31;
	_ =	swait.ge [sflag:s15], $0x8000  }
0x15c: {  	p0 =	sne.s32 s26, $0x8;
	s0 =	sshrl.u32 s0, $0x3;
	[sflag:s15] =	ssyncset.done $0x0  }
.Ltmp6:
0x15d: {  	s0 =	sadd.s32 s3, s0;
	[sflag:s15] =	ssyncadd.s32 $0xFFFF8000;
	(pc) =	sbr.rel @p0 .LBB2_2-.Ltmp6, $4  }
0x15e: {  	[hbm4b:s0+s4] =	stream.linear.scatter [tilespmem:s23], [sflag:$0x3], $0x8000, $0x38;
	[tilespmem:$0x1DDC0] =	vst v63  }
0x15f: {  	_ =	swait.ge [sflag:s15], $0x8000  }
0x160: {  	[sflag:s15] =	ssyncset.done $0x0  }
0x161: {  	[sflag:s15] =	ssyncadd.s32 $0xFFFF8000  }
0x162: {  	s25 =	sadd.s32 $0x1, s25;
	s0 =	rddreg [dreg:$0x5]  }
0x163: {  	p0 =	sne.s32 s25, s0  }
.Ltmp7:
0x164: {  	_ = 	snop;
	(pc) =	sbr.rel @p0 .LBB2_1-.Ltmp7, $1  }
0x165: {  	_ =	sdelay $0x3  }
0x166: {  	_ =	sfence.sel $0x180000  }
0x167: {  	[bflag:$0x0] =	sbarrier.arrive $0xFFFF  }
0x168: {  	_ =	strace $0x9000004D  }
0x169: {  	s0 =	stileid.u32;
	[bflag:$0x2] =	sbarrier.arrive $0xFFFF  }
0x16a: {  	p0 =	sne.s32 s0, $0x0;
	s0 =	rddreg [dreg:$0x3]  }
0x16b: {  	s0 =	sadd.s32 @!p0 $0x100000, s0  }
0x16c: {  	[sflag:s0] =	ssyncadd.tile.s32 @!p0 $0x1;
	_ =	shalt  }
.Lfunc_end2:
_tile_overlayer_lowered:
.L_overlay_start_2:
0x16d: {  	(tag) =	ssettag $0x2  }
0x16e: {  	s0 =	rddreg [dreg:$0x0];
	s2 =	stileid.u32  }
0x16f: {  	s1 =	rddreg [dreg:$0x1];
	p0 =	sne.s32 s2, $0x0  }
0x170: {  	s3 =	rddreg [dreg:$0x2];
	[bflag:$0x3] =	sbarrier.arrive $0xFFFF;
	s2 =	simm.s32 @!p0 $0x1C03  }
0x171: {  	[timem:s3], [sflag:s2] =	dma.local @!p0 [hbm:s0], s1  }
0x172: {  	s0 =	simm.s32 @!p0 $0x3  }
0x173: {  	_ =	swait.ge @!p0 [sflag:s0], s1  }
0x174: {  	s1 =	ssub.s32 @!p0 $0x0, s1;
	[sflag:s0] =	ssyncset.done @!p0 $0x0  }
0x175: {  	[sflag:s0] =	ssyncadd.s32 @!p0 s1  }
0x176: {  	[bflag:$0x3] =	sbarrier.arrive $0xFFFF  }
0x177: {  	_ =	shalt  }

// kernel: kernel.6.cloned.1.call-start
scs
__scs_entry_jumppad:
0x0: {  	(pc) =	sbr.rel $0x88, $3  }
0x1: {  	(tag) =	ssettag $0x0;
	lr =	simm.s32 $0x1  }
0x2: {  	[smem:$0x3F9F] =	sst lr;
	_ =	strace $0xD0000000  }
0x3: {  	_ = 	snop  }
0x4: {  	_ = 	snop  }
0x5: {  	_ = 	snop  }
0x6: {  	_ = 	snop  }
0x7: {  	_ = 	snop  }
__scs_overlays_trampoline_lowered:
0x8: {  	[smem:$0x3FAE] =	sst s0  }
0x9: {  	[smem:$0x3FAF] =	sst s1  }
0xa: {  	[smem:$0x3FB0] =	sst s2  }
0xb: {  	[smem:$0x3FB1] =	sst s3  }
0xc: {  	[smem:$0x3FB2] =	sst s4  }
0xd: {  	[smem:$0x3FB3] =	sst s5  }
0xe: {  	[smem:$0x3FB4] =	sst s6  }
0xf: {  	[smem:$0x3FB5] =	sst s7  }
0x10: {  	[smem:$0x3FB6] =	sst s8  }
0x11: {  	[smem:$0x3FB7] =	sst s9;
	s0 =	simm.s32 @!p0 $0x0  }
0x12: {  	s1 =	sld [smem:$0x3F9D];
	s0 =	simm.s32 @p0 $0x1  }
0x13: {  	[smem:$0x3FB8] =	sst s0;
	s0 =	simm.s32 @!p1 $0x0  }
0x14: {  	s2 =	sld [smem:$0x3F9C];
	s0 =	simm.s32 @p1 $0x1  }
0x15: {  	[smem:$0x3FB9] =	sst s0;
	s0 =	simm.s32 @!p2 $0x0  }
0x16: {  	s3 =	sld [smem:$0x3FDB];
	s0 =	simm.s32 @p2 $0x1  }
0x17: {  	s4 =	simm.s32 $0x1BF5;
	[smem:$0x3FBB] =	sst s0  }
0x18: {  	s0 =	sld [smem:$0x3F9E];
	_ =	swait.ge [sflag:s4], $0x0  }
0x19: {  	s7 =	sld [smem:$0x3F9F]  }
0x1a: {  	s8 =	sadd.s32 $0xFFFFE003, lr  }
0x1b: {  	s9 =	sadd.s32 $0xFFFFFEF7, lr;
	s5 =	simm.s32 $0xFFFFFFFF;
	p2 =	slt.u32 s8, $0xFFFFF086  }
0x1c: {  	p1 =	slt.u32 s9, $0xF7A;
	s5 =	simm.s32 @!p2 $0x0  }
0x1d: {  	s5 =	simm.s32 @p1 $0x1;
	p0 =	seq.s32 s7, s2  }
0x1e: {  	s7 =	smul.u32 @!p0 $0xF7A, s2;
	p2 =	seq.s32 @!p0 s5, $0x0  }
0x1f: {  	s9 =	smul.u32 $0xF7A, s1;
	s8 =	simm.s32 @!p0 $0x1BF5;
	p2 =	por !p2, p0  }
0x20: {  	[sflag:s8] =	ssyncset.s32 @!p0 $0xFFFFF086;
	s6 =	sadd.s32 @!p0 s3, s7;
	s7 =	simm.s32 @!p0 $0x108  }
0x21: {  	s3 =	sadd.s32 s3, s9;
	s6 =	sadd.s32 @!p0 $0x88, s6;
	s7 =	simm.s32 @p2 $0x1082  }
0x22: {  	[simem:s7], [sflag:s8] =	dma.local @!p0 [hbm:s6], $0xF7A  }
0x23: {  	s9 =	sor.u32 $0xD0000000, s2;
	s6 =	simm.s32 $0x108;
	_ =	swait.ge @!p0 [sflag:s8], $0x0  }
0x24: {  	s3 =	sadd.s32 $0x88, s3;
	s6 =	simm.s32 @!p1 $0x1082;
	[sflag:s4] =	ssyncset.s32 $0xFFFFF086  }
0x25: {  	[simem:s6], [sflag:s4] =	dma.local [hbm:s3], $0xF7A  }
0x26: {  	[smem:$0x3F9F] =	sst s1;
	(tag) =	ssettag s2;
	_ =	strace s9  }
0x27: {  	s1 =	sld [smem:$0x3FAF]  }
0x28: {  	s2 =	sld [smem:$0x3FB0]  }
0x29: {  	s4 =	sld [smem:$0x3FB2]  }
0x2a: {  	p0 =	seq.s32 s5, $0x0;
	s5 =	sld [smem:$0x3FB3]  }
0x2b: {  	s6 =	sld [smem:$0x3FB4]  }
0x2c: {  	s7 =	sld [smem:$0x3FB5]  }
0x2d: {  	s3 =	simm.s32 $0x108;
	s8 =	sld [smem:$0x3FB6]  }
0x2e: {  	s3 =	simm.s32 @!p0 $0x1082;
	s9 =	sld [smem:$0x3FB7]  }
0x2f: {  	lr =	sadd.s32 s0, s3;
	s0 =	sld [smem:$0x3FAE]  }
0x30: {  	s3 =	sld [smem:$0x3FB1]  }
0x31: {  	[smem:$0x3FBA] =	sst s10  }
0x32: {  	s10 =	sld [smem:$0x3FB8];
	_ =	sdelay $0x3  }
0x33: {  	p0 =	seq.s32 s10, $0x1;
	s10 =	sld [smem:$0x3FBA];
	_ =	sdelay $0x3  }
0x34: {  	[smem:$0x3FBA] =	sst s10  }
0x35: {  	s10 =	sld [smem:$0x3FB9];
	_ =	sdelay $0x3  }
0x36: {  	p1 =	seq.s32 s10, $0x1;
	s10 =	sld [smem:$0x3FBA];
	_ =	sdelay $0x3  }
0x37: {  	[smem:$0x3FBA] =	sst s10  }
0x38: {  	s10 =	sld [smem:$0x3FBB]  }
0x39: {  	_ = 	snop;
	(pc) =	sbr.ind lr, $3  }
0x3a: {  	_ = 	snop  }
0x3b: {  	_ = 	snop  }
0x3c: {  	p2 =	seq.s32 s10, $0x1;
	s10 =	sld [smem:$0x3FBA]  }
0x3d: {  	_ =	shalt  }
0x3e: {  	_ =	shalt  }
0x3f: {  	_ =	shalt  }
0x40: {  	_ =	shalt  }
0x41: {  	_ =	shalt  }
0x42: {  	_ =	shalt  }
0x43: {  	_ =	shalt  }
0x44: {  	_ =	shalt  }
0x45: {  	_ =	shalt  }
0x46: {  	_ =	shalt  }
0x47: {  	_ =	shalt  }
0x48: {  	_ =	shalt  }
0x49: {  	_ =	shalt  }
0x4a: {  	_ =	shalt  }
0x4b: {  	_ =	shalt  }
0x4c: {  	_ =	shalt  }
0x4d: {  	_ =	shalt  }
0x4e: {  	_ =	shalt  }
0x4f: {  	_ =	shalt  }
0x50: {  	_ =	shalt  }
0x51: {  	_ =	shalt  }
0x52: {  	_ =	shalt  }
0x53: {  	_ =	shalt  }
0x54: {  	_ =	shalt  }
0x55: {  	_ =	shalt  }
0x56: {  	_ =	shalt  }
0x57: {  	_ =	shalt  }
0x58: {  	_ =	shalt  }
0x59: {  	_ =	shalt  }
0x5a: {  	_ =	shalt  }
0x5b: {  	_ =	shalt  }
0x5c: {  	_ =	shalt  }
0x5d: {  	_ =	shalt  }
0x5e: {  	_ =	shalt  }
0x5f: {  	_ =	shalt  }
0x60: {  	_ =	shalt  }
0x61: {  	_ =	shalt  }
0x62: {  	_ =	shalt  }
0x63: {  	_ =	shalt  }
0x64: {  	_ =	shalt  }
0x65: {  	_ =	shalt  }
0x66: {  	_ =	shalt  }
0x67: {  	_ =	shalt  }
0x68: {  	_ =	shalt  }
0x69: {  	_ =	shalt  }
0x6a: {  	_ =	shalt  }
0x6b: {  	_ =	shalt  }
0x6c: {  	_ =	shalt  }
0x6d: {  	_ =	shalt  }
0x6e: {  	_ =	shalt  }
0x6f: {  	_ =	shalt  }
0x70: {  	_ =	shalt  }
0x71: {  	_ =	shalt  }
0x72: {  	_ =	shalt  }
0x73: {  	_ =	shalt  }
0x74: {  	_ =	shalt  }
0x75: {  	_ =	shalt  }
0x76: {  	_ =	shalt  }
0x77: {  	_ =	shalt  }
0x78: {  	_ =	shalt  }
0x79: {  	_ =	shalt  }
0x7a: {  	_ =	shalt  }
0x7b: {  	_ =	shalt  }
0x7c: {  	_ =	shalt  }
0x7d: {  	_ =	shalt  }
0x7e: {  	_ =	shalt  }
0x7f: {  	_ =	shalt  }
0x80: {  	_ =	shalt  }
0x81: {  	_ =	shalt  }
0x82: {  	_ =	shalt  }
0x83: {  	_ =	shalt  }
0x84: {  	_ =	shalt  }
0x85: {  	_ =	shalt  }
0x86: {  	_ =	shalt  }
0x87: {  	_ =	shalt  }
.Lfunc_end0:
.L_simem_size_0:
called_computation.1_lowered:
.L_overlay_start_0:
0x88: {  	s2 =	sld [smem:$0x3FD9]  }
0x89: {  	s3 =	sld [smem:$0x3FFE];
	_ =	sdelay $0x1  }
0x8a: {  	s1 =	srdreg.scid  }
0x8b: {  	s0 =	sand.u32 $0x1, s1  }
0x8c: {  	s14 =	sshll.u32 s0, $0xA;
	s2 =	sadd.s32 s3, s2  }
0x8d: {  	s2 =	sadd.s32 s2, s14  }
0x8e: {  	[smem:$0x3FC6] =	sst s2  }
0x8f: {  	_ = 	snop  }
0x90: {  	s2 =	sld [smem:$0x3FD0];
	_ =	sdelay $0x2  }
0x91: {  	s15 =	simm.s32 $0xB;
	s4 =	simm.s32 $0x10  }
0x92: {  	[smem:s4], [sflag:s15] =	dma.local [hbm:s2], $0x1  }
0x93: {  	_ =	swait.eq [sflag:s15], $0x1  }
0x94: {  	[sflag:s15] =	ssyncset.done $0x0  }
0x95: {  	[sflag:s15] =	ssyncadd.s32 $0xFFFFFFFF  }
0x96: {  	s16 =	sld [smem:$0x11];
	(tm) =	ssettm $0x1  }
0x97: {  	s17 =	sld [smem:$0x3FFB];
	_ =	sdelay $0x3  }
0x98: {  	_ =	strace s17  }
0x99: {  	s3 =	sld [smem:$0x3FFC];
	_ =	sdelay $0x3  }
0x9a: {  	_ =	strace s3  }
0x9b: {  	s3 =	sld [smem:$0x3FFD];
	_ =	sdelay $0x3  }
0x9c: {  	_ =	strace s3  }
0x9d: {  	_ =	strace $0x8FFFFFFF  }
0x9e: {  	s18 =	sld [smem:$0x3FDB];
	_ =	sdelay $0x1  }
0x9f: {  	s19 =	simm.s32 $_scs_section_size  }
0xa0: {  	s5 =	simm.s32 $_size__tile_overlayer_lowered;
	s6 =	simm.s32 $_tile_overlayer_lowered  }
0xa1: {  	s22 =	simm.s32 $0x1BFF;
	s21 =	sshll.u32 s6, $0x1;
	s3 =	sadd.s32 s19, s18  }
0xa2: {  	s7 =	simm.s32 $0x0;
	s20 =	sshll.u32 s5, $0x1;
	s5 =	sadd.s32 s21, s3  }
0xa3: {  	[timem:s7], [sflag:s22] =	dma.local [hbm:s5], s20  }
0xa4: {  	_ =	swait.ge [sflag:s22], s20  }
0xa5: {  	s4 =	ssub.s32 $0x0, s20;
	[sflag:s22] =	ssyncset.done $0x0  }
0xa6: {  	[sflag:s22] =	ssyncadd.s32 s4;
	_ =	sdelay $0x1  }
0xa7: {  	s23 =	simm.s32 $0x1B8B  }
0xa8: {  	_ =	swait.ge [sflag:s23], $0x1  }
0xa9: {  	[sflag:s23] =	ssyncset.done $0x0  }
0xaa: {  	s25 =	simm.s32 $0x1B8E;
	s24 =	sld [smem:$0x3FFE];
	[sflag:s23] =	ssyncadd.s32 $0xFFFFFFFF  }
0xab: {  	s26 =	simm.s32 $execute0_lowered;
	[smem:$0x3FD2] =	sst s25  }
0xac: {  	s5 =	sshll.u32 s26, $0x1;
	_ =	strace $0x80000046;
	[dreg:$0x1] =	wrdreg $0xFFFFFFFF  }
0xad: {  	s28 =	simm.s32 $_size_execute0_lowered;
	s3 =	sadd.s32 s3, s5;
	[dreg:$0x0] =	wrdreg $0x0  }
0xae: {  	s5 =	sshll.u32 s28, $0x1;
	[dreg:$0x2] =	wrdreg s3  }
0xaf: {  	[dreg:$0x3] =	wrdreg s5  }
0xb0: {  	[dreg:$0x4] =	wrdreg $0xC0  }
0xb1: {  	_ =	task [dreg:s7], $0x5FFFF  }
0xb2: {  	[dreg:$0x1] =	wrdreg $0xFFFFFFFF  }
0xb3: {  	[dreg:$0x0] =	wrdreg $0x60  }
0xb4: {  	[dreg:$0x2] =	wrdreg s16  }
0xb5: {  	[dreg:$0x3] =	wrdreg s24  }
0xb6: {  	[dreg:$0x4] =	wrdreg $0x9  }
0xb7: {  	_ =	task.clear_ibuf [dreg:s7], $0x5FFFF;
	_ =	strace $0x90000046  }
0xb8: {  	s29 =	simm.s32 $0x9;
	_ =	strace $0x80000048  }
0xb9: {  	_ =	swait.ge [sflag:s29], $0x1  }
0xba: {  	[sflag:s29] =	ssyncadd.s32 $0xFFFFFFFF  }
0xbb: {  	_ =	strace $0x90000048  }
0xbc: {  	_ =	sfence  }
0xbd: {  	s30 =	sld [smem:$0x0];
	_ =	sdelay $0x2  }
0xbe: {  	s31 =	sshll.u32 s1, $0xD;
	s1 =	sshrl.u32 s1, $0x2  }
0xbf: {  	s3 =	sand.u32 $0x4000, s31;
	s1 =	sadd.s32 s1, s30  }
0xc0: {  	s0 =	sor.u32 s3, s0;
	s1 =	sshll.u32 s1, $0x11  }
0xc1: {  	s0 =	sor.u32 s1, s0  }
0xc2: {  	s0 =	sadd.s32 $0x8F2B, s0  }
0xc3: {  	[sflag:s0] =	ssyncadd.remote.s32 $0x1  }
0xc4: {  	_ =	sfence.sel $0xFFFF  }
0xc5: {  	[dreg:$0x0] =	wrdreg $0xFFFFFFFF;
	(pc) =	sbr.abs _section_cstart, $3  }
0xc6: {  	[dreg:$0x1] =	wrdreg $0xFFFFFFFF  }
0xc7: {  	_ =	task.clear_ibuf [dreg:s7], $0x2FFFF;
	_ =	strace $0x9FFFFFFF  }
0xc8: {  	(tm) =	ssettm $0x7FFFFFFF  }
0xc9: {  	_ =	shalt  }
tec
execute0_lowered:
.L_overlay_start_1:
0x0: {  	(tag) =	ssettag $0x1  }
0x1: {  	s0 =	srdreg.scid  }
0x2: {  	s0 =	sand.u32 $0x1, s0  }
0x3: {  	s1 =	stileid.u32;
	p0 =	seq.s32 s0, $0x1  }
0x4: {  	p1 =	sgt.u32 @!p0 s1, $0x3  }
0x5: {  	p0 =	por p0, p1  }
.Ltmp0:
0x6: {  	_ = 	snop;
	(pc) =	sbr.rel @p0 .LBB2_13-.Ltmp0, $4  }
0x7: {  	s3 =	rddreg [dreg:$0x0]  }
0x8: {  	s2 =	rddreg [dreg:$0x1];
	s4 =	simm.s32 $0x0  }
0x9: {  	[smem:$0x7FF] =	sst s4  }
0xa: {  	s0 =	rddreg [dreg:$0x2];
	_ =	strace $0x80000047  }
0xb: {  	s5 =	smul.u32 $0x18800, s1  }
0xc: {  	s4 =	sshll.u32 s1, $0xC  }
0xd: {  	s7 =	simm.s32 $0x200;
	s2 =	sadd.s32 s4, s2;
	s6 =	sshrl.u32 s5, $0x3  }
0xe: {  	s4 =	sadd.s32 $0x1F40, s5;
	s5 =	sadd.s32 $0x2EE0, s5;
	s9 =	sadd.s32 s3, s6  }
0xf: {  	v0 =	vimm.f32 $0.0e+00;
	s2 =	sadd.s32 $0x32600, s2;
	s6 =	simm.s32 $0x0;
	s8 =	sadd.s32 $0x1F4, s9  }
.LBB2_2:
0x10: {  	p0 =	sne.s32 s7, $0x1FE00;
	[tilespmem:s6+$0x70] =	vst v0  }
0x11: {  	[tilespmem:s6+$0x0] =	vst v0  }
0x12: {  	[tilespmem:s6+$0x10] =	vst v0  }
.Ltmp1:
0x13: {  	[tilespmem:s6+$0x20] =	vst v0;
	(pc) =	sbr.rel @p0 .LBB2_2-.Ltmp1, $4  }
0x14: {  	[tilespmem:s6+$0x30] =	vst v0  }
0x15: {  	[tilespmem:s6+$0x40] =	vst v0  }
0x16: {  	[tilespmem:s6+$0x50] =	vst v0  }
0x17: {  	[tilespmem:s6+$0x60] =	vst v0;
	s6 =	sshra.s32 s7, $0x2;
	s7 =	sadd.s32 $0x200, s7  }
0x18: {  	[tilespmem:s6+$0x70] =	vst v0  }
0x19: {  	[tilespmem:s6+$0x0] =	vst v0  }
0x1a: {  	[tilespmem:s6+$0x10] =	vst v0  }
0x1b: {  	[tilespmem:s6+$0x20] =	vst v0  }
0x1c: {  	[tilespmem:s6+$0x30] =	vst v0  }
0x1d: {  	[tilespmem:s6+$0x40] =	vst v0  }
0x1e: {  	[tilespmem:s6+$0x50] =	vst v0  }
0x1f: {  	[tilespmem:s6+$0x60] =	vst v0;
	s6 =	simm.s32 $0x0;
	s7 =	simm.s32 $0x8000  }
0x20: {  	[tilespmem:s7], [sflag:$0x1] =	stream.linear.gather [hbm4b:s9+s6], $0xFA0, $0x38;
	[tilespmem:$0x9F40] =	vst v63  }
0x21: {  	s31 =	simm.s32 $0x8FA0  }
0x22: {  	[tilespmem:s31], [sflag:$0x2] =	stream.linear.gather [hbm4b:s8+s6], $0xFA0, $0x38;
	[tilespmem:$0x9F40] =	vst v63  }
0x23: {  	v0 =	vimm.f32 $1.000000000e+00;
	s10 =	simm.s32 $0x0;
	s9 =	simm.s32 $0x2;
	s8 =	simm.s32 $0x1  }
.LBB2_4:
0x24: {  	_ =	swait.ge [sflag:s8], $0xFA0  }
0x25: {  	[sflag:s8] =	ssyncset.done $0x0  }
0x26: {  	s11 =	simm.s32 $0x0;
	[sflag:s8] =	ssyncadd.s32 $0xFFFFF060  }
0x27: {  	v2 =	vld [tilespmem:s11+$0x8020]  }
0x28: {  	v3 =	vld [tilespmem:s11+$0x8010]  }
0x29: {  	v4 =	vld [tilespmem:s11+$0x8000]  }
0x2a: {  	v5 =	vld [tilespmem:s11+$0x8030]  }
0x2b: {  	v6 =	vld [tilespmem:s11+$0x8040]  }
0x2c: {  	v7 =	vld [tilespmem:s11+$0x8050]  }
0x2d: {  	v8 =	vld [tilespmem:s11+$0x8060]  }
0x2e: {  	v9 =	vld [tilespmem:s11+$0x8070]  }
0x2f: {  	v10 =	vld [tilespmem:s11+$0x8080]  }
0x30: {  	v1 =	vld [tilespmem:s11+$0x8090]  }
0x31: {  	[tilespmem:v4+s6+$0x0] =	vst.idx.add.f32.msk $0xffff, v0  }
0x32: {  	[tilespmem:v3+s6+$0x0] =	vst.idx.add.f32.msk $0xffff, v0  }
0x33: {  	[tilespmem:v2+s6+$0x0] =	vst.idx.add.f32.msk $0xffff, v0  }
0x34: {  	[tilespmem:v5+s6+$0x0] =	vst.idx.add.f32.msk $0xffff, v0  }
0x35: {  	[tilespmem:v6+s6+$0x0] =	vst.idx.add.f32.msk $0xffff, v0  }
0x36: {  	[tilespmem:v7+s6+$0x0] =	vst.idx.add.f32.msk $0xffff, v0  }
0x37: {  	[tilespmem:v8+s6+$0x0] =	vst.idx.add.f32.msk $0xffff, v0  }
0x38: {  	[tilespmem:v9+s6+$0x0] =	vst.idx.add.f32.msk $0xffff, v0  }
0x39: {  	s11 =	simm.s32 $0x280;
	[tilespmem:v10+s6+$0x0] =	vst.idx.add.f32.msk $0xffff, v0  }
.LBB2_5:
0x3a: {  	s12 =	sshra.s32 s11, $0x2;
	p0 =	sne.s32 s11, $0x3C00;
	s11 =	sadd.s32 $0x280, s11;
	[tilespmem:v1+s6+$0x0] =	vst.idx.add.f32.msk $0xffff, v0  }
0x3b: {  	v2 =	vld [tilespmem:s12+$0x8020]  }
0x3c: {  	v3 =	vld [tilespmem:s12+$0x8010]  }
0x3d: {  	v4 =	vld [tilespmem:s12+$0x8000]  }
0x3e: {  	v5 =	vld [tilespmem:s12+$0x8030]  }
0x3f: {  	v6 =	vld [tilespmem:s12+$0x8040]  }
0x40: {  	v7 =	vld [tilespmem:s12+$0x8050]  }
0x41: {  	v8 =	vld [tilespmem:s12+$0x8060]  }
0x42: {  	v9 =	vld [tilespmem:s12+$0x8070]  }
0x43: {  	v10 =	vld [tilespmem:s12+$0x8080]  }
0x44: {  	v1 =	vld [tilespmem:s12+$0x8090]  }
0x45: {  	[tilespmem:v4+s6+$0x0] =	vst.idx.add.f32.msk $0xffff, v0  }
0x46: {  	[tilespmem:v3+s6+$0x0] =	vst.idx.add.f32.msk $0xffff, v0  }
0x47: {  	[tilespmem:v2+s6+$0x0] =	vst.idx.add.f32.msk $0xffff, v0  }
0x48: {  	[tilespmem:v5+s6+$0x0] =	vst.idx.add.f32.msk $0xffff, v0  }
.Ltmp2:
0x49: {  	[tilespmem:v6+s6+$0x0] =	vst.idx.add.f32.msk $0xffff, v0;
	(pc) =	sbr.rel @p0 .LBB2_5-.Ltmp2, $4  }
0x4a: {  	[tilespmem:v7+s6+$0x0] =	vst.idx.add.f32.msk $0xffff, v0  }
0x4b: {  	[tilespmem:v8+s6+$0x0] =	vst.idx.add.f32.msk $0xffff, v0  }
0x4c: {  	[tilespmem:v9+s6+$0x0] =	vst.idx.add.f32.msk $0xffff, v0  }
0x4d: {  	[tilespmem:v10+s6+$0x0] =	vst.idx.add.f32.msk $0xffff, v0  }
0x4e: {  	p0 =	seq.s32 s10, $0xC  }
.Ltmp3:
0x4f: {  	_ = 	snop;
	(pc) =	sbr.rel @p0 .LBB2_10-.Ltmp3, $2  }
0x50: {  	_ =	sdelay $0x2  }
0x51: {  	[tilespmem:v1+s6+$0x0] =	vst.idx.add.f32.msk $0xffff, v0  }
0x52: {  	s11 =	smul.u32 $0x1F40, s10;
	_ =	sdelay $0x1  }
0x53: {  	s12 =	sadd.s32 s11, s4  }
0x54: {  	s12 =	sshrl.u32 s12, $0x3  }
0x55: {  	s13 =	simm.s32 $0x0;
	s12 =	sadd.s32 s3, s12  }
0x56: {  	[tilespmem:s7], [sflag:$0x1] =	stream.linear.gather [hbm4b:s12+s13], $0xFA0, $0x38;
	[tilespmem:$0x9F40] =	vst v63  }
0x57: {  	_ =	swait.ge [sflag:s9], $0xFA0  }
0x58: {  	[sflag:s9] =	ssyncset.done $0x0  }
0x59: {  	s31 =	simm.s32 $0x0;
	[sflag:s9] =	ssyncadd.s32 $0xFFFFF060  }
0x5a: {  	v2 =	vld [tilespmem:s31+$0x8FC0]  }
0x5b: {  	v3 =	vld [tilespmem:s31+$0x8FB0]  }
0x5c: {  	v4 =	vld [tilespmem:s31+$0x8FA0]  }
0x5d: {  	v5 =	vld [tilespmem:s31+$0x8FD0]  }
0x5e: {  	v6 =	vld [tilespmem:s31+$0x8FE0]  }
0x5f: {  	v7 =	vld [tilespmem:s31+$0x8FF0]  }
0x60: {  	v8 =	vld [tilespmem:s31+$0x9000]  }
0x61: {  	v9 =	vld [tilespmem:s31+$0x9010]  }
0x62: {  	v10 =	vld [tilespmem:s31+$0x9020]  }
0x63: {  	v1 =	vld [tilespmem:s31+$0x9030]  }
0x64: {  	[tilespmem:v4+s6+$0x0] =	vst.idx.add.f32.msk $0xffff, v0  }
0x65: {  	[tilespmem:v3+s6+$0x0] =	vst.idx.add.f32.msk $0xffff, v0  }
0x66: {  	[tilespmem:v2+s6+$0x0] =	vst.idx.add.f32.msk $0xffff, v0  }
0x67: {  	[tilespmem:v5+s6+$0x0] =	vst.idx.add.f32.msk $0xffff, v0  }
0x68: {  	[tilespmem:v6+s6+$0x0] =	vst.idx.add.f32.msk $0xffff, v0  }
0x69: {  	[tilespmem:v7+s6+$0x0] =	vst.idx.add.f32.msk $0xffff, v0  }
0x6a: {  	[tilespmem:v8+s6+$0x0] =	vst.idx.add.f32.msk $0xffff, v0  }
0x6b: {  	[tilespmem:v9+s6+$0x0] =	vst.idx.add.f32.msk $0xffff, v0  }
0x6c: {  	s12 =	simm.s32 $0x280;
	[tilespmem:v10+s6+$0x0] =	vst.idx.add.f32.msk $0xffff, v0  }
.LBB2_8:
0x6d: {  	s13 =	sshra.s32 s12, $0x2;
	p0 =	sne.s32 s12, $0x3C00;
	s12 =	sadd.s32 $0x280, s12;
	[tilespmem:v1+s6+$0x0] =	vst.idx.add.f32.msk $0xffff, v0  }
0x6e: {  	v2 =	vld [tilespmem:s13+$0x8FC0]  }
0x6f: {  	v3 =	vld [tilespmem:s13+$0x8FB0]  }
0x70: {  	v4 =	vld [tilespmem:s13+$0x8FA0]  }
0x71: {  	v5 =	vld [tilespmem:s13+$0x8FD0]  }
0x72: {  	v6 =	vld [tilespmem:s13+$0x8FE0]  }
0x73: {  	v7 =	vld [tilespmem:s13+$0x8FF0]  }
0x74: {  	v8 =	vld [tilespmem:s13+$0x9000]  }
0x75: {  	v9 =	vld [tilespmem:s13+$0x9010]  }
0x76: {  	v10 =	vld [tilespmem:s13+$0x9020]  }
0x77: {  	v1 =	vld [tilespmem:s13+$0x9030]  }
0x78: {  	[tilespmem:v4+s6+$0x0] =	vst.idx.add.f32.msk $0xffff, v0  }
0x79: {  	[tilespmem:v3+s6+$0x0] =	vst.idx.add.f32.msk $0xffff, v0  }
0x7a: {  	[tilespmem:v2+s6+$0x0] =	vst.idx.add.f32.msk $0xffff, v0  }
0x7b: {  	[tilespmem:v5+s6+$0x0] =	vst.idx.add.f32.msk $0xffff, v0  }
.Ltmp4:
0x7c: {  	[tilespmem:v6+s6+$0x0] =	vst.idx.add.f32.msk $0xffff, v0;
	(pc) =	sbr.rel @p0 .LBB2_8-.Ltmp4, $4  }
0x7d: {  	[tilespmem:v7+s6+$0x0] =	vst.idx.add.f32.msk $0xffff, v0  }
0x7e: {  	[tilespmem:v8+s6+$0x0] =	vst.idx.add.f32.msk $0xffff, v0  }
0x7f: {  	[tilespmem:v9+s6+$0x0] =	vst.idx.add.f32.msk $0xffff, v0  }
0x80: {  	[tilespmem:v10+s6+$0x0] =	vst.idx.add.f32.msk $0xffff, v0  }
0x81: {  	_ = 	snop  }
.Ltmp5:
0x82: {  	p0 =	seq.s32 s10, $0xB;
	(pc) =	sbr.rel .LBB2_4-.Ltmp5, $4  }
0x83: {  	s11 =	sadd.s32 @!p0 s11, s5  }
0x84: {  	s10 =	sadd.s32 $0x1, s10;
	s11 =	sshrl.u32 @!p0 s11, $0x3  }
0x85: {  	[tilespmem:v1+s6+$0x0] =	vst.idx.add.f32.msk $0xffff, v0;
	s12 =	simm.s32 @!p0 $0x0;
	s13 =	simm.s32 @!p0 $0x8FA0;
	s11 =	sadd.s32 @!p0 s3, s11  }
0x86: {  	[tilespmem:s13], [sflag:$0x2] =	stream.linear.gather @!p0 [hbm4b:s11+s12], $0xFA0, $0x38;
	[tilespmem:$0x9F40] =	vst v63  }
.LBB2_10:
0x87: {  	s3 =	simm.s32 $0x0  }
0x88: {  	v0 =	vld [tilespmem:s3+$0x0]  }
0x89: {  	v1 =	vld [tilespmem:s3+$0x10]  }
0x8a: {  	s4 =	simm.s32 $0x100;
	v2 =	vld [tilespmem:s3+$0x20]  }
.LBB2_11:
0x8b: {  	p0 =	sne.s32 s4, $0x1FF00;
	v3 =	vld [tilespmem:s3+$0x30];
	_ =	sdelay $0x1  }
0x8c: {  	v0 =	vmax.f32 v0, $1.000000000e+00  }
0x8d: {  	v1 =	vmax.f32 v1, $1.000000000e+00;
	(erf) = vrcp.f32 v0  }
0x8e: {  	v0 =	vmax.f32 v2, $1.000000000e+00;
	(erf) = vrcp.f32 v1  }
0x8f: {  	v1 =	vmax.f32 v3, $1.000000000e+00;
	(erf) = vrcp.f32 v0  }
0x90: {  	(erf) = vrcp.f32 v1;
	_ =	sdelay $0x5  }
.Ltmp6:
0x91: {  	v0 =	vpop (erf);
	(pc) =	sbr.rel @p0 .LBB2_11-.Ltmp6, $4  }
0x92: {  	s5 =	sshra.s32 s4, $0x2;
	[tilespmem:s3+$0x0] =	vst v0;
	v1 =	vpop (erf)  }
0x93: {  	v0 =	vld [tilespmem:s5+$0x0];
	[tilespmem:s3+$0x10] =	vst v1;
	v2 =	vpop (erf)  }
0x94: {  	v1 =	vld [tilespmem:s5+$0x10];
	[tilespmem:s3+$0x20] =	vst v2;
	v3 =	vpop (erf)  }
0x95: {  	s4 =	sadd.s32 $0x100, s4;
	v2 =	vld [tilespmem:s5+$0x20];
	[tilespmem:s3+$0x30] =	vst v3;
	s3 =	smov.u32 s5  }
0x96: {  	v3 =	vld [tilespmem:s3+$0x30];
	_ =	sdelay $0x1  }
0x97: {  	v0 =	vmax.f32 v0, $1.000000000e+00  }
0x98: {  	v1 =	vmax.f32 v1, $1.000000000e+00;
	(erf) = vrcp.f32 v0  }
0x99: {  	v58 =	vmax.f32 v2, $1.000000000e+00;
	(erf) = vrcp.f32 v1  }
0x9a: {  	v59 =	vmax.f32 v3, $1.000000000e+00;
	(erf) = vrcp.f32 v58  }
0x9b: {  	(erf) = vrcp.f32 v59;
	_ =	sdelay $0x5  }
0x9c: {  	v60 =	vpop (erf)  }
0x9d: {  	[tilespmem:s3+$0x0] =	vst v60;
	v61 =	vpop (erf)  }
0x9e: {  	[tilespmem:s3+$0x10] =	vst v61;
	v62 =	vpop (erf)  }
0x9f: {  	[tilespmem:s3+$0x20] =	vst v62;
	v63 =	vpop (erf)  }
0xa0: {  	s30 =	simm.s32 $0x0;
	s31 =	simm.s32 $0x3;
	[tilespmem:s3+$0x30] =	vst v63  }
0xa1: {  	[hbm4b:s2+s30] =	stream.linear.scatter [tilespmem:s30], [sflag:$0x3], $0x8000, $0x38;
	[tilespmem:$0x9F40] =	vst v63  }
0xa2: {  	_ =	swait.ge [sflag:s31], $0x8000  }
0xa3: {  	[sflag:s31] =	ssyncset.done $0x0  }
0xa4: {  	[sflag:s31] =	ssyncadd.s32 $0xFFFF8000  }
.LBB2_13:
0xa5: {  	_ =	sfence.sel $0x180000  }
0xa6: {  	[bflag:$0x0] =	sbarrier.arrive $0xFFFF  }
0xa7: {  	p0 =	sne.s32 s1, $0x0;
	_ =	strace $0x90000047  }
0xa8: {  	s0 =	sadd.s32 @!p0 $0x100000, s0;
	[bflag:$0x2] =	sbarrier.arrive $0xFFFF  }
0xa9: {  	[sflag:s0] =	ssyncadd.tile.s32 @!p0 $0x1;
	_ =	shalt  }
.Lfunc_end2:
_tile_overlayer_lowered:
.L_overlay_start_2:
0xaa: {  	(tag) =	ssettag $0x2  }
0xab: {  	s0 =	rddreg [dreg:$0x0];
	s2 =	stileid.u32  }
0xac: {  	s1 =	rddreg [dreg:$0x1];
	p0 =	sne.s32 s2, $0x0  }
0xad: {  	s3 =	rddreg [dreg:$0x2];
	[bflag:$0x3] =	sbarrier.arrive $0xFFFF;
	s2 =	simm.s32 @!p0 $0x1C03  }
0xae: {  	[timem:s3], [sflag:s2] =	dma.local @!p0 [hbm:s0], s1  }
0xaf: {  	s0 =	simm.s32 @!p0 $0x3  }
0xb0: {  	_ =	swait.ge @!p0 [sflag:s0], s1  }
0xb1: {  	s1 =	ssub.s32 @!p0 $0x0, s1;
	[sflag:s0] =	ssyncset.done @!p0 $0x0  }
0xb2: {  	[sflag:s0] =	ssyncadd.s32 @!p0 s1  }
0xb3: {  	[bflag:$0x3] =	sbarrier.arrive $0xFFFF  }
0xb4: {  	_ =	shalt  }

// kernel: kernel.9.cloned.1.call-start
scs
__scs_entry_jumppad:
0x0: {  	(pc) =	sbr.rel $0x88, $3  }
0x1: {  	(tag) =	ssettag $0x0;
	lr =	simm.s32 $0x1  }
0x2: {  	[smem:$0x3F9F] =	sst lr;
	_ =	strace $0xD0000000  }
0x3: {  	_ = 	snop  }
0x4: {  	_ = 	snop  }
0x5: {  	_ = 	snop  }
0x6: {  	_ = 	snop  }
0x7: {  	_ = 	snop  }
__scs_overlays_trampoline_lowered:
0x8: {  	[smem:$0x3FAE] =	sst s0  }
0x9: {  	[smem:$0x3FAF] =	sst s1  }
0xa: {  	[smem:$0x3FB0] =	sst s2  }
0xb: {  	[smem:$0x3FB1] =	sst s3  }
0xc: {  	[smem:$0x3FB2] =	sst s4  }
0xd: {  	[smem:$0x3FB3] =	sst s5  }
0xe: {  	[smem:$0x3FB4] =	sst s6  }
0xf: {  	[smem:$0x3FB5] =	sst s7  }
0x10: {  	[smem:$0x3FB6] =	sst s8  }
0x11: {  	[smem:$0x3FB7] =	sst s9;
	s0 =	simm.s32 @!p0 $0x0  }
0x12: {  	s1 =	sld [smem:$0x3F9D];
	s0 =	simm.s32 @p0 $0x1  }
0x13: {  	[smem:$0x3FB8] =	sst s0;
	s0 =	simm.s32 @!p1 $0x0  }
0x14: {  	s2 =	sld [smem:$0x3F9C];
	s0 =	simm.s32 @p1 $0x1  }
0x15: {  	[smem:$0x3FB9] =	sst s0;
	s0 =	simm.s32 @!p2 $0x0  }
0x16: {  	s3 =	sld [smem:$0x3FDB];
	s0 =	simm.s32 @p2 $0x1  }
0x17: {  	s4 =	simm.s32 $0x1BF5;
	[smem:$0x3FBB] =	sst s0  }
0x18: {  	s0 =	sld [smem:$0x3F9E];
	_ =	swait.ge [sflag:s4], $0x0  }
0x19: {  	s7 =	sld [smem:$0x3F9F]  }
0x1a: {  	s8 =	sadd.s32 $0xFFFFE003, lr  }
0x1b: {  	s9 =	sadd.s32 $0xFFFFFEF7, lr;
	s5 =	simm.s32 $0xFFFFFFFF;
	p2 =	slt.u32 s8, $0xFFFFF086  }
0x1c: {  	p1 =	slt.u32 s9, $0xF7A;
	s5 =	simm.s32 @!p2 $0x0  }
0x1d: {  	s5 =	simm.s32 @p1 $0x1;
	p0 =	seq.s32 s7, s2  }
0x1e: {  	s7 =	smul.u32 @!p0 $0xF7A, s2;
	p2 =	seq.s32 @!p0 s5, $0x0  }
0x1f: {  	s9 =	smul.u32 $0xF7A, s1;
	s8 =	simm.s32 @!p0 $0x1BF5;
	p2 =	por !p2, p0  }
0x20: {  	[sflag:s8] =	ssyncset.s32 @!p0 $0xFFFFF086;
	s6 =	sadd.s32 @!p0 s3, s7;
	s7 =	simm.s32 @!p0 $0x108  }
0x21: {  	s3 =	sadd.s32 s3, s9;
	s6 =	sadd.s32 @!p0 $0x88, s6;
	s7 =	simm.s32 @p2 $0x1082  }
0x22: {  	[simem:s7], [sflag:s8] =	dma.local @!p0 [hbm:s6], $0xF7A  }
0x23: {  	s9 =	sor.u32 $0xD0000000, s2;
	s6 =	simm.s32 $0x108;
	_ =	swait.ge @!p0 [sflag:s8], $0x0  }
0x24: {  	s3 =	sadd.s32 $0x88, s3;
	s6 =	simm.s32 @!p1 $0x1082;
	[sflag:s4] =	ssyncset.s32 $0xFFFFF086  }
0x25: {  	[simem:s6], [sflag:s4] =	dma.local [hbm:s3], $0xF7A  }
0x26: {  	[smem:$0x3F9F] =	sst s1;
	(tag) =	ssettag s2;
	_ =	strace s9  }
0x27: {  	s1 =	sld [smem:$0x3FAF]  }
0x28: {  	s2 =	sld [smem:$0x3FB0]  }
0x29: {  	s4 =	sld [smem:$0x3FB2]  }
0x2a: {  	p0 =	seq.s32 s5, $0x0;
	s5 =	sld [smem:$0x3FB3]  }
0x2b: {  	s6 =	sld [smem:$0x3FB4]  }
0x2c: {  	s7 =	sld [smem:$0x3FB5]  }
0x2d: {  	s3 =	simm.s32 $0x108;
	s8 =	sld [smem:$0x3FB6]  }
0x2e: {  	s3 =	simm.s32 @!p0 $0x1082;
	s9 =	sld [smem:$0x3FB7]  }
0x2f: {  	lr =	sadd.s32 s0, s3;
	s0 =	sld [smem:$0x3FAE]  }
0x30: {  	s3 =	sld [smem:$0x3FB1]  }
0x31: {  	[smem:$0x3FBA] =	sst s10  }
0x32: {  	s10 =	sld [smem:$0x3FB8];
	_ =	sdelay $0x3  }
0x33: {  	p0 =	seq.s32 s10, $0x1;
	s10 =	sld [smem:$0x3FBA];
	_ =	sdelay $0x3  }
0x34: {  	[smem:$0x3FBA] =	sst s10  }
0x35: {  	s10 =	sld [smem:$0x3FB9];
	_ =	sdelay $0x3  }
0x36: {  	p1 =	seq.s32 s10, $0x1;
	s10 =	sld [smem:$0x3FBA];
	_ =	sdelay $0x3  }
0x37: {  	[smem:$0x3FBA] =	sst s10  }
0x38: {  	s10 =	sld [smem:$0x3FBB]  }
0x39: {  	_ = 	snop;
	(pc) =	sbr.ind lr, $3  }
0x3a: {  	_ = 	snop  }
0x3b: {  	_ = 	snop  }
0x3c: {  	p2 =	seq.s32 s10, $0x1;
	s10 =	sld [smem:$0x3FBA]  }
0x3d: {  	_ =	shalt  }
0x3e: {  	_ =	shalt  }
0x3f: {  	_ =	shalt  }
0x40: {  	_ =	shalt  }
0x41: {  	_ =	shalt  }
0x42: {  	_ =	shalt  }
0x43: {  	_ =	shalt  }
0x44: {  	_ =	shalt  }
0x45: {  	_ =	shalt  }
0x46: {  	_ =	shalt  }
0x47: {  	_ =	shalt  }
0x48: {  	_ =	shalt  }
0x49: {  	_ =	shalt  }
0x4a: {  	_ =	shalt  }
0x4b: {  	_ =	shalt  }
0x4c: {  	_ =	shalt  }
0x4d: {  	_ =	shalt  }
0x4e: {  	_ =	shalt  }
0x4f: {  	_ =	shalt  }
0x50: {  	_ =	shalt  }
0x51: {  	_ =	shalt  }
0x52: {  	_ =	shalt  }
0x53: {  	_ =	shalt  }
0x54: {  	_ =	shalt  }
0x55: {  	_ =	shalt  }
0x56: {  	_ =	shalt  }
0x57: {  	_ =	shalt  }
0x58: {  	_ =	shalt  }
0x59: {  	_ =	shalt  }
0x5a: {  	_ =	shalt  }
0x5b: {  	_ =	shalt  }
0x5c: {  	_ =	shalt  }
0x5d: {  	_ =	shalt  }
0x5e: {  	_ =	shalt  }
0x5f: {  	_ =	shalt  }
0x60: {  	_ =	shalt  }
0x61: {  	_ =	shalt  }
0x62: {  	_ =	shalt  }
0x63: {  	_ =	shalt  }
0x64: {  	_ =	shalt  }
0x65: {  	_ =	shalt  }
0x66: {  	_ =	shalt  }
0x67: {  	_ =	shalt  }
0x68: {  	_ =	shalt  }
0x69: {  	_ =	shalt  }
0x6a: {  	_ =	shalt  }
0x6b: {  	_ =	shalt  }
0x6c: {  	_ =	shalt  }
0x6d: {  	_ =	shalt  }
0x6e: {  	_ =	shalt  }
0x6f: {  	_ =	shalt  }
0x70: {  	_ =	shalt  }
0x71: {  	_ =	shalt  }
0x72: {  	_ =	shalt  }
0x73: {  	_ =	shalt  }
0x74: {  	_ =	shalt  }
0x75: {  	_ =	shalt  }
0x76: {  	_ =	shalt  }
0x77: {  	_ =	shalt  }
0x78: {  	_ =	shalt  }
0x79: {  	_ =	shalt  }
0x7a: {  	_ =	shalt  }
0x7b: {  	_ =	shalt  }
0x7c: {  	_ =	shalt  }
0x7d: {  	_ =	shalt  }
0x7e: {  	_ =	shalt  }
0x7f: {  	_ =	shalt  }
0x80: {  	_ =	shalt  }
0x81: {  	_ =	shalt  }
0x82: {  	_ =	shalt  }
0x83: {  	_ =	shalt  }
0x84: {  	_ =	shalt  }
0x85: {  	_ =	shalt  }
0x86: {  	_ =	shalt  }
0x87: {  	_ =	shalt  }
.Lfunc_end0:
.L_simem_size_0:
called_computation.2_lowered:
.L_overlay_start_0:
0x88: {  	s2 =	sld [smem:$0x3FD9]  }
0x89: {  	s3 =	sld [smem:$0x3FFE];
	_ =	sdelay $0x1  }
0x8a: {  	s1 =	srdreg.scid  }
0x8b: {  	s0 =	sand.u32 $0x1, s1  }
0x8c: {  	s17 =	sshll.u32 s0, $0xA;
	s2 =	sadd.s32 s3, s2  }
0x8d: {  	s2 =	sadd.s32 s2, s17  }
0x8e: {  	[smem:$0x3FC6] =	sst s2  }
0x8f: {  	_ = 	snop  }
0x90: {  	s18 =	sld [smem:$0x3FC9];
	(tm) =	ssettm $0x1  }
0x91: {  	s19 =	sld [smem:$0x3FFB];
	_ =	sdelay $0x3  }
0x92: {  	_ =	strace s19  }
0x93: {  	s2 =	sld [smem:$0x3FFC];
	_ =	sdelay $0x3  }
0x94: {  	_ =	strace s2  }
0x95: {  	s2 =	sld [smem:$0x3FFD];
	_ =	sdelay $0x3  }
0x96: {  	_ =	strace s2  }
0x97: {  	_ =	strace $0x8FFFFFFF  }
0x98: {  	s20 =	sld [smem:$0x3FDB];
	_ =	sdelay $0x1  }
0x99: {  	s4 =	simm.s32 $_scs_section_size  }
0x9a: {  	s5 =	simm.s32 $_size__tile_overlayer_lowered;
	s6 =	simm.s32 $_tile_overlayer_lowered  }
0x9b: {  	s7 =	simm.s32 $0x1BFF;
	s21 =	sshll.u32 s6, $0x1;
	s4 =	sadd.s32 s4, s20  }
0x9c: {  	s22 =	simm.s32 $0x0;
	s5 =	sshll.u32 s5, $0x1;
	s6 =	sadd.s32 s21, s4  }
0x9d: {  	[timem:s22], [sflag:s7] =	dma.local [hbm:s6], s5  }
0x9e: {  	_ =	swait.ge [sflag:s7], s5  }
0x9f: {  	s5 =	ssub.s32 $0x0, s5;
	[sflag:s7] =	ssyncset.done $0x0  }
0xa0: {  	[sflag:s7] =	ssyncadd.s32 s5;
	_ =	sdelay $0x1  }
0xa1: {  	s23 =	simm.s32 $0x1B8B  }
0xa2: {  	_ =	swait.ge [sflag:s23], $0x1  }
0xa3: {  	[sflag:s23] =	ssyncset.done $0x0  }
0xa4: {  	[sflag:s23] =	ssyncadd.s32 $0xFFFFFFFF  }
0xa5: {  	s5 =	sld [smem:$0x0]  }
0xa6: {  	s6 =	sand.u32 $0xFFFFFFFE, s1  }
0xa7: {  	p0 =	sne.s32 s1, s6  }
0xa8: {  	s6 =	sshll.u32 @p0 s6, $0xE  }
0xa9: {  	s6 =	sadd.s32 @p0 $0x11B8D, s6;
	s7 =	sshll.u32 @p0 s5, $0x11  }
0xaa: {  	s6 =	sor.u32 @p0 s7, s6  }
0xab: {  	[sflag:s6] =	ssyncadd.remote.s32 @p0 $0x1;
	_ =	sdelay $0x1  }
0xac: {  	s6 =	simm.s32 @p0 $0x1B8D  }
0xad: {  	_ =	swait.eq @p0 [sflag:s6], $0x1  }
0xae: {  	[sflag:s6] =	ssyncadd.s32 @p0 $0xFFFFFFFF  }
0xaf: {  	s7 =	sshll.u32 @!p0 s1, $0xE  }
0xb0: {  	s7 =	sor.u32 @!p0 $0x4000, s7;
	s6 =	simm.s32 @!p0 $0x1B8D  }
0xb1: {  	s5 =	sshll.u32 @!p0 s5, $0x11;
	s7 =	sadd.s32 @!p0 $0x11B8D, s7;
	_ =	swait.eq @!p0 [sflag:s6], $0x1  }
0xb2: {  	s5 =	sor.u32 @!p0 s5, s7;
	[sflag:s6] =	ssyncadd.s32 @!p0 $0xFFFFFFFF  }
0xb3: {  	s25 =	simm.s32 $0x1B8E;
	s24 =	sld [smem:$0x3FFE];
	[sflag:s5] =	ssyncadd.remote.s32 @!p0 $0x1  }
0xb4: {  	s26 =	simm.s32 $execute0_lowered;
	[smem:$0x3FD2] =	sst s25  }
0xb5: {  	s6 =	sshll.u32 s26, $0x1;
	_ =	strace $0x80000049;
	[dreg:$0x1] =	wrdreg $0xFFFFFFFF  }
0xb6: {  	s28 =	simm.s32 $_size_execute0_lowered;
	s4 =	sadd.s32 s4, s6;
	[dreg:$0x0] =	wrdreg $0x0  }
0xb7: {  	s6 =	sshll.u32 s28, $0x1;
	[dreg:$0x2] =	wrdreg s4  }
0xb8: {  	[dreg:$0x3] =	wrdreg s6  }
0xb9: {  	[dreg:$0x4] =	wrdreg $0xC0  }
0xba: {  	_ =	task [dreg:s22], $0x5FFFF  }
0xbb: {  	[dreg:$0x1] =	wrdreg $0xFFFFFFFF  }
0xbc: {  	[dreg:$0x0] =	wrdreg $0x60  }
0xbd: {  	[dreg:$0x2] =	wrdreg s18  }
0xbe: {  	[dreg:$0x3] =	wrdreg s24  }
0xbf: {  	[dreg:$0x4] =	wrdreg $0xA  }
0xc0: {  	_ =	task.clear_ibuf [dreg:s22], $0x5FFFF;
	_ =	strace $0x90000049  }
0xc1: {  	s29 =	simm.s32 $0xA;
	_ =	strace $0x8000004B  }
0xc2: {  	_ =	swait.ge [sflag:s29], $0x1  }
0xc3: {  	[sflag:s29] =	ssyncadd.s32 $0xFFFFFFFF  }
0xc4: {  	_ =	strace $0x9000004B  }
0xc5: {  	_ =	sfence  }
0xc6: {  	s30 =	sld [smem:$0x0];
	_ =	sdelay $0x2  }
0xc7: {  	s31 =	sshll.u32 s1, $0xD;
	s1 =	sshrl.u32 s1, $0x2  }
0xc8: {  	s4 =	sand.u32 $0x4000, s31;
	s1 =	sadd.s32 s1, s30  }
0xc9: {  	s0 =	sor.u32 s4, s0;
	s1 =	sshll.u32 s1, $0x11  }
0xca: {  	s0 =	sor.u32 s1, s0  }
0xcb: {  	s0 =	sadd.s32 $0x8F2B, s0  }
0xcc: {  	[sflag:s0] =	ssyncadd.remote.s32 $0x1  }
0xcd: {  	_ =	sfence.sel $0xFFFF  }
0xce: {  	[dreg:$0x0] =	wrdreg $0xFFFFFFFF;
	(pc) =	sbr.abs _section_cstart, $3  }
0xcf: {  	[dreg:$0x1] =	wrdreg $0xFFFFFFFF  }
0xd0: {  	_ =	task.clear_ibuf [dreg:s22], $0x2FFFF;
	_ =	strace $0x9FFFFFFF  }
0xd1: {  	(tm) =	ssettm $0x7FFFFFFF  }
tec
execute0_lowered:
.L_overlay_start_1:
0x0: {  	(tag) =	ssettag $0x1  }
0x1: {  	s1 =	rddreg [dreg:$0x0]  }
0x2: {  	s4 =	rddreg [dreg:$0x1]  }
0x3: {  	s0 =	rddreg [dreg:$0x2];
	s3 =	simm.s32 $0x0  }
0x4: {  	s5 =	srdreg.scid;
	s2 =	stileid.u32;
	s12 =	simm.s32 $0x10  }
0x5: {  	s13 =	simm.s32 $0x80;
	s14 =	simm.s32 $0x7D00;
	s15 =	simm.s32 $0x1  }
0x6: {  	s16 =	simm.s32 $0x7D0;
	s17 =	simm.s32 $0x186A0;
	s18 =	simm.s32 $0xFA00  }
0x7: {  	s19 =	simm.s32 $0x2;
	s20 =	simm.s32 $0x17700;
	s21 =	simm.s32 $0x3  }
0x8: {  	s22 =	simm.s32 $0x0;
	s5 =	sand.u32 $0x1, s5;
	s6 =	sshrl.u32 s2, $0x2  }
0x9: {  	s7 =	sshll.u32 s2, $0x4;
	[smem:$0x7FF] =	sst s3;
	s8 =	sshll.u32 s5, $0x6  }
0xa: {  	s7 =	sand.u32 $0x30, s7;
	s9 =	smul.u32 $0xC35000, s6;
	s29 =	ssub.s32 $0x2, s5  }
0xb: {  	s4 =	sadd.s32 $0x36600, s4;
	s28 =	sor.u32 s8, s7;
	s31 =	sshrl.u32 s29, $0x1  }
0xc: {  	s10 =	sor.u32 s9, s28;
	s8 =	smul.u32 $0x186A0, s28;
	s11 =	ssub.s32 s29, s31  }
0xd: {  	_ =	strace $0x8000004A;
	s30 =	sshrl.u32 s10, $0x3;
	s11 =	smax.u32 s11, $0x1  }
0xe: {  	v0 =	vlaneseq.u32;
	s5 =	sadd.s32 s1, s30;
	s7 =	sadd.s32 s9, s8;
	s8 =	sadd.s32 $0x7D000, s10  }
0xf: {  	v0 =	vmul.u32 $0x10, v0;
	s9 =	sadd.s32 $0xBB800, s10;
	s6 =	sadd.s32 $0x7D00, s5;
	s10 =	sadd.s32 $0x7D0, s7  }
.LBB2_1:
0x10: {  	[tilespmem:s3], [sflag:$0x1] =	stream.strided.gather [hbm4b:s5+s12], $0x7D00, s13, s12, $0x38;
	[tilespmem:$0x1F400] =	vst v63  }
0x11: {  	s23 =	simm.s32 $0x0  }
0x12: {  	[tilespmem:s14], [sflag:$0x2] =	stream.strided.gather [hbm4b:s6+s12], $0x7D00, s13, s12, $0x38;
	[tilespmem:$0x1F400] =	vst v63  }
.LBB2_2:
0x13: {  	s24 =	simm.s32 $0x0  }
0x14: {  	v1 =	vmov s24  }
0x15: {  	_ =	swait.ge [sflag:s15], $0x7D00;
	v1 =	vshll.u32 v1, $0x4  }
0x16: {  	p1 =	seq.s32 s23, $0x0;
	[sflag:s15] =	ssyncset.done $0x0;
	v2 =	vor.u32 v0, v1  }
0x17: {  	s25 =	simm.s32 @!p1 $0x3;
	[sflag:s15] =	ssyncadd.s32 $0xFFFF8300;
	v3 =	vor.u32 $0x1, v2  }
0x18: {  	_ =	swait.ge @!p1 [sflag:s25], $0x7D00;
	v8 =	vor.u32 $0x2, v2  }
0x19: {  	[sflag:s25] =	ssyncset.done @!p1 $0x0;
	v4 =	vor.u32 $0x3, v2  }
0x1a: {  	v5 =	vor.u32 $0x4, v2;
	[sflag:s25] =	ssyncadd.s32 @!p1 $0xFFFF8300  }
0x1b: {  	v6 =	vor.u32 $0x5, v2;
	v1 =	vld.idx.msk [tilespmem:v2+s3+$0x0], $0xffff  }
0x1c: {  	s26 =	simm.s32 $0x0;
	v7 =	vor.u32 $0x6, v2;
	s25 =	simm.s32 $0x40;
	v3 =	vld.idx.msk [tilespmem:v3+s3+$0x0], $0xffff  }
.LBB2_3:
0x1d: {  	p0 =	sne.s32 s25, $0x1F00;
	v8 =	vld.idx.msk [tilespmem:v8+s3+$0x0], $0xffff;
	v9 =	vor.u32 $0x7, v2  }
0x1e: {  	v10 =	vor.u32 $0x8, v2;
	v4 =	vld.idx.msk [tilespmem:v4+s3+$0x0], $0xffff  }
0x1f: {  	v11 =	vor.u32 $0xF, v2;
	v5 =	vld.idx.msk [tilespmem:v5+s3+$0x0], $0xffff  }
0x20: {  	v12 =	vor.u32 $0x9, v2;
	v6 =	vld.idx.msk [tilespmem:v6+s3+$0x0], $0xffff  }
0x21: {  	v13 =	vor.u32 $0xA, v2;
	v7 =	vld.idx.msk [tilespmem:v7+s3+$0x0], $0xffff  }
0x22: {  	v14 =	vor.u32 $0xB, v2;
	v9 =	vld.idx.msk [tilespmem:v9+s3+$0x0], $0xffff  }
0x23: {  	v15 =	vor.u32 $0xC, v2;
	v10 =	vld.idx.msk [tilespmem:v10+s3+$0x0], $0xffff  }
0x24: {  	v16 =	vor.u32 $0xD, v2;
	v11 =	vld.idx.msk [tilespmem:v11+s3+$0x0], $0xffff  }
0x25: {  	v2 =	vor.u32 $0xE, v2;
	v12 =	vld.idx.msk [tilespmem:v12+s3+$0x0], $0xffff  }
0x26: {  	v13 =	vld.idx.msk [tilespmem:v13+s3+$0x0], $0xffff  }
0x27: {  	v14 =	vld.idx.msk [tilespmem:v14+s3+$0x0], $0xffff  }
0x28: {  	v15 =	vld.idx.msk [tilespmem:v15+s3+$0x0], $0xffff  }
0x29: {  	s28 =	sshra.s32 s24, $0x2;
	s24 =	smov.u32 s25;
	v16 =	vld.idx.msk [tilespmem:v16+s3+$0x0], $0xffff  }
0x2a: {  	v17 =	vld.idx.msk [tilespmem:v2+s3+$0x0], $0xffff;
	[tilespmem:s28+$0x16F30] =	vst v11  }
0x2b: {  	[tilespmem:s28+$0x101D0] =	vst v3  }
0x2c: {  	[tilespmem:s28+$0x109A0] =	vst v8  }
0x2d: {  	[tilespmem:s28+$0x11170] =	vst v4  }
0x2e: {  	[tilespmem:s28+$0x11940] =	vst v5  }
0x2f: {  	[tilespmem:s28+$0x12110] =	vst v6  }
0x30: {  	[tilespmem:s28+$0x128E0] =	vst v7  }
0x31: {  	[tilespmem:s28+$0x130B0] =	vst v9  }
0x32: {  	s26 =	sadd.s32 $0x10, s26;
	[tilespmem:s28+$0x13880] =	vst v10  }
0x33: {  	v2 =	vmov s26;
	[tilespmem:s28+$0x14050] =	vst v12  }
0x34: {  	v2 =	vshll.u32 v2, $0x4;
	[tilespmem:s28+$0x14820] =	vst v13  }
0x35: {  	v2 =	vor.u32 v0, v2;
	[tilespmem:s28+$0x14FF0] =	vst v14  }
0x36: {  	v3 =	vor.u32 $0x1, v2;
	[tilespmem:s28+$0x157C0] =	vst v15  }
.Ltmp0:
0x37: {  	v8 =	vor.u32 $0x2, v2;
	[tilespmem:s28+$0x15F90] =	vst v16;
	(pc) =	sbr.rel @p0 .LBB2_3-.Ltmp0, $4  }
0x38: {  	v4 =	vor.u32 $0x3, v2;
	[tilespmem:s28+$0x16760] =	vst v17  }
0x39: {  	v5 =	vor.u32 $0x4, v2;
	[tilespmem:s28+$0xFA00] =	vst v1  }
0x3a: {  	v6 =	vor.u32 $0x5, v2;
	v1 =	vld.idx.msk [tilespmem:v2+s3+$0x0], $0xffff  }
0x3b: {  	s25 =	sadd.s32 $0x40, s25;
	v7 =	vor.u32 $0x6, v2;
	v3 =	vld.idx.msk [tilespmem:v3+s3+$0x0], $0xffff  }
0x3c: {  	_ =	sdelay $0x3  }
0x3d: {  	v8 =	vld.idx.msk [tilespmem:v8+s3+$0x0], $0xffff;
	v9 =	vor.u32 $0x7, v2  }
0x3e: {  	v4 =	vld.idx.msk [tilespmem:v4+s3+$0x0], $0xffff;
	v10 =	vor.u32 $0x8, v2  }
0x3f: {  	v5 =	vld.idx.msk [tilespmem:v5+s3+$0x0], $0xffff;
	v11 =	vor.u32 $0xF, v2  }
0x40: {  	v6 =	vld.idx.msk [tilespmem:v6+s3+$0x0], $0xffff;
	v12 =	vor.u32 $0x9, v2  }
0x41: {  	v7 =	vld.idx.msk [tilespmem:v7+s3+$0x0], $0xffff;
	v13 =	vor.u32 $0xA, v2  }
0x42: {  	v14 =	vor.u32 $0xB, v2;
	v9 =	vld.idx.msk [tilespmem:v9+s3+$0x0], $0xffff  }
0x43: {  	v15 =	vor.u32 $0xC, v2;
	v10 =	vld.idx.msk [tilespmem:v10+s3+$0x0], $0xffff  }
0x44: {  	v16 =	vor.u32 $0xD, v2;
	v11 =	vld.idx.msk [tilespmem:v11+s3+$0x0], $0xffff  }
0x45: {  	v2 =	vor.u32 $0xE, v2;
	v12 =	vld.idx.msk [tilespmem:v12+s3+$0x0], $0xffff  }
0x46: {  	v13 =	vld.idx.msk [tilespmem:v13+s3+$0x0], $0xffff  }
0x47: {  	v14 =	vld.idx.msk [tilespmem:v14+s3+$0x0], $0xffff  }
0x48: {  	v15 =	vld.idx.msk [tilespmem:v15+s3+$0x0], $0xffff  }
0x49: {  	s25 =	sshra.s32 s24, $0x2;
	v16 =	vld.idx.msk [tilespmem:v16+s3+$0x0], $0xffff  }
0x4a: {  	v2 =	vld.idx.msk [tilespmem:v2+s3+$0x0], $0xffff;
	[tilespmem:s25+$0x101D0] =	vst v3  }
0x4b: {  	[tilespmem:s25+$0x109A0] =	vst v8  }
0x4c: {  	[tilespmem:s25+$0x11170] =	vst v4  }
0x4d: {  	[tilespmem:s25+$0x11940] =	vst v5  }
0x4e: {  	[tilespmem:s25+$0x12110] =	vst v6  }
0x4f: {  	[tilespmem:s25+$0x128E0] =	vst v7  }
0x50: {  	[tilespmem:s25+$0xFA00] =	vst v1  }
0x51: {  	[tilespmem:s25+$0x16F30] =	vst v11  }
0x52: {  	[tilespmem:s25+$0x130B0] =	vst v9  }
0x53: {  	[tilespmem:s25+$0x13880] =	vst v10  }
0x54: {  	p0 =	seq.s32 s23, $0x18;
	[tilespmem:s25+$0x14050] =	vst v12  }
0x55: {  	s24 =	smul.u32 @!p0 $0x7D000, s23;
	[tilespmem:s25+$0x14820] =	vst v13  }
0x56: {  	[tilespmem:s25+$0x14FF0] =	vst v14  }
0x57: {  	s26 =	sadd.s32 @!p0 s24, s8;
	[tilespmem:s25+$0x157C0] =	vst v15  }
0x58: {  	s28 =	simm.s32 @!p0 $0x10;
	s29 =	simm.s32 @!p0 $0x80;
	s26 =	sshrl.u32 @!p0 s26, $0x3;
	[tilespmem:s25+$0x15F90] =	vst v16  }
0x59: {  	s30 =	simm.s32 @!p0 $0x0;
	s26 =	sadd.s32 @!p0 s1, s26;
	[tilespmem:s25+$0x16760] =	vst v2;
	s25 =	smul.u32 $0xFA0, s23  }
0x5a: {  	[tilespmem:s30], [sflag:$0x1] =	stream.strided.gather @!p0 [hbm4b:s26+s28], $0x7D00, s29, s28, $0x38;
	[tilespmem:$0x1F400] =	vst v63  }
0x5b: {  	s31 =	sadd.s32 s7, s25  }
0x5c: {  	s26 =	sshrl.u32 s31, $0x3  }
0x5d: {  	s28 =	sadd.s32 s4, s26;
	s26 =	simm.s32 $0x0  }
0x5e: {  	[hbm4b:s28+s16] =	stream.strided.scatter [tilespmem:s18], [sflag:$0x3], $0x7D00, s17, s16, $0x38;
	v1 =	vmov s26;
	[tilespmem:$0x1F400] =	vst v63  }
0x5f: {  	_ =	swait.ge [sflag:s19], $0x7D00;
	v1 =	vshll.u32 v1, $0x4  }
0x60: {  	[sflag:s19] =	ssyncset.done $0x0;
	v2 =	vor.u32 v0, v1  }
0x61: {  	s28 =	simm.s32 @!p1 $0x3;
	[sflag:s19] =	ssyncadd.s32 $0xFFFF8300;
	v3 =	vor.u32 $0x1, v2  }
0x62: {  	v8 =	vor.u32 $0x2, v2;
	_ =	swait.ge @!p1 [sflag:s28], $0x7D00  }
0x63: {  	v4 =	vor.u32 $0x3, v2;
	[sflag:s28] =	ssyncset.done @!p1 $0x0  }
0x64: {  	v5 =	vor.u32 $0x4, v2;
	[sflag:s28] =	ssyncadd.s32 @!p1 $0xFFFF8300  }
0x65: {  	v6 =	vor.u32 $0x5, v2;
	v1 =	vld.idx.msk [tilespmem:v2+s14+$0x0], $0xffff  }
0x66: {  	s29 =	simm.s32 $0x0;
	v7 =	vor.u32 $0x6, v2;
	s28 =	simm.s32 $0x40;
	v3 =	vld.idx.msk [tilespmem:v3+s14+$0x0], $0xffff  }
.LBB2_5:
0x67: {  	p1 =	sne.s32 s28, $0x1F00;
	v8 =	vld.idx.msk [tilespmem:v8+s14+$0x0], $0xffff;
	v9 =	vor.u32 $0x7, v2  }
0x68: {  	v10 =	vor.u32 $0x8, v2;
	v4 =	vld.idx.msk [tilespmem:v4+s14+$0x0], $0xffff  }
0x69: {  	v11 =	vor.u32 $0xF, v2;
	v5 =	vld.idx.msk [tilespmem:v5+s14+$0x0], $0xffff  }
0x6a: {  	v12 =	vor.u32 $0x9, v2;
	v6 =	vld.idx.msk [tilespmem:v6+s14+$0x0], $0xffff  }
0x6b: {  	v13 =	vor.u32 $0xA, v2;
	v7 =	vld.idx.msk [tilespmem:v7+s14+$0x0], $0xffff  }
0x6c: {  	v14 =	vor.u32 $0xB, v2;
	v9 =	vld.idx.msk [tilespmem:v9+s14+$0x0], $0xffff  }
0x6d: {  	v15 =	vor.u32 $0xC, v2;
	v10 =	vld.idx.msk [tilespmem:v10+s14+$0x0], $0xffff  }
0x6e: {  	v16 =	vor.u32 $0xD, v2;
	v11 =	vld.idx.msk [tilespmem:v11+s14+$0x0], $0xffff  }
0x6f: {  	v2 =	vor.u32 $0xE, v2;
	v12 =	vld.idx.msk [tilespmem:v12+s14+$0x0], $0xffff  }
0x70: {  	v13 =	vld.idx.msk [tilespmem:v13+s14+$0x0], $0xffff  }
0x71: {  	v14 =	vld.idx.msk [tilespmem:v14+s14+$0x0], $0xffff  }
0x72: {  	v15 =	vld.idx.msk [tilespmem:v15+s14+$0x0], $0xffff  }
0x73: {  	s30 =	sshra.s32 s26, $0x2;
	s26 =	smov.u32 s28;
	v16 =	vld.idx.msk [tilespmem:v16+s14+$0x0], $0xffff  }
0x74: {  	v17 =	vld.idx.msk [tilespmem:v2+s14+$0x0], $0xffff;
	[tilespmem:s30+$0x1EC30] =	vst v11  }
0x75: {  	[tilespmem:s30+$0x17ED0] =	vst v3  }
0x76: {  	[tilespmem:s30+$0x186A0] =	vst v8  }
0x77: {  	[tilespmem:s30+$0x18E70] =	vst v4  }
0x78: {  	[tilespmem:s30+$0x19640] =	vst v5  }
0x79: {  	[tilespmem:s30+$0x19E10] =	vst v6  }
0x7a: {  	[tilespmem:s30+$0x1A5E0] =	vst v7  }
0x7b: {  	[tilespmem:s30+$0x1ADB0] =	vst v9  }
0x7c: {  	s29 =	sadd.s32 $0x10, s29;
	[tilespmem:s30+$0x1B580] =	vst v10  }
0x7d: {  	v2 =	vmov s29;
	[tilespmem:s30+$0x1BD50] =	vst v12  }
0x7e: {  	v2 =	vshll.u32 v2, $0x4;
	[tilespmem:s30+$0x1C520] =	vst v13  }
0x7f: {  	v2 =	vor.u32 v0, v2;
	[tilespmem:s30+$0x1CCF0] =	vst v14  }
0x80: {  	v3 =	vor.u32 $0x1, v2;
	[tilespmem:s30+$0x1D4C0] =	vst v15  }
.Ltmp1:
0x81: {  	v8 =	vor.u32 $0x2, v2;
	[tilespmem:s30+$0x1DC90] =	vst v16;
	(pc) =	sbr.rel @p1 .LBB2_5-.Ltmp1, $4  }
0x82: {  	v4 =	vor.u32 $0x3, v2;
	[tilespmem:s30+$0x1E460] =	vst v17  }
0x83: {  	v5 =	vor.u32 $0x4, v2;
	[tilespmem:s30+$0x17700] =	vst v1  }
0x84: {  	v6 =	vor.u32 $0x5, v2;
	v1 =	vld.idx.msk [tilespmem:v2+s14+$0x0], $0xffff  }
0x85: {  	s28 =	sadd.s32 $0x40, s28;
	v7 =	vor.u32 $0x6, v2;
	v3 =	vld.idx.msk [tilespmem:v3+s14+$0x0], $0xffff  }
0x86: {  	_ =	sdelay $0x3  }
0x87: {  	v8 =	vld.idx.msk [tilespmem:v8+s14+$0x0], $0xffff;
	v9 =	vor.u32 $0x7, v2  }
0x88: {  	v4 =	vld.idx.msk [tilespmem:v4+s14+$0x0], $0xffff;
	v10 =	vor.u32 $0x8, v2  }
0x89: {  	v5 =	vld.idx.msk [tilespmem:v5+s14+$0x0], $0xffff;
	v11 =	vor.u32 $0xF, v2  }
0x8a: {  	v6 =	vld.idx.msk [tilespmem:v6+s14+$0x0], $0xffff;
	v12 =	vor.u32 $0x9, v2  }
0x8b: {  	v7 =	vld.idx.msk [tilespmem:v7+s14+$0x0], $0xffff;
	v13 =	vor.u32 $0xA, v2  }
0x8c: {  	v14 =	vor.u32 $0xB, v2;
	v9 =	vld.idx.msk [tilespmem:v9+s14+$0x0], $0xffff  }
0x8d: {  	v15 =	vor.u32 $0xC, v2;
	v10 =	vld.idx.msk [tilespmem:v10+s14+$0x0], $0xffff  }
0x8e: {  	v16 =	vor.u32 $0xD, v2;
	v11 =	vld.idx.msk [tilespmem:v11+s14+$0x0], $0xffff  }
0x8f: {  	v2 =	vor.u32 $0xE, v2;
	v12 =	vld.idx.msk [tilespmem:v12+s14+$0x0], $0xffff  }
0x90: {  	v13 =	vld.idx.msk [tilespmem:v13+s14+$0x0], $0xffff  }
0x91: {  	v14 =	vld.idx.msk [tilespmem:v14+s14+$0x0], $0xffff  }
0x92: {  	v15 =	vld.idx.msk [tilespmem:v15+s14+$0x0], $0xffff  }
0x93: {  	s26 =	sshra.s32 s26, $0x2;
	v16 =	vld.idx.msk [tilespmem:v16+s14+$0x0], $0xffff  }
0x94: {  	v2 =	vld.idx.msk [tilespmem:v2+s14+$0x0], $0xffff;
	[tilespmem:s26+$0x17ED0] =	vst v3  }
0x95: {  	[tilespmem:s26+$0x186A0] =	vst v8  }
0x96: {  	[tilespmem:s26+$0x18E70] =	vst v4  }
0x97: {  	[tilespmem:s26+$0x19640] =	vst v5  }
0x98: {  	[tilespmem:s26+$0x19E10] =	vst v6  }
0x99: {  	[tilespmem:s26+$0x1A5E0] =	vst v7  }
0x9a: {  	[tilespmem:s26+$0x17700] =	vst v1  }
0x9b: {  	[tilespmem:s26+$0x1EC30] =	vst v11  }
0x9c: {  	[tilespmem:s26+$0x1ADB0] =	vst v9  }
0x9d: {  	[tilespmem:s26+$0x1B580] =	vst v10  }
0x9e: {  	[tilespmem:s26+$0x1BD50] =	vst v12  }
0x9f: {  	[tilespmem:s26+$0x1C520] =	vst v13  }
0xa0: {  	[tilespmem:s26+$0x1CCF0] =	vst v14  }
0xa1: {  	s24 =	sadd.s32 @!p0 s24, s9;
	[tilespmem:s26+$0x1D4C0] =	vst v15  }
0xa2: {  	s28 =	simm.s32 @!p0 $0x80;
	s29 =	simm.s32 @!p0 $0x7D00;
	s24 =	sshrl.u32 @!p0 s24, $0x3;
	[tilespmem:s26+$0x1DC90] =	vst v16  }
0xa3: {  	s23 =	sadd.s32 $0x1, s23;
	s24 =	sadd.s32 @!p0 s1, s24;
	[tilespmem:s26+$0x1E460] =	vst v2;
	s26 =	simm.s32 @!p0 $0x10  }
0xa4: {  	[tilespmem:s29], [sflag:$0x2] =	stream.strided.gather @!p0 [hbm4b:s24+s26], $0x7D00, s28, s26, $0x38;
	[tilespmem:$0x1F400] =	vst v63  }
0xa5: {  	p0 =	sne.s32 s23, $0x19  }
.Ltmp2:
0xa6: {  	_ = 	snop;
	(pc) =	sbr.rel @p0 .LBB2_2-.Ltmp2, $4  }
0xa7: {  	s31 =	sadd.s32 s10, s25  }
0xa8: {  	s24 =	sshrl.u32 s31, $0x3  }
0xa9: {  	s24 =	sadd.s32 s4, s24  }
0xaa: {  	[hbm4b:s24+s16] =	stream.strided.scatter [tilespmem:s20], [sflag:$0x3], $0x7D00, s17, s16, $0x38;
	[tilespmem:$0x1F400] =	vst v63  }
0xab: {  	s22 =	sadd.s32 $0x1, s22  }
0xac: {  	_ =	swait.ge [sflag:s21], $0x7D00;
	p0 =	sne.s32 s22, s11  }
.Ltmp3:
0xad: {  	[sflag:s21] =	ssyncset.done $0x0;
	(pc) =	sbr.rel @p0 .LBB2_1-.Ltmp3, $4  }
0xae: {  	[sflag:s21] =	ssyncadd.s32 $0xFFFF8300  }
0xaf: {  	_ =	swait.ge [sflag:s21], $0x7D00  }
0xb0: {  	[sflag:s21] =	ssyncset.done $0x0  }
0xb1: {  	[sflag:s21] =	ssyncadd.s32 $0xFFFF8300  }
0xb2: {  	_ =	sfence.sel $0x180000  }
0xb3: {  	[bflag:$0x0] =	sbarrier.arrive $0xFFFF  }
0xb4: {  	p0 =	sne.s32 s2, $0x0;
	_ =	strace $0x9000004A  }
0xb5: {  	s0 =	sadd.s32 @!p0 $0x100000, s0;
	[bflag:$0x2] =	sbarrier.arrive $0xFFFF  }
0xb6: {  	[sflag:s0] =	ssyncadd.tile.s32 @!p0 $0x1;
	_ =	shalt  }
.Lfunc_end2:
_tile_overlayer_lowered:
.L_overlay_start_2:
0xb7: {  	(tag) =	ssettag $0x2  }
0xb8: {  	s0 =	rddreg [dreg:$0x0];
	s2 =	stileid.u32  }
0xb9: {  	s1 =	rddreg [dreg:$0x1];
	p0 =	sne.s32 s2, $0x0  }
0xba: {  	s3 =	rddreg [dreg:$0x2];
	[bflag:$0x3] =	sbarrier.arrive $0xFFFF;
	s2 =	simm.s32 @!p0 $0x1C04  }
0xbb: {  	[timem:s3], [sflag:s2] =	dma.local @!p0 [hbm:s0], s1  }
0xbc: {  	s0 =	simm.s32 @!p0 $0x4  }
0xbd: {  	_ =	swait.ge @!p0 [sflag:s0], s1  }
0xbe: {  	s1 =	ssub.s32 @!p0 $0x0, s1;
	[sflag:s0] =	ssyncset.done @!p0 $0x0  }
0xbf: {  	[sflag:s0] =	ssyncadd.s32 @!p0 s1  }
0xc0: {  	[bflag:$0x3] =	sbarrier.arrive $0xFFFF  }
0xc1: {  	_ =	shalt  }

// kernel: sparse-core-data-format-call.cloned.1.call-start
scs
called_computation_lowered:
.L_overlay_start_0:
0x0: {  	s2 =	sld [smem:$0x3FD9]  }
0x1: {  	s3 =	sld [smem:$0x3FFE];
	_ =	sdelay $0x1  }
0x2: {  	s1 =	srdreg.scid  }
0x3: {  	s0 =	sand.u32 $0x1, s1  }
0x4: {  	s15 =	sshll.u32 s0, $0xA;
	s2 =	sadd.s32 s3, s2  }
0x5: {  	s2 =	sadd.s32 s2, s15  }
0x6: {  	[smem:$0x3FC6] =	sst s2  }
0x7: {  	_ = 	snop  }
0x8: {  	s2 =	sld [smem:$0x3FD0];
	_ =	sdelay $0x2  }
0x9: {  	s16 =	simm.s32 $0xB;
	s4 =	simm.s32 $0x10  }
0xa: {  	[smem:s4], [sflag:s16] =	dma.local [hbm:s2], $0x1  }
0xb: {  	_ =	swait.eq [sflag:s16], $0x1  }
0xc: {  	[sflag:s16] =	ssyncset.done $0x0  }
0xd: {  	[sflag:s16] =	ssyncadd.s32 $0xFFFFFFFF  }
0xe: {  	s17 =	sld [smem:$0x10];
	(tm) =	ssettm $0x1  }
0xf: {  	s18 =	sld [smem:$0x3FFB];
	_ =	sdelay $0x3  }
0x10: {  	_ =	strace s18  }
0x11: {  	s3 =	sld [smem:$0x3FFC];
	_ =	sdelay $0x3  }
0x12: {  	_ =	strace s3  }
0x13: {  	s3 =	sld [smem:$0x3FFD];
	_ =	sdelay $0x3  }
0x14: {  	_ =	strace s3  }
0x15: {  	_ =	strace $0x8FFFFFFF  }
0x16: {  	s19 =	sld [smem:$0x3FDB];
	_ =	sdelay $0x1  }
0x17: {  	s20 =	simm.s32 $_scs_section_size  }
0x18: {  	s5 =	simm.s32 $_size__tile_overlayer_lowered;
	s6 =	simm.s32 $_tile_overlayer_lowered  }
0x19: {  	s23 =	simm.s32 $0x1BFF;
	s22 =	sshll.u32 s6, $0x1;
	s3 =	sadd.s32 s20, s19  }
0x1a: {  	s7 =	simm.s32 $0x0;
	s21 =	sshll.u32 s5, $0x1;
	s5 =	sadd.s32 s22, s3  }
0x1b: {  	[timem:s7], [sflag:s23] =	dma.local [hbm:s5], s21  }
0x1c: {  	_ =	swait.ge [sflag:s23], s21  }
0x1d: {  	s4 =	ssub.s32 $0x0, s21;
	[sflag:s23] =	ssyncset.done $0x0  }
0x1e: {  	[sflag:s23] =	ssyncadd.s32 s4;
	_ =	sdelay $0x1  }
0x1f: {  	s24 =	simm.s32 $0x1B8B  }
0x20: {  	_ =	swait.ge [sflag:s24], $0x1  }
0x21: {  	[sflag:s24] =	ssyncset.done $0x0  }
0x22: {  	s26 =	simm.s32 $0x1B8E;
	s25 =	sld [smem:$0x3FFE];
	[sflag:s24] =	ssyncadd.s32 $0xFFFFFFFF  }
0x23: {  	s27 =	simm.s32 $execute0_lowered;
	[smem:$0x3FD2] =	sst s26  }
0x24: {  	s5 =	sshll.u32 s27, $0x1;
	_ =	strace $0x8000004F;
	[dreg:$0x1] =	wrdreg $0xFFFFFFFF  }
0x25: {  	s28 =	simm.s32 $_size_execute0_lowered;
	s3 =	sadd.s32 s3, s5;
	[dreg:$0x0] =	wrdreg $0x0  }
0x26: {  	s5 =	sshll.u32 s28, $0x1;
	[dreg:$0x2] =	wrdreg s3  }
0x27: {  	[dreg:$0x3] =	wrdreg s5  }
0x28: {  	[dreg:$0x4] =	wrdreg $0xC0  }
0x29: {  	_ =	task [dreg:s7], $0x5FFFF  }
0x2a: {  	[dreg:$0x1] =	wrdreg $0xFFFFFFFF  }
0x2b: {  	[dreg:$0x0] =	wrdreg $0x60  }
0x2c: {  	[dreg:$0x2] =	wrdreg s25  }
0x2d: {  	[dreg:$0x3] =	wrdreg s17  }
0x2e: {  	[dreg:$0x4] =	wrdreg $0x9  }
0x2f: {  	_ =	task.clear_ibuf [dreg:s7], $0x5FFFF;
	_ =	strace $0x9000004F  }
0x30: {  	s29 =	simm.s32 $0x9;
	_ =	strace $0x80000051  }
0x31: {  	_ =	swait.ge [sflag:s29], $0x1  }
0x32: {  	[sflag:s29] =	ssyncadd.s32 $0xFFFFFFFF  }
0x33: {  	_ =	strace $0x90000051  }
0x34: {  	_ =	sfence  }
0x35: {  	s30 =	sld [smem:$0x0];
	_ =	sdelay $0x2  }
0x36: {  	s31 =	sshll.u32 s1, $0xD;
	s1 =	sshrl.u32 s1, $0x2  }
0x37: {  	s3 =	sand.u32 $0x4000, s31;
	s1 =	sadd.s32 s1, s30  }
0x38: {  	s0 =	sor.u32 s3, s0;
	s1 =	sshll.u32 s1, $0x11  }
0x39: {  	s0 =	sor.u32 s1, s0  }
0x3a: {  	s0 =	sadd.s32 $0x8F2B, s0  }
0x3b: {  	[sflag:s0] =	ssyncadd.remote.s32 $0x1  }
0x3c: {  	_ =	sfence.sel $0xFFFF  }
0x3d: {  	[dreg:$0x0] =	wrdreg $0xFFFFFFFF;
	(pc) =	sbr.abs _section_cstart, $3  }
0x3e: {  	[dreg:$0x1] =	wrdreg $0xFFFFFFFF  }
0x3f: {  	_ =	task.clear_ibuf [dreg:s7], $0x2FFFF;
	_ =	strace $0x9FFFFFFF  }
0x40: {  	(tm) =	ssettm $0x7FFFFFFF  }
0x41: {  	_ =	shalt  }
tec
execute0_lowered:
.L_overlay_start_1:
0x0: {  	(tag) =	ssettag $0x1  }
0x1: {  	s0 =	stileid.u32  }
0x2: {  	s1 =	srdreg.scid;
	s4 =	rddreg [dreg:$0x0]  }
0x3: {  	s7 =	simm.s32 $0x1;
	s8 =	simm.s32 $0x2;
	s15 =	simm.s32 $0x0  }
0x4: {  	s13 =	simm.s32 $0x0;
	s2 =	sshll.u32 s0, $0x5;
	s1 =	sshll.u32 s1, $0x9  }
0x5: {  	s14 =	simm.s32 $0x0;
	s10 =	simm.s32 $0x0;
	s1 =	sor.u32 s2, s1  }
0x6: {  	s12 =	simm.s32 $0x0;
	s2 =	rddreg [dreg:$0x1];
	s3 =	sand.u32 $0x380, s1  }
0x7: {  	s4 =	sadd.s32 $0x32600, s4;
	s1 =	rddreg [dreg:$0x2];
	s6 =	ssub.s32 $0x8000, s3  }
.Ltmp0:
0x8: {  	_ =	strace $0x80000050;
	s5 =	sand.u32 $0x380, s6;
	(pc) =	sbr.rel .LBB1_1-.Ltmp0, $4  }
0x9: {  	s9 =	smov.u32 s3;
	p0 =	sne.s32 s5, $0x0;
	s5 =	simm.s32 $0x1  }
0xa: {  	s6 =	sshrl.u32 s6, $0xA;
	s7 =	simm.s32 @!p0 $0x0;
	[sflag:s5] =	ssyncpa.u1 $0x0  }
0xb: {  	p0 =	por $0x0, $0x0;
	s6 =	sadd.s32 s7, s6;
	s7 =	sand.u32 $0x3, s0  }
0xc: {  	[sflag:s8] =	ssyncpa.u1 $0x0;
	s8 =	sadd.s32 $0x1, s6;
	s11 =	smov.u32 s7  }
.LBB1_4:
0xd: {  	v5 =	vld [tilespmem:s19+$0xFFFFFFD0];
	[tilespmem:s18+$0x2040 ss:$0x81] =	vst.msk $0xffff, v1  }
0xe: {  	v58 =	vld [tilespmem:s19+$0xFFFFFFE0];
	[tilespmem:s18+$0x2850 ss:$0x81] =	vst.msk $0xffff, v2  }
0xf: {  	s20 =	sshra.s32 s20, $0x2;
	v59 =	vld [tilespmem:s19+$0xFFFFFFF0];
	[tilespmem:s18+$0x3060 ss:$0x81] =	vst.msk $0xffff, v3  }
0x10: {  	v60 =	vld [tilespmem:s19+$0x0];
	[tilespmem:s18+$0x0 ss:$0x81] =	vst.msk $0xffff, v0;
	s17 =	sadd.s32 s20, s17  }
0x11: {  	v61 =	vld [tilespmem:s19+$0x10];
	[tilespmem:s17+$0x3870 ss:$0x81] =	vst.msk $0xffff, v4  }
0x12: {  	v62 =	vld [tilespmem:s19+$0x20];
	s15 =	sshll.u32 s15, $0x7;
	s28 =	sshll.u32 s13, $0x3;
	[tilespmem:s17+$0x810 ss:$0x81] =	vst.msk $0xffff, v5  }
0x13: {  	v63 =	vld [tilespmem:s19+$0xFFFFFFC0];
	s29 =	sand.u32 $0x3FFC00, s15;
	s18 =	sand.u32 $0x3FFC00, s28;
	[tilespmem:s17+$0x1020 ss:$0x81] =	vst.msk $0xffff, v58  }
0x14: {  	s15 =	sand.u32 $0x380, s15;
	s18 =	sadd.s32 s18, s29;
	[tilespmem:s17+$0x1830 ss:$0x81] =	vst.msk $0xffff, v59  }
0x15: {  	s14 =	sshll.u32 s14, $0x13;
	s30 =	sshrl.u32 s13, $0x3;
	s15 =	sor.u32 s15, s18;
	[tilespmem:s17+$0x2040 ss:$0x81] =	vst.msk $0xffff, v60  }
0x16: {  	s14 =	sadd.s32 s2, s14;
	s18 =	sand.u32 $0xF, s30;
	s15 =	sshrl.u32 s15, $0x3;
	[tilespmem:s17+$0x2850 ss:$0x81] =	vst.msk $0xffff, v61  }
0x17: {  	s14 =	sadd.s32 s18, s14;
	[tilespmem:s17+$0x3060 ss:$0x81] =	vst.msk $0xffff, v62;
	s15 =	sand.u32 $0x7FFF0, s15  }
0x18: {  	s31 =	sand.u32 $0x7, s13;
	[tilespmem:s17+$0x0 ss:$0x81] =	vst.msk $0xffff, v63;
	s14 =	sadd.s32 s15, s14  }
0x19: {  	[hbm4b:s14+s31] =	stream.linear.scatter [tilespmem:s16], [sflag:$0x2], $0x4000, $0x20;
	[tilespmem:$0x10100] =	vst v63  }
.LBB1_5:
0x1a: {  	s16 =	sadd.s32 $0x400, s9  }
0x1b: {  	s13 =	sadd.s32 $0x80, s10;
	s17 =	smov.u32 s10;
	p2 =	sgt.s32 s16, $0x7FFF  }
0x1c: {  	s17 =	smov.u32 @p2 s13  }
0x1d: {  	s19 =	smov.u32 s11;
	s13 =	sadd.s32 $0x4, s11;
	p3 =	sgt.s32 s17, $0x7F  }
0x1e: {  	s19 =	smov.u32 @p3 s13  }
0x1f: {  	s16 =	smov.u32 @p2 s3;
	p2 =	sgt.s32 s19, $0x3  }
0x20: {  	p1 =	slt.u32 s12, $0x2;
	s19 =	smov.u32 @p2 s7;
	p2 =	sne.s32 s12, s8  }
.Ltmp1:
0x21: {  	s18 =	simm.s32 @!p1 $0x2;
	(pc) =	sbr.rel @!p2 .LBB1_6-.Ltmp1, $4  }
0x22: {  	s15 =	smov.u32 s9;
	s14 =	smov.u32 s11;
	_ =	swait.ge @!p1 [sflag:s18], $0x4000  }
0x23: {  	p0 =	por !p0, !p0;
	[sflag:s18] =	ssyncset.done @!p1 $0x0;
	s9 =	smov.u32 s16  }
0x24: {  	s17 =	simm.s32 @p3 $0x0;
	s13 =	smov.u32 s10;
	[sflag:s18] =	ssyncadd.s32 @!p1 $0xFFFFC000  }
0x25: {  	s10 =	smov.u32 s17;
	s12 =	sadd.s32 $0x1, s12;
	s11 =	smov.u32 s19  }
.LBB1_1:
0x26: {  	p1 =	sge.u32 s12, s6;
	s31 =	sadd.s32 $0xFFFFFFFF, s12  }
0x27: {  	s16 =	sxor.u32 @!p1 $0xFFFFFFFF, s12;
	s17 =	sand.u32 @!p1 $0x78, s9;
	s18 =	sshll.u32 @!p1 s10, $0xF  }
0x28: {  	s19 =	sshll.u32 @!p1 s10, $0x7;
	s20 =	sshll.u32 @!p1 s9, $0x3;
	s16 =	sshll.u32 @!p1 s16, $0xE  }
0x29: {  	s18 =	sand.u32 @!p1 $0x3C0000, s18;
	s19 =	sand.u32 @!p1 $0x380, s19;
	s16 =	sand.u32 @!p1 $0x4000, s16  }
0x2a: {  	s18 =	sadd.s32 @!p1 s18, s20;
	s20 =	sand.u32 @!p1 $0x7C00, s20;
	s17 =	sor.u32 @!p1 s19, s17  }
0x2b: {  	s19 =	sshll.u32 @!p1 s11, $0x13;
	s17 =	sor.u32 @!p1 s20, s17;
	s18 =	sshrl.u32 @!p1 s18, $0x3  }
0x2c: {  	s19 =	sadd.s32 @!p1 s4, s19;
	s20 =	sand.u32 @!p1 $0x7, s9;
	s18 =	sand.u32 @!p1 $0x7F000, s18  }
0x2d: {  	s17 =	sshrl.u32 @!p1 s17, $0x3;
	s18 =	sadd.s32 @!p1 s18, s19;
	s19 =	sshll.u32 @!p1 s20, $0x12  }
0x2e: {  	s17 =	sadd.s32 @!p1 s17, s18;
	s18 =	sor.u32 @!p1 $0x400, s19;
	s19 =	simm.s32 @!p1 $0x40000  }
0x2f: {  	[tilespmem:s16], [sflag:$0x1] =	stream.strided.gather @!p1 [hbm4b:s17+s18], $0x4000, s19, s18, $0x38;
	[tilespmem:$0x10100] =	vst v63  }
0x30: {  	p1 =	sge.u32 s31, s6  }
.Ltmp2:
0x31: {  	_ = 	snop;
	(pc) =	sbr.rel @p1 .LBB1_5-.Ltmp2, $1  }
0x32: {  	_ =	sdelay $0x3  }
0x33: {  	s16 =	simm.s32 $0x1  }
0x34: {  	_ =	swait.ge [sflag:s5], $0x4000;
	s16 =	simm.s32 @!p0 $0x0  }
0x35: {  	[sflag:s5] =	ssyncset.done $0x0;
	s17 =	sshll.u32 s16, $0xE  }
0x36: {  	[sflag:s5] =	ssyncadd.s32 $0xFFFFC000;
	s19 =	sor.u32 $0x40, s17  }
0x37: {  	s16 =	smul.u32 $0x10200, s16;
	v0 =	vld [tilespmem:s19+$0x30]  }
0x38: {  	v3 =	vld [tilespmem:s19+$0xFFFFFFD0]  }
0x39: {  	s16 =	sshrl.u32 s16, $0x2;
	v4 =	vld [tilespmem:s19+$0xFFFFFFE0]  }
0x3a: {  	v5 =	vld [tilespmem:s19+$0xFFFFFFF0];
	s17 =	sor.u32 $0x8000, s16  }
0x3b: {  	s31 =	sand.u32 $0x1, s12;
	v1 =	vld [tilespmem:s19+$0x0];
	s18 =	sadd.s32 $0x0, s17  }
0x3c: {  	v2 =	vld [tilespmem:s19+$0x10];
	s16 =	smul.u32 $0x10200, s31;
	[tilespmem:s18+$0x3870 ss:$0x81] =	vst.msk $0xffff, v0  }
0x3d: {  	[tilespmem:s18+$0x810 ss:$0x81] =	vst.msk $0xffff, v3;
	v3 =	vld [tilespmem:s19+$0x20]  }
0x3e: {  	s16 =	sshrl.u32 s16, $0x2;
	v0 =	vld [tilespmem:s19+$0xFFFFFFC0];
	[tilespmem:s18+$0x1020 ss:$0x81] =	vst.msk $0xffff, v4;
	s19 =	sadd.s32 $0x80, s19  }
0x3f: {  	s20 =	simm.s32 $0x4;
	s21 =	simm.s32 $0x8;
	s16 =	sor.u32 $0x8000, s16;
	[tilespmem:s18+$0x1830 ss:$0x81] =	vst.msk $0xffff, v5;
	v4 =	vld [tilespmem:s19+$0x30]  }
.LBB1_3:
0x40: {  	p1 =	sne.s32 s21, $0x1FC;
	v5 =	vld [tilespmem:s19+$0xFFFFFFD0];
	[tilespmem:s18+$0x2040 ss:$0x81] =	vst.msk $0xffff, v1  }
0x41: {  	v6 =	vld [tilespmem:s19+$0xFFFFFFE0];
	[tilespmem:s18+$0x2850 ss:$0x81] =	vst.msk $0xffff, v2  }
0x42: {  	s22 =	sshra.s32 s20, $0x2;
	s20 =	smov.u32 s21;
	v7 =	vld [tilespmem:s19+$0xFFFFFFF0];
	[tilespmem:s18+$0x3060 ss:$0x81] =	vst.msk $0xffff, v3  }
.Ltmp3:
0x43: {  	v1 =	vld [tilespmem:s19+$0x0];
	[tilespmem:s18+$0x0 ss:$0x81] =	vst.msk $0xffff, v0;
	s18 =	sadd.s32 s22, s17;
	(pc) =	sbr.rel @p1 .LBB1_3-.Ltmp3, $4  }
0x44: {  	v2 =	vld [tilespmem:s19+$0x10];
	[tilespmem:s18+$0x3870 ss:$0x81] =	vst.msk $0xffff, v4  }
0x45: {  	[tilespmem:s18+$0x810 ss:$0x81] =	vst.msk $0xffff, v5;
	v3 =	vld [tilespmem:s19+$0x20]  }
0x46: {  	v0 =	vld [tilespmem:s19+$0xFFFFFFC0];
	[tilespmem:s18+$0x1020 ss:$0x81] =	vst.msk $0xffff, v6;
	s19 =	sadd.s32 $0x80, s19  }
0x47: {  	s21 =	sadd.s32 $0x4, s21;
	v4 =	vld [tilespmem:s19+$0x30];
	[tilespmem:s18+$0x1830 ss:$0x81] =	vst.msk $0xffff, v7  }
.Ltmp4:
0x48: {  	_ = 	snop;
	(pc) =	sbr.rel .LBB1_4-.Ltmp4, $1  }
0x49: {  	_ =	sdelay $0x3  }
.LBB1_6:
0x4a: {  	_ =	sfence.sel $0x180000  }
0x4b: {  	s2 =	simm.s32 $0x1;
	[bflag:$0x0] =	sbarrier.arrive $0xFFFF  }
0x4c: {  	s31 =	simm.s32 $0x2;
	[sflag:s2] =	ssyncpa.u1 $0x1  }
0x4d: {  	[sflag:s31] =	ssyncpa.u1 $0x1  }
0x4e: {  	p0 =	sne.s32 s0, $0x0;
	_ =	strace $0x90000050  }
0x4f: {  	s0 =	sadd.s32 @!p0 $0x100000, s1;
	[bflag:$0x2] =	sbarrier.arrive $0xFFFF  }
0x50: {  	[sflag:s0] =	ssyncadd.tile.s32 @!p0 $0x1;
	_ =	shalt  }
.Lfunc_end1:
_tile_overlayer_lowered:
.L_overlay_start_2:
0x51: {  	(tag) =	ssettag $0x2  }
0x52: {  	s0 =	rddreg [dreg:$0x0];
	s2 =	stileid.u32  }
0x53: {  	s1 =	rddreg [dreg:$0x1];
	p0 =	sne.s32 s2, $0x0  }
0x54: {  	s3 =	rddreg [dreg:$0x2];
	[bflag:$0x3] =	sbarrier.arrive $0xFFFF;
	s2 =	simm.s32 @!p0 $0x1C01  }
0x55: {  	[timem:s3], [sflag:s2] =	dma.local @!p0 [hbm:s0], s1  }
0x56: {  	s0 =	simm.s32 @!p0 $0x1  }
0x57: {  	_ =	swait.ge @!p0 [sflag:s0], s1  }
0x58: {  	s1 =	ssub.s32 @!p0 $0x0, s1;
	[sflag:s0] =	ssyncset.done @!p0 $0x0  }
0x59: {  	[sflag:s0] =	ssyncadd.s32 @!p0 s1  }
0x5a: {  	[bflag:$0x3] =	sbarrier.arrive $0xFFFF  }
0x5b: {  	_ =	shalt  }

</sc_bundles>
